<compile_context>
chip_gen: v7x
topology: tpu7x:2x2x1
jax: 0.10.2.dev20260603
libtpu: 0.0.44.dev20260713+nightly
codegen_flags: <defaults>
</compile_context>

<pallas_src>
import functools

import jax
import jax.numpy as jnp
from jax import lax
from jax.experimental import pallas as pl
from jax.experimental.pallas import tpu as pltpu
from jax.experimental.pallas import tpu_sc as plsc

N_TOK = 32768
D = 256
NSEG = 16
L = 16
NW = 32
BS = 128
BS_LOG2 = 7
NBLK = N_TOK // BS
BPW = NBLK // NW
RW = N_TOK // NW
DC = D // L
H = D // 2
HC = H // L
EW = BS + 8
TB = 112
TGRP = 8

_MESH = plsc.VectorSubcoreMesh(core_axis_name="c", subcore_axis_name="s")


@functools.partial(
    pl.kernel,
    mesh=_MESH,
    out_type=jax.ShapeDtypeStruct((2 * NBLK * H,), jnp.float32),
    scratch_types=[
        pltpu.VMEM((2, BS, D), jnp.float32),
        pltpu.VMEM((BPW, H), jnp.float32),
        pltpu.VMEM((BPW, H), jnp.float32),
        pltpu.VMEM((2 * L,), jnp.int32),
        pltpu.SemaphoreType.DMA,
        pltpu.SemaphoreType.DMA,
        pltpu.SemaphoreType.DMA,
    ],
)
def _block_sums(feats_hbm, offs_hbm, blocks_hbm, buf, bsum_lo, bsum_hi,
                offs_v, sem0, sem1, wsem):
    wid = lax.axis_index("c") * 16 + lax.axis_index("s")
    sems = (sem0, sem1)

    pltpu.sync_copy(offs_hbm, offs_v.at[pl.ds(0, NSEG + 1)])
    first = offs_v[pl.ds(0, L)][0]
    last = offs_v[pl.ds(NSEG, L)][0]
    b_lo = jnp.maximum(first >> BS_LOG2, TB)
    b_hi = (last + BS - 1) >> BS_LOG2
    nlive = jnp.maximum(b_hi - b_lo, 0)
    kper = (nlive + NW - 1) >> 5
    kw = jnp.clip(nlive - wid * kper, 0, kper)

    def start(i, s):
        blk = b_lo + wid * kper + i
        pltpu.async_copy(
            feats_hbm.at[pl.ds(blk * BS, BS), :], buf.at[s], sems[s])

    @pl.when(kw > 0)
    def _():
        start(0, 0)

    @pl.when(kw > 1)
    def _():
        start(1, 1)

    def outer(t, carry):
        for s in range(2):
            i = 2 * t + s

            @pl.when(i < kw)
            def _(i=i, s=s):
                pltpu.make_async_copy(
                    feats_hbm.at[pl.ds(0, BS), :], buf.at[s], sems[s]
                ).wait()

                def body(r, acc):
                    return tuple(
                        acc[k] + buf[s, r, pl.ds(k * L, L)] for k in range(DC)
                    )

                acc = lax.fori_loop(
                    0, BS, body,
                    tuple(jnp.zeros((L,), jnp.float32) for _ in range(DC)),
                )
                for k in range(HC):
                    bsum_lo[i, pl.ds(k * L, L)] = acc[k]
                    bsum_hi[i, pl.ds(k * L, L)] = acc[HC + k]
                blk = b_lo + wid * kper + i
                pltpu.async_copy(
                    bsum_lo.at[i], blocks_hbm.at[pl.ds(blk * H, H)], wsem)
                pltpu.async_copy(
                    bsum_hi.at[i],
                    blocks_hbm.at[pl.ds((NBLK + blk) * H, H)], wsem)

                @pl.when(i + 2 < kw)
                def _():
                    start(i + 2, s)
        return carry

    lax.fori_loop(0, (kw + 1) >> 1, outer, 0)

    def drain(_, carry):
        pltpu.make_async_copy(
            bsum_lo.at[0], blocks_hbm.at[pl.ds(0, H)], wsem).wait()
        return carry

    lax.fori_loop(0, 2 * kw, drain, 0)


def _edges_tc_body(starts_smem, ends_smem, feats_ref, out_ref,
                   lead_buf, trail_buf, lead_sem, trail_sem):
    lead_cp = [None] * NSEG
    trail_cp = [None] * NSEG
    for j in range(NSEG):
        lo = starts_smem[j]
        hi = ends_smem[j]
        lead_base = pl.multiple_of(jnp.minimum(lo & ~7, N_TOK - EW), 8)
        trail_base = pl.multiple_of((hi >> BS_LOG2) << BS_LOG2, BS)
        lead_cp[j] = pltpu.make_async_copy(
            feats_ref.at[pl.ds(lead_base, EW), :], lead_buf.at[j], lead_sem.at[j])
        trail_cp[j] = pltpu.make_async_copy(
            feats_ref.at[pl.ds(trail_base, BS), :], trail_buf.at[j], trail_sem.at[j])
        lead_cp[j].start()
        trail_cp[j].start()

    riota_l = lax.broadcasted_iota(jnp.int32, (EW, 1), 0)
    riota_t = lax.broadcasted_iota(jnp.int32, (BS, 1), 0)
    for j in range(NSEG):
        lo = starts_smem[j]
        hi = ends_smem[j]
        lead_base = jnp.minimum(lo & ~7, N_TOK - EW)
        a_row = ((lo + BS - 1) >> BS_LOG2) << BS_LOG2
        b_row = (hi >> BS_LOG2) << BS_LOG2
        e1_hi = jnp.minimum(a_row, hi)
        e2_lo = jnp.maximum(b_row, e1_hi)
        lead_cp[j].wait()
        trail_cp[j].wait()
        ml = (riota_l >= lo - lead_base) & (riota_l < e1_hi - lead_base)
        mt = (riota_t >= e2_lo - b_row) & (riota_t < hi - b_row)
        out_ref[j, :] = (jnp.sum(jnp.where(ml, lead_buf[j], 0.0), axis=0)
                         + jnp.sum(jnp.where(mt, trail_buf[j], 0.0), axis=0))


def _edges_tc(starts, ends, feats):
    return pl.pallas_call(
        _edges_tc_body,
        out_shape=jax.ShapeDtypeStruct((NSEG, D), jnp.float32),
        in_specs=[
            pl.BlockSpec(memory_space=pltpu.SMEM),
            pl.BlockSpec(memory_space=pltpu.SMEM),
            pl.BlockSpec(memory_space=pltpu.HBM),
        ],
        out_specs=pl.BlockSpec(memory_space=pltpu.VMEM),
        scratch_shapes=[
            pltpu.VMEM((NSEG, EW, D), jnp.float32),
            pltpu.VMEM((NSEG, BS, D), jnp.float32),
            pltpu.SemaphoreType.DMA((NSEG,)),
            pltpu.SemaphoreType.DMA((NSEG,)),
        ],
    )(starts, ends, feats)


def _tc_block_sums_body(feats_ref, out_ref):
    x = feats_ref[...]
    out_ref[...] = jnp.sum(x.reshape(TGRP, BS, D), axis=1)


def _tc_block_sums(feats):
    return pl.pallas_call(
        _tc_block_sums_body,
        grid=(TB // TGRP,),
        in_specs=[
            pl.BlockSpec((TGRP * BS, D), lambda i: (i, 0)),
        ],
        out_specs=pl.BlockSpec((TGRP, D), lambda i: (i, 0)),
        out_shape=jax.ShapeDtypeStruct((TB, D), jnp.float32),
    )(feats)


def _final_tc_body(starts_smem, ends_smem, blocks_ref, tcblocks_ref, edges_ref,
                   out_ref):
    sc_full = jnp.concatenate([blocks_ref[0], blocks_ref[1]], axis=1)
    blk_full = jnp.concatenate([tcblocks_ref[...], sc_full[TB:, :]], axis=0)
    b_lo = starts_smem[0] >> BS_LOG2
    b_hi = (ends_smem[NSEG - 1] + BS - 1) >> BS_LOG2
    riota_b = lax.broadcasted_iota(jnp.int32, (NBLK, 1), 0)
    blk_full = jnp.where((riota_b >= b_lo) & (riota_b < b_hi), blk_full, 0.0)
    biota = lax.broadcasted_iota(jnp.int32, (1, NBLK), 1)
    rows = []
    for j in range(NSEG):
        fb = (starts_smem[j] + BS - 1) >> BS_LOG2
        lb = ends_smem[j] >> BS_LOG2
        rows.append(jnp.where((biota >= fb) & (biota < lb), 1.0, 0.0))
    mask = jnp.concatenate(rows, axis=0)
    part = jax.lax.dot_general(
        mask, blk_full, (((1,), (0,)), ((), ())),
        precision=jax.lax.Precision.HIGHEST,
        preferred_element_type=jnp.float32)
    for j in range(NSEG):
        inv_n = 1.0 / jnp.maximum(ends_smem[j] - starts_smem[j], 1).astype(jnp.float32)
        out_ref[j, :] = (part[j, :] + edges_ref[j, :]) * inv_n


def _final_tc(starts, ends, blocks, tcblocks, edges):
    return pl.pallas_call(
        _final_tc_body,
        out_shape=jax.ShapeDtypeStruct((NSEG, D), jnp.float32),
        in_specs=[
            pl.BlockSpec(memory_space=pltpu.SMEM),
            pl.BlockSpec(memory_space=pltpu.SMEM),
            pl.BlockSpec(memory_space=pltpu.VMEM),
            pl.BlockSpec(memory_space=pltpu.VMEM),
            pl.BlockSpec(memory_space=pltpu.VMEM),
        ],
        out_specs=pl.BlockSpec(memory_space=pltpu.VMEM),
    )(starts, ends, blocks, tcblocks, edges)


def kernel(inputs, offsets):
    feats = inputs
    offs = offsets.astype(jnp.int32)
    blocks = _block_sums(feats, offs).reshape(2, NBLK, H)
    tcblocks = _tc_block_sums(feats)
    edges = _edges_tc(offs[:NSEG], offs[1:], feats)
    return _final_tc(offs[:NSEG], offs[1:], blocks, tcblocks, edges)

# --- scband reference (transcript-rebuilt; emitter-appended) ---
"""Pipeline reference for scband-global-avg-pool-48584670053115 (READ-ONLY COPY).

The authoritative reference and input builder live on the scoring server;
editing this copy changes nothing except your own understanding.
"""

import jax, jax.numpy as jnp
import numpy as np

TOTAL_TOKENS = 32768
D = 256
B = 16


def setup_inputs(seed: int = 0) -> dict:
    key = jax.random.key(seed)
    k1, k2 = jax.random.split(key)
    feats = jax.random.normal(k1, (TOTAL_TOKENS, D), dtype=jnp.float32)
    offsets = jnp.sort(jax.random.randint(k2, (B + 1,), 0, TOTAL_TOKENS)).astype(jnp.int32)
    return {"inputs": feats, "offsets": offsets}


def reference(inputs, offsets):
    # GlobalAvgPool: mean of features within each segment defined by consecutive offsets.
    feats = inputs
    offs = offsets.astype(jnp.int32)
    n = feats.shape[0]
    nseg = offs.shape[0] - 1
    tok = jnp.arange(n, dtype=jnp.int32)
    # token i belongs to segment j where offs[j] <= i < offs[j+1]
    seg = jnp.searchsorted(offs, tok, side='right') - 1
    valid = (seg >= 0) & (seg < nseg)
    seg_c = jnp.clip(seg, 0, nseg - 1)
    masked = jnp.where(valid[:, None], feats, jnp.zeros_like(feats))
    sums = jax.ops.segment_sum(masked, seg_c, num_segments=nseg)
    counts = jax.ops.segment_sum(valid.astype(feats.dtype), seg_c, num_segments=nseg)
    means = sums / jnp.maximum(counts, 1.0)[:, None]
    return means

if __name__ == "__main__":
    import jax
    _d = setup_inputs()
    print(jax.jit(kernel)(*tuple(_d.values())))

</pallas_src>

<mosaic_0001>
#map = affine_map<(d0, d1) -> (0, 0)>
#map1 = affine_map<(d0, d1) -> (0)>
module attributes {stable_mosaic.version = 14 : i64} {
  func.func @_block_sums(%arg0: i32, %arg1: i32, %arg2: memref<32768x256xf32, #tpu.memory_space<hbm>>, %arg3: memref<17xi32, #tpu.memory_space<hbm>>, %arg4: memref<65536xf32, #tpu.memory_space<hbm>>, %arg5: memref<2x128x256xf32, #tpu.memory_space<vmem>>, %arg6: memref<8x128xf32, #tpu.memory_space<vmem>>, %arg7: memref<8x128xf32, #tpu.memory_space<vmem>>, %arg8: memref<32xi32, #tpu.memory_space<vmem>>, %arg9: memref<!tpu.dma_semaphore, #tpu.memory_space<semaphore_mem>>, %arg10: memref<!tpu.dma_semaphore, #tpu.memory_space<semaphore_mem>>, %arg11: memref<!tpu.dma_semaphore, #tpu.memory_space<semaphore_mem>>) attributes {dimension_semantics = [#tpu.dimension_semantics<core_parallel>, #tpu.dimension_semantics<subcore_parallel>], iteration_bounds = array<i64: 2, 16>, scalar_prefetch = 0 : i64, scratch_operands = 7 : i64, tpu.core_type = #tpu.core_type<sc_vector_subcore>, window_params = [{transform_indices = #map}, {transform_indices = #map1}, {transform_indices = #map1}]} {
    %mul3A = arith.constant 16 : i32
    %mul3A_0 = arith.muli %arg0, %mul3A : i32
    %add3A = arith.addi %mul3A_0, %arg1 : i32
    "tpu.region"() ({
      %run_scoped3A = tpu.sem_alloc : memref<!tpu.dma_semaphore, #tpu.memory_space<semaphore_mem>>
      %dma_start3A = arith.constant 0 : i32
      %dma_start3A_59 = tpu.memref_slice %arg8[%dma_start3A] : memref<32xi32, #tpu.memory_space<vmem>> -> memref<17xi32, #tpu.memory_space<vmem>>
      %dma_start3A_60 = arith.constant 0 : i32
      %dma_start3A_61 = tpu.memref_slice %arg8[%dma_start3A_60] : memref<32xi32, #tpu.memory_space<vmem>> -> memref<17xi32, #tpu.memory_space<vmem>>
      tpu.enqueue_dma source(%arg3 : memref<17xi32, #tpu.memory_space<hbm>>) target(%dma_start3A_61 : memref<17xi32, #tpu.memory_space<vmem>>) target_semaphore(%run_scoped3A : memref<!tpu.dma_semaphore, #tpu.memory_space<semaphore_mem>>)
      %dma_wait3A = arith.constant 0 : i32
      %dma_wait3A_62 = tpu.memref_slice %arg8[%dma_wait3A] : memref<32xi32, #tpu.memory_space<vmem>> -> memref<17xi32, #tpu.memory_space<vmem>>
      %dma_wait3A_63 = arith.constant 0 : i32
      %dma_wait3A_64 = tpu.memref_slice %arg8[%dma_wait3A_63] : memref<32xi32, #tpu.memory_space<vmem>> -> memref<17xi32, #tpu.memory_space<vmem>>
      tpu.wait_dma2 semaphore(%run_scoped3A : memref<!tpu.dma_semaphore, #tpu.memory_space<semaphore_mem>>) src(%arg3 : memref<17xi32, #tpu.memory_space<hbm>>) dst(%dma_wait3A_64 : memref<17xi32, #tpu.memory_space<vmem>>)
      tpu.yield
    }) : () -> ()
    %get3A = arith.constant 0 : index
    %get3A_1 = tpu.vector_load %arg8[%get3A] {strides = array<i32>} : memref<32xi32, #tpu.memory_space<vmem>>, vector<16xi32>,
    %get3A_2 = vector.shape_cast %get3A_1 : vector<16xi32> to vector<16xi32>
    %slice3A = vector.extract_strided_slice %get3A_2 {offsets = [0], sizes = [1], strides = [1]} : vector<16xi32> to vector<1xi32>
    %squeeze3A = vector.extract %slice3A[0] : i32 from vector<1xi32>
    %get3A_3 = arith.constant 16 : index
    %get3A_4 = tpu.vector_load %arg8[%get3A_3] {strides = array<i32>} : memref<32xi32, #tpu.memory_space<vmem>>, vector<16xi32>,
    %get3A_5 = vector.shape_cast %get3A_4 : vector<16xi32> to vector<16xi32>
    %slice3A_6 = vector.extract_strided_slice %get3A_5 {offsets = [0], sizes = [1], strides = [1]} : vector<16xi32> to vector<1xi32>
    %squeeze3A_7 = vector.extract %slice3A_6[0] : i32 from vector<1xi32>
    %shift_right_arithmetic3A = arith.constant 7 : i32
    %shift_right_arithmetic3A_8 = arith.shrsi %squeeze3A, %shift_right_arithmetic3A : i32
    %max3A = arith.constant 112 : i32
    %max3A_9 = arith.maxsi %shift_right_arithmetic3A_8, %max3A : i32
    %add3A_10 = arith.constant 128 : i32
    %add3A_11 = arith.addi %squeeze3A_7, %add3A_10 : i32
    %sub3A = arith.constant 1 : i32
    %sub3A_12 = arith.subi %add3A_11, %sub3A : i32
    %shift_right_arithmetic3A_13 = arith.constant 7 : i32
    %shift_right_arithmetic3A_14 = arith.shrsi %sub3A_12, %shift_right_arithmetic3A_13 : i32
    %sub3A_15 = arith.subi %shift_right_arithmetic3A_14, %max3A_9 : i32
    %max3A_16 = arith.constant 0 : i32
    %max3A_17 = arith.maxsi %sub3A_15, %max3A_16 : i32
    %add3A_18 = arith.constant 32 : i32
    %add3A_19 = arith.addi %max3A_17, %add3A_18 : i32
    %sub3A_20 = arith.constant 1 : i32
    %sub3A_21 = arith.subi %add3A_19, %sub3A_20 : i32
    %shift_right_arithmetic3A_22 = arith.constant 5 : i32
    %shift_right_arithmetic3A_23 = arith.shrsi %sub3A_21, %shift_right_arithmetic3A_22 : i32
    %mul3A_24 = arith.muli %add3A, %shift_right_arithmetic3A_23 : i32
    %sub3A_25 = arith.subi %max3A_17, %mul3A_24 : i32
    %jit3A = arith.constant 0 : i32
    %max3A_26 = arith.maxsi %jit3A, %sub3A_25 : i32
    %min3A = arith.minsi %shift_right_arithmetic3A_23, %max3A_26 : i32
    %gt3A = arith.constant 0 : i32
    %gt3A_27 = arith.cmpi sgt, %min3A, %gt3A : i32
    %convert_element_type3A = arith.extui %gt3A_27 : i1 to i32
    %cond3A = arith.constant 0 : i32
    %cond3A_28 = arith.cmpi ne, %convert_element_type3A, %cond3A : i32
    scf.if %cond3A_28 {
      %mul3A_59 = arith.muli %add3A, %shift_right_arithmetic3A_23 : i32
      %add3A_60 = arith.addi %max3A_9, %mul3A_59 : i32
      %add3A_61 = arith.constant 0 : i32
      %add3A_62 = arith.addi %add3A_60, %add3A_61 : i32
      %mul3A_63 = arith.constant 128 : i32
      %mul3A_64 = arith.muli %add3A_62, %mul3A_63 : i32
      %dma_start3A = arith.constant 0 : i32
      %dma_start3A_65 = arith.constant 0 : i32
      %dma_start3A_66 = arith.constant 0 : i32
      %dma_start3A_67 = tpu.memref_slice %arg5[%dma_start3A, %dma_start3A_65, %dma_start3A_66] : memref<2x128x256xf32, #tpu.memory_space<vmem>> -> memref<1x128x256xf32, #tpu.memory_space<vmem>>
      %dma_start3A_68 = tpu.memref_squeeze %dma_start3A_67 : memref<1x128x256xf32, #tpu.memory_space<vmem>> -> memref<128x256xf32, #tpu.memory_space<vmem>>
      %dma_start3A_69 = arith.constant 0 : i32
      %dma_start3A_70 = tpu.memref_slice %arg2[%mul3A_64, %dma_start3A_69] : memref<32768x256xf32, #tpu.memory_space<hbm>> -> memref<128x256xf32, #tpu.memory_space<hbm>>
      %dma_start3A_71 = arith.constant 0 : i32
      %dma_start3A_72 = arith.constant 0 : i32
      %dma_start3A_73 = tpu.memref_slice %arg5[%dma_start3A, %dma_start3A_71, %dma_start3A_72] : memref<2x128x256xf32, #tpu.memory_space<vmem>> -> memref<1x128x256xf32, #tpu.memory_space<vmem>>
      %dma_start3A_74 = tpu.memref_squeeze %dma_start3A_73 : memref<1x128x256xf32, #tpu.memory_space<vmem>> -> memref<128x256xf32, #tpu.memory_space<vmem>>
      %dma_start3A_75 = arith.constant 0 : i32
      %dma_start3A_76 = tpu.memref_slice %arg2[%mul3A_64, %dma_start3A_75] : memref<32768x256xf32, #tpu.memory_space<hbm>> -> memref<128x256xf32, #tpu.memory_space<hbm>>
      tpu.enqueue_dma source(%dma_start3A_76 : memref<128x256xf32, #tpu.memory_space<hbm>>) target(%dma_start3A_74 : memref<128x256xf32, #tpu.memory_space<vmem>>) target_semaphore(%arg9 : memref<!tpu.dma_semaphore, #tpu.memory_space<semaphore_mem>>)
    } else {
    }
    %gt3A_29 = arith.constant 1 : i32
    %gt3A_30 = arith.cmpi sgt, %min3A, %gt3A_29 : i32
    %convert_element_type3A_31 = arith.extui %gt3A_30 : i1 to i32
    %cond3A_32 = arith.constant 0 : i32
    %cond3A_33 = arith.cmpi ne, %convert_element_type3A_31, %cond3A_32 : i32
    scf.if %cond3A_33 {
      %mul3A_59 = arith.muli %add3A, %shift_right_arithmetic3A_23 : i32
      %add3A_60 = arith.addi %max3A_9, %mul3A_59 : i32
      %add3A_61 = arith.constant 1 : i32
      %add3A_62 = arith.addi %add3A_60, %add3A_61 : i32
      %mul3A_63 = arith.constant 128 : i32
      %mul3A_64 = arith.muli %add3A_62, %mul3A_63 : i32
      %dma_start3A = arith.constant 1 : i32
      %dma_start3A_65 = arith.constant 0 : i32
      %dma_start3A_66 = arith.constant 0 : i32
      %dma_start3A_67 = tpu.memref_slice %arg5[%dma_start3A, %dma_start3A_65, %dma_start3A_66] : memref<2x128x256xf32, #tpu.memory_space<vmem>> -> memref<1x128x256xf32, #tpu.memory_space<vmem>>
      %dma_start3A_68 = tpu.memref_squeeze %dma_start3A_67 : memref<1x128x256xf32, #tpu.memory_space<vmem>> -> memref<128x256xf32, #tpu.memory_space<vmem>>
      %dma_start3A_69 = arith.constant 0 : i32
      %dma_start3A_70 = tpu.memref_slice %arg2[%mul3A_64, %dma_start3A_69] : memref<32768x256xf32, #tpu.memory_space<hbm>> -> memref<128x256xf32, #tpu.memory_space<hbm>>
      %dma_start3A_71 = arith.constant 0 : i32
      %dma_start3A_72 = arith.constant 0 : i32
      %dma_start3A_73 = tpu.memref_slice %arg5[%dma_start3A, %dma_start3A_71, %dma_start3A_72] : memref<2x128x256xf32, #tpu.memory_space<vmem>> -> memref<1x128x256xf32, #tpu.memory_space<vmem>>
      %dma_start3A_74 = tpu.memref_squeeze %dma_start3A_73 : memref<1x128x256xf32, #tpu.memory_space<vmem>> -> memref<128x256xf32, #tpu.memory_space<vmem>>
      %dma_start3A_75 = arith.constant 0 : i32
      %dma_start3A_76 = tpu.memref_slice %arg2[%mul3A_64, %dma_start3A_75] : memref<32768x256xf32, #tpu.memory_space<hbm>> -> memref<128x256xf32, #tpu.memory_space<hbm>>
      tpu.enqueue_dma source(%dma_start3A_76 : memref<128x256xf32, #tpu.memory_space<hbm>>) target(%dma_start3A_74 : memref<128x256xf32, #tpu.memory_space<vmem>>) target_semaphore(%arg10 : memref<!tpu.dma_semaphore, #tpu.memory_space<semaphore_mem>>)
    } else {
    }
    %add3A_34 = arith.constant 1 : i32
    %add3A_35 = arith.addi %min3A, %add3A_34 : i32
    %shift_right_arithmetic3A_36 = arith.constant 1 : i32
    %shift_right_arithmetic3A_37 = arith.shrsi %add3A_35, %shift_right_arithmetic3A_36 : i32
    %while3A = arith.constant 0 : i32
    %while3A_38 = arith.constant 0 : i32
    %while3A_39 = arith.subi %shift_right_arithmetic3A_37, %while3A_38 : i32
    %while3A_40 = arith.addi %while3A_38, %while3A_39 : i32
    %while3A_41 = arith.constant 1 : i32
    %while3A_42 = arith.divsi %while3A_39, %while3A_41 : i32
    %while3A_43 = arith.muli %while3A_42, %while3A_41 : i32
    %while3A_44 = arith.addi %while3A_38, %while3A_43 : i32
    %while3A_45 = arith.constant 1 : i32
    scf.for %while3A_59 = %while3A_38 to %while3A_44 step %while3A_45  : i32 {
      %mul3A_60 = arith.constant 2 : i32
      %mul3A_61 = arith.muli %mul3A_60, %while3A_59 : i32
      %add3A_62 = arith.constant 0 : i32
      %add3A_63 = arith.addi %mul3A_61, %add3A_62 : i32
      %lt3A = arith.cmpi slt, %add3A_63, %min3A : i32
      %convert_element_type3A_64 = arith.extui %lt3A : i1 to i32
      %cond3A_65 = arith.constant 0 : i32
      %cond3A_66 = arith.cmpi ne, %convert_element_type3A_64, %cond3A_65 : i32
      scf.if %cond3A_66 {
        %dma_wait3A = arith.constant 0 : i32
        %dma_wait3A_75 = arith.constant 0 : i32
        %dma_wait3A_76 = arith.constant 0 : i32
        %dma_wait3A_77 = tpu.memref_slice %arg5[%dma_wait3A, %dma_wait3A_75, %dma_wait3A_76] : memref<2x128x256xf32, #tpu.memory_space<vmem>> -> memref<1x128x256xf32, #tpu.memory_space<vmem>>
        %dma_wait3A_78 = tpu.memref_squeeze %dma_wait3A_77 : memref<1x128x256xf32, #tpu.memory_space<vmem>> -> memref<128x256xf32, #tpu.memory_space<vmem>>
        %dma_wait3A_79 = arith.constant 0 : i32
        %dma_wait3A_80 = arith.constant 0 : i32
        %dma_wait3A_81 = tpu.memref_slice %arg2[%dma_wait3A_79, %dma_wait3A_80] : memref<32768x256xf32, #tpu.memory_space<hbm>> -> memref<128x256xf32, #tpu.memory_space<hbm>>
        %dma_wait3A_82 = arith.constant 0 : i32
        %dma_wait3A_83 = arith.constant 0 : i32
        %dma_wait3A_84 = tpu.memref_slice %arg5[%dma_wait3A, %dma_wait3A_82, %dma_wait3A_83] : memref<2x128x256xf32, #tpu.memory_space<vmem>> -> memref<1x128x256xf32, #tpu.memory_space<vmem>>
        %dma_wait3A_85 = tpu.memref_squeeze %dma_wait3A_84 : memref<1x128x256xf32, #tpu.memory_space<vmem>> -> memref<128x256xf32, #tpu.memory_space<vmem>>
        %dma_wait3A_86 = arith.constant 0 : i32
        %dma_wait3A_87 = arith.constant 0 : i32
        %dma_wait3A_88 = tpu.memref_slice %arg2[%dma_wait3A_86, %dma_wait3A_87] : memref<32768x256xf32, #tpu.memory_space<hbm>> -> memref<128x256xf32, #tpu.memory_space<hbm>>
        tpu.wait_dma2 semaphore(%arg9 : memref<!tpu.dma_semaphore, #tpu.memory_space<semaphore_mem>>) src(%dma_wait3A_88 : memref<128x256xf32, #tpu.memory_space<hbm>>) dst(%dma_wait3A_85 : memref<128x256xf32, #tpu.memory_space<vmem>>)
        %broadcast_in_dim3A = arith.constant 0.000000e+00 : f32
        %broadcast_in_dim3A_89 = vector.broadcast %broadcast_in_dim3A : f32 to vector<16xf32>
        %broadcast_in_dim3A_90 = arith.constant 0.000000e+00 : f32
        %broadcast_in_dim3A_91 = vector.broadcast %broadcast_in_dim3A_90 : f32 to vector<16xf32>
        %broadcast_in_dim3A_92 = arith.constant 0.000000e+00 : f32
        %broadcast_in_dim3A_93 = vector.broadcast %broadcast_in_dim3A_92 : f32 to vector<16xf32>
        %broadcast_in_dim3A_94 = arith.constant 0.000000e+00 : f32
        %broadcast_in_dim3A_95 = vector.broadcast %broadcast_in_dim3A_94 : f32 to vector<16xf32>
        %broadcast_in_dim3A_96 = arith.constant 0.000000e+00 : f32
        %broadcast_in_dim3A_97 = vector.broadcast %broadcast_in_dim3A_96 : f32 to vector<16xf32>
        %broadcast_in_dim3A_98 = arith.constant 0.000000e+00 : f32
        %broadcast_in_dim3A_99 = vector.broadcast %broadcast_in_dim3A_98 : f32 to vector<16xf32>
        %broadcast_in_dim3A_100 = arith.constant 0.000000e+00 : f32
        %broadcast_in_dim3A_101 = vector.broadcast %broadcast_in_dim3A_100 : f32 to vector<16xf32>
        %broadcast_in_dim3A_102 = arith.constant 0.000000e+00 : f32
        %broadcast_in_dim3A_103 = vector.broadcast %broadcast_in_dim3A_102 : f32 to vector<16xf32>
        %broadcast_in_dim3A_104 = arith.constant 0.000000e+00 : f32
        %broadcast_in_dim3A_105 = vector.broadcast %broadcast_in_dim3A_104 : f32 to vector<16xf32>
        %broadcast_in_dim3A_106 = arith.constant 0.000000e+00 : f32
        %broadcast_in_dim3A_107 = vector.broadcast %broadcast_in_dim3A_106 : f32 to vector<16xf32>
        %broadcast_in_dim3A_108 = arith.constant 0.000000e+00 : f32
        %broadcast_in_dim3A_109 = vector.broadcast %broadcast_in_dim3A_108 : f32 to vector<16xf32>
        %broadcast_in_dim3A_110 = arith.constant 0.000000e+00 : f32
        %broadcast_in_dim3A_111 = vector.broadcast %broadcast_in_dim3A_110 : f32 to vector<16xf32>
        %broadcast_in_dim3A_112 = arith.constant 0.000000e+00 : f32
        %broadcast_in_dim3A_113 = vector.broadcast %broadcast_in_dim3A_112 : f32 to vector<16xf32>
        %broadcast_in_dim3A_114 = arith.constant 0.000000e+00 : f32
        %broadcast_in_dim3A_115 = vector.broadcast %broadcast_in_dim3A_114 : f32 to vector<16xf32>
        %broadcast_in_dim3A_116 = arith.constant 0.000000e+00 : f32
        %broadcast_in_dim3A_117 = vector.broadcast %broadcast_in_dim3A_116 : f32 to vector<16xf32>
        %broadcast_in_dim3A_118 = arith.constant 0.000000e+00 : f32
        %broadcast_in_dim3A_119 = vector.broadcast %broadcast_in_dim3A_118 : f32 to vector<16xf32>
        %scan3A = arith.constant 0 : i32
        %scan3A_120 = arith.constant 128 : i32
        %scan3A_121 = arith.addi %scan3A, %scan3A_120 : i32
        %scan3A_122 = arith.constant 1 : i32
        %scan3A_123:16 = scf.for %scan3A_234 = %scan3A to %scan3A_121 step %scan3A_122 iter_args(%scan3A_235 = %broadcast_in_dim3A_89, %scan3A_236 = %broadcast_in_dim3A_91, %scan3A_237 = %broadcast_in_dim3A_93, %scan3A_238 = %broadcast_in_dim3A_95, %scan3A_239 = %broadcast_in_dim3A_97, %scan3A_240 = %broadcast_in_dim3A_99, %scan3A_241 = %broadcast_in_dim3A_101, %scan3A_242 = %broadcast_in_dim3A_103, %scan3A_243 = %broadcast_in_dim3A_105, %scan3A_244 = %broadcast_in_dim3A_107, %scan3A_245 = %broadcast_in_dim3A_109, %scan3A_246 = %broadcast_in_dim3A_111, %scan3A_247 = %broadcast_in_dim3A_113, %scan3A_248 = %broadcast_in_dim3A_115, %scan3A_249 = %broadcast_in_dim3A_117, %scan3A_250 = %broadcast_in_dim3A_119) -> (vector<16xf32>, vector<16xf32>, vector<16xf32>, vector<16xf32>, vector<16xf32>, vector<16xf32>, vector<16xf32>, vector<16xf32>, vector<16xf32>, vector<16xf32>, vector<16xf32>, vector<16xf32>, vector<16xf32>, vector<16xf32>, vector<16xf32>, vector<16xf32>)  : i32 {
          %get3A_251 = arith.constant 0 : i32
          %get3A_252 = arith.index_cast %get3A_251 : i32 to index
          %get3A_253 = arith.index_cast %scan3A_234 : i32 to index
          %get3A_254 = arith.constant 0 : index
          %get3A_255 = tpu.vector_load %arg5[%get3A_252, %get3A_253, %get3A_254] {strides = array<i32>} : memref<2x128x256xf32, #tpu.memory_space<vmem>>, vector<1x1x16xf32>,
          %get3A_256 = vector.shape_cast %get3A_255 : vector<1x1x16xf32> to vector<16xf32>
          %add3A_257 = arith.addf %scan3A_235, %get3A_256 : vector<16xf32>
          %get3A_258 = arith.constant 0 : i32
          %get3A_259 = arith.index_cast %get3A_258 : i32 to index
          %get3A_260 = arith.index_cast %scan3A_234 : i32 to index
          %get3A_261 = arith.constant 16 : index
          %get3A_262 = tpu.vector_load %arg5[%get3A_259, %get3A_260, %get3A_261] {strides = array<i32>} : memref<2x128x256xf32, #tpu.memory_space<vmem>>, vector<1x1x16xf32>,
          %get3A_263 = vector.shape_cast %get3A_262 : vector<1x1x16xf32> to vector<16xf32>
          %add3A_264 = arith.addf %scan3A_236, %get3A_263 : vector<16xf32>
          %get3A_265 = arith.constant 0 : i32
          %get3A_266 = arith.index_cast %get3A_265 : i32 to index
          %get3A_267 = arith.index_cast %scan3A_234 : i32 to index
          %get3A_268 = arith.constant 32 : index
          %get3A_269 = tpu.vector_load %arg5[%get3A_266, %get3A_267, %get3A_268] {strides = array<i32>} : memref<2x128x256xf32, #tpu.memory_space<vmem>>, vector<1x1x16xf32>,
          %get3A_270 = vector.shape_cast %get3A_269 : vector<1x1x16xf32> to vector<16xf32>
          %add3A_271 = arith.addf %scan3A_237, %get3A_270 : vector<16xf32>
          %get3A_272 = arith.constant 0 : i32
          %get3A_273 = arith.index_cast %get3A_272 : i32 to index
          %get3A_274 = arith.index_cast %scan3A_234 : i32 to index
          %get3A_275 = arith.constant 48 : index
          %get3A_276 = tpu.vector_load %arg5[%get3A_273, %get3A_274, %get3A_275] {strides = array<i32>} : memref<2x128x256xf32, #tpu.memory_space<vmem>>, vector<1x1x16xf32>,
          %get3A_277 = vector.shape_cast %get3A_276 : vector<1x1x16xf32> to vector<16xf32>
          %add3A_278 = arith.addf %scan3A_238, %get3A_277 : vector<16xf32>
          %get3A_279 = arith.constant 0 : i32
          %get3A_280 = arith.index_cast %get3A_279 : i32 to index
          %get3A_281 = arith.index_cast %scan3A_234 : i32 to index
          %get3A_282 = arith.constant 64 : index
          %get3A_283 = tpu.vector_load %arg5[%get3A_280, %get3A_281, %get3A_282] {strides = array<i32>} : memref<2x128x256xf32, #tpu.memory_space<vmem>>, vector<1x1x16xf32>,
          %get3A_284 = vector.shape_cast %get3A_283 : vector<1x1x16xf32> to vector<16xf32>
          %add3A_285 = arith.addf %scan3A_239, %get3A_284 : vector<16xf32>
          %get3A_286 = arith.constant 0 : i32
          %get3A_287 = arith.index_cast %get3A_286 : i32 to index
          %get3A_288 = arith.index_cast %scan3A_234 : i32 to index
          %get3A_289 = arith.constant 80 : index
          %get3A_290 = tpu.vector_load %arg5[%get3A_287, %get3A_288, %get3A_289] {strides = array<i32>} : memref<2x128x256xf32, #tpu.memory_space<vmem>>, vector<1x1x16xf32>,
          %get3A_291 = vector.shape_cast %get3A_290 : vector<1x1x16xf32> to vector<16xf32>
          %add3A_292 = arith.addf %scan3A_240, %get3A_291 : vector<16xf32>
          %get3A_293 = arith.constant 0 : i32
          %get3A_294 = arith.index_cast %get3A_293 : i32 to index
          %get3A_295 = arith.index_cast %scan3A_234 : i32 to index
          %get3A_296 = arith.constant 96 : index
          %get3A_297 = tpu.vector_load %arg5[%get3A_294, %get3A_295, %get3A_296] {strides = array<i32>} : memref<2x128x256xf32, #tpu.memory_space<vmem>>, vector<1x1x16xf32>,
          %get3A_298 = vector.shape_cast %get3A_297 : vector<1x1x16xf32> to vector<16xf32>
          %add3A_299 = arith.addf %scan3A_241, %get3A_298 : vector<16xf32>
          %get3A_300 = arith.constant 0 : i32
          %get3A_301 = arith.index_cast %get3A_300 : i32 to index
          %get3A_302 = arith.index_cast %scan3A_234 : i32 to index
          %get3A_303 = arith.constant 112 : index
          %get3A_304 = tpu.vector_load %arg5[%get3A_301, %get3A_302, %get3A_303] {strides = array<i32>} : memref<2x128x256xf32, #tpu.memory_space<vmem>>, vector<1x1x16xf32>,
          %get3A_305 = vector.shape_cast %get3A_304 : vector<1x1x16xf32> to vector<16xf32>
          %add3A_306 = arith.addf %scan3A_242, %get3A_305 : vector<16xf32>
          %get3A_307 = arith.constant 0 : i32
          %get3A_308 = arith.index_cast %get3A_307 : i32 to index
          %get3A_309 = arith.index_cast %scan3A_234 : i32 to index
          %get3A_310 = arith.constant 128 : index
          %get3A_311 = tpu.vector_load %arg5[%get3A_308, %get3A_309, %get3A_310] {strides = array<i32>} : memref<2x128x256xf32, #tpu.memory_space<vmem>>, vector<1x1x16xf32>,
          %get3A_312 = vector.shape_cast %get3A_311 : vector<1x1x16xf32> to vector<16xf32>
          %add3A_313 = arith.addf %scan3A_243, %get3A_312 : vector<16xf32>
          %get3A_314 = arith.constant 0 : i32
          %get3A_315 = arith.index_cast %get3A_314 : i32 to index
          %get3A_316 = arith.index_cast %scan3A_234 : i32 to index
          %get3A_317 = arith.constant 144 : index
          %get3A_318 = tpu.vector_load %arg5[%get3A_315, %get3A_316, %get3A_317] {strides = array<i32>} : memref<2x128x256xf32, #tpu.memory_space<vmem>>, vector<1x1x16xf32>,
          %get3A_319 = vector.shape_cast %get3A_318 : vector<1x1x16xf32> to vector<16xf32>
          %add3A_320 = arith.addf %scan3A_244, %get3A_319 : vector<16xf32>
          %get3A_321 = arith.constant 0 : i32
          %get3A_322 = arith.index_cast %get3A_321 : i32 to index
          %get3A_323 = arith.index_cast %scan3A_234 : i32 to index
          %get3A_324 = arith.constant 160 : index
          %get3A_325 = tpu.vector_load %arg5[%get3A_322, %get3A_323, %get3A_324] {strides = array<i32>} : memref<2x128x256xf32, #tpu.memory_space<vmem>>, vector<1x1x16xf32>,
          %get3A_326 = vector.shape_cast %get3A_325 : vector<1x1x16xf32> to vector<16xf32>
          %add3A_327 = arith.addf %scan3A_245, %get3A_326 : vector<16xf32>
          %get3A_328 = arith.constant 0 : i32
          %get3A_329 = arith.index_cast %get3A_328 : i32 to index
          %get3A_330 = arith.index_cast %scan3A_234 : i32 to index
          %get3A_331 = arith.constant 176 : index
          %get3A_332 = tpu.vector_load %arg5[%get3A_329, %get3A_330, %get3A_331] {strides = array<i32>} : memref<2x128x256xf32, #tpu.memory_space<vmem>>, vector<1x1x16xf32>,
          %get3A_333 = vector.shape_cast %get3A_332 : vector<1x1x16xf32> to vector<16xf32>
          %add3A_334 = arith.addf %scan3A_246, %get3A_333 : vector<16xf32>
          %get3A_335 = arith.constant 0 : i32
          %get3A_336 = arith.index_cast %get3A_335 : i32 to index
          %get3A_337 = arith.index_cast %scan3A_234 : i32 to index
          %get3A_338 = arith.constant 192 : index
          %get3A_339 = tpu.vector_load %arg5[%get3A_336, %get3A_337, %get3A_338] {strides = array<i32>} : memref<2x128x256xf32, #tpu.memory_space<vmem>>, vector<1x1x16xf32>,
          %get3A_340 = vector.shape_cast %get3A_339 : vector<1x1x16xf32> to vector<16xf32>
          %add3A_341 = arith.addf %scan3A_247, %get3A_340 : vector<16xf32>
          %get3A_342 = arith.constant 0 : i32
          %get3A_343 = arith.index_cast %get3A_342 : i32 to index
          %get3A_344 = arith.index_cast %scan3A_234 : i32 to index
          %get3A_345 = arith.constant 208 : index
          %get3A_346 = tpu.vector_load %arg5[%get3A_343, %get3A_344, %get3A_345] {strides = array<i32>} : memref<2x128x256xf32, #tpu.memory_space<vmem>>, vector<1x1x16xf32>,
          %get3A_347 = vector.shape_cast %get3A_346 : vector<1x1x16xf32> to vector<16xf32>
          %add3A_348 = arith.addf %scan3A_248, %get3A_347 : vector<16xf32>
          %get3A_349 = arith.constant 0 : i32
          %get3A_350 = arith.index_cast %get3A_349 : i32 to index
          %get3A_351 = arith.index_cast %scan3A_234 : i32 to index
          %get3A_352 = arith.constant 224 : index
          %get3A_353 = tpu.vector_load %arg5[%get3A_350, %get3A_351, %get3A_352] {strides = array<i32>} : memref<2x128x256xf32, #tpu.memory_space<vmem>>, vector<1x1x16xf32>,
          %get3A_354 = vector.shape_cast %get3A_353 : vector<1x1x16xf32> to vector<16xf32>
          %add3A_355 = arith.addf %scan3A_249, %get3A_354 : vector<16xf32>
          %get3A_356 = arith.constant 0 : i32
          %get3A_357 = arith.index_cast %get3A_356 : i32 to index
          %get3A_358 = arith.index_cast %scan3A_234 : i32 to index
          %get3A_359 = arith.constant 240 : index
          %get3A_360 = tpu.vector_load %arg5[%get3A_357, %get3A_358, %get3A_359] {strides = array<i32>} : memref<2x128x256xf32, #tpu.memory_space<vmem>>, vector<1x1x16xf32>,
          %get3A_361 = vector.shape_cast %get3A_360 : vector<1x1x16xf32> to vector<16xf32>
          %add3A_362 = arith.addf %scan3A_250, %get3A_361 : vector<16xf32>
          scf.yield %add3A_257, %add3A_264, %add3A_271, %add3A_278, %add3A_285, %add3A_292, %add3A_299, %add3A_306, %add3A_313, %add3A_320, %add3A_327, %add3A_334, %add3A_341, %add3A_348, %add3A_355, %add3A_362 : vector<16xf32>, vector<16xf32>, vector<16xf32>, vector<16xf32>, vector<16xf32>, vector<16xf32>, vector<16xf32>, vector<16xf32>, vector<16xf32>, vector<16xf32>, vector<16xf32>, vector<16xf32>, vector<16xf32>, vector<16xf32>, vector<16xf32>, vector<16xf32>
        }
        %scan3A_124 = arith.constant 128 : i32
        %swap3A = arith.index_cast %add3A_63 : i32 to index
        %swap3A_125 = arith.constant 0 : index
        %swap3A_126 = tpu.vector_load %arg6[%swap3A, %swap3A_125] {strides = array<i32>} : memref<8x128xf32, #tpu.memory_space<vmem>>, vector<1x16xf32>,
        %swap3A_127 = vector.shape_cast %swap3A_126 : vector<1x16xf32> to vector<16xf32>
        %swap3A_128 = vector.shape_cast %scan3A_123#0 : vector<16xf32> to vector<1x16xf32>
        tpu.vector_store %arg6[%swap3A, %swap3A_125], %swap3A_128 {strides = array<i32>} : memref<8x128xf32, #tpu.memory_space<vmem>>, vector<1x16xf32>,
        %swap3A_129 = arith.index_cast %add3A_63 : i32 to index
        %swap3A_130 = arith.constant 0 : index
        %swap3A_131 = tpu.vector_load %arg7[%swap3A_129, %swap3A_130] {strides = array<i32>} : memref<8x128xf32, #tpu.memory_space<vmem>>, vector<1x16xf32>,
        %swap3A_132 = vector.shape_cast %swap3A_131 : vector<1x16xf32> to vector<16xf32>
        %swap3A_133 = vector.shape_cast %scan3A_123#8 : vector<16xf32> to vector<1x16xf32>
        tpu.vector_store %arg7[%swap3A_129, %swap3A_130], %swap3A_133 {strides = array<i32>} : memref<8x128xf32, #tpu.memory_space<vmem>>, vector<1x16xf32>,
        %swap3A_134 = arith.index_cast %add3A_63 : i32 to index
        %swap3A_135 = arith.constant 16 : index
        %swap3A_136 = tpu.vector_load %arg6[%swap3A_134, %swap3A_135] {strides = array<i32>} : memref<8x128xf32, #tpu.memory_space<vmem>>, vector<1x16xf32>,
        %swap3A_137 = vector.shape_cast %swap3A_136 : vector<1x16xf32> to vector<16xf32>
        %swap3A_138 = vector.shape_cast %scan3A_123#1 : vector<16xf32> to vector<1x16xf32>
        tpu.vector_store %arg6[%swap3A_134, %swap3A_135], %swap3A_138 {strides = array<i32>} : memref<8x128xf32, #tpu.memory_space<vmem>>, vector<1x16xf32>,
        %swap3A_139 = arith.index_cast %add3A_63 : i32 to index
        %swap3A_140 = arith.constant 16 : index
        %swap3A_141 = tpu.vector_load %arg7[%swap3A_139, %swap3A_140] {strides = array<i32>} : memref<8x128xf32, #tpu.memory_space<vmem>>, vector<1x16xf32>,
        %swap3A_142 = vector.shape_cast %swap3A_141 : vector<1x16xf32> to vector<16xf32>
        %swap3A_143 = vector.shape_cast %scan3A_123#9 : vector<16xf32> to vector<1x16xf32>
        tpu.vector_store %arg7[%swap3A_139, %swap3A_140], %swap3A_143 {strides = array<i32>} : memref<8x128xf32, #tpu.memory_space<vmem>>, vector<1x16xf32>,
        %swap3A_144 = arith.index_cast %add3A_63 : i32 to index
        %swap3A_145 = arith.constant 32 : index
        %swap3A_146 = tpu.vector_load %arg6[%swap3A_144, %swap3A_145] {strides = array<i32>} : memref<8x128xf32, #tpu.memory_space<vmem>>, vector<1x16xf32>,
        %swap3A_147 = vector.shape_cast %swap3A_146 : vector<1x16xf32> to vector<16xf32>
        %swap3A_148 = vector.shape_cast %scan3A_123#2 : vector<16xf32> to vector<1x16xf32>
        tpu.vector_store %arg6[%swap3A_144, %swap3A_145], %swap3A_148 {strides = array<i32>} : memref<8x128xf32, #tpu.memory_space<vmem>>, vector<1x16xf32>,
        %swap3A_149 = arith.index_cast %add3A_63 : i32 to index
        %swap3A_150 = arith.constant 32 : index
        %swap3A_151 = tpu.vector_load %arg7[%swap3A_149, %swap3A_150] {strides = array<i32>} : memref<8x128xf32, #tpu.memory_space<vmem>>, vector<1x16xf32>,
        %swap3A_152 = vector.shape_cast %swap3A_151 : vector<1x16xf32> to vector<16xf32>
        %swap3A_153 = vector.shape_cast %scan3A_123#10 : vector<16xf32> to vector<1x16xf32>
        tpu.vector_store %arg7[%swap3A_149, %swap3A_150], %swap3A_153 {strides = array<i32>} : memref<8x128xf32, #tpu.memory_space<vmem>>, vector<1x16xf32>,
        %swap3A_154 = arith.index_cast %add3A_63 : i32 to index
        %swap3A_155 = arith.constant 48 : index
        %swap3A_156 = tpu.vector_load %arg6[%swap3A_154, %swap3A_155] {strides = array<i32>} : memref<8x128xf32, #tpu.memory_space<vmem>>, vector<1x16xf32>,
        %swap3A_157 = vector.shape_cast %swap3A_156 : vector<1x16xf32> to vector<16xf32>
        %swap3A_158 = vector.shape_cast %scan3A_123#3 : vector<16xf32> to vector<1x16xf32>
        tpu.vector_store %arg6[%swap3A_154, %swap3A_155], %swap3A_158 {strides = array<i32>} : memref<8x128xf32, #tpu.memory_space<vmem>>, vector<1x16xf32>,
        %swap3A_159 = arith.index_cast %add3A_63 : i32 to index
        %swap3A_160 = arith.constant 48 : index
        %swap3A_161 = tpu.vector_load %arg7[%swap3A_159, %swap3A_160] {strides = array<i32>} : memref<8x128xf32, #tpu.memory_space<vmem>>, vector<1x16xf32>,
        %swap3A_162 = vector.shape_cast %swap3A_161 : vector<1x16xf32> to vector<16xf32>
        %swap3A_163 = vector.shape_cast %scan3A_123#11 : vector<16xf32> to vector<1x16xf32>
        tpu.vector_store %arg7[%swap3A_159, %swap3A_160], %swap3A_163 {strides = array<i32>} : memref<8x128xf32, #tpu.memory_space<vmem>>, vector<1x16xf32>,
        %swap3A_164 = arith.index_cast %add3A_63 : i32 to index
        %swap3A_165 = arith.constant 64 : index
        %swap3A_166 = tpu.vector_load %arg6[%swap3A_164, %swap3A_165] {strides = array<i32>} : memref<8x128xf32, #tpu.memory_space<vmem>>, vector<1x16xf32>,
        %swap3A_167 = vector.shape_cast %swap3A_166 : vector<1x16xf32> to vector<16xf32>
        %swap3A_168 = vector.shape_cast %scan3A_123#4 : vector<16xf32> to vector<1x16xf32>
        tpu.vector_store %arg6[%swap3A_164, %swap3A_165], %swap3A_168 {strides = array<i32>} : memref<8x128xf32, #tpu.memory_space<vmem>>, vector<1x16xf32>,
        %swap3A_169 = arith.index_cast %add3A_63 : i32 to index
        %swap3A_170 = arith.constant 64 : index
        %swap3A_171 = tpu.vector_load %arg7[%swap3A_169, %swap3A_170] {strides = array<i32>} : memref<8x128xf32, #tpu.memory_space<vmem>>, vector<1x16xf32>,
        %swap3A_172 = vector.shape_cast %swap3A_171 : vector<1x16xf32> to vector<16xf32>
        %swap3A_173 = vector.shape_cast %scan3A_123#12 : vector<16xf32> to vector<1x16xf32>
        tpu.vector_store %arg7[%swap3A_169, %swap3A_170], %swap3A_173 {strides = array<i32>} : memref<8x128xf32, #tpu.memory_space<vmem>>, vector<1x16xf32>,
        %swap3A_174 = arith.index_cast %add3A_63 : i32 to index
        %swap3A_175 = arith.constant 80 : index
        %swap3A_176 = tpu.vector_load %arg6[%swap3A_174, %swap3A_175] {strides = array<i32>} : memref<8x128xf32, #tpu.memory_space<vmem>>, vector<1x16xf32>,
        %swap3A_177 = vector.shape_cast %swap3A_176 : vector<1x16xf32> to vector<16xf32>
        %swap3A_178 = vector.shape_cast %scan3A_123#5 : vector<16xf32> to vector<1x16xf32>
        tpu.vector_store %arg6[%swap3A_174, %swap3A_175], %swap3A_178 {strides = array<i32>} : memref<8x128xf32, #tpu.memory_space<vmem>>, vector<1x16xf32>,
        %swap3A_179 = arith.index_cast %add3A_63 : i32 to index
        %swap3A_180 = arith.constant 80 : index
        %swap3A_181 = tpu.vector_load %arg7[%swap3A_179, %swap3A_180] {strides = array<i32>} : memref<8x128xf32, #tpu.memory_space<vmem>>, vector<1x16xf32>,
        %swap3A_182 = vector.shape_cast %swap3A_181 : vector<1x16xf32> to vector<16xf32>
        %swap3A_183 = vector.shape_cast %scan3A_123#13 : vector<16xf32> to vector<1x16xf32>
        tpu.vector_store %arg7[%swap3A_179, %swap3A_180], %swap3A_183 {strides = array<i32>} : memref<8x128xf32, #tpu.memory_space<vmem>>, vector<1x16xf32>,
        %swap3A_184 = arith.index_cast %add3A_63 : i32 to index
        %swap3A_185 = arith.constant 96 : index
        %swap3A_186 = tpu.vector_load %arg6[%swap3A_184, %swap3A_185] {strides = array<i32>} : memref<8x128xf32, #tpu.memory_space<vmem>>, vector<1x16xf32>,
        %swap3A_187 = vector.shape_cast %swap3A_186 : vector<1x16xf32> to vector<16xf32>
        %swap3A_188 = vector.shape_cast %scan3A_123#6 : vector<16xf32> to vector<1x16xf32>
        tpu.vector_store %arg6[%swap3A_184, %swap3A_185], %swap3A_188 {strides = array<i32>} : memref<8x128xf32, #tpu.memory_space<vmem>>, vector<1x16xf32>,
        %swap3A_189 = arith.index_cast %add3A_63 : i32 to index
        %swap3A_190 = arith.constant 96 : index
        %swap3A_191 = tpu.vector_load %arg7[%swap3A_189, %swap3A_190] {strides = array<i32>} : memref<8x128xf32, #tpu.memory_space<vmem>>, vector<1x16xf32>,
        %swap3A_192 = vector.shape_cast %swap3A_191 : vector<1x16xf32> to vector<16xf32>
        %swap3A_193 = vector.shape_cast %scan3A_123#14 : vector<16xf32> to vector<1x16xf32>
        tpu.vector_store %arg7[%swap3A_189, %swap3A_190], %swap3A_193 {strides = array<i32>} : memref<8x128xf32, #tpu.memory_space<vmem>>, vector<1x16xf32>,
        %swap3A_194 = arith.index_cast %add3A_63 : i32 to index
        %swap3A_195 = arith.constant 112 : index
        %swap3A_196 = tpu.vector_load %arg6[%swap3A_194, %swap3A_195] {strides = array<i32>} : memref<8x128xf32, #tpu.memory_space<vmem>>, vector<1x16xf32>,
        %swap3A_197 = vector.shape_cast %swap3A_196 : vector<1x16xf32> to vector<16xf32>
        %swap3A_198 = vector.shape_cast %scan3A_123#7 : vector<16xf32> to vector<1x16xf32>
        tpu.vector_store %arg6[%swap3A_194, %swap3A_195], %swap3A_198 {strides = array<i32>} : memref<8x128xf32, #tpu.memory_space<vmem>>, vector<1x16xf32>,
        %swap3A_199 = arith.index_cast %add3A_63 : i32 to index
        %swap3A_200 = arith.constant 112 : index
        %swap3A_201 = tpu.vector_load %arg7[%swap3A_199, %swap3A_200] {strides = array<i32>} : memref<8x128xf32, #tpu.memory_space<vmem>>, vector<1x16xf32>,
        %swap3A_202 = vector.shape_cast %swap3A_201 : vector<1x16xf32> to vector<16xf32>
        %swap3A_203 = vector.shape_cast %scan3A_123#15 : vector<16xf32> to vector<1x16xf32>
        tpu.vector_store %arg7[%swap3A_199, %swap3A_200], %swap3A_203 {strides = array<i32>} : memref<8x128xf32, #tpu.memory_space<vmem>>, vector<1x16xf32>,
        %mul3A_204 = arith.muli %add3A, %shift_right_arithmetic3A_23 : i32
        %add3A_205 = arith.addi %max3A_9, %mul3A_204 : i32
        %add3A_206 = arith.addi %add3A_205, %add3A_63 : i32
        %mul3A_207 = arith.constant 128 : i32
        %mul3A_208 = arith.muli %add3A_206, %mul3A_207 : i32
        %dma_start3A = arith.constant 0 : i32
        %dma_start3A_209 = tpu.memref_slice %arg6[%add3A_63, %dma_start3A] : memref<8x128xf32, #tpu.memory_space<vmem>> -> memref<1x128xf32, #tpu.memory_space<vmem>>
        %dma_start3A_210 = tpu.memref_squeeze %dma_start3A_209 : memref<1x128xf32, #tpu.memory_space<vmem>> -> memref<128xf32, #tpu.memory_space<vmem>>
        %dma_start3A_211 = tpu.memref_slice %arg4[%mul3A_208] : memref<65536xf32, #tpu.memory_space<hbm>> -> memref<128xf32, #tpu.memory_space<hbm>>
        %dma_start3A_212 = tpu.memref_slice %arg4[%mul3A_208] : memref<65536xf32, #tpu.memory_space<hbm>> -> memref<128xf32, #tpu.memory_space<hbm>>
        %dma_start3A_213 = arith.constant 0 : i32
        %dma_start3A_214 = tpu.memref_slice %arg6[%add3A_63, %dma_start3A_213] : memref<8x128xf32, #tpu.memory_space<vmem>> -> memref<1x128xf32, #tpu.memory_space<vmem>>
        %dma_start3A_215 = tpu.memref_squeeze %dma_start3A_214 : memref<1x128xf32, #tpu.memory_space<vmem>> -> memref<128xf32, #tpu.memory_space<vmem>>
        tpu.enqueue_dma source(%dma_start3A_215 : memref<128xf32, #tpu.memory_space<vmem>>) target(%dma_start3A_212 : memref<128xf32, #tpu.memory_space<hbm>>) target_semaphore(%arg11 : memref<!tpu.dma_semaphore, #tpu.memory_space<semaphore_mem>>)
        %add3A_216 = arith.constant 256 : i32
        %add3A_217 = arith.addi %add3A_216, %add3A_206 : i32
        %mul3A_218 = arith.constant 128 : i32
        %mul3A_219 = arith.muli %add3A_217, %mul3A_218 : i32
        %dma_start3A_220 = arith.constant 0 : i32
        %dma_start3A_221 = tpu.memref_slice %arg7[%add3A_63, %dma_start3A_220] : memref<8x128xf32, #tpu.memory_space<vmem>> -> memref<1x128xf32, #tpu.memory_space<vmem>>
        %dma_start3A_222 = tpu.memref_squeeze %dma_start3A_221 : memref<1x128xf32, #tpu.memory_space<vmem>> -> memref<128xf32, #tpu.memory_space<vmem>>
        %dma_start3A_223 = tpu.memref_slice %arg4[%mul3A_219] : memref<65536xf32, #tpu.memory_space<hbm>> -> memref<128xf32, #tpu.memory_space<hbm>>
        %dma_start3A_224 = tpu.memref_slice %arg4[%mul3A_219] : memref<65536xf32, #tpu.memory_space<hbm>> -> memref<128xf32, #tpu.memory_space<hbm>>
        %dma_start3A_225 = arith.constant 0 : i32
        %dma_start3A_226 = tpu.memref_slice %arg7[%add3A_63, %dma_start3A_225] : memref<8x128xf32, #tpu.memory_space<vmem>> -> memref<1x128xf32, #tpu.memory_space<vmem>>
        %dma_start3A_227 = tpu.memref_squeeze %dma_start3A_226 : memref<1x128xf32, #tpu.memory_space<vmem>> -> memref<128xf32, #tpu.memory_space<vmem>>
        tpu.enqueue_dma source(%dma_start3A_227 : memref<128xf32, #tpu.memory_space<vmem>>) target(%dma_start3A_224 : memref<128xf32, #tpu.memory_space<hbm>>) target_semaphore(%arg11 : memref<!tpu.dma_semaphore, #tpu.memory_space<semaphore_mem>>)
        %add3A_228 = arith.constant 2 : i32
        %add3A_229 = arith.addi %add3A_63, %add3A_228 : i32
        %lt3A_230 = arith.cmpi slt, %add3A_229, %min3A : i32
        %convert_element_type3A_231 = arith.extui %lt3A_230 : i1 to i32
        %cond3A_232 = arith.constant 0 : i32
        %cond3A_233 = arith.cmpi ne, %convert_element_type3A_231, %cond3A_232 : i32
        scf.if %cond3A_233 {
          %add3A_234 = arith.constant 2 : i32
          %add3A_235 = arith.addi %add3A_63, %add3A_234 : i32
          %mul3A_236 = arith.muli %add3A, %shift_right_arithmetic3A_23 : i32
          %add3A_237 = arith.addi %max3A_9, %mul3A_236 : i32
          %add3A_238 = arith.addi %add3A_237, %add3A_235 : i32
          %mul3A_239 = arith.constant 128 : i32
          %mul3A_240 = arith.muli %add3A_238, %mul3A_239 : i32
          %dma_start3A_241 = arith.constant 0 : i32
          %dma_start3A_242 = arith.constant 0 : i32
          %dma_start3A_243 = arith.constant 0 : i32
          %dma_start3A_244 = tpu.memref_slice %arg5[%dma_start3A_241, %dma_start3A_242, %dma_start3A_243] : memref<2x128x256xf32, #tpu.memory_space<vmem>> -> memref<1x128x256xf32, #tpu.memory_space<vmem>>
          %dma_start3A_245 = tpu.memref_squeeze %dma_start3A_244 : memref<1x128x256xf32, #tpu.memory_space<vmem>> -> memref<128x256xf32, #tpu.memory_space<vmem>>
          %dma_start3A_246 = arith.constant 0 : i32
          %dma_start3A_247 = tpu.memref_slice %arg2[%mul3A_240, %dma_start3A_246] : memref<32768x256xf32, #tpu.memory_space<hbm>> -> memref<128x256xf32, #tpu.memory_space<hbm>>
          %dma_start3A_248 = arith.constant 0 : i32
          %dma_start3A_249 = arith.constant 0 : i32
          %dma_start3A_250 = tpu.memref_slice %arg5[%dma_start3A_241, %dma_start3A_248, %dma_start3A_249] : memref<2x128x256xf32, #tpu.memory_space<vmem>> -> memref<1x128x256xf32, #tpu.memory_space<vmem>>
          %dma_start3A_251 = tpu.memref_squeeze %dma_start3A_250 : memref<1x128x256xf32, #tpu.memory_space<vmem>> -> memref<128x256xf32, #tpu.memory_space<vmem>>
          %dma_start3A_252 = arith.constant 0 : i32
          %dma_start3A_253 = tpu.memref_slice %arg2[%mul3A_240, %dma_start3A_252] : memref<32768x256xf32, #tpu.memory_space<hbm>> -> memref<128x256xf32, #tpu.memory_space<hbm>>
          tpu.enqueue_dma source(%dma_start3A_253 : memref<128x256xf32, #tpu.memory_space<hbm>>) target(%dma_start3A_251 : memref<128x256xf32, #tpu.memory_space<vmem>>) target_semaphore(%arg9 : memref<!tpu.dma_semaphore, #tpu.memory_space<semaphore_mem>>)
        } else {
        }
      } else {
      }
      %mul3A_67 = arith.constant 2 : i32
      %mul3A_68 = arith.muli %mul3A_67, %while3A_59 : i32
      %add3A_69 = arith.constant 1 : i32
      %add3A_70 = arith.addi %mul3A_68, %add3A_69 : i32
      %lt3A_71 = arith.cmpi slt, %add3A_70, %min3A : i32
      %convert_element_type3A_72 = arith.extui %lt3A_71 : i1 to i32
      %cond3A_73 = arith.constant 0 : i32
      %cond3A_74 = arith.cmpi ne, %convert_element_type3A_72, %cond3A_73 : i32
      scf.if %cond3A_74 {
        %dma_wait3A = arith.constant 1 : i32
        %dma_wait3A_75 = arith.constant 0 : i32
        %dma_wait3A_76 = arith.constant 0 : i32
        %dma_wait3A_77 = tpu.memref_slice %arg5[%dma_wait3A, %dma_wait3A_75, %dma_wait3A_76] : memref<2x128x256xf32, #tpu.memory_space<vmem>> -> memref<1x128x256xf32, #tpu.memory_space<vmem>>
        %dma_wait3A_78 = tpu.memref_squeeze %dma_wait3A_77 : memref<1x128x256xf32, #tpu.memory_space<vmem>> -> memref<128x256xf32, #tpu.memory_space<vmem>>
        %dma_wait3A_79 = arith.constant 0 : i32
        %dma_wait3A_80 = arith.constant 0 : i32
        %dma_wait3A_81 = tpu.memref_slice %arg2[%dma_wait3A_79, %dma_wait3A_80] : memref<32768x256xf32, #tpu.memory_space<hbm>> -> memref<128x256xf32, #tpu.memory_space<hbm>>
        %dma_wait3A_82 = arith.constant 0 : i32
        %dma_wait3A_83 = arith.constant 0 : i32
        %dma_wait3A_84 = tpu.memref_slice %arg5[%dma_wait3A, %dma_wait3A_82, %dma_wait3A_83] : memref<2x128x256xf32, #tpu.memory_space<vmem>> -> memref<1x128x256xf32, #tpu.memory_space<vmem>>
        %dma_wait3A_85 = tpu.memref_squeeze %dma_wait3A_84 : memref<1x128x256xf32, #tpu.memory_space<vmem>> -> memref<128x256xf32, #tpu.memory_space<vmem>>
        %dma_wait3A_86 = arith.constant 0 : i32
        %dma_wait3A_87 = arith.constant 0 : i32
        %dma_wait3A_88 = tpu.memref_slice %arg2[%dma_wait3A_86, %dma_wait3A_87] : memref<32768x256xf32, #tpu.memory_space<hbm>> -> memref<128x256xf32, #tpu.memory_space<hbm>>
        tpu.wait_dma2 semaphore(%arg10 : memref<!tpu.dma_semaphore, #tpu.memory_space<semaphore_mem>>) src(%dma_wait3A_88 : memref<128x256xf32, #tpu.memory_space<hbm>>) dst(%dma_wait3A_85 : memref<128x256xf32, #tpu.memory_space<vmem>>)
        %broadcast_in_dim3A = arith.constant 0.000000e+00 : f32
        %broadcast_in_dim3A_89 = vector.broadcast %broadcast_in_dim3A : f32 to vector<16xf32>
        %broadcast_in_dim3A_90 = arith.constant 0.000000e+00 : f32
        %broadcast_in_dim3A_91 = vector.broadcast %broadcast_in_dim3A_90 : f32 to vector<16xf32>
        %broadcast_in_dim3A_92 = arith.constant 0.000000e+00 : f32
        %broadcast_in_dim3A_93 = vector.broadcast %broadcast_in_dim3A_92 : f32 to vector<16xf32>
        %broadcast_in_dim3A_94 = arith.constant 0.000000e+00 : f32
        %broadcast_in_dim3A_95 = vector.broadcast %broadcast_in_dim3A_94 : f32 to vector<16xf32>
        %broadcast_in_dim3A_96 = arith.constant 0.000000e+00 : f32
        %broadcast_in_dim3A_97 = vector.broadcast %broadcast_in_dim3A_96 : f32 to vector<16xf32>
        %broadcast_in_dim3A_98 = arith.constant 0.000000e+00 : f32
        %broadcast_in_dim3A_99 = vector.broadcast %broadcast_in_dim3A_98 : f32 to vector<16xf32>
        %broadcast_in_dim3A_100 = arith.constant 0.000000e+00 : f32
        %broadcast_in_dim3A_101 = vector.broadcast %broadcast_in_dim3A_100 : f32 to vector<16xf32>
        %broadcast_in_dim3A_102 = arith.constant 0.000000e+00 : f32
        %broadcast_in_dim3A_103 = vector.broadcast %broadcast_in_dim3A_102 : f32 to vector<16xf32>
        %broadcast_in_dim3A_104 = arith.constant 0.000000e+00 : f32
        %broadcast_in_dim3A_105 = vector.broadcast %broadcast_in_dim3A_104 : f32 to vector<16xf32>
        %broadcast_in_dim3A_106 = arith.constant 0.000000e+00 : f32
        %broadcast_in_dim3A_107 = vector.broadcast %broadcast_in_dim3A_106 : f32 to vector<16xf32>
        %broadcast_in_dim3A_108 = arith.constant 0.000000e+00 : f32
        %broadcast_in_dim3A_109 = vector.broadcast %broadcast_in_dim3A_108 : f32 to vector<16xf32>
        %broadcast_in_dim3A_110 = arith.constant 0.000000e+00 : f32
        %broadcast_in_dim3A_111 = vector.broadcast %broadcast_in_dim3A_110 : f32 to vector<16xf32>
        %broadcast_in_dim3A_112 = arith.constant 0.000000e+00 : f32
        %broadcast_in_dim3A_113 = vector.broadcast %broadcast_in_dim3A_112 : f32 to vector<16xf32>
        %broadcast_in_dim3A_114 = arith.constant 0.000000e+00 : f32
        %broadcast_in_dim3A_115 = vector.broadcast %broadcast_in_dim3A_114 : f32 to vector<16xf32>
        %broadcast_in_dim3A_116 = arith.constant 0.000000e+00 : f32
        %broadcast_in_dim3A_117 = vector.broadcast %broadcast_in_dim3A_116 : f32 to vector<16xf32>
        %broadcast_in_dim3A_118 = arith.constant 0.000000e+00 : f32
        %broadcast_in_dim3A_119 = vector.broadcast %broadcast_in_dim3A_118 : f32 to vector<16xf32>
        %scan3A = arith.constant 0 : i32
        %scan3A_120 = arith.constant 128 : i32
        %scan3A_121 = arith.addi %scan3A, %scan3A_120 : i32
        %scan3A_122 = arith.constant 1 : i32
        %scan3A_123:16 = scf.for %scan3A_234 = %scan3A to %scan3A_121 step %scan3A_122 iter_args(%scan3A_235 = %broadcast_in_dim3A_89, %scan3A_236 = %broadcast_in_dim3A_91, %scan3A_237 = %broadcast_in_dim3A_93, %scan3A_238 = %broadcast_in_dim3A_95, %scan3A_239 = %broadcast_in_dim3A_97, %scan3A_240 = %broadcast_in_dim3A_99, %scan3A_241 = %broadcast_in_dim3A_101, %scan3A_242 = %broadcast_in_dim3A_103, %scan3A_243 = %broadcast_in_dim3A_105, %scan3A_244 = %broadcast_in_dim3A_107, %scan3A_245 = %broadcast_in_dim3A_109, %scan3A_246 = %broadcast_in_dim3A_111, %scan3A_247 = %broadcast_in_dim3A_113, %scan3A_248 = %broadcast_in_dim3A_115, %scan3A_249 = %broadcast_in_dim3A_117, %scan3A_250 = %broadcast_in_dim3A_119) -> (vector<16xf32>, vector<16xf32>, vector<16xf32>, vector<16xf32>, vector<16xf32>, vector<16xf32>, vector<16xf32>, vector<16xf32>, vector<16xf32>, vector<16xf32>, vector<16xf32>, vector<16xf32>, vector<16xf32>, vector<16xf32>, vector<16xf32>, vector<16xf32>)  : i32 {
          %get3A_251 = arith.constant 1 : i32
          %get3A_252 = arith.index_cast %get3A_251 : i32 to index
          %get3A_253 = arith.index_cast %scan3A_234 : i32 to index
          %get3A_254 = arith.constant 0 : index
          %get3A_255 = tpu.vector_load %arg5[%get3A_252, %get3A_253, %get3A_254] {strides = array<i32>} : memref<2x128x256xf32, #tpu.memory_space<vmem>>, vector<1x1x16xf32>,
          %get3A_256 = vector.shape_cast %get3A_255 : vector<1x1x16xf32> to vector<16xf32>
          %add3A_257 = arith.addf %scan3A_235, %get3A_256 : vector<16xf32>
          %get3A_258 = arith.constant 1 : i32
          %get3A_259 = arith.index_cast %get3A_258 : i32 to index
          %get3A_260 = arith.index_cast %scan3A_234 : i32 to index
          %get3A_261 = arith.constant 16 : index
          %get3A_262 = tpu.vector_load %arg5[%get3A_259, %get3A_260, %get3A_261] {strides = array<i32>} : memref<2x128x256xf32, #tpu.memory_space<vmem>>, vector<1x1x16xf32>,
          %get3A_263 = vector.shape_cast %get3A_262 : vector<1x1x16xf32> to vector<16xf32>
          %add3A_264 = arith.addf %scan3A_236, %get3A_263 : vector<16xf32>
          %get3A_265 = arith.constant 1 : i32
          %get3A_266 = arith.index_cast %get3A_265 : i32 to index
          %get3A_267 = arith.index_cast %scan3A_234 : i32 to index
          %get3A_268 = arith.constant 32 : index
          %get3A_269 = tpu.vector_load %arg5[%get3A_266, %get3A_267, %get3A_268] {strides = array<i32>} : memref<2x128x256xf32, #tpu.memory_space<vmem>>, vector<1x1x16xf32>,
          %get3A_270 = vector.shape_cast %get3A_269 : vector<1x1x16xf32> to vector<16xf32>
          %add3A_271 = arith.addf %scan3A_237, %get3A_270 : vector<16xf32>
          %get3A_272 = arith.constant 1 : i32
          %get3A_273 = arith.index_cast %get3A_272 : i32 to index
          %get3A_274 = arith.index_cast %scan3A_234 : i32 to index
          %get3A_275 = arith.constant 48 : index
          %get3A_276 = tpu.vector_load %arg5[%get3A_273, %get3A_274, %get3A_275] {strides = array<i32>} : memref<2x128x256xf32, #tpu.memory_space<vmem>>, vector<1x1x16xf32>,
          %get3A_277 = vector.shape_cast %get3A_276 : vector<1x1x16xf32> to vector<16xf32>
          %add3A_278 = arith.addf %scan3A_238, %get3A_277 : vector<16xf32>
          %get3A_279 = arith.constant 1 : i32
          %get3A_280 = arith.index_cast %get3A_279 : i32 to index
          %get3A_281 = arith.index_cast %scan3A_234 : i32 to index
          %get3A_282 = arith.constant 64 : index
          %get3A_283 = tpu.vector_load %arg5[%get3A_280, %get3A_281, %get3A_282] {strides = array<i32>} : memref<2x128x256xf32, #tpu.memory_space<vmem>>, vector<1x1x16xf32>,
          %get3A_284 = vector.shape_cast %get3A_283 : vector<1x1x16xf32> to vector<16xf32>
          %add3A_285 = arith.addf %scan3A_239, %get3A_284 : vector<16xf32>
          %get3A_286 = arith.constant 1 : i32
          %get3A_287 = arith.index_cast %get3A_286 : i32 to index
          %get3A_288 = arith.index_cast %scan3A_234 : i32 to index
          %get3A_289 = arith.constant 80 : index
          %get3A_290 = tpu.vector_load %arg5[%get3A_287, %get3A_288, %get3A_289] {strides = array<i32>} : memref<2x128x256xf32, #tpu.memory_space<vmem>>, vector<1x1x16xf32>,
          %get3A_291 = vector.shape_cast %get3A_290 : vector<1x1x16xf32> to vector<16xf32>
          %add3A_292 = arith.addf %scan3A_240, %get3A_291 : vector<16xf32>
          %get3A_293 = arith.constant 1 : i32
          %get3A_294 = arith.index_cast %get3A_293 : i32 to index
          %get3A_295 = arith.index_cast %scan3A_234 : i32 to index
          %get3A_296 = arith.constant 96 : index
          %get3A_297 = tpu.vector_load %arg5[%get3A_294, %get3A_295, %get3A_296] {strides = array<i32>} : memref<2x128x256xf32, #tpu.memory_space<vmem>>, vector<1x1x16xf32>,
          %get3A_298 = vector.shape_cast %get3A_297 : vector<1x1x16xf32> to vector<16xf32>
          %add3A_299 = arith.addf %scan3A_241, %get3A_298 : vector<16xf32>
          %get3A_300 = arith.constant 1 : i32
          %get3A_301 = arith.index_cast %get3A_300 : i32 to index
          %get3A_302 = arith.index_cast %scan3A_234 : i32 to index
          %get3A_303 = arith.constant 112 : index
          %get3A_304 = tpu.vector_load %arg5[%get3A_301, %get3A_302, %get3A_303] {strides = array<i32>} : memref<2x128x256xf32, #tpu.memory_space<vmem>>, vector<1x1x16xf32>,
          %get3A_305 = vector.shape_cast %get3A_304 : vector<1x1x16xf32> to vector<16xf32>
          %add3A_306 = arith.addf %scan3A_242, %get3A_305 : vector<16xf32>
          %get3A_307 = arith.constant 1 : i32
          %get3A_308 = arith.index_cast %get3A_307 : i32 to index
          %get3A_309 = arith.index_cast %scan3A_234 : i32 to index
          %get3A_310 = arith.constant 128 : index
          %get3A_311 = tpu.vector_load %arg5[%get3A_308, %get3A_309, %get3A_310] {strides = array<i32>} : memref<2x128x256xf32, #tpu.memory_space<vmem>>, vector<1x1x16xf32>,
          %get3A_312 = vector.shape_cast %get3A_311 : vector<1x1x16xf32> to vector<16xf32>
          %add3A_313 = arith.addf %scan3A_243, %get3A_312 : vector<16xf32>
          %get3A_314 = arith.constant 1 : i32
          %get3A_315 = arith.index_cast %get3A_314 : i32 to index
          %get3A_316 = arith.index_cast %scan3A_234 : i32 to index
          %get3A_317 = arith.constant 144 : index
          %get3A_318 = tpu.vector_load %arg5[%get3A_315, %get3A_316, %get3A_317] {strides = array<i32>} : memref<2x128x256xf32, #tpu.memory_space<vmem>>, vector<1x1x16xf32>,
          %get3A_319 = vector.shape_cast %get3A_318 : vector<1x1x16xf32> to vector<16xf32>
          %add3A_320 = arith.addf %scan3A_244, %get3A_319 : vector<16xf32>
          %get3A_321 = arith.constant 1 : i32
          %get3A_322 = arith.index_cast %get3A_321 : i32 to index
          %get3A_323 = arith.index_cast %scan3A_234 : i32 to index
          %get3A_324 = arith.constant 160 : index
          %get3A_325 = tpu.vector_load %arg5[%get3A_322, %get3A_323, %get3A_324] {strides = array<i32>} : memref<2x128x256xf32, #tpu.memory_space<vmem>>, vector<1x1x16xf32>,
          %get3A_326 = vector.shape_cast %get3A_325 : vector<1x1x16xf32> to vector<16xf32>
          %add3A_327 = arith.addf %scan3A_245, %get3A_326 : vector<16xf32>
          %get3A_328 = arith.constant 1 : i32
          %get3A_329 = arith.index_cast %get3A_328 : i32 to index
          %get3A_330 = arith.index_cast %scan3A_234 : i32 to index
          %get3A_331 = arith.constant 176 : index
          %get3A_332 = tpu.vector_load %arg5[%get3A_329, %get3A_330, %get3A_331] {strides = array<i32>} : memref<2x128x256xf32, #tpu.memory_space<vmem>>, vector<1x1x16xf32>,
          %get3A_333 = vector.shape_cast %get3A_332 : vector<1x1x16xf32> to vector<16xf32>
          %add3A_334 = arith.addf %scan3A_246, %get3A_333 : vector<16xf32>
          %get3A_335 = arith.constant 1 : i32
          %get3A_336 = arith.index_cast %get3A_335 : i32 to index
          %get3A_337 = arith.index_cast %scan3A_234 : i32 to index
          %get3A_338 = arith.constant 192 : index
          %get3A_339 = tpu.vector_load %arg5[%get3A_336, %get3A_337, %get3A_338] {strides = array<i32>} : memref<2x128x256xf32, #tpu.memory_space<vmem>>, vector<1x1x16xf32>,
          %get3A_340 = vector.shape_cast %get3A_339 : vector<1x1x16xf32> to vector<16xf32>
          %add3A_341 = arith.addf %scan3A_247, %get3A_340 : vector<16xf32>
          %get3A_342 = arith.constant 1 : i32
          %get3A_343 = arith.index_cast %get3A_342 : i32 to index
          %get3A_344 = arith.index_cast %scan3A_234 : i32 to index
          %get3A_345 = arith.constant 208 : index
          %get3A_346 = tpu.vector_load %arg5[%get3A_343, %get3A_344, %get3A_345] {strides = array<i32>} : memref<2x128x256xf32, #tpu.memory_space<vmem>>, vector<1x1x16xf32>,
          %get3A_347 = vector.shape_cast %get3A_346 : vector<1x1x16xf32> to vector<16xf32>
          %add3A_348 = arith.addf %scan3A_248, %get3A_347 : vector<16xf32>
          %get3A_349 = arith.constant 1 : i32
          %get3A_350 = arith.index_cast %get3A_349 : i32 to index
          %get3A_351 = arith.index_cast %scan3A_234 : i32 to index
          %get3A_352 = arith.constant 224 : index
          %get3A_353 = tpu.vector_load %arg5[%get3A_350, %get3A_351, %get3A_352] {strides = array<i32>} : memref<2x128x256xf32, #tpu.memory_space<vmem>>, vector<1x1x16xf32>,
          %get3A_354 = vector.shape_cast %get3A_353 : vector<1x1x16xf32> to vector<16xf32>
          %add3A_355 = arith.addf %scan3A_249, %get3A_354 : vector<16xf32>
          %get3A_356 = arith.constant 1 : i32
          %get3A_357 = arith.index_cast %get3A_356 : i32 to index
          %get3A_358 = arith.index_cast %scan3A_234 : i32 to index
          %get3A_359 = arith.constant 240 : index
          %get3A_360 = tpu.vector_load %arg5[%get3A_357, %get3A_358, %get3A_359] {strides = array<i32>} : memref<2x128x256xf32, #tpu.memory_space<vmem>>, vector<1x1x16xf32>,
          %get3A_361 = vector.shape_cast %get3A_360 : vector<1x1x16xf32> to vector<16xf32>
          %add3A_362 = arith.addf %scan3A_250, %get3A_361 : vector<16xf32>
          scf.yield %add3A_257, %add3A_264, %add3A_271, %add3A_278, %add3A_285, %add3A_292, %add3A_299, %add3A_306, %add3A_313, %add3A_320, %add3A_327, %add3A_334, %add3A_341, %add3A_348, %add3A_355, %add3A_362 : vector<16xf32>, vector<16xf32>, vector<16xf32>, vector<16xf32>, vector<16xf32>, vector<16xf32>, vector<16xf32>, vector<16xf32>, vector<16xf32>, vector<16xf32>, vector<16xf32>, vector<16xf32>, vector<16xf32>, vector<16xf32>, vector<16xf32>, vector<16xf32>
        }
        %scan3A_124 = arith.constant 128 : i32
        %swap3A = arith.index_cast %add3A_70 : i32 to index
        %swap3A_125 = arith.constant 0 : index
        %swap3A_126 = tpu.vector_load %arg6[%swap3A, %swap3A_125] {strides = array<i32>} : memref<8x128xf32, #tpu.memory_space<vmem>>, vector<1x16xf32>,
        %swap3A_127 = vector.shape_cast %swap3A_126 : vector<1x16xf32> to vector<16xf32>
        %swap3A_128 = vector.shape_cast %scan3A_123#0 : vector<16xf32> to vector<1x16xf32>
        tpu.vector_store %arg6[%swap3A, %swap3A_125], %swap3A_128 {strides = array<i32>} : memref<8x128xf32, #tpu.memory_space<vmem>>, vector<1x16xf32>,
        %swap3A_129 = arith.index_cast %add3A_70 : i32 to index
        %swap3A_130 = arith.constant 0 : index
        %swap3A_131 = tpu.vector_load %arg7[%swap3A_129, %swap3A_130] {strides = array<i32>} : memref<8x128xf32, #tpu.memory_space<vmem>>, vector<1x16xf32>,
        %swap3A_132 = vector.shape_cast %swap3A_131 : vector<1x16xf32> to vector<16xf32>
        %swap3A_133 = vector.shape_cast %scan3A_123#8 : vector<16xf32> to vector<1x16xf32>
        tpu.vector_store %arg7[%swap3A_129, %swap3A_130], %swap3A_133 {strides = array<i32>} : memref<8x128xf32, #tpu.memory_space<vmem>>, vector<1x16xf32>,
        %swap3A_134 = arith.index_cast %add3A_70 : i32 to index
        %swap3A_135 = arith.constant 16 : index
        %swap3A_136 = tpu.vector_load %arg6[%swap3A_134, %swap3A_135] {strides = array<i32>} : memref<8x128xf32, #tpu.memory_space<vmem>>, vector<1x16xf32>,
        %swap3A_137 = vector.shape_cast %swap3A_136 : vector<1x16xf32> to vector<16xf32>
        %swap3A_138 = vector.shape_cast %scan3A_123#1 : vector<16xf32> to vector<1x16xf32>
        tpu.vector_store %arg6[%swap3A_134, %swap3A_135], %swap3A_138 {strides = array<i32>} : memref<8x128xf32, #tpu.memory_space<vmem>>, vector<1x16xf32>,
        %swap3A_139 = arith.index_cast %add3A_70 : i32 to index
        %swap3A_140 = arith.constant 16 : index
        %swap3A_141 = tpu.vector_load %arg7[%swap3A_139, %swap3A_140] {strides = array<i32>} : memref<8x128xf32, #tpu.memory_space<vmem>>, vector<1x16xf32>,
        %swap3A_142 = vector.shape_cast %swap3A_141 : vector<1x16xf32> to vector<16xf32>
        %swap3A_143 = vector.shape_cast %scan3A_123#9 : vector<16xf32> to vector<1x16xf32>
        tpu.vector_store %arg7[%swap3A_139, %swap3A_140], %swap3A_143 {strides = array<i32>} : memref<8x128xf32, #tpu.memory_space<vmem>>, vector<1x16xf32>,
        %swap3A_144 = arith.index_cast %add3A_70 : i32 to index
        %swap3A_145 = arith.constant 32 : index
        %swap3A_146 = tpu.vector_load %arg6[%swap3A_144, %swap3A_145] {strides = array<i32>} : memref<8x128xf32, #tpu.memory_space<vmem>>, vector<1x16xf32>,
        %swap3A_147 = vector.shape_cast %swap3A_146 : vector<1x16xf32> to vector<16xf32>
        %swap3A_148 = vector.shape_cast %scan3A_123#2 : vector<16xf32> to vector<1x16xf32>
        tpu.vector_store %arg6[%swap3A_144, %swap3A_145], %swap3A_148 {strides = array<i32>} : memref<8x128xf32, #tpu.memory_space<vmem>>, vector<1x16xf32>,
        %swap3A_149 = arith.index_cast %add3A_70 : i32 to index
        %swap3A_150 = arith.constant 32 : index
        %swap3A_151 = tpu.vector_load %arg7[%swap3A_149, %swap3A_150] {strides = array<i32>} : memref<8x128xf32, #tpu.memory_space<vmem>>, vector<1x16xf32>,
        %swap3A_152 = vector.shape_cast %swap3A_151 : vector<1x16xf32> to vector<16xf32>
        %swap3A_153 = vector.shape_cast %scan3A_123#10 : vector<16xf32> to vector<1x16xf32>
        tpu.vector_store %arg7[%swap3A_149, %swap3A_150], %swap3A_153 {strides = array<i32>} : memref<8x128xf32, #tpu.memory_space<vmem>>, vector<1x16xf32>,
        %swap3A_154 = arith.index_cast %add3A_70 : i32 to index
        %swap3A_155 = arith.constant 48 : index
        %swap3A_156 = tpu.vector_load %arg6[%swap3A_154, %swap3A_155] {strides = array<i32>} : memref<8x128xf32, #tpu.memory_space<vmem>>, vector<1x16xf32>,
        %swap3A_157 = vector.shape_cast %swap3A_156 : vector<1x16xf32> to vector<16xf32>
        %swap3A_158 = vector.shape_cast %scan3A_123#3 : vector<16xf32> to vector<1x16xf32>
        tpu.vector_store %arg6[%swap3A_154, %swap3A_155], %swap3A_158 {strides = array<i32>} : memref<8x128xf32, #tpu.memory_space<vmem>>, vector<1x16xf32>,
        %swap3A_159 = arith.index_cast %add3A_70 : i32 to index
        %swap3A_160 = arith.constant 48 : index
        %swap3A_161 = tpu.vector_load %arg7[%swap3A_159, %swap3A_160] {strides = array<i32>} : memref<8x128xf32, #tpu.memory_space<vmem>>, vector<1x16xf32>,
        %swap3A_162 = vector.shape_cast %swap3A_161 : vector<1x16xf32> to vector<16xf32>
        %swap3A_163 = vector.shape_cast %scan3A_123#11 : vector<16xf32> to vector<1x16xf32>
        tpu.vector_store %arg7[%swap3A_159, %swap3A_160], %swap3A_163 {strides = array<i32>} : memref<8x128xf32, #tpu.memory_space<vmem>>, vector<1x16xf32>,
        %swap3A_164 = arith.index_cast %add3A_70 : i32 to index
        %swap3A_165 = arith.constant 64 : index
        %swap3A_166 = tpu.vector_load %arg6[%swap3A_164, %swap3A_165] {strides = array<i32>} : memref<8x128xf32, #tpu.memory_space<vmem>>, vector<1x16xf32>,
        %swap3A_167 = vector.shape_cast %swap3A_166 : vector<1x16xf32> to vector<16xf32>
        %swap3A_168 = vector.shape_cast %scan3A_123#4 : vector<16xf32> to vector<1x16xf32>
        tpu.vector_store %arg6[%swap3A_164, %swap3A_165], %swap3A_168 {strides = array<i32>} : memref<8x128xf32, #tpu.memory_space<vmem>>, vector<1x16xf32>,
        %swap3A_169 = arith.index_cast %add3A_70 : i32 to index
        %swap3A_170 = arith.constant 64 : index
        %swap3A_171 = tpu.vector_load %arg7[%swap3A_169, %swap3A_170] {strides = array<i32>} : memref<8x128xf32, #tpu.memory_space<vmem>>, vector<1x16xf32>,
        %swap3A_172 = vector.shape_cast %swap3A_171 : vector<1x16xf32> to vector<16xf32>
        %swap3A_173 = vector.shape_cast %scan3A_123#12 : vector<16xf32> to vector<1x16xf32>
        tpu.vector_store %arg7[%swap3A_169, %swap3A_170], %swap3A_173 {strides = array<i32>} : memref<8x128xf32, #tpu.memory_space<vmem>>, vector<1x16xf32>,
        %swap3A_174 = arith.index_cast %add3A_70 : i32 to index
        %swap3A_175 = arith.constant 80 : index
        %swap3A_176 = tpu.vector_load %arg6[%swap3A_174, %swap3A_175] {strides = array<i32>} : memref<8x128xf32, #tpu.memory_space<vmem>>, vector<1x16xf32>,
        %swap3A_177 = vector.shape_cast %swap3A_176 : vector<1x16xf32> to vector<16xf32>
        %swap3A_178 = vector.shape_cast %scan3A_123#5 : vector<16xf32> to vector<1x16xf32>
        tpu.vector_store %arg6[%swap3A_174, %swap3A_175], %swap3A_178 {strides = array<i32>} : memref<8x128xf32, #tpu.memory_space<vmem>>, vector<1x16xf32>,
        %swap3A_179 = arith.index_cast %add3A_70 : i32 to index
        %swap3A_180 = arith.constant 80 : index
        %swap3A_181 = tpu.vector_load %arg7[%swap3A_179, %swap3A_180] {strides = array<i32>} : memref<8x128xf32, #tpu.memory_space<vmem>>, vector<1x16xf32>,
        %swap3A_182 = vector.shape_cast %swap3A_181 : vector<1x16xf32> to vector<16xf32>
        %swap3A_183 = vector.shape_cast %scan3A_123#13 : vector<16xf32> to vector<1x16xf32>
        tpu.vector_store %arg7[%swap3A_179, %swap3A_180], %swap3A_183 {strides = array<i32>} : memref<8x128xf32, #tpu.memory_space<vmem>>, vector<1x16xf32>,
        %swap3A_184 = arith.index_cast %add3A_70 : i32 to index
        %swap3A_185 = arith.constant 96 : index
        %swap3A_186 = tpu.vector_load %arg6[%swap3A_184, %swap3A_185] {strides = array<i32>} : memref<8x128xf32, #tpu.memory_space<vmem>>, vector<1x16xf32>,
        %swap3A_187 = vector.shape_cast %swap3A_186 : vector<1x16xf32> to vector<16xf32>
        %swap3A_188 = vector.shape_cast %scan3A_123#6 : vector<16xf32> to vector<1x16xf32>
        tpu.vector_store %arg6[%swap3A_184, %swap3A_185], %swap3A_188 {strides = array<i32>} : memref<8x128xf32, #tpu.memory_space<vmem>>, vector<1x16xf32>,
        %swap3A_189 = arith.index_cast %add3A_70 : i32 to index
        %swap3A_190 = arith.constant 96 : index
        %swap3A_191 = tpu.vector_load %arg7[%swap3A_189, %swap3A_190] {strides = array<i32>} : memref<8x128xf32, #tpu.memory_space<vmem>>, vector<1x16xf32>,
        %swap3A_192 = vector.shape_cast %swap3A_191 : vector<1x16xf32> to vector<16xf32>
        %swap3A_193 = vector.shape_cast %scan3A_123#14 : vector<16xf32> to vector<1x16xf32>
        tpu.vector_store %arg7[%swap3A_189, %swap3A_190], %swap3A_193 {strides = array<i32>} : memref<8x128xf32, #tpu.memory_space<vmem>>, vector<1x16xf32>,
        %swap3A_194 = arith.index_cast %add3A_70 : i32 to index
        %swap3A_195 = arith.constant 112 : index
        %swap3A_196 = tpu.vector_load %arg6[%swap3A_194, %swap3A_195] {strides = array<i32>} : memref<8x128xf32, #tpu.memory_space<vmem>>, vector<1x16xf32>,
        %swap3A_197 = vector.shape_cast %swap3A_196 : vector<1x16xf32> to vector<16xf32>
        %swap3A_198 = vector.shape_cast %scan3A_123#7 : vector<16xf32> to vector<1x16xf32>
        tpu.vector_store %arg6[%swap3A_194, %swap3A_195], %swap3A_198 {strides = array<i32>} : memref<8x128xf32, #tpu.memory_space<vmem>>, vector<1x16xf32>,
        %swap3A_199 = arith.index_cast %add3A_70 : i32 to index
        %swap3A_200 = arith.constant 112 : index
        %swap3A_201 = tpu.vector_load %arg7[%swap3A_199, %swap3A_200] {strides = array<i32>} : memref<8x128xf32, #tpu.memory_space<vmem>>, vector<1x16xf32>,
        %swap3A_202 = vector.shape_cast %swap3A_201 : vector<1x16xf32> to vector<16xf32>
        %swap3A_203 = vector.shape_cast %scan3A_123#15 : vector<16xf32> to vector<1x16xf32>
        tpu.vector_store %arg7[%swap3A_199, %swap3A_200], %swap3A_203 {strides = array<i32>} : memref<8x128xf32, #tpu.memory_space<vmem>>, vector<1x16xf32>,
        %mul3A_204 = arith.muli %add3A, %shift_right_arithmetic3A_23 : i32
        %add3A_205 = arith.addi %max3A_9, %mul3A_204 : i32
        %add3A_206 = arith.addi %add3A_205, %add3A_70 : i32
        %mul3A_207 = arith.constant 128 : i32
        %mul3A_208 = arith.muli %add3A_206, %mul3A_207 : i32
        %dma_start3A = arith.constant 0 : i32
        %dma_start3A_209 = tpu.memref_slice %arg6[%add3A_70, %dma_start3A] : memref<8x128xf32, #tpu.memory_space<vmem>> -> memref<1x128xf32, #tpu.memory_space<vmem>>
        %dma_start3A_210 = tpu.memref_squeeze %dma_start3A_209 : memref<1x128xf32, #tpu.memory_space<vmem>> -> memref<128xf32, #tpu.memory_space<vmem>>
        %dma_start3A_211 = tpu.memref_slice %arg4[%mul3A_208] : memref<65536xf32, #tpu.memory_space<hbm>> -> memref<128xf32, #tpu.memory_space<hbm>>
        %dma_start3A_212 = tpu.memref_slice %arg4[%mul3A_208] : memref<65536xf32, #tpu.memory_space<hbm>> -> memref<128xf32, #tpu.memory_space<hbm>>
        %dma_start3A_213 = arith.constant 0 : i32
        %dma_start3A_214 = tpu.memref_slice %arg6[%add3A_70, %dma_start3A_213] : memref<8x128xf32, #tpu.memory_space<vmem>> -> memref<1x128xf32, #tpu.memory_space<vmem>>
        %dma_start3A_215 = tpu.memref_squeeze %dma_start3A_214 : memref<1x128xf32, #tpu.memory_space<vmem>> -> memref<128xf32, #tpu.memory_space<vmem>>
        tpu.enqueue_dma source(%dma_start3A_215 : memref<128xf32, #tpu.memory_space<vmem>>) target(%dma_start3A_212 : memref<128xf32, #tpu.memory_space<hbm>>) target_semaphore(%arg11 : memref<!tpu.dma_semaphore, #tpu.memory_space<semaphore_mem>>)
        %add3A_216 = arith.constant 256 : i32
        %add3A_217 = arith.addi %add3A_216, %add3A_206 : i32
        %mul3A_218 = arith.constant 128 : i32
        %mul3A_219 = arith.muli %add3A_217, %mul3A_218 : i32
        %dma_start3A_220 = arith.constant 0 : i32
        %dma_start3A_221 = tpu.memref_slice %arg7[%add3A_70, %dma_start3A_220] : memref<8x128xf32, #tpu.memory_space<vmem>> -> memref<1x128xf32, #tpu.memory_space<vmem>>
        %dma_start3A_222 = tpu.memref_squeeze %dma_start3A_221 : memref<1x128xf32, #tpu.memory_space<vmem>> -> memref<128xf32, #tpu.memory_space<vmem>>
        %dma_start3A_223 = tpu.memref_slice %arg4[%mul3A_219] : memref<65536xf32, #tpu.memory_space<hbm>> -> memref<128xf32, #tpu.memory_space<hbm>>
        %dma_start3A_224 = tpu.memref_slice %arg4[%mul3A_219] : memref<65536xf32, #tpu.memory_space<hbm>> -> memref<128xf32, #tpu.memory_space<hbm>>
        %dma_start3A_225 = arith.constant 0 : i32
        %dma_start3A_226 = tpu.memref_slice %arg7[%add3A_70, %dma_start3A_225] : memref<8x128xf32, #tpu.memory_space<vmem>> -> memref<1x128xf32, #tpu.memory_space<vmem>>
        %dma_start3A_227 = tpu.memref_squeeze %dma_start3A_226 : memref<1x128xf32, #tpu.memory_space<vmem>> -> memref<128xf32, #tpu.memory_space<vmem>>
        tpu.enqueue_dma source(%dma_start3A_227 : memref<128xf32, #tpu.memory_space<vmem>>) target(%dma_start3A_224 : memref<128xf32, #tpu.memory_space<hbm>>) target_semaphore(%arg11 : memref<!tpu.dma_semaphore, #tpu.memory_space<semaphore_mem>>)
        %add3A_228 = arith.constant 2 : i32
        %add3A_229 = arith.addi %add3A_70, %add3A_228 : i32
        %lt3A_230 = arith.cmpi slt, %add3A_229, %min3A : i32
        %convert_element_type3A_231 = arith.extui %lt3A_230 : i1 to i32
        %cond3A_232 = arith.constant 0 : i32
        %cond3A_233 = arith.cmpi ne, %convert_element_type3A_231, %cond3A_232 : i32
        scf.if %cond3A_233 {
          %add3A_234 = arith.constant 2 : i32
          %add3A_235 = arith.addi %add3A_70, %add3A_234 : i32
          %mul3A_236 = arith.muli %add3A, %shift_right_arithmetic3A_23 : i32
          %add3A_237 = arith.addi %max3A_9, %mul3A_236 : i32
          %add3A_238 = arith.addi %add3A_237, %add3A_235 : i32
          %mul3A_239 = arith.constant 128 : i32
          %mul3A_240 = arith.muli %add3A_238, %mul3A_239 : i32
          %dma_start3A_241 = arith.constant 1 : i32
          %dma_start3A_242 = arith.constant 0 : i32
          %dma_start3A_243 = arith.constant 0 : i32
          %dma_start3A_244 = tpu.memref_slice %arg5[%dma_start3A_241, %dma_start3A_242, %dma_start3A_243] : memref<2x128x256xf32, #tpu.memory_space<vmem>> -> memref<1x128x256xf32, #tpu.memory_space<vmem>>
          %dma_start3A_245 = tpu.memref_squeeze %dma_start3A_244 : memref<1x128x256xf32, #tpu.memory_space<vmem>> -> memref<128x256xf32, #tpu.memory_space<vmem>>
          %dma_start3A_246 = arith.constant 0 : i32
          %dma_start3A_247 = tpu.memref_slice %arg2[%mul3A_240, %dma_start3A_246] : memref<32768x256xf32, #tpu.memory_space<hbm>> -> memref<128x256xf32, #tpu.memory_space<hbm>>
          %dma_start3A_248 = arith.constant 0 : i32
          %dma_start3A_249 = arith.constant 0 : i32
          %dma_start3A_250 = tpu.memref_slice %arg5[%dma_start3A_241, %dma_start3A_248, %dma_start3A_249] : memref<2x128x256xf32, #tpu.memory_space<vmem>> -> memref<1x128x256xf32, #tpu.memory_space<vmem>>
          %dma_start3A_251 = tpu.memref_squeeze %dma_start3A_250 : memref<1x128x256xf32, #tpu.memory_space<vmem>> -> memref<128x256xf32, #tpu.memory_space<vmem>>
          %dma_start3A_252 = arith.constant 0 : i32
          %dma_start3A_253 = tpu.memref_slice %arg2[%mul3A_240, %dma_start3A_252] : memref<32768x256xf32, #tpu.memory_space<hbm>> -> memref<128x256xf32, #tpu.memory_space<hbm>>
          tpu.enqueue_dma source(%dma_start3A_253 : memref<128x256xf32, #tpu.memory_space<hbm>>) target(%dma_start3A_251 : memref<128x256xf32, #tpu.memory_space<vmem>>) target_semaphore(%arg10 : memref<!tpu.dma_semaphore, #tpu.memory_space<semaphore_mem>>)
        } else {
        }
      } else {
      }
    }
    %while3A_46 = arith.constant 1 : i32
    scf.for %while3A_59 = %while3A_44 to %while3A_40 step %while3A_46  : i32 {
      %mul3A_60 = arith.constant 2 : i32
      %mul3A_61 = arith.muli %mul3A_60, %while3A_59 : i32
      %add3A_62 = arith.constant 0 : i32
      %add3A_63 = arith.addi %mul3A_61, %add3A_62 : i32
      %lt3A = arith.cmpi slt, %add3A_63, %min3A : i32
      %convert_element_type3A_64 = arith.extui %lt3A : i1 to i32
      %cond3A_65 = arith.constant 0 : i32
      %cond3A_66 = arith.cmpi ne, %convert_element_type3A_64, %cond3A_65 : i32
      scf.if %cond3A_66 {
        %dma_wait3A = arith.constant 0 : i32
        %dma_wait3A_75 = arith.constant 0 : i32
        %dma_wait3A_76 = arith.constant 0 : i32
        %dma_wait3A_77 = tpu.memref_slice %arg5[%dma_wait3A, %dma_wait3A_75, %dma_wait3A_76] : memref<2x128x256xf32, #tpu.memory_space<vmem>> -> memref<1x128x256xf32, #tpu.memory_space<vmem>>
        %dma_wait3A_78 = tpu.memref_squeeze %dma_wait3A_77 : memref<1x128x256xf32, #tpu.memory_space<vmem>> -> memref<128x256xf32, #tpu.memory_space<vmem>>
        %dma_wait3A_79 = arith.constant 0 : i32
        %dma_wait3A_80 = arith.constant 0 : i32
        %dma_wait3A_81 = tpu.memref_slice %arg2[%dma_wait3A_79, %dma_wait3A_80] : memref<32768x256xf32, #tpu.memory_space<hbm>> -> memref<128x256xf32, #tpu.memory_space<hbm>>
        %dma_wait3A_82 = arith.constant 0 : i32
        %dma_wait3A_83 = arith.constant 0 : i32
        %dma_wait3A_84 = tpu.memref_slice %arg5[%dma_wait3A, %dma_wait3A_82, %dma_wait3A_83] : memref<2x128x256xf32, #tpu.memory_space<vmem>> -> memref<1x128x256xf32, #tpu.memory_space<vmem>>
        %dma_wait3A_85 = tpu.memref_squeeze %dma_wait3A_84 : memref<1x128x256xf32, #tpu.memory_space<vmem>> -> memref<128x256xf32, #tpu.memory_space<vmem>>
        %dma_wait3A_86 = arith.constant 0 : i32
        %dma_wait3A_87 = arith.constant 0 : i32
        %dma_wait3A_88 = tpu.memref_slice %arg2[%dma_wait3A_86, %dma_wait3A_87] : memref<32768x256xf32, #tpu.memory_space<hbm>> -> memref<128x256xf32, #tpu.memory_space<hbm>>
        tpu.wait_dma2 semaphore(%arg9 : memref<!tpu.dma_semaphore, #tpu.memory_space<semaphore_mem>>) src(%dma_wait3A_88 : memref<128x256xf32, #tpu.memory_space<hbm>>) dst(%dma_wait3A_85 : memref<128x256xf32, #tpu.memory_space<vmem>>)
        %broadcast_in_dim3A = arith.constant 0.000000e+00 : f32
        %broadcast_in_dim3A_89 = vector.broadcast %broadcast_in_dim3A : f32 to vector<16xf32>
        %broadcast_in_dim3A_90 = arith.constant 0.000000e+00 : f32
        %broadcast_in_dim3A_91 = vector.broadcast %broadcast_in_dim3A_90 : f32 to vector<16xf32>
        %broadcast_in_dim3A_92 = arith.constant 0.000000e+00 : f32
        %broadcast_in_dim3A_93 = vector.broadcast %broadcast_in_dim3A_92 : f32 to vector<16xf32>
        %broadcast_in_dim3A_94 = arith.constant 0.000000e+00 : f32
        %broadcast_in_dim3A_95 = vector.broadcast %broadcast_in_dim3A_94 : f32 to vector<16xf32>
        %broadcast_in_dim3A_96 = arith.constant 0.000000e+00 : f32
        %broadcast_in_dim3A_97 = vector.broadcast %broadcast_in_dim3A_96 : f32 to vector<16xf32>
        %broadcast_in_dim3A_98 = arith.constant 0.000000e+00 : f32
        %broadcast_in_dim3A_99 = vector.broadcast %broadcast_in_dim3A_98 : f32 to vector<16xf32>
        %broadcast_in_dim3A_100 = arith.constant 0.000000e+00 : f32
        %broadcast_in_dim3A_101 = vector.broadcast %broadcast_in_dim3A_100 : f32 to vector<16xf32>
        %broadcast_in_dim3A_102 = arith.constant 0.000000e+00 : f32
        %broadcast_in_dim3A_103 = vector.broadcast %broadcast_in_dim3A_102 : f32 to vector<16xf32>
        %broadcast_in_dim3A_104 = arith.constant 0.000000e+00 : f32
        %broadcast_in_dim3A_105 = vector.broadcast %broadcast_in_dim3A_104 : f32 to vector<16xf32>
        %broadcast_in_dim3A_106 = arith.constant 0.000000e+00 : f32
        %broadcast_in_dim3A_107 = vector.broadcast %broadcast_in_dim3A_106 : f32 to vector<16xf32>
        %broadcast_in_dim3A_108 = arith.constant 0.000000e+00 : f32
        %broadcast_in_dim3A_109 = vector.broadcast %broadcast_in_dim3A_108 : f32 to vector<16xf32>
        %broadcast_in_dim3A_110 = arith.constant 0.000000e+00 : f32
        %broadcast_in_dim3A_111 = vector.broadcast %broadcast_in_dim3A_110 : f32 to vector<16xf32>
        %broadcast_in_dim3A_112 = arith.constant 0.000000e+00 : f32
        %broadcast_in_dim3A_113 = vector.broadcast %broadcast_in_dim3A_112 : f32 to vector<16xf32>
        %broadcast_in_dim3A_114 = arith.constant 0.000000e+00 : f32
        %broadcast_in_dim3A_115 = vector.broadcast %broadcast_in_dim3A_114 : f32 to vector<16xf32>
        %broadcast_in_dim3A_116 = arith.constant 0.000000e+00 : f32
        %broadcast_in_dim3A_117 = vector.broadcast %broadcast_in_dim3A_116 : f32 to vector<16xf32>
        %broadcast_in_dim3A_118 = arith.constant 0.000000e+00 : f32
        %broadcast_in_dim3A_119 = vector.broadcast %broadcast_in_dim3A_118 : f32 to vector<16xf32>
        %scan3A = arith.constant 0 : i32
        %scan3A_120 = arith.constant 128 : i32
        %scan3A_121 = arith.addi %scan3A, %scan3A_120 : i32
        %scan3A_122 = arith.constant 1 : i32
        %scan3A_123:16 = scf.for %scan3A_234 = %scan3A to %scan3A_121 step %scan3A_122 iter_args(%scan3A_235 = %broadcast_in_dim3A_89, %scan3A_236 = %broadcast_in_dim3A_91, %scan3A_237 = %broadcast_in_dim3A_93, %scan3A_238 = %broadcast_in_dim3A_95, %scan3A_239 = %broadcast_in_dim3A_97, %scan3A_240 = %broadcast_in_dim3A_99, %scan3A_241 = %broadcast_in_dim3A_101, %scan3A_242 = %broadcast_in_dim3A_103, %scan3A_243 = %broadcast_in_dim3A_105, %scan3A_244 = %broadcast_in_dim3A_107, %scan3A_245 = %broadcast_in_dim3A_109, %scan3A_246 = %broadcast_in_dim3A_111, %scan3A_247 = %broadcast_in_dim3A_113, %scan3A_248 = %broadcast_in_dim3A_115, %scan3A_249 = %broadcast_in_dim3A_117, %scan3A_250 = %broadcast_in_dim3A_119) -> (vector<16xf32>, vector<16xf32>, vector<16xf32>, vector<16xf32>, vector<16xf32>, vector<16xf32>, vector<16xf32>, vector<16xf32>, vector<16xf32>, vector<16xf32>, vector<16xf32>, vector<16xf32>, vector<16xf32>, vector<16xf32>, vector<16xf32>, vector<16xf32>)  : i32 {
          %get3A_251 = arith.constant 0 : i32
          %get3A_252 = arith.index_cast %get3A_251 : i32 to index
          %get3A_253 = arith.index_cast %scan3A_234 : i32 to index
          %get3A_254 = arith.constant 0 : index
          %get3A_255 = tpu.vector_load %arg5[%get3A_252, %get3A_253, %get3A_254] {strides = array<i32>} : memref<2x128x256xf32, #tpu.memory_space<vmem>>, vector<1x1x16xf32>,
          %get3A_256 = vector.shape_cast %get3A_255 : vector<1x1x16xf32> to vector<16xf32>
          %add3A_257 = arith.addf %scan3A_235, %get3A_256 : vector<16xf32>
          %get3A_258 = arith.constant 0 : i32
          %get3A_259 = arith.index_cast %get3A_258 : i32 to index
          %get3A_260 = arith.index_cast %scan3A_234 : i32 to index
          %get3A_261 = arith.constant 16 : index
          %get3A_262 = tpu.vector_load %arg5[%get3A_259, %get3A_260, %get3A_261] {strides = array<i32>} : memref<2x128x256xf32, #tpu.memory_space<vmem>>, vector<1x1x16xf32>,
          %get3A_263 = vector.shape_cast %get3A_262 : vector<1x1x16xf32> to vector<16xf32>
          %add3A_264 = arith.addf %scan3A_236, %get3A_263 : vector<16xf32>
          %get3A_265 = arith.constant 0 : i32
          %get3A_266 = arith.index_cast %get3A_265 : i32 to index
          %get3A_267 = arith.index_cast %scan3A_234 : i32 to index
          %get3A_268 = arith.constant 32 : index
          %get3A_269 = tpu.vector_load %arg5[%get3A_266, %get3A_267, %get3A_268] {strides = array<i32>} : memref<2x128x256xf32, #tpu.memory_space<vmem>>, vector<1x1x16xf32>,
          %get3A_270 = vector.shape_cast %get3A_269 : vector<1x1x16xf32> to vector<16xf32>
          %add3A_271 = arith.addf %scan3A_237, %get3A_270 : vector<16xf32>
          %get3A_272 = arith.constant 0 : i32
          %get3A_273 = arith.index_cast %get3A_272 : i32 to index
          %get3A_274 = arith.index_cast %scan3A_234 : i32 to index
          %get3A_275 = arith.constant 48 : index
          %get3A_276 = tpu.vector_load %arg5[%get3A_273, %get3A_274, %get3A_275] {strides = array<i32>} : memref<2x128x256xf32, #tpu.memory_space<vmem>>, vector<1x1x16xf32>,
          %get3A_277 = vector.shape_cast %get3A_276 : vector<1x1x16xf32> to vector<16xf32>
          %add3A_278 = arith.addf %scan3A_238, %get3A_277 : vector<16xf32>
          %get3A_279 = arith.constant 0 : i32
          %get3A_280 = arith.index_cast %get3A_279 : i32 to index
          %get3A_281 = arith.index_cast %scan3A_234 : i32 to index
          %get3A_282 = arith.constant 64 : index
          %get3A_283 = tpu.vector_load %arg5[%get3A_280, %get3A_281, %get3A_282] {strides = array<i32>} : memref<2x128x256xf32, #tpu.memory_space<vmem>>, vector<1x1x16xf32>,
          %get3A_284 = vector.shape_cast %get3A_283 : vector<1x1x16xf32> to vector<16xf32>
          %add3A_285 = arith.addf %scan3A_239, %get3A_284 : vector<16xf32>
          %get3A_286 = arith.constant 0 : i32
          %get3A_287 = arith.index_cast %get3A_286 : i32 to index
          %get3A_288 = arith.index_cast %scan3A_234 : i32 to index
          %get3A_289 = arith.constant 80 : index
          %get3A_290 = tpu.vector_load %arg5[%get3A_287, %get3A_288, %get3A_289] {strides = array<i32>} : memref<2x128x256xf32, #tpu.memory_space<vmem>>, vector<1x1x16xf32>,
          %get3A_291 = vector.shape_cast %get3A_290 : vector<1x1x16xf32> to vector<16xf32>
          %add3A_292 = arith.addf %scan3A_240, %get3A_291 : vector<16xf32>
          %get3A_293 = arith.constant 0 : i32
          %get3A_294 = arith.index_cast %get3A_293 : i32 to index
          %get3A_295 = arith.index_cast %scan3A_234 : i32 to index
          %get3A_296 = arith.constant 96 : index
          %get3A_297 = tpu.vector_load %arg5[%get3A_294, %get3A_295, %get3A_296] {strides = array<i32>} : memref<2x128x256xf32, #tpu.memory_space<vmem>>, vector<1x1x16xf32>,
          %get3A_298 = vector.shape_cast %get3A_297 : vector<1x1x16xf32> to vector<16xf32>
          %add3A_299 = arith.addf %scan3A_241, %get3A_298 : vector<16xf32>
          %get3A_300 = arith.constant 0 : i32
          %get3A_301 = arith.index_cast %get3A_300 : i32 to index
          %get3A_302 = arith.index_cast %scan3A_234 : i32 to index
          %get3A_303 = arith.constant 112 : index
          %get3A_304 = tpu.vector_load %arg5[%get3A_301, %get3A_302, %get3A_303] {strides = array<i32>} : memref<2x128x256xf32, #tpu.memory_space<vmem>>, vector<1x1x16xf32>,
          %get3A_305 = vector.shape_cast %get3A_304 : vector<1x1x16xf32> to vector<16xf32>
          %add3A_306 = arith.addf %scan3A_242, %get3A_305 : vector<16xf32>
          %get3A_307 = arith.constant 0 : i32
          %get3A_308 = arith.index_cast %get3A_307 : i32 to index
          %get3A_309 = arith.index_cast %scan3A_234 : i32 to index
          %get3A_310 = arith.constant 128 : index
          %get3A_311 = tpu.vector_load %arg5[%get3A_308, %get3A_309, %get3A_310] {strides = array<i32>} : memref<2x128x256xf32, #tpu.memory_space<vmem>>, vector<1x1x16xf32>,
          %get3A_312 = vector.shape_cast %get3A_311 : vector<1x1x16xf32> to vector<16xf32>
          %add3A_313 = arith.addf %scan3A_243, %get3A_312 : vector<16xf32>
          %get3A_314 = arith.constant 0 : i32
          %get3A_315 = arith.index_cast %get3A_314 : i32 to index
          %get3A_316 = arith.index_cast %scan3A_234 : i32 to index
          %get3A_317 = arith.constant 144 : index
          %get3A_318 = tpu.vector_load %arg5[%get3A_315, %get3A_316, %get3A_317] {strides = array<i32>} : memref<2x128x256xf32, #tpu.memory_space<vmem>>, vector<1x1x16xf32>,
          %get3A_319 = vector.shape_cast %get3A_318 : vector<1x1x16xf32> to vector<16xf32>
          %add3A_320 = arith.addf %scan3A_244, %get3A_319 : vector<16xf32>
          %get3A_321 = arith.constant 0 : i32
          %get3A_322 = arith.index_cast %get3A_321 : i32 to index
          %get3A_323 = arith.index_cast %scan3A_234 : i32 to index
          %get3A_324 = arith.constant 160 : index
          %get3A_325 = tpu.vector_load %arg5[%get3A_322, %get3A_323, %get3A_324] {strides = array<i32>} : memref<2x128x256xf32, #tpu.memory_space<vmem>>, vector<1x1x16xf32>,
          %get3A_326 = vector.shape_cast %get3A_325 : vector<1x1x16xf32> to vector<16xf32>
          %add3A_327 = arith.addf %scan3A_245, %get3A_326 : vector<16xf32>
          %get3A_328 = arith.constant 0 : i32
          %get3A_329 = arith.index_cast %get3A_328 : i32 to index
          %get3A_330 = arith.index_cast %scan3A_234 : i32 to index
          %get3A_331 = arith.constant 176 : index
          %get3A_332 = tpu.vector_load %arg5[%get3A_329, %get3A_330, %get3A_331] {strides = array<i32>} : memref<2x128x256xf32, #tpu.memory_space<vmem>>, vector<1x1x16xf32>,
          %get3A_333 = vector.shape_cast %get3A_332 : vector<1x1x16xf32> to vector<16xf32>
          %add3A_334 = arith.addf %scan3A_246, %get3A_333 : vector<16xf32>
          %get3A_335 = arith.constant 0 : i32
          %get3A_336 = arith.index_cast %get3A_335 : i32 to index
          %get3A_337 = arith.index_cast %scan3A_234 : i32 to index
          %get3A_338 = arith.constant 192 : index
          %get3A_339 = tpu.vector_load %arg5[%get3A_336, %get3A_337, %get3A_338] {strides = array<i32>} : memref<2x128x256xf32, #tpu.memory_space<vmem>>, vector<1x1x16xf32>,
          %get3A_340 = vector.shape_cast %get3A_339 : vector<1x1x16xf32> to vector<16xf32>
          %add3A_341 = arith.addf %scan3A_247, %get3A_340 : vector<16xf32>
          %get3A_342 = arith.constant 0 : i32
          %get3A_343 = arith.index_cast %get3A_342 : i32 to index
          %get3A_344 = arith.index_cast %scan3A_234 : i32 to index
          %get3A_345 = arith.constant 208 : index
          %get3A_346 = tpu.vector_load %arg5[%get3A_343, %get3A_344, %get3A_345] {strides = array<i32>} : memref<2x128x256xf32, #tpu.memory_space<vmem>>, vector<1x1x16xf32>,
          %get3A_347 = vector.shape_cast %get3A_346 : vector<1x1x16xf32> to vector<16xf32>
          %add3A_348 = arith.addf %scan3A_248, %get3A_347 : vector<16xf32>
          %get3A_349 = arith.constant 0 : i32
          %get3A_350 = arith.index_cast %get3A_349 : i32 to index
          %get3A_351 = arith.index_cast %scan3A_234 : i32 to index
          %get3A_352 = arith.constant 224 : index
          %get3A_353 = tpu.vector_load %arg5[%get3A_350, %get3A_351, %get3A_352] {strides = array<i32>} : memref<2x128x256xf32, #tpu.memory_space<vmem>>, vector<1x1x16xf32>,
          %get3A_354 = vector.shape_cast %get3A_353 : vector<1x1x16xf32> to vector<16xf32>
          %add3A_355 = arith.addf %scan3A_249, %get3A_354 : vector<16xf32>
          %get3A_356 = arith.constant 0 : i32
          %get3A_357 = arith.index_cast %get3A_356 : i32 to index
          %get3A_358 = arith.index_cast %scan3A_234 : i32 to index
          %get3A_359 = arith.constant 240 : index
          %get3A_360 = tpu.vector_load %arg5[%get3A_357, %get3A_358, %get3A_359] {strides = array<i32>} : memref<2x128x256xf32, #tpu.memory_space<vmem>>, vector<1x1x16xf32>,
          %get3A_361 = vector.shape_cast %get3A_360 : vector<1x1x16xf32> to vector<16xf32>
          %add3A_362 = arith.addf %scan3A_250, %get3A_361 : vector<16xf32>
          scf.yield %add3A_257, %add3A_264, %add3A_271, %add3A_278, %add3A_285, %add3A_292, %add3A_299, %add3A_306, %add3A_313, %add3A_320, %add3A_327, %add3A_334, %add3A_341, %add3A_348, %add3A_355, %add3A_362 : vector<16xf32>, vector<16xf32>, vector<16xf32>, vector<16xf32>, vector<16xf32>, vector<16xf32>, vector<16xf32>, vector<16xf32>, vector<16xf32>, vector<16xf32>, vector<16xf32>, vector<16xf32>, vector<16xf32>, vector<16xf32>, vector<16xf32>, vector<16xf32>
        }
        %scan3A_124 = arith.constant 128 : i32
        %swap3A = arith.index_cast %add3A_63 : i32 to index
        %swap3A_125 = arith.constant 0 : index
        %swap3A_126 = tpu.vector_load %arg6[%swap3A, %swap3A_125] {strides = array<i32>} : memref<8x128xf32, #tpu.memory_space<vmem>>, vector<1x16xf32>,
        %swap3A_127 = vector.shape_cast %swap3A_126 : vector<1x16xf32> to vector<16xf32>
        %swap3A_128 = vector.shape_cast %scan3A_123#0 : vector<16xf32> to vector<1x16xf32>
        tpu.vector_store %arg6[%swap3A, %swap3A_125], %swap3A_128 {strides = array<i32>} : memref<8x128xf32, #tpu.memory_space<vmem>>, vector<1x16xf32>,
        %swap3A_129 = arith.index_cast %add3A_63 : i32 to index
        %swap3A_130 = arith.constant 0 : index
        %swap3A_131 = tpu.vector_load %arg7[%swap3A_129, %swap3A_130] {strides = array<i32>} : memref<8x128xf32, #tpu.memory_space<vmem>>, vector<1x16xf32>,
        %swap3A_132 = vector.shape_cast %swap3A_131 : vector<1x16xf32> to vector<16xf32>
        %swap3A_133 = vector.shape_cast %scan3A_123#8 : vector<16xf32> to vector<1x16xf32>
        tpu.vector_store %arg7[%swap3A_129, %swap3A_130], %swap3A_133 {strides = array<i32>} : memref<8x128xf32, #tpu.memory_space<vmem>>, vector<1x16xf32>,
        %swap3A_134 = arith.index_cast %add3A_63 : i32 to index
        %swap3A_135 = arith.constant 16 : index
        %swap3A_136 = tpu.vector_load %arg6[%swap3A_134, %swap3A_135] {strides = array<i32>} : memref<8x128xf32, #tpu.memory_space<vmem>>, vector<1x16xf32>,
        %swap3A_137 = vector.shape_cast %swap3A_136 : vector<1x16xf32> to vector<16xf32>
        %swap3A_138 = vector.shape_cast %scan3A_123#1 : vector<16xf32> to vector<1x16xf32>
        tpu.vector_store %arg6[%swap3A_134, %swap3A_135], %swap3A_138 {strides = array<i32>} : memref<8x128xf32, #tpu.memory_space<vmem>>, vector<1x16xf32>,
        %swap3A_139 = arith.index_cast %add3A_63 : i32 to index
        %swap3A_140 = arith.constant 16 : index
        %swap3A_141 = tpu.vector_load %arg7[%swap3A_139, %swap3A_140] {strides = array<i32>} : memref<8x128xf32, #tpu.memory_space<vmem>>, vector<1x16xf32>,
        %swap3A_142 = vector.shape_cast %swap3A_141 : vector<1x16xf32> to vector<16xf32>
        %swap3A_143 = vector.shape_cast %scan3A_123#9 : vector<16xf32> to vector<1x16xf32>
        tpu.vector_store %arg7[%swap3A_139, %swap3A_140], %swap3A_143 {strides = array<i32>} : memref<8x128xf32, #tpu.memory_space<vmem>>, vector<1x16xf32>,
        %swap3A_144 = arith.index_cast %add3A_63 : i32 to index
        %swap3A_145 = arith.constant 32 : index
        %swap3A_146 = tpu.vector_load %arg6[%swap3A_144, %swap3A_145] {strides = array<i32>} : memref<8x128xf32, #tpu.memory_space<vmem>>, vector<1x16xf32>,
        %swap3A_147 = vector.shape_cast %swap3A_146 : vector<1x16xf32> to vector<16xf32>
        %swap3A_148 = vector.shape_cast %scan3A_123#2 : vector<16xf32> to vector<1x16xf32>
        tpu.vector_store %arg6[%swap3A_144, %swap3A_145], %swap3A_148 {strides = array<i32>} : memref<8x128xf32, #tpu.memory_space<vmem>>, vector<1x16xf32>,
        %swap3A_149 = arith.index_cast %add3A_63 : i32 to index
        %swap3A_150 = arith.constant 32 : index
        %swap3A_151 = tpu.vector_load %arg7[%swap3A_149, %swap3A_150] {strides = array<i32>} : memref<8x128xf32, #tpu.memory_space<vmem>>, vector<1x16xf32>,
        %swap3A_152 = vector.shape_cast %swap3A_151 : vector<1x16xf32> to vector<16xf32>
        %swap3A_153 = vector.shape_cast %scan3A_123#10 : vector<16xf32> to vector<1x16xf32>
        tpu.vector_store %arg7[%swap3A_149, %swap3A_150], %swap3A_153 {strides = array<i32>} : memref<8x128xf32, #tpu.memory_space<vmem>>, vector<1x16xf32>,
        %swap3A_154 = arith.index_cast %add3A_63 : i32 to index
        %swap3A_155 = arith.constant 48 : index
        %swap3A_156 = tpu.vector_load %arg6[%swap3A_154, %swap3A_155] {strides = array<i32>} : memref<8x128xf32, #tpu.memory_space<vmem>>, vector<1x16xf32>,
        %swap3A_157 = vector.shape_cast %swap3A_156 : vector<1x16xf32> to vector<16xf32>
        %swap3A_158 = vector.shape_cast %scan3A_123#3 : vector<16xf32> to vector<1x16xf32>
        tpu.vector_store %arg6[%swap3A_154, %swap3A_155], %swap3A_158 {strides = array<i32>} : memref<8x128xf32, #tpu.memory_space<vmem>>, vector<1x16xf32>,
        %swap3A_159 = arith.index_cast %add3A_63 : i32 to index
        %swap3A_160 = arith.constant 48 : index
        %swap3A_161 = tpu.vector_load %arg7[%swap3A_159, %swap3A_160] {strides = array<i32>} : memref<8x128xf32, #tpu.memory_space<vmem>>, vector<1x16xf32>,
        %swap3A_162 = vector.shape_cast %swap3A_161 : vector<1x16xf32> to vector<16xf32>
        %swap3A_163 = vector.shape_cast %scan3A_123#11 : vector<16xf32> to vector<1x16xf32>
        tpu.vector_store %arg7[%swap3A_159, %swap3A_160], %swap3A_163 {strides = array<i32>} : memref<8x128xf32, #tpu.memory_space<vmem>>, vector<1x16xf32>,
        %swap3A_164 = arith.index_cast %add3A_63 : i32 to index
        %swap3A_165 = arith.constant 64 : index
        %swap3A_166 = tpu.vector_load %arg6[%swap3A_164, %swap3A_165] {strides = array<i32>} : memref<8x128xf32, #tpu.memory_space<vmem>>, vector<1x16xf32>,
        %swap3A_167 = vector.shape_cast %swap3A_166 : vector<1x16xf32> to vector<16xf32>
        %swap3A_168 = vector.shape_cast %scan3A_123#4 : vector<16xf32> to vector<1x16xf32>
        tpu.vector_store %arg6[%swap3A_164, %swap3A_165], %swap3A_168 {strides = array<i32>} : memref<8x128xf32, #tpu.memory_space<vmem>>, vector<1x16xf32>,
        %swap3A_169 = arith.index_cast %add3A_63 : i32 to index
        %swap3A_170 = arith.constant 64 : index
        %swap3A_171 = tpu.vector_load %arg7[%swap3A_169, %swap3A_170] {strides = array<i32>} : memref<8x128xf32, #tpu.memory_space<vmem>>, vector<1x16xf32>,
        %swap3A_172 = vector.shape_cast %swap3A_171 : vector<1x16xf32> to vector<16xf32>
        %swap3A_173 = vector.shape_cast %scan3A_123#12 : vector<16xf32> to vector<1x16xf32>
        tpu.vector_store %arg7[%swap3A_169, %swap3A_170], %swap3A_173 {strides = array<i32>} : memref<8x128xf32, #tpu.memory_space<vmem>>, vector<1x16xf32>,
        %swap3A_174 = arith.index_cast %add3A_63 : i32 to index
        %swap3A_175 = arith.constant 80 : index
        %swap3A_176 = tpu.vector_load %arg6[%swap3A_174, %swap3A_175] {strides = array<i32>} : memref<8x128xf32, #tpu.memory_space<vmem>>, vector<1x16xf32>,
        %swap3A_177 = vector.shape_cast %swap3A_176 : vector<1x16xf32> to vector<16xf32>
        %swap3A_178 = vector.shape_cast %scan3A_123#5 : vector<16xf32> to vector<1x16xf32>
        tpu.vector_store %arg6[%swap3A_174, %swap3A_175], %swap3A_178 {strides = array<i32>} : memref<8x128xf32, #tpu.memory_space<vmem>>, vector<1x16xf32>,
        %swap3A_179 = arith.index_cast %add3A_63 : i32 to index
        %swap3A_180 = arith.constant 80 : index
        %swap3A_181 = tpu.vector_load %arg7[%swap3A_179, %swap3A_180] {strides = array<i32>} : memref<8x128xf32, #tpu.memory_space<vmem>>, vector<1x16xf32>,
        %swap3A_182 = vector.shape_cast %swap3A_181 : vector<1x16xf32> to vector<16xf32>
        %swap3A_183 = vector.shape_cast %scan3A_123#13 : vector<16xf32> to vector<1x16xf32>
        tpu.vector_store %arg7[%swap3A_179, %swap3A_180], %swap3A_183 {strides = array<i32>} : memref<8x128xf32, #tpu.memory_space<vmem>>, vector<1x16xf32>,
        %swap3A_184 = arith.index_cast %add3A_63 : i32 to index
        %swap3A_185 = arith.constant 96 : index
        %swap3A_186 = tpu.vector_load %arg6[%swap3A_184, %swap3A_185] {strides = array<i32>} : memref<8x128xf32, #tpu.memory_space<vmem>>, vector<1x16xf32>,
        %swap3A_187 = vector.shape_cast %swap3A_186 : vector<1x16xf32> to vector<16xf32>
        %swap3A_188 = vector.shape_cast %scan3A_123#6 : vector<16xf32> to vector<1x16xf32>
        tpu.vector_store %arg6[%swap3A_184, %swap3A_185], %swap3A_188 {strides = array<i32>} : memref<8x128xf32, #tpu.memory_space<vmem>>, vector<1x16xf32>,
        %swap3A_189 = arith.index_cast %add3A_63 : i32 to index
        %swap3A_190 = arith.constant 96 : index
        %swap3A_191 = tpu.vector_load %arg7[%swap3A_189, %swap3A_190] {strides = array<i32>} : memref<8x128xf32, #tpu.memory_space<vmem>>, vector<1x16xf32>,
        %swap3A_192 = vector.shape_cast %swap3A_191 : vector<1x16xf32> to vector<16xf32>
        %swap3A_193 = vector.shape_cast %scan3A_123#14 : vector<16xf32> to vector<1x16xf32>
        tpu.vector_store %arg7[%swap3A_189, %swap3A_190], %swap3A_193 {strides = array<i32>} : memref<8x128xf32, #tpu.memory_space<vmem>>, vector<1x16xf32>,
        %swap3A_194 = arith.index_cast %add3A_63 : i32 to index
        %swap3A_195 = arith.constant 112 : index
        %swap3A_196 = tpu.vector_load %arg6[%swap3A_194, %swap3A_195] {strides = array<i32>} : memref<8x128xf32, #tpu.memory_space<vmem>>, vector<1x16xf32>,
        %swap3A_197 = vector.shape_cast %swap3A_196 : vector<1x16xf32> to vector<16xf32>
        %swap3A_198 = vector.shape_cast %scan3A_123#7 : vector<16xf32> to vector<1x16xf32>
        tpu.vector_store %arg6[%swap3A_194, %swap3A_195], %swap3A_198 {strides = array<i32>} : memref<8x128xf32, #tpu.memory_space<vmem>>, vector<1x16xf32>,
        %swap3A_199 = arith.index_cast %add3A_63 : i32 to index
        %swap3A_200 = arith.constant 112 : index
        %swap3A_201 = tpu.vector_load %arg7[%swap3A_199, %swap3A_200] {strides = array<i32>} : memref<8x128xf32, #tpu.memory_space<vmem>>, vector<1x16xf32>,
        %swap3A_202 = vector.shape_cast %swap3A_201 : vector<1x16xf32> to vector<16xf32>
        %swap3A_203 = vector.shape_cast %scan3A_123#15 : vector<16xf32> to vector<1x16xf32>
        tpu.vector_store %arg7[%swap3A_199, %swap3A_200], %swap3A_203 {strides = array<i32>} : memref<8x128xf32, #tpu.memory_space<vmem>>, vector<1x16xf32>,
        %mul3A_204 = arith.muli %add3A, %shift_right_arithmetic3A_23 : i32
        %add3A_205 = arith.addi %max3A_9, %mul3A_204 : i32
        %add3A_206 = arith.addi %add3A_205, %add3A_63 : i32
        %mul3A_207 = arith.constant 128 : i32
        %mul3A_208 = arith.muli %add3A_206, %mul3A_207 : i32
        %dma_start3A = arith.constant 0 : i32
        %dma_start3A_209 = tpu.memref_slice %arg6[%add3A_63, %dma_start3A] : memref<8x128xf32, #tpu.memory_space<vmem>> -> memref<1x128xf32, #tpu.memory_space<vmem>>
        %dma_start3A_210 = tpu.memref_squeeze %dma_start3A_209 : memref<1x128xf32, #tpu.memory_space<vmem>> -> memref<128xf32, #tpu.memory_space<vmem>>
        %dma_start3A_211 = tpu.memref_slice %arg4[%mul3A_208] : memref<65536xf32, #tpu.memory_space<hbm>> -> memref<128xf32, #tpu.memory_space<hbm>>
        %dma_start3A_212 = tpu.memref_slice %arg4[%mul3A_208] : memref<65536xf32, #tpu.memory_space<hbm>> -> memref<128xf32, #tpu.memory_space<hbm>>
        %dma_start3A_213 = arith.constant 0 : i32
        %dma_start3A_214 = tpu.memref_slice %arg6[%add3A_63, %dma_start3A_213] : memref<8x128xf32, #tpu.memory_space<vmem>> -> memref<1x128xf32, #tpu.memory_space<vmem>>
        %dma_start3A_215 = tpu.memref_squeeze %dma_start3A_214 : memref<1x128xf32, #tpu.memory_space<vmem>> -> memref<128xf32, #tpu.memory_space<vmem>>
        tpu.enqueue_dma source(%dma_start3A_215 : memref<128xf32, #tpu.memory_space<vmem>>) target(%dma_start3A_212 : memref<128xf32, #tpu.memory_space<hbm>>) target_semaphore(%arg11 : memref<!tpu.dma_semaphore, #tpu.memory_space<semaphore_mem>>)
        %add3A_216 = arith.constant 256 : i32
        %add3A_217 = arith.addi %add3A_216, %add3A_206 : i32
        %mul3A_218 = arith.constant 128 : i32
        %mul3A_219 = arith.muli %add3A_217, %mul3A_218 : i32
        %dma_start3A_220 = arith.constant 0 : i32
        %dma_start3A_221 = tpu.memref_slice %arg7[%add3A_63, %dma_start3A_220] : memref<8x128xf32, #tpu.memory_space<vmem>> -> memref<1x128xf32, #tpu.memory_space<vmem>>
        %dma_start3A_222 = tpu.memref_squeeze %dma_start3A_221 : memref<1x128xf32, #tpu.memory_space<vmem>> -> memref<128xf32, #tpu.memory_space<vmem>>
        %dma_start3A_223 = tpu.memref_slice %arg4[%mul3A_219] : memref<65536xf32, #tpu.memory_space<hbm>> -> memref<128xf32, #tpu.memory_space<hbm>>
        %dma_start3A_224 = tpu.memref_slice %arg4[%mul3A_219] : memref<65536xf32, #tpu.memory_space<hbm>> -> memref<128xf32, #tpu.memory_space<hbm>>
        %dma_start3A_225 = arith.constant 0 : i32
        %dma_start3A_226 = tpu.memref_slice %arg7[%add3A_63, %dma_start3A_225] : memref<8x128xf32, #tpu.memory_space<vmem>> -> memref<1x128xf32, #tpu.memory_space<vmem>>
        %dma_start3A_227 = tpu.memref_squeeze %dma_start3A_226 : memref<1x128xf32, #tpu.memory_space<vmem>> -> memref<128xf32, #tpu.memory_space<vmem>>
        tpu.enqueue_dma source(%dma_start3A_227 : memref<128xf32, #tpu.memory_space<vmem>>) target(%dma_start3A_224 : memref<128xf32, #tpu.memory_space<hbm>>) target_semaphore(%arg11 : memref<!tpu.dma_semaphore, #tpu.memory_space<semaphore_mem>>)
        %add3A_228 = arith.constant 2 : i32
        %add3A_229 = arith.addi %add3A_63, %add3A_228 : i32
        %lt3A_230 = arith.cmpi slt, %add3A_229, %min3A : i32
        %convert_element_type3A_231 = arith.extui %lt3A_230 : i1 to i32
        %cond3A_232 = arith.constant 0 : i32
        %cond3A_233 = arith.cmpi ne, %convert_element_type3A_231, %cond3A_232 : i32
        scf.if %cond3A_233 {
          %add3A_234 = arith.constant 2 : i32
          %add3A_235 = arith.addi %add3A_63, %add3A_234 : i32
          %mul3A_236 = arith.muli %add3A, %shift_right_arithmetic3A_23 : i32
          %add3A_237 = arith.addi %max3A_9, %mul3A_236 : i32
          %add3A_238 = arith.addi %add3A_237, %add3A_235 : i32
          %mul3A_239 = arith.constant 128 : i32
          %mul3A_240 = arith.muli %add3A_238, %mul3A_239 : i32
          %dma_start3A_241 = arith.constant 0 : i32
          %dma_start3A_242 = arith.constant 0 : i32
          %dma_start3A_243 = arith.constant 0 : i32
          %dma_start3A_244 = tpu.memref_slice %arg5[%dma_start3A_241, %dma_start3A_242, %dma_start3A_243] : memref<2x128x256xf32, #tpu.memory_space<vmem>> -> memref<1x128x256xf32, #tpu.memory_space<vmem>>
          %dma_start3A_245 = tpu.memref_squeeze %dma_start3A_244 : memref<1x128x256xf32, #tpu.memory_space<vmem>> -> memref<128x256xf32, #tpu.memory_space<vmem>>
          %dma_start3A_246 = arith.constant 0 : i32
          %dma_start3A_247 = tpu.memref_slice %arg2[%mul3A_240, %dma_start3A_246] : memref<32768x256xf32, #tpu.memory_space<hbm>> -> memref<128x256xf32, #tpu.memory_space<hbm>>
          %dma_start3A_248 = arith.constant 0 : i32
          %dma_start3A_249 = arith.constant 0 : i32
          %dma_start3A_250 = tpu.memref_slice %arg5[%dma_start3A_241, %dma_start3A_248, %dma_start3A_249] : memref<2x128x256xf32, #tpu.memory_space<vmem>> -> memref<1x128x256xf32, #tpu.memory_space<vmem>>
          %dma_start3A_251 = tpu.memref_squeeze %dma_start3A_250 : memref<1x128x256xf32, #tpu.memory_space<vmem>> -> memref<128x256xf32, #tpu.memory_space<vmem>>
          %dma_start3A_252 = arith.constant 0 : i32
          %dma_start3A_253 = tpu.memref_slice %arg2[%mul3A_240, %dma_start3A_252] : memref<32768x256xf32, #tpu.memory_space<hbm>> -> memref<128x256xf32, #tpu.memory_space<hbm>>
          tpu.enqueue_dma source(%dma_start3A_253 : memref<128x256xf32, #tpu.memory_space<hbm>>) target(%dma_start3A_251 : memref<128x256xf32, #tpu.memory_space<vmem>>) target_semaphore(%arg9 : memref<!tpu.dma_semaphore, #tpu.memory_space<semaphore_mem>>)
        } else {
        }
      } else {
      }
      %mul3A_67 = arith.constant 2 : i32
      %mul3A_68 = arith.muli %mul3A_67, %while3A_59 : i32
      %add3A_69 = arith.constant 1 : i32
      %add3A_70 = arith.addi %mul3A_68, %add3A_69 : i32
      %lt3A_71 = arith.cmpi slt, %add3A_70, %min3A : i32
      %convert_element_type3A_72 = arith.extui %lt3A_71 : i1 to i32
      %cond3A_73 = arith.constant 0 : i32
      %cond3A_74 = arith.cmpi ne, %convert_element_type3A_72, %cond3A_73 : i32
      scf.if %cond3A_74 {
        %dma_wait3A = arith.constant 1 : i32
        %dma_wait3A_75 = arith.constant 0 : i32
        %dma_wait3A_76 = arith.constant 0 : i32
        %dma_wait3A_77 = tpu.memref_slice %arg5[%dma_wait3A, %dma_wait3A_75, %dma_wait3A_76] : memref<2x128x256xf32, #tpu.memory_space<vmem>> -> memref<1x128x256xf32, #tpu.memory_space<vmem>>
        %dma_wait3A_78 = tpu.memref_squeeze %dma_wait3A_77 : memref<1x128x256xf32, #tpu.memory_space<vmem>> -> memref<128x256xf32, #tpu.memory_space<vmem>>
        %dma_wait3A_79 = arith.constant 0 : i32
        %dma_wait3A_80 = arith.constant 0 : i32
        %dma_wait3A_81 = tpu.memref_slice %arg2[%dma_wait3A_79, %dma_wait3A_80] : memref<32768x256xf32, #tpu.memory_space<hbm>> -> memref<128x256xf32, #tpu.memory_space<hbm>>
        %dma_wait3A_82 = arith.constant 0 : i32
        %dma_wait3A_83 = arith.constant 0 : i32
        %dma_wait3A_84 = tpu.memref_slice %arg5[%dma_wait3A, %dma_wait3A_82, %dma_wait3A_83] : memref<2x128x256xf32, #tpu.memory_space<vmem>> -> memref<1x128x256xf32, #tpu.memory_space<vmem>>
        %dma_wait3A_85 = tpu.memref_squeeze %dma_wait3A_84 : memref<1x128x256xf32, #tpu.memory_space<vmem>> -> memref<128x256xf32, #tpu.memory_space<vmem>>
        %dma_wait3A_86 = arith.constant 0 : i32
        %dma_wait3A_87 = arith.constant 0 : i32
        %dma_wait3A_88 = tpu.memref_slice %arg2[%dma_wait3A_86, %dma_wait3A_87] : memref<32768x256xf32, #tpu.memory_space<hbm>> -> memref<128x256xf32, #tpu.memory_space<hbm>>
        tpu.wait_dma2 semaphore(%arg10 : memref<!tpu.dma_semaphore, #tpu.memory_space<semaphore_mem>>) src(%dma_wait3A_88 : memref<128x256xf32, #tpu.memory_space<hbm>>) dst(%dma_wait3A_85 : memref<128x256xf32, #tpu.memory_space<vmem>>)
        %broadcast_in_dim3A = arith.constant 0.000000e+00 : f32
        %broadcast_in_dim3A_89 = vector.broadcast %broadcast_in_dim3A : f32 to vector<16xf32>
        %broadcast_in_dim3A_90 = arith.constant 0.000000e+00 : f32
        %broadcast_in_dim3A_91 = vector.broadcast %broadcast_in_dim3A_90 : f32 to vector<16xf32>
        %broadcast_in_dim3A_92 = arith.constant 0.000000e+00 : f32
        %broadcast_in_dim3A_93 = vector.broadcast %broadcast_in_dim3A_92 : f32 to vector<16xf32>
        %broadcast_in_dim3A_94 = arith.constant 0.000000e+00 : f32
        %broadcast_in_dim3A_95 = vector.broadcast %broadcast_in_dim3A_94 : f32 to vector<16xf32>
        %broadcast_in_dim3A_96 = arith.constant 0.000000e+00 : f32
        %broadcast_in_dim3A_97 = vector.broadcast %broadcast_in_dim3A_96 : f32 to vector<16xf32>
        %broadcast_in_dim3A_98 = arith.constant 0.000000e+00 : f32
        %broadcast_in_dim3A_99 = vector.broadcast %broadcast_in_dim3A_98 : f32 to vector<16xf32>
        %broadcast_in_dim3A_100 = arith.constant 0.000000e+00 : f32
        %broadcast_in_dim3A_101 = vector.broadcast %broadcast_in_dim3A_100 : f32 to vector<16xf32>
        %broadcast_in_dim3A_102 = arith.constant 0.000000e+00 : f32
        %broadcast_in_dim3A_103 = vector.broadcast %broadcast_in_dim3A_102 : f32 to vector<16xf32>
        %broadcast_in_dim3A_104 = arith.constant 0.000000e+00 : f32
        %broadcast_in_dim3A_105 = vector.broadcast %broadcast_in_dim3A_104 : f32 to vector<16xf32>
        %broadcast_in_dim3A_106 = arith.constant 0.000000e+00 : f32
        %broadcast_in_dim3A_107 = vector.broadcast %broadcast_in_dim3A_106 : f32 to vector<16xf32>
        %broadcast_in_dim3A_108 = arith.constant 0.000000e+00 : f32
        %broadcast_in_dim3A_109 = vector.broadcast %broadcast_in_dim3A_108 : f32 to vector<16xf32>
        %broadcast_in_dim3A_110 = arith.constant 0.000000e+00 : f32
        %broadcast_in_dim3A_111 = vector.broadcast %broadcast_in_dim3A_110 : f32 to vector<16xf32>
        %broadcast_in_dim3A_112 = arith.constant 0.000000e+00 : f32
        %broadcast_in_dim3A_113 = vector.broadcast %broadcast_in_dim3A_112 : f32 to vector<16xf32>
        %broadcast_in_dim3A_114 = arith.constant 0.000000e+00 : f32
        %broadcast_in_dim3A_115 = vector.broadcast %broadcast_in_dim3A_114 : f32 to vector<16xf32>
        %broadcast_in_dim3A_116 = arith.constant 0.000000e+00 : f32
        %broadcast_in_dim3A_117 = vector.broadcast %broadcast_in_dim3A_116 : f32 to vector<16xf32>
        %broadcast_in_dim3A_118 = arith.constant 0.000000e+00 : f32
        %broadcast_in_dim3A_119 = vector.broadcast %broadcast_in_dim3A_118 : f32 to vector<16xf32>
        %scan3A = arith.constant 0 : i32
        %scan3A_120 = arith.constant 128 : i32
        %scan3A_121 = arith.addi %scan3A, %scan3A_120 : i32
        %scan3A_122 = arith.constant 1 : i32
        %scan3A_123:16 = scf.for %scan3A_234 = %scan3A to %scan3A_121 step %scan3A_122 iter_args(%scan3A_235 = %broadcast_in_dim3A_89, %scan3A_236 = %broadcast_in_dim3A_91, %scan3A_237 = %broadcast_in_dim3A_93, %scan3A_238 = %broadcast_in_dim3A_95, %scan3A_239 = %broadcast_in_dim3A_97, %scan3A_240 = %broadcast_in_dim3A_99, %scan3A_241 = %broadcast_in_dim3A_101, %scan3A_242 = %broadcast_in_dim3A_103, %scan3A_243 = %broadcast_in_dim3A_105, %scan3A_244 = %broadcast_in_dim3A_107, %scan3A_245 = %broadcast_in_dim3A_109, %scan3A_246 = %broadcast_in_dim3A_111, %scan3A_247 = %broadcast_in_dim3A_113, %scan3A_248 = %broadcast_in_dim3A_115, %scan3A_249 = %broadcast_in_dim3A_117, %scan3A_250 = %broadcast_in_dim3A_119) -> (vector<16xf32>, vector<16xf32>, vector<16xf32>, vector<16xf32>, vector<16xf32>, vector<16xf32>, vector<16xf32>, vector<16xf32>, vector<16xf32>, vector<16xf32>, vector<16xf32>, vector<16xf32>, vector<16xf32>, vector<16xf32>, vector<16xf32>, vector<16xf32>)  : i32 {
          %get3A_251 = arith.constant 1 : i32
          %get3A_252 = arith.index_cast %get3A_251 : i32 to index
          %get3A_253 = arith.index_cast %scan3A_234 : i32 to index
          %get3A_254 = arith.constant 0 : index
          %get3A_255 = tpu.vector_load %arg5[%get3A_252, %get3A_253, %get3A_254] {strides = array<i32>} : memref<2x128x256xf32, #tpu.memory_space<vmem>>, vector<1x1x16xf32>,
          %get3A_256 = vector.shape_cast %get3A_255 : vector<1x1x16xf32> to vector<16xf32>
          %add3A_257 = arith.addf %scan3A_235, %get3A_256 : vector<16xf32>
          %get3A_258 = arith.constant 1 : i32
          %get3A_259 = arith.index_cast %get3A_258 : i32 to index
          %get3A_260 = arith.index_cast %scan3A_234 : i32 to index
          %get3A_261 = arith.constant 16 : index
          %get3A_262 = tpu.vector_load %arg5[%get3A_259, %get3A_260, %get3A_261] {strides = array<i32>} : memref<2x128x256xf32, #tpu.memory_space<vmem>>, vector<1x1x16xf32>,
          %get3A_263 = vector.shape_cast %get3A_262 : vector<1x1x16xf32> to vector<16xf32>
          %add3A_264 = arith.addf %scan3A_236, %get3A_263 : vector<16xf32>
          %get3A_265 = arith.constant 1 : i32
          %get3A_266 = arith.index_cast %get3A_265 : i32 to index
          %get3A_267 = arith.index_cast %scan3A_234 : i32 to index
          %get3A_268 = arith.constant 32 : index
          %get3A_269 = tpu.vector_load %arg5[%get3A_266, %get3A_267, %get3A_268] {strides = array<i32>} : memref<2x128x256xf32, #tpu.memory_space<vmem>>, vector<1x1x16xf32>,
          %get3A_270 = vector.shape_cast %get3A_269 : vector<1x1x16xf32> to vector<16xf32>
          %add3A_271 = arith.addf %scan3A_237, %get3A_270 : vector<16xf32>
          %get3A_272 = arith.constant 1 : i32
          %get3A_273 = arith.index_cast %get3A_272 : i32 to index
          %get3A_274 = arith.index_cast %scan3A_234 : i32 to index
          %get3A_275 = arith.constant 48 : index
          %get3A_276 = tpu.vector_load %arg5[%get3A_273, %get3A_274, %get3A_275] {strides = array<i32>} : memref<2x128x256xf32, #tpu.memory_space<vmem>>, vector<1x1x16xf32>,
          %get3A_277 = vector.shape_cast %get3A_276 : vector<1x1x16xf32> to vector<16xf32>
          %add3A_278 = arith.addf %scan3A_238, %get3A_277 : vector<16xf32>
          %get3A_279 = arith.constant 1 : i32
          %get3A_280 = arith.index_cast %get3A_279 : i32 to index
          %get3A_281 = arith.index_cast %scan3A_234 : i32 to index
          %get3A_282 = arith.constant 64 : index
          %get3A_283 = tpu.vector_load %arg5[%get3A_280, %get3A_281, %get3A_282] {strides = array<i32>} : memref<2x128x256xf32, #tpu.memory_space<vmem>>, vector<1x1x16xf32>,
          %get3A_284 = vector.shape_cast %get3A_283 : vector<1x1x16xf32> to vector<16xf32>
          %add3A_285 = arith.addf %scan3A_239, %get3A_284 : vector<16xf32>
          %get3A_286 = arith.constant 1 : i32
          %get3A_287 = arith.index_cast %get3A_286 : i32 to index
          %get3A_288 = arith.index_cast %scan3A_234 : i32 to index
          %get3A_289 = arith.constant 80 : index
          %get3A_290 = tpu.vector_load %arg5[%get3A_287, %get3A_288, %get3A_289] {strides = array<i32>} : memref<2x128x256xf32, #tpu.memory_space<vmem>>, vector<1x1x16xf32>,
          %get3A_291 = vector.shape_cast %get3A_290 : vector<1x1x16xf32> to vector<16xf32>
          %add3A_292 = arith.addf %scan3A_240, %get3A_291 : vector<16xf32>
          %get3A_293 = arith.constant 1 : i32
          %get3A_294 = arith.index_cast %get3A_293 : i32 to index
          %get3A_295 = arith.index_cast %scan3A_234 : i32 to index
          %get3A_296 = arith.constant 96 : index
          %get3A_297 = tpu.vector_load %arg5[%get3A_294, %get3A_295, %get3A_296] {strides = array<i32>} : memref<2x128x256xf32, #tpu.memory_space<vmem>>, vector<1x1x16xf32>,
          %get3A_298 = vector.shape_cast %get3A_297 : vector<1x1x16xf32> to vector<16xf32>
          %add3A_299 = arith.addf %scan3A_241, %get3A_298 : vector<16xf32>
          %get3A_300 = arith.constant 1 : i32
          %get3A_301 = arith.index_cast %get3A_300 : i32 to index
          %get3A_302 = arith.index_cast %scan3A_234 : i32 to index
          %get3A_303 = arith.constant 112 : index
          %get3A_304 = tpu.vector_load %arg5[%get3A_301, %get3A_302, %get3A_303] {strides = array<i32>} : memref<2x128x256xf32, #tpu.memory_space<vmem>>, vector<1x1x16xf32>,
          %get3A_305 = vector.shape_cast %get3A_304 : vector<1x1x16xf32> to vector<16xf32>
          %add3A_306 = arith.addf %scan3A_242, %get3A_305 : vector<16xf32>
          %get3A_307 = arith.constant 1 : i32
          %get3A_308 = arith.index_cast %get3A_307 : i32 to index
          %get3A_309 = arith.index_cast %scan3A_234 : i32 to index
          %get3A_310 = arith.constant 128 : index
          %get3A_311 = tpu.vector_load %arg5[%get3A_308, %get3A_309, %get3A_310] {strides = array<i32>} : memref<2x128x256xf32, #tpu.memory_space<vmem>>, vector<1x1x16xf32>,
          %get3A_312 = vector.shape_cast %get3A_311 : vector<1x1x16xf32> to vector<16xf32>
          %add3A_313 = arith.addf %scan3A_243, %get3A_312 : vector<16xf32>
          %get3A_314 = arith.constant 1 : i32
          %get3A_315 = arith.index_cast %get3A_314 : i32 to index
          %get3A_316 = arith.index_cast %scan3A_234 : i32 to index
          %get3A_317 = arith.constant 144 : index
          %get3A_318 = tpu.vector_load %arg5[%get3A_315, %get3A_316, %get3A_317] {strides = array<i32>} : memref<2x128x256xf32, #tpu.memory_space<vmem>>, vector<1x1x16xf32>,
          %get3A_319 = vector.shape_cast %get3A_318 : vector<1x1x16xf32> to vector<16xf32>
          %add3A_320 = arith.addf %scan3A_244, %get3A_319 : vector<16xf32>
          %get3A_321 = arith.constant 1 : i32
          %get3A_322 = arith.index_cast %get3A_321 : i32 to index
          %get3A_323 = arith.index_cast %scan3A_234 : i32 to index
          %get3A_324 = arith.constant 160 : index
          %get3A_325 = tpu.vector_load %arg5[%get3A_322, %get3A_323, %get3A_324] {strides = array<i32>} : memref<2x128x256xf32, #tpu.memory_space<vmem>>, vector<1x1x16xf32>,
          %get3A_326 = vector.shape_cast %get3A_325 : vector<1x1x16xf32> to vector<16xf32>
          %add3A_327 = arith.addf %scan3A_245, %get3A_326 : vector<16xf32>
          %get3A_328 = arith.constant 1 : i32
          %get3A_329 = arith.index_cast %get3A_328 : i32 to index
          %get3A_330 = arith.index_cast %scan3A_234 : i32 to index
          %get3A_331 = arith.constant 176 : index
          %get3A_332 = tpu.vector_load %arg5[%get3A_329, %get3A_330, %get3A_331] {strides = array<i32>} : memref<2x128x256xf32, #tpu.memory_space<vmem>>, vector<1x1x16xf32>,
          %get3A_333 = vector.shape_cast %get3A_332 : vector<1x1x16xf32> to vector<16xf32>
          %add3A_334 = arith.addf %scan3A_246, %get3A_333 : vector<16xf32>
          %get3A_335 = arith.constant 1 : i32
          %get3A_336 = arith.index_cast %get3A_335 : i32 to index
          %get3A_337 = arith.index_cast %scan3A_234 : i32 to index
          %get3A_338 = arith.constant 192 : index
          %get3A_339 = tpu.vector_load %arg5[%get3A_336, %get3A_337, %get3A_338] {strides = array<i32>} : memref<2x128x256xf32, #tpu.memory_space<vmem>>, vector<1x1x16xf32>,
          %get3A_340 = vector.shape_cast %get3A_339 : vector<1x1x16xf32> to vector<16xf32>
          %add3A_341 = arith.addf %scan3A_247, %get3A_340 : vector<16xf32>
          %get3A_342 = arith.constant 1 : i32
          %get3A_343 = arith.index_cast %get3A_342 : i32 to index
          %get3A_344 = arith.index_cast %scan3A_234 : i32 to index
          %get3A_345 = arith.constant 208 : index
          %get3A_346 = tpu.vector_load %arg5[%get3A_343, %get3A_344, %get3A_345] {strides = array<i32>} : memref<2x128x256xf32, #tpu.memory_space<vmem>>, vector<1x1x16xf32>,
          %get3A_347 = vector.shape_cast %get3A_346 : vector<1x1x16xf32> to vector<16xf32>
          %add3A_348 = arith.addf %scan3A_248, %get3A_347 : vector<16xf32>
          %get3A_349 = arith.constant 1 : i32
          %get3A_350 = arith.index_cast %get3A_349 : i32 to index
          %get3A_351 = arith.index_cast %scan3A_234 : i32 to index
          %get3A_352 = arith.constant 224 : index
          %get3A_353 = tpu.vector_load %arg5[%get3A_350, %get3A_351, %get3A_352] {strides = array<i32>} : memref<2x128x256xf32, #tpu.memory_space<vmem>>, vector<1x1x16xf32>,
          %get3A_354 = vector.shape_cast %get3A_353 : vector<1x1x16xf32> to vector<16xf32>
          %add3A_355 = arith.addf %scan3A_249, %get3A_354 : vector<16xf32>
          %get3A_356 = arith.constant 1 : i32
          %get3A_357 = arith.index_cast %get3A_356 : i32 to index
          %get3A_358 = arith.index_cast %scan3A_234 : i32 to index
          %get3A_359 = arith.constant 240 : index
          %get3A_360 = tpu.vector_load %arg5[%get3A_357, %get3A_358, %get3A_359] {strides = array<i32>} : memref<2x128x256xf32, #tpu.memory_space<vmem>>, vector<1x1x16xf32>,
          %get3A_361 = vector.shape_cast %get3A_360 : vector<1x1x16xf32> to vector<16xf32>
          %add3A_362 = arith.addf %scan3A_250, %get3A_361 : vector<16xf32>
          scf.yield %add3A_257, %add3A_264, %add3A_271, %add3A_278, %add3A_285, %add3A_292, %add3A_299, %add3A_306, %add3A_313, %add3A_320, %add3A_327, %add3A_334, %add3A_341, %add3A_348, %add3A_355, %add3A_362 : vector<16xf32>, vector<16xf32>, vector<16xf32>, vector<16xf32>, vector<16xf32>, vector<16xf32>, vector<16xf32>, vector<16xf32>, vector<16xf32>, vector<16xf32>, vector<16xf32>, vector<16xf32>, vector<16xf32>, vector<16xf32>, vector<16xf32>, vector<16xf32>
        }
        %scan3A_124 = arith.constant 128 : i32
        %swap3A = arith.index_cast %add3A_70 : i32 to index
        %swap3A_125 = arith.constant 0 : index
        %swap3A_126 = tpu.vector_load %arg6[%swap3A, %swap3A_125] {strides = array<i32>} : memref<8x128xf32, #tpu.memory_space<vmem>>, vector<1x16xf32>,
        %swap3A_127 = vector.shape_cast %swap3A_126 : vector<1x16xf32> to vector<16xf32>
        %swap3A_128 = vector.shape_cast %scan3A_123#0 : vector<16xf32> to vector<1x16xf32>
        tpu.vector_store %arg6[%swap3A, %swap3A_125], %swap3A_128 {strides = array<i32>} : memref<8x128xf32, #tpu.memory_space<vmem>>, vector<1x16xf32>,
        %swap3A_129 = arith.index_cast %add3A_70 : i32 to index
        %swap3A_130 = arith.constant 0 : index
        %swap3A_131 = tpu.vector_load %arg7[%swap3A_129, %swap3A_130] {strides = array<i32>} : memref<8x128xf32, #tpu.memory_space<vmem>>, vector<1x16xf32>,
        %swap3A_132 = vector.shape_cast %swap3A_131 : vector<1x16xf32> to vector<16xf32>
        %swap3A_133 = vector.shape_cast %scan3A_123#8 : vector<16xf32> to vector<1x16xf32>
        tpu.vector_store %arg7[%swap3A_129, %swap3A_130], %swap3A_133 {strides = array<i32>} : memref<8x128xf32, #tpu.memory_space<vmem>>, vector<1x16xf32>,
        %swap3A_134 = arith.index_cast %add3A_70 : i32 to index
        %swap3A_135 = arith.constant 16 : index
        %swap3A_136 = tpu.vector_load %arg6[%swap3A_134, %swap3A_135] {strides = array<i32>} : memref<8x128xf32, #tpu.memory_space<vmem>>, vector<1x16xf32>,
        %swap3A_137 = vector.shape_cast %swap3A_136 : vector<1x16xf32> to vector<16xf32>
        %swap3A_138 = vector.shape_cast %scan3A_123#1 : vector<16xf32> to vector<1x16xf32>
        tpu.vector_store %arg6[%swap3A_134, %swap3A_135], %swap3A_138 {strides = array<i32>} : memref<8x128xf32, #tpu.memory_space<vmem>>, vector<1x16xf32>,
        %swap3A_139 = arith.index_cast %add3A_70 : i32 to index
        %swap3A_140 = arith.constant 16 : index
        %swap3A_141 = tpu.vector_load %arg7[%swap3A_139, %swap3A_140] {strides = array<i32>} : memref<8x128xf32, #tpu.memory_space<vmem>>, vector<1x16xf32>,
        %swap3A_142 = vector.shape_cast %swap3A_141 : vector<1x16xf32> to vector<16xf32>
        %swap3A_143 = vector.shape_cast %scan3A_123#9 : vector<16xf32> to vector<1x16xf32>
        tpu.vector_store %arg7[%swap3A_139, %swap3A_140], %swap3A_143 {strides = array<i32>} : memref<8x128xf32, #tpu.memory_space<vmem>>, vector<1x16xf32>,
        %swap3A_144 = arith.index_cast %add3A_70 : i32 to index
        %swap3A_145 = arith.constant 32 : index
        %swap3A_146 = tpu.vector_load %arg6[%swap3A_144, %swap3A_145] {strides = array<i32>} : memref<8x128xf32, #tpu.memory_space<vmem>>, vector<1x16xf32>,
        %swap3A_147 = vector.shape_cast %swap3A_146 : vector<1x16xf32> to vector<16xf32>
        %swap3A_148 = vector.shape_cast %scan3A_123#2 : vector<16xf32> to vector<1x16xf32>
        tpu.vector_store %arg6[%swap3A_144, %swap3A_145], %swap3A_148 {strides = array<i32>} : memref<8x128xf32, #tpu.memory_space<vmem>>, vector<1x16xf32>,
        %swap3A_149 = arith.index_cast %add3A_70 : i32 to index
        %swap3A_150 = arith.constant 32 : index
        %swap3A_151 = tpu.vector_load %arg7[%swap3A_149, %swap3A_150] {strides = array<i32>} : memref<8x128xf32, #tpu.memory_space<vmem>>, vector<1x16xf32>,
        %swap3A_152 = vector.shape_cast %swap3A_151 : vector<1x16xf32> to vector<16xf32>
        %swap3A_153 = vector.shape_cast %scan3A_123#10 : vector<16xf32> to vector<1x16xf32>
        tpu.vector_store %arg7[%swap3A_149, %swap3A_150], %swap3A_153 {strides = array<i32>} : memref<8x128xf32, #tpu.memory_space<vmem>>, vector<1x16xf32>,
        %swap3A_154 = arith.index_cast %add3A_70 : i32 to index
        %swap3A_155 = arith.constant 48 : index
        %swap3A_156 = tpu.vector_load %arg6[%swap3A_154, %swap3A_155] {strides = array<i32>} : memref<8x128xf32, #tpu.memory_space<vmem>>, vector<1x16xf32>,
        %swap3A_157 = vector.shape_cast %swap3A_156 : vector<1x16xf32> to vector<16xf32>
        %swap3A_158 = vector.shape_cast %scan3A_123#3 : vector<16xf32> to vector<1x16xf32>
        tpu.vector_store %arg6[%swap3A_154, %swap3A_155], %swap3A_158 {strides = array<i32>} : memref<8x128xf32, #tpu.memory_space<vmem>>, vector<1x16xf32>,
        %swap3A_159 = arith.index_cast %add3A_70 : i32 to index
        %swap3A_160 = arith.constant 48 : index
        %swap3A_161 = tpu.vector_load %arg7[%swap3A_159, %swap3A_160] {strides = array<i32>} : memref<8x128xf32, #tpu.memory_space<vmem>>, vector<1x16xf32>,
        %swap3A_162 = vector.shape_cast %swap3A_161 : vector<1x16xf32> to vector<16xf32>
        %swap3A_163 = vector.shape_cast %scan3A_123#11 : vector<16xf32> to vector<1x16xf32>
        tpu.vector_store %arg7[%swap3A_159, %swap3A_160], %swap3A_163 {strides = array<i32>} : memref<8x128xf32, #tpu.memory_space<vmem>>, vector<1x16xf32>,
        %swap3A_164 = arith.index_cast %add3A_70 : i32 to index
        %swap3A_165 = arith.constant 64 : index
        %swap3A_166 = tpu.vector_load %arg6[%swap3A_164, %swap3A_165] {strides = array<i32>} : memref<8x128xf32, #tpu.memory_space<vmem>>, vector<1x16xf32>,
        %swap3A_167 = vector.shape_cast %swap3A_166 : vector<1x16xf32> to vector<16xf32>
        %swap3A_168 = vector.shape_cast %scan3A_123#4 : vector<16xf32> to vector<1x16xf32>
        tpu.vector_store %arg6[%swap3A_164, %swap3A_165], %swap3A_168 {strides = array<i32>} : memref<8x128xf32, #tpu.memory_space<vmem>>, vector<1x16xf32>,
        %swap3A_169 = arith.index_cast %add3A_70 : i32 to index
        %swap3A_170 = arith.constant 64 : index
        %swap3A_171 = tpu.vector_load %arg7[%swap3A_169, %swap3A_170] {strides = array<i32>} : memref<8x128xf32, #tpu.memory_space<vmem>>, vector<1x16xf32>,
        %swap3A_172 = vector.shape_cast %swap3A_171 : vector<1x16xf32> to vector<16xf32>
        %swap3A_173 = vector.shape_cast %scan3A_123#12 : vector<16xf32> to vector<1x16xf32>
        tpu.vector_store %arg7[%swap3A_169, %swap3A_170], %swap3A_173 {strides = array<i32>} : memref<8x128xf32, #tpu.memory_space<vmem>>, vector<1x16xf32>,
        %swap3A_174 = arith.index_cast %add3A_70 : i32 to index
        %swap3A_175 = arith.constant 80 : index
        %swap3A_176 = tpu.vector_load %arg6[%swap3A_174, %swap3A_175] {strides = array<i32>} : memref<8x128xf32, #tpu.memory_space<vmem>>, vector<1x16xf32>,
        %swap3A_177 = vector.shape_cast %swap3A_176 : vector<1x16xf32> to vector<16xf32>
        %swap3A_178 = vector.shape_cast %scan3A_123#5 : vector<16xf32> to vector<1x16xf32>
        tpu.vector_store %arg6[%swap3A_174, %swap3A_175], %swap3A_178 {strides = array<i32>} : memref<8x128xf32, #tpu.memory_space<vmem>>, vector<1x16xf32>,
        %swap3A_179 = arith.index_cast %add3A_70 : i32 to index
        %swap3A_180 = arith.constant 80 : index
        %swap3A_181 = tpu.vector_load %arg7[%swap3A_179, %swap3A_180] {strides = array<i32>} : memref<8x128xf32, #tpu.memory_space<vmem>>, vector<1x16xf32>,
        %swap3A_182 = vector.shape_cast %swap3A_181 : vector<1x16xf32> to vector<16xf32>
        %swap3A_183 = vector.shape_cast %scan3A_123#13 : vector<16xf32> to vector<1x16xf32>
        tpu.vector_store %arg7[%swap3A_179, %swap3A_180], %swap3A_183 {strides = array<i32>} : memref<8x128xf32, #tpu.memory_space<vmem>>, vector<1x16xf32>,
        %swap3A_184 = arith.index_cast %add3A_70 : i32 to index
        %swap3A_185 = arith.constant 96 : index
        %swap3A_186 = tpu.vector_load %arg6[%swap3A_184, %swap3A_185] {strides = array<i32>} : memref<8x128xf32, #tpu.memory_space<vmem>>, vector<1x16xf32>,
        %swap3A_187 = vector.shape_cast %swap3A_186 : vector<1x16xf32> to vector<16xf32>
        %swap3A_188 = vector.shape_cast %scan3A_123#6 : vector<16xf32> to vector<1x16xf32>
        tpu.vector_store %arg6[%swap3A_184, %swap3A_185], %swap3A_188 {strides = array<i32>} : memref<8x128xf32, #tpu.memory_space<vmem>>, vector<1x16xf32>,
        %swap3A_189 = arith.index_cast %add3A_70 : i32 to index
        %swap3A_190 = arith.constant 96 : index
        %swap3A_191 = tpu.vector_load %arg7[%swap3A_189, %swap3A_190] {strides = array<i32>} : memref<8x128xf32, #tpu.memory_space<vmem>>, vector<1x16xf32>,
        %swap3A_192 = vector.shape_cast %swap3A_191 : vector<1x16xf32> to vector<16xf32>
        %swap3A_193 = vector.shape_cast %scan3A_123#14 : vector<16xf32> to vector<1x16xf32>
        tpu.vector_store %arg7[%swap3A_189, %swap3A_190], %swap3A_193 {strides = array<i32>} : memref<8x128xf32, #tpu.memory_space<vmem>>, vector<1x16xf32>,
        %swap3A_194 = arith.index_cast %add3A_70 : i32 to index
        %swap3A_195 = arith.constant 112 : index
        %swap3A_196 = tpu.vector_load %arg6[%swap3A_194, %swap3A_195] {strides = array<i32>} : memref<8x128xf32, #tpu.memory_space<vmem>>, vector<1x16xf32>,
        %swap3A_197 = vector.shape_cast %swap3A_196 : vector<1x16xf32> to vector<16xf32>
        %swap3A_198 = vector.shape_cast %scan3A_123#7 : vector<16xf32> to vector<1x16xf32>
        tpu.vector_store %arg6[%swap3A_194, %swap3A_195], %swap3A_198 {strides = array<i32>} : memref<8x128xf32, #tpu.memory_space<vmem>>, vector<1x16xf32>,
        %swap3A_199 = arith.index_cast %add3A_70 : i32 to index
        %swap3A_200 = arith.constant 112 : index
        %swap3A_201 = tpu.vector_load %arg7[%swap3A_199, %swap3A_200] {strides = array<i32>} : memref<8x128xf32, #tpu.memory_space<vmem>>, vector<1x16xf32>,
        %swap3A_202 = vector.shape_cast %swap3A_201 : vector<1x16xf32> to vector<16xf32>
        %swap3A_203 = vector.shape_cast %scan3A_123#15 : vector<16xf32> to vector<1x16xf32>
        tpu.vector_store %arg7[%swap3A_199, %swap3A_200], %swap3A_203 {strides = array<i32>} : memref<8x128xf32, #tpu.memory_space<vmem>>, vector<1x16xf32>,
        %mul3A_204 = arith.muli %add3A, %shift_right_arithmetic3A_23 : i32
        %add3A_205 = arith.addi %max3A_9, %mul3A_204 : i32
        %add3A_206 = arith.addi %add3A_205, %add3A_70 : i32
        %mul3A_207 = arith.constant 128 : i32
        %mul3A_208 = arith.muli %add3A_206, %mul3A_207 : i32
        %dma_start3A = arith.constant 0 : i32
        %dma_start3A_209 = tpu.memref_slice %arg6[%add3A_70, %dma_start3A] : memref<8x128xf32, #tpu.memory_space<vmem>> -> memref<1x128xf32, #tpu.memory_space<vmem>>
        %dma_start3A_210 = tpu.memref_squeeze %dma_start3A_209 : memref<1x128xf32, #tpu.memory_space<vmem>> -> memref<128xf32, #tpu.memory_space<vmem>>
        %dma_start3A_211 = tpu.memref_slice %arg4[%mul3A_208] : memref<65536xf32, #tpu.memory_space<hbm>> -> memref<128xf32, #tpu.memory_space<hbm>>
        %dma_start3A_212 = tpu.memref_slice %arg4[%mul3A_208] : memref<65536xf32, #tpu.memory_space<hbm>> -> memref<128xf32, #tpu.memory_space<hbm>>
        %dma_start3A_213 = arith.constant 0 : i32
        %dma_start3A_214 = tpu.memref_slice %arg6[%add3A_70, %dma_start3A_213] : memref<8x128xf32, #tpu.memory_space<vmem>> -> memref<1x128xf32, #tpu.memory_space<vmem>>
        %dma_start3A_215 = tpu.memref_squeeze %dma_start3A_214 : memref<1x128xf32, #tpu.memory_space<vmem>> -> memref<128xf32, #tpu.memory_space<vmem>>
        tpu.enqueue_dma source(%dma_start3A_215 : memref<128xf32, #tpu.memory_space<vmem>>) target(%dma_start3A_212 : memref<128xf32, #tpu.memory_space<hbm>>) target_semaphore(%arg11 : memref<!tpu.dma_semaphore, #tpu.memory_space<semaphore_mem>>)
        %add3A_216 = arith.constant 256 : i32
        %add3A_217 = arith.addi %add3A_216, %add3A_206 : i32
        %mul3A_218 = arith.constant 128 : i32
        %mul3A_219 = arith.muli %add3A_217, %mul3A_218 : i32
        %dma_start3A_220 = arith.constant 0 : i32
        %dma_start3A_221 = tpu.memref_slice %arg7[%add3A_70, %dma_start3A_220] : memref<8x128xf32, #tpu.memory_space<vmem>> -> memref<1x128xf32, #tpu.memory_space<vmem>>
        %dma_start3A_222 = tpu.memref_squeeze %dma_start3A_221 : memref<1x128xf32, #tpu.memory_space<vmem>> -> memref<128xf32, #tpu.memory_space<vmem>>
        %dma_start3A_223 = tpu.memref_slice %arg4[%mul3A_219] : memref<65536xf32, #tpu.memory_space<hbm>> -> memref<128xf32, #tpu.memory_space<hbm>>
        %dma_start3A_224 = tpu.memref_slice %arg4[%mul3A_219] : memref<65536xf32, #tpu.memory_space<hbm>> -> memref<128xf32, #tpu.memory_space<hbm>>
        %dma_start3A_225 = arith.constant 0 : i32
        %dma_start3A_226 = tpu.memref_slice %arg7[%add3A_70, %dma_start3A_225] : memref<8x128xf32, #tpu.memory_space<vmem>> -> memref<1x128xf32, #tpu.memory_space<vmem>>
        %dma_start3A_227 = tpu.memref_squeeze %dma_start3A_226 : memref<1x128xf32, #tpu.memory_space<vmem>> -> memref<128xf32, #tpu.memory_space<vmem>>
        tpu.enqueue_dma source(%dma_start3A_227 : memref<128xf32, #tpu.memory_space<vmem>>) target(%dma_start3A_224 : memref<128xf32, #tpu.memory_space<hbm>>) target_semaphore(%arg11 : memref<!tpu.dma_semaphore, #tpu.memory_space<semaphore_mem>>)
        %add3A_228 = arith.constant 2 : i32
        %add3A_229 = arith.addi %add3A_70, %add3A_228 : i32
        %lt3A_230 = arith.cmpi slt, %add3A_229, %min3A : i32
        %convert_element_type3A_231 = arith.extui %lt3A_230 : i1 to i32
        %cond3A_232 = arith.constant 0 : i32
        %cond3A_233 = arith.cmpi ne, %convert_element_type3A_231, %cond3A_232 : i32
        scf.if %cond3A_233 {
          %add3A_234 = arith.constant 2 : i32
          %add3A_235 = arith.addi %add3A_70, %add3A_234 : i32
          %mul3A_236 = arith.muli %add3A, %shift_right_arithmetic3A_23 : i32
          %add3A_237 = arith.addi %max3A_9, %mul3A_236 : i32
          %add3A_238 = arith.addi %add3A_237, %add3A_235 : i32
          %mul3A_239 = arith.constant 128 : i32
          %mul3A_240 = arith.muli %add3A_238, %mul3A_239 : i32
          %dma_start3A_241 = arith.constant 1 : i32
          %dma_start3A_242 = arith.constant 0 : i32
          %dma_start3A_243 = arith.constant 0 : i32
          %dma_start3A_244 = tpu.memref_slice %arg5[%dma_start3A_241, %dma_start3A_242, %dma_start3A_243] : memref<2x128x256xf32, #tpu.memory_space<vmem>> -> memref<1x128x256xf32, #tpu.memory_space<vmem>>
          %dma_start3A_245 = tpu.memref_squeeze %dma_start3A_244 : memref<1x128x256xf32, #tpu.memory_space<vmem>> -> memref<128x256xf32, #tpu.memory_space<vmem>>
          %dma_start3A_246 = arith.constant 0 : i32
          %dma_start3A_247 = tpu.memref_slice %arg2[%mul3A_240, %dma_start3A_246] : memref<32768x256xf32, #tpu.memory_space<hbm>> -> memref<128x256xf32, #tpu.memory_space<hbm>>
          %dma_start3A_248 = arith.constant 0 : i32
          %dma_start3A_249 = arith.constant 0 : i32
          %dma_start3A_250 = tpu.memref_slice %arg5[%dma_start3A_241, %dma_start3A_248, %dma_start3A_249] : memref<2x128x256xf32, #tpu.memory_space<vmem>> -> memref<1x128x256xf32, #tpu.memory_space<vmem>>
          %dma_start3A_251 = tpu.memref_squeeze %dma_start3A_250 : memref<1x128x256xf32, #tpu.memory_space<vmem>> -> memref<128x256xf32, #tpu.memory_space<vmem>>
          %dma_start3A_252 = arith.constant 0 : i32
          %dma_start3A_253 = tpu.memref_slice %arg2[%mul3A_240, %dma_start3A_252] : memref<32768x256xf32, #tpu.memory_space<hbm>> -> memref<128x256xf32, #tpu.memory_space<hbm>>
          tpu.enqueue_dma source(%dma_start3A_253 : memref<128x256xf32, #tpu.memory_space<hbm>>) target(%dma_start3A_251 : memref<128x256xf32, #tpu.memory_space<vmem>>) target_semaphore(%arg10 : memref<!tpu.dma_semaphore, #tpu.memory_space<semaphore_mem>>)
        } else {
        }
      } else {
      }
    }
    %mul3A_47 = arith.constant 2 : i32
    %mul3A_48 = arith.muli %mul3A_47, %min3A : i32
    %while3A_49 = arith.constant 0 : i32
    %while3A_50 = arith.constant 0 : i32
    %while3A_51 = arith.subi %mul3A_48, %while3A_50 : i32
    %while3A_52 = arith.addi %while3A_50, %while3A_51 : i32
    %while3A_53 = arith.constant 1 : i32
    %while3A_54 = arith.divsi %while3A_51, %while3A_53 : i32
    %while3A_55 = arith.muli %while3A_54, %while3A_53 : i32
    %while3A_56 = arith.addi %while3A_50, %while3A_55 : i32
    %while3A_57 = arith.constant 1 : i32
    scf.for %while3A_59 = %while3A_50 to %while3A_56 step %while3A_57  : i32 {
      %dma_wait3A = arith.constant 0 : i32
      %dma_wait3A_60 = arith.constant 0 : i32
      %dma_wait3A_61 = tpu.memref_slice %arg6[%dma_wait3A, %dma_wait3A_60] : memref<8x128xf32, #tpu.memory_space<vmem>> -> memref<1x128xf32, #tpu.memory_space<vmem>>
      %dma_wait3A_62 = tpu.memref_squeeze %dma_wait3A_61 : memref<1x128xf32, #tpu.memory_space<vmem>> -> memref<128xf32, #tpu.memory_space<vmem>>
      %dma_wait3A_63 = arith.constant 0 : i32
      %dma_wait3A_64 = tpu.memref_slice %arg4[%dma_wait3A_63] : memref<65536xf32, #tpu.memory_space<hbm>> -> memref<128xf32, #tpu.memory_space<hbm>>
      %dma_wait3A_65 = arith.constant 0 : i32
      %dma_wait3A_66 = tpu.memref_slice %arg4[%dma_wait3A_65] : memref<65536xf32, #tpu.memory_space<hbm>> -> memref<128xf32, #tpu.memory_space<hbm>>
      %dma_wait3A_67 = arith.constant 0 : i32
      %dma_wait3A_68 = tpu.memref_slice %arg6[%dma_wait3A, %dma_wait3A_67] : memref<8x128xf32, #tpu.memory_space<vmem>> -> memref<1x128xf32, #tpu.memory_space<vmem>>
      %dma_wait3A_69 = tpu.memref_squeeze %dma_wait3A_68 : memref<1x128xf32, #tpu.memory_space<vmem>> -> memref<128xf32, #tpu.memory_space<vmem>>
      tpu.wait_dma2 semaphore(%arg11 : memref<!tpu.dma_semaphore, #tpu.memory_space<semaphore_mem>>) src(%dma_wait3A_69 : memref<128xf32, #tpu.memory_space<vmem>>) dst(%dma_wait3A_66 : memref<128xf32, #tpu.memory_space<hbm>>)
    }
    %while3A_58 = arith.constant 1 : i32
    scf.for %while3A_59 = %while3A_56 to %while3A_52 step %while3A_58  : i32 {
      %dma_wait3A = arith.constant 0 : i32
      %dma_wait3A_60 = arith.constant 0 : i32
      %dma_wait3A_61 = tpu.memref_slice %arg6[%dma_wait3A, %dma_wait3A_60] : memref<8x128xf32, #tpu.memory_space<vmem>> -> memref<1x128xf32, #tpu.memory_space<vmem>>
      %dma_wait3A_62 = tpu.memref_squeeze %dma_wait3A_61 : memref<1x128xf32, #tpu.memory_space<vmem>> -> memref<128xf32, #tpu.memory_space<vmem>>
      %dma_wait3A_63 = arith.constant 0 : i32
      %dma_wait3A_64 = tpu.memref_slice %arg4[%dma_wait3A_63] : memref<65536xf32, #tpu.memory_space<hbm>> -> memref<128xf32, #tpu.memory_space<hbm>>
      %dma_wait3A_65 = arith.constant 0 : i32
      %dma_wait3A_66 = tpu.memref_slice %arg4[%dma_wait3A_65] : memref<65536xf32, #tpu.memory_space<hbm>> -> memref<128xf32, #tpu.memory_space<hbm>>
      %dma_wait3A_67 = arith.constant 0 : i32
      %dma_wait3A_68 = tpu.memref_slice %arg6[%dma_wait3A, %dma_wait3A_67] : memref<8x128xf32, #tpu.memory_space<vmem>> -> memref<1x128xf32, #tpu.memory_space<vmem>>
      %dma_wait3A_69 = tpu.memref_squeeze %dma_wait3A_68 : memref<1x128xf32, #tpu.memory_space<vmem>> -> memref<128xf32, #tpu.memory_space<vmem>>
      tpu.wait_dma2 semaphore(%arg11 : memref<!tpu.dma_semaphore, #tpu.memory_space<semaphore_mem>>) src(%dma_wait3A_69 : memref<128xf32, #tpu.memory_space<vmem>>) dst(%dma_wait3A_66 : memref<128xf32, #tpu.memory_space<hbm>>)
    }
    return
  }
}

module attributes {stable_mosaic.version = 14 : i64} {
  func.func @_final_tc_body(%arg0: memref<16xi32, #tpu.memory_space<smem>>, %arg1: memref<16xi32, #tpu.memory_space<smem>>, %arg2: memref<2x256x128xf32, #tpu.memory_space<vmem>>, %arg3: memref<112x256xf32, #tpu.memory_space<vmem>>, %arg4: memref<16x256xf32, #tpu.memory_space<vmem>>, %arg5: memref<16x256xf32, #tpu.memory_space<vmem>>) attributes {dimension_semantics = [], scalar_prefetch = 0 : i64, scratch_operands = 0 : i64, tpu.core_type = #tpu.core_type<tc>} {
    %get3A = arith.constant 0 : index
    %get3A_0 = arith.constant 0 : index
    %get3A_1 = arith.constant 0 : index
    %get3A_2 = vector.load %arg2[%get3A, %get3A_0, %get3A_1] : memref<2x256x128xf32, #tpu.memory_space<vmem>>, vector<1x256x128xf32>
    %get3A_3 = vector.shape_cast %get3A_2 : vector<1x256x128xf32> to vector<256x128xf32>
    %get3A_4 = arith.constant 1 : index
    %get3A_5 = arith.constant 0 : index
    %get3A_6 = arith.constant 0 : index
    %get3A_7 = vector.load %arg2[%get3A_4, %get3A_5, %get3A_6] : memref<2x256x128xf32, #tpu.memory_space<vmem>>, vector<1x256x128xf32>
    %get3A_8 = vector.shape_cast %get3A_7 : vector<1x256x128xf32> to vector<256x128xf32>
    %concatenate3A = tpu.concatenate %get3A_3, %get3A_8 in 1 : vector<256x128xf32>, vector<256x128xf32> -> vector<256x256xf32>
    %get3A_9 = arith.constant 0 : index
    %get3A_10 = arith.constant 0 : index
    %get3A_11 = vector.load %arg3[%get3A_9, %get3A_10] : memref<112x256xf32, #tpu.memory_space<vmem>>, vector<112x256xf32>
    %slice3A = vector.extract_strided_slice %concatenate3A {offsets = [112, 0], sizes = [144, 256], strides = [1, 1]} : vector<256x256xf32> to vector<144x256xf32>
    %concatenate3A_12 = tpu.concatenate %get3A_11, %slice3A in 0 : vector<112x256xf32>, vector<144x256xf32> -> vector<256x256xf32>
    %get3A_13 = arith.constant 0 : index
    %get3A_14 = memref.load %arg0[%get3A_13] : memref<16xi32, #tpu.memory_space<smem>>
    %shift_right_arithmetic3A = arith.constant 7 : i32
    %shift_right_arithmetic3A_15 = arith.shrsi %get3A_14, %shift_right_arithmetic3A : i32
    %get3A_16 = arith.constant 15 : index
    %get3A_17 = memref.load %arg1[%get3A_16] : memref<16xi32, #tpu.memory_space<smem>>
    %add3A = arith.constant 128 : i32
    %add3A_18 = arith.addi %get3A_17, %add3A : i32
    %sub3A = arith.constant 1 : i32
    %sub3A_19 = arith.subi %add3A_18, %sub3A : i32
    %shift_right_arithmetic3A_20 = arith.constant 7 : i32
    %shift_right_arithmetic3A_21 = arith.shrsi %sub3A_19, %shift_right_arithmetic3A_20 : i32
    %iota3A = tpu.iota {dimensions = array<i32: 0>} : vector<256x1xi32>
    %ge3A = vector.broadcast %shift_right_arithmetic3A_15 : i32 to vector<256x1xi32>
    %ge3A_22 = arith.cmpi sge, %iota3A, %ge3A : vector<256x1xi32>
    %lt3A = vector.broadcast %shift_right_arithmetic3A_21 : i32 to vector<256x1xi32>
    %lt3A_23 = arith.cmpi slt, %iota3A, %lt3A : vector<256x1xi32>
    %and3A = arith.andi %ge3A_22, %lt3A_23 : vector<256x1xi1>
    %jit3A = arith.constant 0.000000e+00 : f32
    %broadcast_in_dim3A = vector.shape_cast %and3A : vector<256x1xi1> to vector<256x1xi1>
    %broadcast_in_dim3A_24 = vector.broadcast %broadcast_in_dim3A : vector<256x1xi1> to vector<256x256xi1>
    %broadcast_in_dim3A_25 = vector.broadcast %jit3A : f32 to vector<256x256xf32>
    %select_n3A = arith.select %broadcast_in_dim3A_24, %concatenate3A_12, %broadcast_in_dim3A_25 : vector<256x256xi1>, vector<256x256xf32>
    %iota3A_26 = tpu.iota {dimensions = array<i32: 1>} : vector<1x256xi32>
    %get3A_27 = arith.constant 0 : index
    %get3A_28 = memref.load %arg0[%get3A_27] : memref<16xi32, #tpu.memory_space<smem>>
    %add3A_29 = arith.constant 128 : i32
    %add3A_30 = arith.addi %get3A_28, %add3A_29 : i32
    %sub3A_31 = arith.constant 1 : i32
    %sub3A_32 = arith.subi %add3A_30, %sub3A_31 : i32
    %shift_right_arithmetic3A_33 = arith.constant 7 : i32
    %shift_right_arithmetic3A_34 = arith.shrsi %sub3A_32, %shift_right_arithmetic3A_33 : i32
    %get3A_35 = arith.constant 0 : index
    %get3A_36 = memref.load %arg1[%get3A_35] : memref<16xi32, #tpu.memory_space<smem>>
    %shift_right_arithmetic3A_37 = arith.constant 7 : i32
    %shift_right_arithmetic3A_38 = arith.shrsi %get3A_36, %shift_right_arithmetic3A_37 : i32
    %ge3A_39 = vector.broadcast %shift_right_arithmetic3A_34 : i32 to vector<1x256xi32>
    %ge3A_40 = arith.cmpi sge, %iota3A_26, %ge3A_39 : vector<1x256xi32>
    %lt3A_41 = vector.broadcast %shift_right_arithmetic3A_38 : i32 to vector<1x256xi32>
    %lt3A_42 = arith.cmpi slt, %iota3A_26, %lt3A_41 : vector<1x256xi32>
    %and3A_43 = arith.andi %ge3A_40, %lt3A_42 : vector<1x256xi1>
    %jit3A_44 = arith.constant 1.000000e+00 : f32
    %jit3A_45 = arith.constant 0.000000e+00 : f32
    %broadcast_in_dim3A_46 = vector.broadcast %jit3A_44 : f32 to vector<1x256xf32>
    %broadcast_in_dim3A_47 = vector.broadcast %jit3A_45 : f32 to vector<1x256xf32>
    %select_n3A_48 = arith.select %and3A_43, %broadcast_in_dim3A_46, %broadcast_in_dim3A_47 : vector<1x256xi1>, vector<1x256xf32>
    %get3A_49 = arith.constant 1 : index
    %get3A_50 = memref.load %arg0[%get3A_49] : memref<16xi32, #tpu.memory_space<smem>>
    %add3A_51 = arith.constant 128 : i32
    %add3A_52 = arith.addi %get3A_50, %add3A_51 : i32
    %sub3A_53 = arith.constant 1 : i32
    %sub3A_54 = arith.subi %add3A_52, %sub3A_53 : i32
    %shift_right_arithmetic3A_55 = arith.constant 7 : i32
    %shift_right_arithmetic3A_56 = arith.shrsi %sub3A_54, %shift_right_arithmetic3A_55 : i32
    %get3A_57 = arith.constant 1 : index
    %get3A_58 = memref.load %arg1[%get3A_57] : memref<16xi32, #tpu.memory_space<smem>>
    %shift_right_arithmetic3A_59 = arith.constant 7 : i32
    %shift_right_arithmetic3A_60 = arith.shrsi %get3A_58, %shift_right_arithmetic3A_59 : i32
    %ge3A_61 = vector.broadcast %shift_right_arithmetic3A_56 : i32 to vector<1x256xi32>
    %ge3A_62 = arith.cmpi sge, %iota3A_26, %ge3A_61 : vector<1x256xi32>
    %lt3A_63 = vector.broadcast %shift_right_arithmetic3A_60 : i32 to vector<1x256xi32>
    %lt3A_64 = arith.cmpi slt, %iota3A_26, %lt3A_63 : vector<1x256xi32>
    %and3A_65 = arith.andi %ge3A_62, %lt3A_64 : vector<1x256xi1>
    %jit3A_66 = arith.constant 1.000000e+00 : f32
    %jit3A_67 = arith.constant 0.000000e+00 : f32
    %broadcast_in_dim3A_68 = vector.broadcast %jit3A_66 : f32 to vector<1x256xf32>
    %broadcast_in_dim3A_69 = vector.broadcast %jit3A_67 : f32 to vector<1x256xf32>
    %select_n3A_70 = arith.select %and3A_65, %broadcast_in_dim3A_68, %broadcast_in_dim3A_69 : vector<1x256xi1>, vector<1x256xf32>
    %get3A_71 = arith.constant 2 : index
    %get3A_72 = memref.load %arg0[%get3A_71] : memref<16xi32, #tpu.memory_space<smem>>
    %add3A_73 = arith.constant 128 : i32
    %add3A_74 = arith.addi %get3A_72, %add3A_73 : i32
    %sub3A_75 = arith.constant 1 : i32
    %sub3A_76 = arith.subi %add3A_74, %sub3A_75 : i32
    %shift_right_arithmetic3A_77 = arith.constant 7 : i32
    %shift_right_arithmetic3A_78 = arith.shrsi %sub3A_76, %shift_right_arithmetic3A_77 : i32
    %get3A_79 = arith.constant 2 : index
    %get3A_80 = memref.load %arg1[%get3A_79] : memref<16xi32, #tpu.memory_space<smem>>
    %shift_right_arithmetic3A_81 = arith.constant 7 : i32
    %shift_right_arithmetic3A_82 = arith.shrsi %get3A_80, %shift_right_arithmetic3A_81 : i32
    %ge3A_83 = vector.broadcast %shift_right_arithmetic3A_78 : i32 to vector<1x256xi32>
    %ge3A_84 = arith.cmpi sge, %iota3A_26, %ge3A_83 : vector<1x256xi32>
    %lt3A_85 = vector.broadcast %shift_right_arithmetic3A_82 : i32 to vector<1x256xi32>
    %lt3A_86 = arith.cmpi slt, %iota3A_26, %lt3A_85 : vector<1x256xi32>
    %and3A_87 = arith.andi %ge3A_84, %lt3A_86 : vector<1x256xi1>
    %jit3A_88 = arith.constant 1.000000e+00 : f32
    %jit3A_89 = arith.constant 0.000000e+00 : f32
    %broadcast_in_dim3A_90 = vector.broadcast %jit3A_88 : f32 to vector<1x256xf32>
    %broadcast_in_dim3A_91 = vector.broadcast %jit3A_89 : f32 to vector<1x256xf32>
    %select_n3A_92 = arith.select %and3A_87, %broadcast_in_dim3A_90, %broadcast_in_dim3A_91 : vector<1x256xi1>, vector<1x256xf32>
    %get3A_93 = arith.constant 3 : index
    %get3A_94 = memref.load %arg0[%get3A_93] : memref<16xi32, #tpu.memory_space<smem>>
    %add3A_95 = arith.constant 128 : i32
    %add3A_96 = arith.addi %get3A_94, %add3A_95 : i32
    %sub3A_97 = arith.constant 1 : i32
    %sub3A_98 = arith.subi %add3A_96, %sub3A_97 : i32
    %shift_right_arithmetic3A_99 = arith.constant 7 : i32
    %shift_right_arithmetic3A_100 = arith.shrsi %sub3A_98, %shift_right_arithmetic3A_99 : i32
    %get3A_101 = arith.constant 3 : index
    %get3A_102 = memref.load %arg1[%get3A_101] : memref<16xi32, #tpu.memory_space<smem>>
    %shift_right_arithmetic3A_103 = arith.constant 7 : i32
    %shift_right_arithmetic3A_104 = arith.shrsi %get3A_102, %shift_right_arithmetic3A_103 : i32
    %ge3A_105 = vector.broadcast %shift_right_arithmetic3A_100 : i32 to vector<1x256xi32>
    %ge3A_106 = arith.cmpi sge, %iota3A_26, %ge3A_105 : vector<1x256xi32>
    %lt3A_107 = vector.broadcast %shift_right_arithmetic3A_104 : i32 to vector<1x256xi32>
    %lt3A_108 = arith.cmpi slt, %iota3A_26, %lt3A_107 : vector<1x256xi32>
    %and3A_109 = arith.andi %ge3A_106, %lt3A_108 : vector<1x256xi1>
    %jit3A_110 = arith.constant 1.000000e+00 : f32
    %jit3A_111 = arith.constant 0.000000e+00 : f32
    %broadcast_in_dim3A_112 = vector.broadcast %jit3A_110 : f32 to vector<1x256xf32>
    %broadcast_in_dim3A_113 = vector.broadcast %jit3A_111 : f32 to vector<1x256xf32>
    %select_n3A_114 = arith.select %and3A_109, %broadcast_in_dim3A_112, %broadcast_in_dim3A_113 : vector<1x256xi1>, vector<1x256xf32>
    %get3A_115 = arith.constant 4 : index
    %get3A_116 = memref.load %arg0[%get3A_115] : memref<16xi32, #tpu.memory_space<smem>>
    %add3A_117 = arith.constant 128 : i32
    %add3A_118 = arith.addi %get3A_116, %add3A_117 : i32
    %sub3A_119 = arith.constant 1 : i32
    %sub3A_120 = arith.subi %add3A_118, %sub3A_119 : i32
    %shift_right_arithmetic3A_121 = arith.constant 7 : i32
    %shift_right_arithmetic3A_122 = arith.shrsi %sub3A_120, %shift_right_arithmetic3A_121 : i32
    %get3A_123 = arith.constant 4 : index
    %get3A_124 = memref.load %arg1[%get3A_123] : memref<16xi32, #tpu.memory_space<smem>>
    %shift_right_arithmetic3A_125 = arith.constant 7 : i32
    %shift_right_arithmetic3A_126 = arith.shrsi %get3A_124, %shift_right_arithmetic3A_125 : i32
    %ge3A_127 = vector.broadcast %shift_right_arithmetic3A_122 : i32 to vector<1x256xi32>
    %ge3A_128 = arith.cmpi sge, %iota3A_26, %ge3A_127 : vector<1x256xi32>
    %lt3A_129 = vector.broadcast %shift_right_arithmetic3A_126 : i32 to vector<1x256xi32>
    %lt3A_130 = arith.cmpi slt, %iota3A_26, %lt3A_129 : vector<1x256xi32>
    %and3A_131 = arith.andi %ge3A_128, %lt3A_130 : vector<1x256xi1>
    %jit3A_132 = arith.constant 1.000000e+00 : f32
    %jit3A_133 = arith.constant 0.000000e+00 : f32
    %broadcast_in_dim3A_134 = vector.broadcast %jit3A_132 : f32 to vector<1x256xf32>
    %broadcast_in_dim3A_135 = vector.broadcast %jit3A_133 : f32 to vector<1x256xf32>
    %select_n3A_136 = arith.select %and3A_131, %broadcast_in_dim3A_134, %broadcast_in_dim3A_135 : vector<1x256xi1>, vector<1x256xf32>
    %get3A_137 = arith.constant 5 : index
    %get3A_138 = memref.load %arg0[%get3A_137] : memref<16xi32, #tpu.memory_space<smem>>
    %add3A_139 = arith.constant 128 : i32
    %add3A_140 = arith.addi %get3A_138, %add3A_139 : i32
    %sub3A_141 = arith.constant 1 : i32
    %sub3A_142 = arith.subi %add3A_140, %sub3A_141 : i32
    %shift_right_arithmetic3A_143 = arith.constant 7 : i32
    %shift_right_arithmetic3A_144 = arith.shrsi %sub3A_142, %shift_right_arithmetic3A_143 : i32
    %get3A_145 = arith.constant 5 : index
    %get3A_146 = memref.load %arg1[%get3A_145] : memref<16xi32, #tpu.memory_space<smem>>
    %shift_right_arithmetic3A_147 = arith.constant 7 : i32
    %shift_right_arithmetic3A_148 = arith.shrsi %get3A_146, %shift_right_arithmetic3A_147 : i32
    %ge3A_149 = vector.broadcast %shift_right_arithmetic3A_144 : i32 to vector<1x256xi32>
    %ge3A_150 = arith.cmpi sge, %iota3A_26, %ge3A_149 : vector<1x256xi32>
    %lt3A_151 = vector.broadcast %shift_right_arithmetic3A_148 : i32 to vector<1x256xi32>
    %lt3A_152 = arith.cmpi slt, %iota3A_26, %lt3A_151 : vector<1x256xi32>
    %and3A_153 = arith.andi %ge3A_150, %lt3A_152 : vector<1x256xi1>
    %jit3A_154 = arith.constant 1.000000e+00 : f32
    %jit3A_155 = arith.constant 0.000000e+00 : f32
    %broadcast_in_dim3A_156 = vector.broadcast %jit3A_154 : f32 to vector<1x256xf32>
    %broadcast_in_dim3A_157 = vector.broadcast %jit3A_155 : f32 to vector<1x256xf32>
    %select_n3A_158 = arith.select %and3A_153, %broadcast_in_dim3A_156, %broadcast_in_dim3A_157 : vector<1x256xi1>, vector<1x256xf32>
    %get3A_159 = arith.constant 6 : index
    %get3A_160 = memref.load %arg0[%get3A_159] : memref<16xi32, #tpu.memory_space<smem>>
    %add3A_161 = arith.constant 128 : i32
    %add3A_162 = arith.addi %get3A_160, %add3A_161 : i32
    %sub3A_163 = arith.constant 1 : i32
    %sub3A_164 = arith.subi %add3A_162, %sub3A_163 : i32
    %shift_right_arithmetic3A_165 = arith.constant 7 : i32
    %shift_right_arithmetic3A_166 = arith.shrsi %sub3A_164, %shift_right_arithmetic3A_165 : i32
    %get3A_167 = arith.constant 6 : index
    %get3A_168 = memref.load %arg1[%get3A_167] : memref<16xi32, #tpu.memory_space<smem>>
    %shift_right_arithmetic3A_169 = arith.constant 7 : i32
    %shift_right_arithmetic3A_170 = arith.shrsi %get3A_168, %shift_right_arithmetic3A_169 : i32
    %ge3A_171 = vector.broadcast %shift_right_arithmetic3A_166 : i32 to vector<1x256xi32>
    %ge3A_172 = arith.cmpi sge, %iota3A_26, %ge3A_171 : vector<1x256xi32>
    %lt3A_173 = vector.broadcast %shift_right_arithmetic3A_170 : i32 to vector<1x256xi32>
    %lt3A_174 = arith.cmpi slt, %iota3A_26, %lt3A_173 : vector<1x256xi32>
    %and3A_175 = arith.andi %ge3A_172, %lt3A_174 : vector<1x256xi1>
    %jit3A_176 = arith.constant 1.000000e+00 : f32
    %jit3A_177 = arith.constant 0.000000e+00 : f32
    %broadcast_in_dim3A_178 = vector.broadcast %jit3A_176 : f32 to vector<1x256xf32>
    %broadcast_in_dim3A_179 = vector.broadcast %jit3A_177 : f32 to vector<1x256xf32>
    %select_n3A_180 = arith.select %and3A_175, %broadcast_in_dim3A_178, %broadcast_in_dim3A_179 : vector<1x256xi1>, vector<1x256xf32>
    %get3A_181 = arith.constant 7 : index
    %get3A_182 = memref.load %arg0[%get3A_181] : memref<16xi32, #tpu.memory_space<smem>>
    %add3A_183 = arith.constant 128 : i32
    %add3A_184 = arith.addi %get3A_182, %add3A_183 : i32
    %sub3A_185 = arith.constant 1 : i32
    %sub3A_186 = arith.subi %add3A_184, %sub3A_185 : i32
    %shift_right_arithmetic3A_187 = arith.constant 7 : i32
    %shift_right_arithmetic3A_188 = arith.shrsi %sub3A_186, %shift_right_arithmetic3A_187 : i32
    %get3A_189 = arith.constant 7 : index
    %get3A_190 = memref.load %arg1[%get3A_189] : memref<16xi32, #tpu.memory_space<smem>>
    %shift_right_arithmetic3A_191 = arith.constant 7 : i32
    %shift_right_arithmetic3A_192 = arith.shrsi %get3A_190, %shift_right_arithmetic3A_191 : i32
    %ge3A_193 = vector.broadcast %shift_right_arithmetic3A_188 : i32 to vector<1x256xi32>
    %ge3A_194 = arith.cmpi sge, %iota3A_26, %ge3A_193 : vector<1x256xi32>
    %lt3A_195 = vector.broadcast %shift_right_arithmetic3A_192 : i32 to vector<1x256xi32>
    %lt3A_196 = arith.cmpi slt, %iota3A_26, %lt3A_195 : vector<1x256xi32>
    %and3A_197 = arith.andi %ge3A_194, %lt3A_196 : vector<1x256xi1>
    %jit3A_198 = arith.constant 1.000000e+00 : f32
    %jit3A_199 = arith.constant 0.000000e+00 : f32
    %broadcast_in_dim3A_200 = vector.broadcast %jit3A_198 : f32 to vector<1x256xf32>
    %broadcast_in_dim3A_201 = vector.broadcast %jit3A_199 : f32 to vector<1x256xf32>
    %select_n3A_202 = arith.select %and3A_197, %broadcast_in_dim3A_200, %broadcast_in_dim3A_201 : vector<1x256xi1>, vector<1x256xf32>
    %get3A_203 = arith.constant 8 : index
    %get3A_204 = memref.load %arg0[%get3A_203] : memref<16xi32, #tpu.memory_space<smem>>
    %add3A_205 = arith.constant 128 : i32
    %add3A_206 = arith.addi %get3A_204, %add3A_205 : i32
    %sub3A_207 = arith.constant 1 : i32
    %sub3A_208 = arith.subi %add3A_206, %sub3A_207 : i32
    %shift_right_arithmetic3A_209 = arith.constant 7 : i32
    %shift_right_arithmetic3A_210 = arith.shrsi %sub3A_208, %shift_right_arithmetic3A_209 : i32
    %get3A_211 = arith.constant 8 : index
    %get3A_212 = memref.load %arg1[%get3A_211] : memref<16xi32, #tpu.memory_space<smem>>
    %shift_right_arithmetic3A_213 = arith.constant 7 : i32
    %shift_right_arithmetic3A_214 = arith.shrsi %get3A_212, %shift_right_arithmetic3A_213 : i32
    %ge3A_215 = vector.broadcast %shift_right_arithmetic3A_210 : i32 to vector<1x256xi32>
    %ge3A_216 = arith.cmpi sge, %iota3A_26, %ge3A_215 : vector<1x256xi32>
    %lt3A_217 = vector.broadcast %shift_right_arithmetic3A_214 : i32 to vector<1x256xi32>
    %lt3A_218 = arith.cmpi slt, %iota3A_26, %lt3A_217 : vector<1x256xi32>
    %and3A_219 = arith.andi %ge3A_216, %lt3A_218 : vector<1x256xi1>
    %jit3A_220 = arith.constant 1.000000e+00 : f32
    %jit3A_221 = arith.constant 0.000000e+00 : f32
    %broadcast_in_dim3A_222 = vector.broadcast %jit3A_220 : f32 to vector<1x256xf32>
    %broadcast_in_dim3A_223 = vector.broadcast %jit3A_221 : f32 to vector<1x256xf32>
    %select_n3A_224 = arith.select %and3A_219, %broadcast_in_dim3A_222, %broadcast_in_dim3A_223 : vector<1x256xi1>, vector<1x256xf32>
    %get3A_225 = arith.constant 9 : index
    %get3A_226 = memref.load %arg0[%get3A_225] : memref<16xi32, #tpu.memory_space<smem>>
    %add3A_227 = arith.constant 128 : i32
    %add3A_228 = arith.addi %get3A_226, %add3A_227 : i32
    %sub3A_229 = arith.constant 1 : i32
    %sub3A_230 = arith.subi %add3A_228, %sub3A_229 : i32
    %shift_right_arithmetic3A_231 = arith.constant 7 : i32
    %shift_right_arithmetic3A_232 = arith.shrsi %sub3A_230, %shift_right_arithmetic3A_231 : i32
    %get3A_233 = arith.constant 9 : index
    %get3A_234 = memref.load %arg1[%get3A_233] : memref<16xi32, #tpu.memory_space<smem>>
    %shift_right_arithmetic3A_235 = arith.constant 7 : i32
    %shift_right_arithmetic3A_236 = arith.shrsi %get3A_234, %shift_right_arithmetic3A_235 : i32
    %ge3A_237 = vector.broadcast %shift_right_arithmetic3A_232 : i32 to vector<1x256xi32>
    %ge3A_238 = arith.cmpi sge, %iota3A_26, %ge3A_237 : vector<1x256xi32>
    %lt3A_239 = vector.broadcast %shift_right_arithmetic3A_236 : i32 to vector<1x256xi32>
    %lt3A_240 = arith.cmpi slt, %iota3A_26, %lt3A_239 : vector<1x256xi32>
    %and3A_241 = arith.andi %ge3A_238, %lt3A_240 : vector<1x256xi1>
    %jit3A_242 = arith.constant 1.000000e+00 : f32
    %jit3A_243 = arith.constant 0.000000e+00 : f32
    %broadcast_in_dim3A_244 = vector.broadcast %jit3A_242 : f32 to vector<1x256xf32>
    %broadcast_in_dim3A_245 = vector.broadcast %jit3A_243 : f32 to vector<1x256xf32>
    %select_n3A_246 = arith.select %and3A_241, %broadcast_in_dim3A_244, %broadcast_in_dim3A_245 : vector<1x256xi1>, vector<1x256xf32>
    %get3A_247 = arith.constant 10 : index
    %get3A_248 = memref.load %arg0[%get3A_247] : memref<16xi32, #tpu.memory_space<smem>>
    %add3A_249 = arith.constant 128 : i32
    %add3A_250 = arith.addi %get3A_248, %add3A_249 : i32
    %sub3A_251 = arith.constant 1 : i32
    %sub3A_252 = arith.subi %add3A_250, %sub3A_251 : i32
    %shift_right_arithmetic3A_253 = arith.constant 7 : i32
    %shift_right_arithmetic3A_254 = arith.shrsi %sub3A_252, %shift_right_arithmetic3A_253 : i32
    %get3A_255 = arith.constant 10 : index
    %get3A_256 = memref.load %arg1[%get3A_255] : memref<16xi32, #tpu.memory_space<smem>>
    %shift_right_arithmetic3A_257 = arith.constant 7 : i32
    %shift_right_arithmetic3A_258 = arith.shrsi %get3A_256, %shift_right_arithmetic3A_257 : i32
    %ge3A_259 = vector.broadcast %shift_right_arithmetic3A_254 : i32 to vector<1x256xi32>
    %ge3A_260 = arith.cmpi sge, %iota3A_26, %ge3A_259 : vector<1x256xi32>
    %lt3A_261 = vector.broadcast %shift_right_arithmetic3A_258 : i32 to vector<1x256xi32>
    %lt3A_262 = arith.cmpi slt, %iota3A_26, %lt3A_261 : vector<1x256xi32>
    %and3A_263 = arith.andi %ge3A_260, %lt3A_262 : vector<1x256xi1>
    %jit3A_264 = arith.constant 1.000000e+00 : f32
    %jit3A_265 = arith.constant 0.000000e+00 : f32
    %broadcast_in_dim3A_266 = vector.broadcast %jit3A_264 : f32 to vector<1x256xf32>
    %broadcast_in_dim3A_267 = vector.broadcast %jit3A_265 : f32 to vector<1x256xf32>
    %select_n3A_268 = arith.select %and3A_263, %broadcast_in_dim3A_266, %broadcast_in_dim3A_267 : vector<1x256xi1>, vector<1x256xf32>
    %get3A_269 = arith.constant 11 : index
    %get3A_270 = memref.load %arg0[%get3A_269] : memref<16xi32, #tpu.memory_space<smem>>
    %add3A_271 = arith.constant 128 : i32
    %add3A_272 = arith.addi %get3A_270, %add3A_271 : i32
    %sub3A_273 = arith.constant 1 : i32
    %sub3A_274 = arith.subi %add3A_272, %sub3A_273 : i32
    %shift_right_arithmetic3A_275 = arith.constant 7 : i32
    %shift_right_arithmetic3A_276 = arith.shrsi %sub3A_274, %shift_right_arithmetic3A_275 : i32
    %get3A_277 = arith.constant 11 : index
    %get3A_278 = memref.load %arg1[%get3A_277] : memref<16xi32, #tpu.memory_space<smem>>
    %shift_right_arithmetic3A_279 = arith.constant 7 : i32
    %shift_right_arithmetic3A_280 = arith.shrsi %get3A_278, %shift_right_arithmetic3A_279 : i32
    %ge3A_281 = vector.broadcast %shift_right_arithmetic3A_276 : i32 to vector<1x256xi32>
    %ge3A_282 = arith.cmpi sge, %iota3A_26, %ge3A_281 : vector<1x256xi32>
    %lt3A_283 = vector.broadcast %shift_right_arithmetic3A_280 : i32 to vector<1x256xi32>
    %lt3A_284 = arith.cmpi slt, %iota3A_26, %lt3A_283 : vector<1x256xi32>
    %and3A_285 = arith.andi %ge3A_282, %lt3A_284 : vector<1x256xi1>
    %jit3A_286 = arith.constant 1.000000e+00 : f32
    %jit3A_287 = arith.constant 0.000000e+00 : f32
    %broadcast_in_dim3A_288 = vector.broadcast %jit3A_286 : f32 to vector<1x256xf32>
    %broadcast_in_dim3A_289 = vector.broadcast %jit3A_287 : f32 to vector<1x256xf32>
    %select_n3A_290 = arith.select %and3A_285, %broadcast_in_dim3A_288, %broadcast_in_dim3A_289 : vector<1x256xi1>, vector<1x256xf32>
    %get3A_291 = arith.constant 12 : index
    %get3A_292 = memref.load %arg0[%get3A_291] : memref<16xi32, #tpu.memory_space<smem>>
    %add3A_293 = arith.constant 128 : i32
    %add3A_294 = arith.addi %get3A_292, %add3A_293 : i32
    %sub3A_295 = arith.constant 1 : i32
    %sub3A_296 = arith.subi %add3A_294, %sub3A_295 : i32
    %shift_right_arithmetic3A_297 = arith.constant 7 : i32
    %shift_right_arithmetic3A_298 = arith.shrsi %sub3A_296, %shift_right_arithmetic3A_297 : i32
    %get3A_299 = arith.constant 12 : index
    %get3A_300 = memref.load %arg1[%get3A_299] : memref<16xi32, #tpu.memory_space<smem>>
    %shift_right_arithmetic3A_301 = arith.constant 7 : i32
    %shift_right_arithmetic3A_302 = arith.shrsi %get3A_300, %shift_right_arithmetic3A_301 : i32
    %ge3A_303 = vector.broadcast %shift_right_arithmetic3A_298 : i32 to vector<1x256xi32>
    %ge3A_304 = arith.cmpi sge, %iota3A_26, %ge3A_303 : vector<1x256xi32>
    %lt3A_305 = vector.broadcast %shift_right_arithmetic3A_302 : i32 to vector<1x256xi32>
    %lt3A_306 = arith.cmpi slt, %iota3A_26, %lt3A_305 : vector<1x256xi32>
    %and3A_307 = arith.andi %ge3A_304, %lt3A_306 : vector<1x256xi1>
    %jit3A_308 = arith.constant 1.000000e+00 : f32
    %jit3A_309 = arith.constant 0.000000e+00 : f32
    %broadcast_in_dim3A_310 = vector.broadcast %jit3A_308 : f32 to vector<1x256xf32>
    %broadcast_in_dim3A_311 = vector.broadcast %jit3A_309 : f32 to vector<1x256xf32>
    %select_n3A_312 = arith.select %and3A_307, %broadcast_in_dim3A_310, %broadcast_in_dim3A_311 : vector<1x256xi1>, vector<1x256xf32>
    %get3A_313 = arith.constant 13 : index
    %get3A_314 = memref.load %arg0[%get3A_313] : memref<16xi32, #tpu.memory_space<smem>>
    %add3A_315 = arith.constant 128 : i32
    %add3A_316 = arith.addi %get3A_314, %add3A_315 : i32
    %sub3A_317 = arith.constant 1 : i32
    %sub3A_318 = arith.subi %add3A_316, %sub3A_317 : i32
    %shift_right_arithmetic3A_319 = arith.constant 7 : i32
    %shift_right_arithmetic3A_320 = arith.shrsi %sub3A_318, %shift_right_arithmetic3A_319 : i32
    %get3A_321 = arith.constant 13 : index
    %get3A_322 = memref.load %arg1[%get3A_321] : memref<16xi32, #tpu.memory_space<smem>>
    %shift_right_arithmetic3A_323 = arith.constant 7 : i32
    %shift_right_arithmetic3A_324 = arith.shrsi %get3A_322, %shift_right_arithmetic3A_323 : i32
    %ge3A_325 = vector.broadcast %shift_right_arithmetic3A_320 : i32 to vector<1x256xi32>
    %ge3A_326 = arith.cmpi sge, %iota3A_26, %ge3A_325 : vector<1x256xi32>
    %lt3A_327 = vector.broadcast %shift_right_arithmetic3A_324 : i32 to vector<1x256xi32>
    %lt3A_328 = arith.cmpi slt, %iota3A_26, %lt3A_327 : vector<1x256xi32>
    %and3A_329 = arith.andi %ge3A_326, %lt3A_328 : vector<1x256xi1>
    %jit3A_330 = arith.constant 1.000000e+00 : f32
    %jit3A_331 = arith.constant 0.000000e+00 : f32
    %broadcast_in_dim3A_332 = vector.broadcast %jit3A_330 : f32 to vector<1x256xf32>
    %broadcast_in_dim3A_333 = vector.broadcast %jit3A_331 : f32 to vector<1x256xf32>
    %select_n3A_334 = arith.select %and3A_329, %broadcast_in_dim3A_332, %broadcast_in_dim3A_333 : vector<1x256xi1>, vector<1x256xf32>
    %get3A_335 = arith.constant 14 : index
    %get3A_336 = memref.load %arg0[%get3A_335] : memref<16xi32, #tpu.memory_space<smem>>
    %add3A_337 = arith.constant 128 : i32
    %add3A_338 = arith.addi %get3A_336, %add3A_337 : i32
    %sub3A_339 = arith.constant 1 : i32
    %sub3A_340 = arith.subi %add3A_338, %sub3A_339 : i32
    %shift_right_arithmetic3A_341 = arith.constant 7 : i32
    %shift_right_arithmetic3A_342 = arith.shrsi %sub3A_340, %shift_right_arithmetic3A_341 : i32
    %get3A_343 = arith.constant 14 : index
    %get3A_344 = memref.load %arg1[%get3A_343] : memref<16xi32, #tpu.memory_space<smem>>
    %shift_right_arithmetic3A_345 = arith.constant 7 : i32
    %shift_right_arithmetic3A_346 = arith.shrsi %get3A_344, %shift_right_arithmetic3A_345 : i32
    %ge3A_347 = vector.broadcast %shift_right_arithmetic3A_342 : i32 to vector<1x256xi32>
    %ge3A_348 = arith.cmpi sge, %iota3A_26, %ge3A_347 : vector<1x256xi32>
    %lt3A_349 = vector.broadcast %shift_right_arithmetic3A_346 : i32 to vector<1x256xi32>
    %lt3A_350 = arith.cmpi slt, %iota3A_26, %lt3A_349 : vector<1x256xi32>
    %and3A_351 = arith.andi %ge3A_348, %lt3A_350 : vector<1x256xi1>
    %jit3A_352 = arith.constant 1.000000e+00 : f32
    %jit3A_353 = arith.constant 0.000000e+00 : f32
    %broadcast_in_dim3A_354 = vector.broadcast %jit3A_352 : f32 to vector<1x256xf32>
    %broadcast_in_dim3A_355 = vector.broadcast %jit3A_353 : f32 to vector<1x256xf32>
    %select_n3A_356 = arith.select %and3A_351, %broadcast_in_dim3A_354, %broadcast_in_dim3A_355 : vector<1x256xi1>, vector<1x256xf32>
    %get3A_357 = arith.constant 15 : index
    %get3A_358 = memref.load %arg0[%get3A_357] : memref<16xi32, #tpu.memory_space<smem>>
    %add3A_359 = arith.constant 128 : i32
    %add3A_360 = arith.addi %get3A_358, %add3A_359 : i32
    %sub3A_361 = arith.constant 1 : i32
    %sub3A_362 = arith.subi %add3A_360, %sub3A_361 : i32
    %shift_right_arithmetic3A_363 = arith.constant 7 : i32
    %shift_right_arithmetic3A_364 = arith.shrsi %sub3A_362, %shift_right_arithmetic3A_363 : i32
    %get3A_365 = arith.constant 15 : index
    %get3A_366 = memref.load %arg1[%get3A_365] : memref<16xi32, #tpu.memory_space<smem>>
    %shift_right_arithmetic3A_367 = arith.constant 7 : i32
    %shift_right_arithmetic3A_368 = arith.shrsi %get3A_366, %shift_right_arithmetic3A_367 : i32
    %ge3A_369 = vector.broadcast %shift_right_arithmetic3A_364 : i32 to vector<1x256xi32>
    %ge3A_370 = arith.cmpi sge, %iota3A_26, %ge3A_369 : vector<1x256xi32>
    %lt3A_371 = vector.broadcast %shift_right_arithmetic3A_368 : i32 to vector<1x256xi32>
    %lt3A_372 = arith.cmpi slt, %iota3A_26, %lt3A_371 : vector<1x256xi32>
    %and3A_373 = arith.andi %ge3A_370, %lt3A_372 : vector<1x256xi1>
    %jit3A_374 = arith.constant 1.000000e+00 : f32
    %jit3A_375 = arith.constant 0.000000e+00 : f32
    %broadcast_in_dim3A_376 = vector.broadcast %jit3A_374 : f32 to vector<1x256xf32>
    %broadcast_in_dim3A_377 = vector.broadcast %jit3A_375 : f32 to vector<1x256xf32>
    %select_n3A_378 = arith.select %and3A_373, %broadcast_in_dim3A_376, %broadcast_in_dim3A_377 : vector<1x256xi1>, vector<1x256xf32>
    %concatenate3A_379 = tpu.concatenate %select_n3A_48, %select_n3A_70, %select_n3A_92, %select_n3A_114, %select_n3A_136, %select_n3A_158, %select_n3A_180, %select_n3A_202, %select_n3A_224, %select_n3A_246, %select_n3A_268, %select_n3A_290, %select_n3A_312, %select_n3A_334, %select_n3A_356, %select_n3A_378 in 0 : vector<1x256xf32>, vector<1x256xf32>, vector<1x256xf32>, vector<1x256xf32>, vector<1x256xf32>, vector<1x256xf32>, vector<1x256xf32>, vector<1x256xf32>, vector<1x256xf32>, vector<1x256xf32>, vector<1x256xf32>, vector<1x256xf32>, vector<1x256xf32>, vector<1x256xf32>, vector<1x256xf32>, vector<1x256xf32> -> vector<16x256xf32>
    %dot_general3A = arith.constant dense<0.000000e+00> : vector<16x256xf32>
    %dot_general3A_380 = tpu.matmul %concatenate3A_379, %select_n3A, %dot_general3A {dimension_numbers = #tpu.dot_dimension_numbers<[1], [0], [0], [1], [0, 0, 1, 1], [], []>, precision = #tpu.contract_precision<fp32>, transpose_lhs_hint = false} : vector<16x256xf32>, vector<256x256xf32>, vector<16x256xf32> -> vector<16x256xf32>
    %get3A_381 = arith.constant 0 : index
    %get3A_382 = memref.load %arg1[%get3A_381] : memref<16xi32, #tpu.memory_space<smem>>
    %get3A_383 = arith.constant 0 : index
    %get3A_384 = memref.load %arg0[%get3A_383] : memref<16xi32, #tpu.memory_space<smem>>
    %sub3A_385 = arith.subi %get3A_382, %get3A_384 : i32
    %max3A = arith.constant 1 : i32
    %max3A_386 = arith.maxsi %sub3A_385, %max3A : i32
    %convert_element_type3A = arith.sitofp %max3A_386 : i32 to f32
    %div3A = arith.constant 1.000000e+00 : f32
    %div3A_387 = arith.divf %div3A, %convert_element_type3A : f32
    %slice3A_388 = vector.extract_strided_slice %dot_general3A_380 {offsets = [0, 0], sizes = [1, 256], strides = [1, 1]} : vector<16x256xf32> to vector<1x256xf32>
    %squeeze3A = vector.shape_cast %slice3A_388 : vector<1x256xf32> to vector<256xf32>
    %get3A_389 = arith.constant 0 : index
    %get3A_390 = arith.constant 0 : index
    %get3A_391 = vector.load %arg4[%get3A_389, %get3A_390] : memref<16x256xf32, #tpu.memory_space<vmem>>, vector<1x256xf32>
    %get3A_392 = vector.shape_cast %get3A_391 : vector<1x256xf32> to vector<256xf32>
    %add3A_393 = arith.addf %squeeze3A, %get3A_392 : vector<256xf32>
    %mul3A = vector.broadcast %div3A_387 : f32 to vector<256xf32>
    %mul3A_394 = arith.mulf %add3A_393, %mul3A : vector<256xf32>
    %swap3A = arith.constant 0 : index
    %swap3A_395 = arith.constant 0 : index
    %swap3A_396 = vector.load %arg5[%swap3A, %swap3A_395] : memref<16x256xf32, #tpu.memory_space<vmem>>, vector<1x256xf32>
    %swap3A_397 = vector.shape_cast %swap3A_396 : vector<1x256xf32> to vector<256xf32>
    %swap3A_398 = vector.shape_cast %mul3A_394 : vector<256xf32> to vector<1x256xf32>
    tpu.vector_store %arg5[%swap3A, %swap3A_395], %swap3A_398 {strides = array<i32>} : memref<16x256xf32, #tpu.memory_space<vmem>>, vector<1x256xf32>,
    %get3A_399 = arith.constant 1 : index
    %get3A_400 = memref.load %arg1[%get3A_399] : memref<16xi32, #tpu.memory_space<smem>>
    %get3A_401 = arith.constant 1 : index
    %get3A_402 = memref.load %arg0[%get3A_401] : memref<16xi32, #tpu.memory_space<smem>>
    %sub3A_403 = arith.subi %get3A_400, %get3A_402 : i32
    %max3A_404 = arith.constant 1 : i32
    %max3A_405 = arith.maxsi %sub3A_403, %max3A_404 : i32
    %convert_element_type3A_406 = arith.sitofp %max3A_405 : i32 to f32
    %div3A_407 = arith.constant 1.000000e+00 : f32
    %div3A_408 = arith.divf %div3A_407, %convert_element_type3A_406 : f32
    %slice3A_409 = vector.extract_strided_slice %dot_general3A_380 {offsets = [1, 0], sizes = [1, 256], strides = [1, 1]} : vector<16x256xf32> to vector<1x256xf32>
    %squeeze3A_410 = vector.shape_cast %slice3A_409 : vector<1x256xf32> to vector<256xf32>
    %get3A_411 = arith.constant 1 : index
    %get3A_412 = arith.constant 0 : index
    %get3A_413 = vector.load %arg4[%get3A_411, %get3A_412] : memref<16x256xf32, #tpu.memory_space<vmem>>, vector<1x256xf32>
    %get3A_414 = vector.shape_cast %get3A_413 : vector<1x256xf32> to vector<256xf32>
    %add3A_415 = arith.addf %squeeze3A_410, %get3A_414 : vector<256xf32>
    %mul3A_416 = vector.broadcast %div3A_408 : f32 to vector<256xf32>
    %mul3A_417 = arith.mulf %add3A_415, %mul3A_416 : vector<256xf32>
    %swap3A_418 = arith.constant 1 : index
    %swap3A_419 = arith.constant 0 : index
    %swap3A_420 = vector.load %arg5[%swap3A_418, %swap3A_419] : memref<16x256xf32, #tpu.memory_space<vmem>>, vector<1x256xf32>
    %swap3A_421 = vector.shape_cast %swap3A_420 : vector<1x256xf32> to vector<256xf32>
    %swap3A_422 = vector.shape_cast %mul3A_417 : vector<256xf32> to vector<1x256xf32>
    tpu.vector_store %arg5[%swap3A_418, %swap3A_419], %swap3A_422 {strides = array<i32>} : memref<16x256xf32, #tpu.memory_space<vmem>>, vector<1x256xf32>,
    %get3A_423 = arith.constant 2 : index
    %get3A_424 = memref.load %arg1[%get3A_423] : memref<16xi32, #tpu.memory_space<smem>>
    %get3A_425 = arith.constant 2 : index
    %get3A_426 = memref.load %arg0[%get3A_425] : memref<16xi32, #tpu.memory_space<smem>>
    %sub3A_427 = arith.subi %get3A_424, %get3A_426 : i32
    %max3A_428 = arith.constant 1 : i32
    %max3A_429 = arith.maxsi %sub3A_427, %max3A_428 : i32
    %convert_element_type3A_430 = arith.sitofp %max3A_429 : i32 to f32
    %div3A_431 = arith.constant 1.000000e+00 : f32
    %div3A_432 = arith.divf %div3A_431, %convert_element_type3A_430 : f32
    %slice3A_433 = vector.extract_strided_slice %dot_general3A_380 {offsets = [2, 0], sizes = [1, 256], strides = [1, 1]} : vector<16x256xf32> to vector<1x256xf32>
    %squeeze3A_434 = vector.shape_cast %slice3A_433 : vector<1x256xf32> to vector<256xf32>
    %get3A_435 = arith.constant 2 : index
    %get3A_436 = arith.constant 0 : index
    %get3A_437 = vector.load %arg4[%get3A_435, %get3A_436] : memref<16x256xf32, #tpu.memory_space<vmem>>, vector<1x256xf32>
    %get3A_438 = vector.shape_cast %get3A_437 : vector<1x256xf32> to vector<256xf32>
    %add3A_439 = arith.addf %squeeze3A_434, %get3A_438 : vector<256xf32>
    %mul3A_440 = vector.broadcast %div3A_432 : f32 to vector<256xf32>
    %mul3A_441 = arith.mulf %add3A_439, %mul3A_440 : vector<256xf32>
    %swap3A_442 = arith.constant 2 : index
    %swap3A_443 = arith.constant 0 : index
    %swap3A_444 = vector.load %arg5[%swap3A_442, %swap3A_443] : memref<16x256xf32, #tpu.memory_space<vmem>>, vector<1x256xf32>
    %swap3A_445 = vector.shape_cast %swap3A_444 : vector<1x256xf32> to vector<256xf32>
    %swap3A_446 = vector.shape_cast %mul3A_441 : vector<256xf32> to vector<1x256xf32>
    tpu.vector_store %arg5[%swap3A_442, %swap3A_443], %swap3A_446 {strides = array<i32>} : memref<16x256xf32, #tpu.memory_space<vmem>>, vector<1x256xf32>,
    %get3A_447 = arith.constant 3 : index
    %get3A_448 = memref.load %arg1[%get3A_447] : memref<16xi32, #tpu.memory_space<smem>>
    %get3A_449 = arith.constant 3 : index
    %get3A_450 = memref.load %arg0[%get3A_449] : memref<16xi32, #tpu.memory_space<smem>>
    %sub3A_451 = arith.subi %get3A_448, %get3A_450 : i32
    %max3A_452 = arith.constant 1 : i32
    %max3A_453 = arith.maxsi %sub3A_451, %max3A_452 : i32
    %convert_element_type3A_454 = arith.sitofp %max3A_453 : i32 to f32
    %div3A_455 = arith.constant 1.000000e+00 : f32
    %div3A_456 = arith.divf %div3A_455, %convert_element_type3A_454 : f32
    %slice3A_457 = vector.extract_strided_slice %dot_general3A_380 {offsets = [3, 0], sizes = [1, 256], strides = [1, 1]} : vector<16x256xf32> to vector<1x256xf32>
    %squeeze3A_458 = vector.shape_cast %slice3A_457 : vector<1x256xf32> to vector<256xf32>
    %get3A_459 = arith.constant 3 : index
    %get3A_460 = arith.constant 0 : index
    %get3A_461 = vector.load %arg4[%get3A_459, %get3A_460] : memref<16x256xf32, #tpu.memory_space<vmem>>, vector<1x256xf32>
    %get3A_462 = vector.shape_cast %get3A_461 : vector<1x256xf32> to vector<256xf32>
    %add3A_463 = arith.addf %squeeze3A_458, %get3A_462 : vector<256xf32>
    %mul3A_464 = vector.broadcast %div3A_456 : f32 to vector<256xf32>
    %mul3A_465 = arith.mulf %add3A_463, %mul3A_464 : vector<256xf32>
    %swap3A_466 = arith.constant 3 : index
    %swap3A_467 = arith.constant 0 : index
    %swap3A_468 = vector.load %arg5[%swap3A_466, %swap3A_467] : memref<16x256xf32, #tpu.memory_space<vmem>>, vector<1x256xf32>
    %swap3A_469 = vector.shape_cast %swap3A_468 : vector<1x256xf32> to vector<256xf32>
    %swap3A_470 = vector.shape_cast %mul3A_465 : vector<256xf32> to vector<1x256xf32>
    tpu.vector_store %arg5[%swap3A_466, %swap3A_467], %swap3A_470 {strides = array<i32>} : memref<16x256xf32, #tpu.memory_space<vmem>>, vector<1x256xf32>,
    %get3A_471 = arith.constant 4 : index
    %get3A_472 = memref.load %arg1[%get3A_471] : memref<16xi32, #tpu.memory_space<smem>>
    %get3A_473 = arith.constant 4 : index
    %get3A_474 = memref.load %arg0[%get3A_473] : memref<16xi32, #tpu.memory_space<smem>>
    %sub3A_475 = arith.subi %get3A_472, %get3A_474 : i32
    %max3A_476 = arith.constant 1 : i32
    %max3A_477 = arith.maxsi %sub3A_475, %max3A_476 : i32
    %convert_element_type3A_478 = arith.sitofp %max3A_477 : i32 to f32
    %div3A_479 = arith.constant 1.000000e+00 : f32
    %div3A_480 = arith.divf %div3A_479, %convert_element_type3A_478 : f32
    %slice3A_481 = vector.extract_strided_slice %dot_general3A_380 {offsets = [4, 0], sizes = [1, 256], strides = [1, 1]} : vector<16x256xf32> to vector<1x256xf32>
    %squeeze3A_482 = vector.shape_cast %slice3A_481 : vector<1x256xf32> to vector<256xf32>
    %get3A_483 = arith.constant 4 : index
    %get3A_484 = arith.constant 0 : index
    %get3A_485 = vector.load %arg4[%get3A_483, %get3A_484] : memref<16x256xf32, #tpu.memory_space<vmem>>, vector<1x256xf32>
    %get3A_486 = vector.shape_cast %get3A_485 : vector<1x256xf32> to vector<256xf32>
    %add3A_487 = arith.addf %squeeze3A_482, %get3A_486 : vector<256xf32>
    %mul3A_488 = vector.broadcast %div3A_480 : f32 to vector<256xf32>
    %mul3A_489 = arith.mulf %add3A_487, %mul3A_488 : vector<256xf32>
    %swap3A_490 = arith.constant 4 : index
    %swap3A_491 = arith.constant 0 : index
    %swap3A_492 = vector.load %arg5[%swap3A_490, %swap3A_491] : memref<16x256xf32, #tpu.memory_space<vmem>>, vector<1x256xf32>
    %swap3A_493 = vector.shape_cast %swap3A_492 : vector<1x256xf32> to vector<256xf32>
    %swap3A_494 = vector.shape_cast %mul3A_489 : vector<256xf32> to vector<1x256xf32>
    tpu.vector_store %arg5[%swap3A_490, %swap3A_491], %swap3A_494 {strides = array<i32>} : memref<16x256xf32, #tpu.memory_space<vmem>>, vector<1x256xf32>,
    %get3A_495 = arith.constant 5 : index
    %get3A_496 = memref.load %arg1[%get3A_495] : memref<16xi32, #tpu.memory_space<smem>>
    %get3A_497 = arith.constant 5 : index
    %get3A_498 = memref.load %arg0[%get3A_497] : memref<16xi32, #tpu.memory_space<smem>>
    %sub3A_499 = arith.subi %get3A_496, %get3A_498 : i32
    %max3A_500 = arith.constant 1 : i32
    %max3A_501 = arith.maxsi %sub3A_499, %max3A_500 : i32
    %convert_element_type3A_502 = arith.sitofp %max3A_501 : i32 to f32
    %div3A_503 = arith.constant 1.000000e+00 : f32
    %div3A_504 = arith.divf %div3A_503, %convert_element_type3A_502 : f32
    %slice3A_505 = vector.extract_strided_slice %dot_general3A_380 {offsets = [5, 0], sizes = [1, 256], strides = [1, 1]} : vector<16x256xf32> to vector<1x256xf32>
    %squeeze3A_506 = vector.shape_cast %slice3A_505 : vector<1x256xf32> to vector<256xf32>
    %get3A_507 = arith.constant 5 : index
    %get3A_508 = arith.constant 0 : index
    %get3A_509 = vector.load %arg4[%get3A_507, %get3A_508] : memref<16x256xf32, #tpu.memory_space<vmem>>, vector<1x256xf32>
    %get3A_510 = vector.shape_cast %get3A_509 : vector<1x256xf32> to vector<256xf32>
    %add3A_511 = arith.addf %squeeze3A_506, %get3A_510 : vector<256xf32>
    %mul3A_512 = vector.broadcast %div3A_504 : f32 to vector<256xf32>
    %mul3A_513 = arith.mulf %add3A_511, %mul3A_512 : vector<256xf32>
    %swap3A_514 = arith.constant 5 : index
    %swap3A_515 = arith.constant 0 : index
    %swap3A_516 = vector.load %arg5[%swap3A_514, %swap3A_515] : memref<16x256xf32, #tpu.memory_space<vmem>>, vector<1x256xf32>
    %swap3A_517 = vector.shape_cast %swap3A_516 : vector<1x256xf32> to vector<256xf32>
    %swap3A_518 = vector.shape_cast %mul3A_513 : vector<256xf32> to vector<1x256xf32>
    tpu.vector_store %arg5[%swap3A_514, %swap3A_515], %swap3A_518 {strides = array<i32>} : memref<16x256xf32, #tpu.memory_space<vmem>>, vector<1x256xf32>,
    %get3A_519 = arith.constant 6 : index
    %get3A_520 = memref.load %arg1[%get3A_519] : memref<16xi32, #tpu.memory_space<smem>>
    %get3A_521 = arith.constant 6 : index
    %get3A_522 = memref.load %arg0[%get3A_521] : memref<16xi32, #tpu.memory_space<smem>>
    %sub3A_523 = arith.subi %get3A_520, %get3A_522 : i32
    %max3A_524 = arith.constant 1 : i32
    %max3A_525 = arith.maxsi %sub3A_523, %max3A_524 : i32
    %convert_element_type3A_526 = arith.sitofp %max3A_525 : i32 to f32
    %div3A_527 = arith.constant 1.000000e+00 : f32
    %div3A_528 = arith.divf %div3A_527, %convert_element_type3A_526 : f32
    %slice3A_529 = vector.extract_strided_slice %dot_general3A_380 {offsets = [6, 0], sizes = [1, 256], strides = [1, 1]} : vector<16x256xf32> to vector<1x256xf32>
    %squeeze3A_530 = vector.shape_cast %slice3A_529 : vector<1x256xf32> to vector<256xf32>
    %get3A_531 = arith.constant 6 : index
    %get3A_532 = arith.constant 0 : index
    %get3A_533 = vector.load %arg4[%get3A_531, %get3A_532] : memref<16x256xf32, #tpu.memory_space<vmem>>, vector<1x256xf32>
    %get3A_534 = vector.shape_cast %get3A_533 : vector<1x256xf32> to vector<256xf32>
    %add3A_535 = arith.addf %squeeze3A_530, %get3A_534 : vector<256xf32>
    %mul3A_536 = vector.broadcast %div3A_528 : f32 to vector<256xf32>
    %mul3A_537 = arith.mulf %add3A_535, %mul3A_536 : vector<256xf32>
    %swap3A_538 = arith.constant 6 : index
    %swap3A_539 = arith.constant 0 : index
    %swap3A_540 = vector.load %arg5[%swap3A_538, %swap3A_539] : memref<16x256xf32, #tpu.memory_space<vmem>>, vector<1x256xf32>
    %swap3A_541 = vector.shape_cast %swap3A_540 : vector<1x256xf32> to vector<256xf32>
    %swap3A_542 = vector.shape_cast %mul3A_537 : vector<256xf32> to vector<1x256xf32>
    tpu.vector_store %arg5[%swap3A_538, %swap3A_539], %swap3A_542 {strides = array<i32>} : memref<16x256xf32, #tpu.memory_space<vmem>>, vector<1x256xf32>,
    %get3A_543 = arith.constant 7 : index
    %get3A_544 = memref.load %arg1[%get3A_543] : memref<16xi32, #tpu.memory_space<smem>>
    %get3A_545 = arith.constant 7 : index
    %get3A_546 = memref.load %arg0[%get3A_545] : memref<16xi32, #tpu.memory_space<smem>>
    %sub3A_547 = arith.subi %get3A_544, %get3A_546 : i32
    %max3A_548 = arith.constant 1 : i32
    %max3A_549 = arith.maxsi %sub3A_547, %max3A_548 : i32
    %convert_element_type3A_550 = arith.sitofp %max3A_549 : i32 to f32
    %div3A_551 = arith.constant 1.000000e+00 : f32
    %div3A_552 = arith.divf %div3A_551, %convert_element_type3A_550 : f32
    %slice3A_553 = vector.extract_strided_slice %dot_general3A_380 {offsets = [7, 0], sizes = [1, 256], strides = [1, 1]} : vector<16x256xf32> to vector<1x256xf32>
    %squeeze3A_554 = vector.shape_cast %slice3A_553 : vector<1x256xf32> to vector<256xf32>
    %get3A_555 = arith.constant 7 : index
    %get3A_556 = arith.constant 0 : index
    %get3A_557 = vector.load %arg4[%get3A_555, %get3A_556] : memref<16x256xf32, #tpu.memory_space<vmem>>, vector<1x256xf32>
    %get3A_558 = vector.shape_cast %get3A_557 : vector<1x256xf32> to vector<256xf32>
    %add3A_559 = arith.addf %squeeze3A_554, %get3A_558 : vector<256xf32>
    %mul3A_560 = vector.broadcast %div3A_552 : f32 to vector<256xf32>
    %mul3A_561 = arith.mulf %add3A_559, %mul3A_560 : vector<256xf32>
    %swap3A_562 = arith.constant 7 : index
    %swap3A_563 = arith.constant 0 : index
    %swap3A_564 = vector.load %arg5[%swap3A_562, %swap3A_563] : memref<16x256xf32, #tpu.memory_space<vmem>>, vector<1x256xf32>
    %swap3A_565 = vector.shape_cast %swap3A_564 : vector<1x256xf32> to vector<256xf32>
    %swap3A_566 = vector.shape_cast %mul3A_561 : vector<256xf32> to vector<1x256xf32>
    tpu.vector_store %arg5[%swap3A_562, %swap3A_563], %swap3A_566 {strides = array<i32>} : memref<16x256xf32, #tpu.memory_space<vmem>>, vector<1x256xf32>,
    %get3A_567 = arith.constant 8 : index
    %get3A_568 = memref.load %arg1[%get3A_567] : memref<16xi32, #tpu.memory_space<smem>>
    %get3A_569 = arith.constant 8 : index
    %get3A_570 = memref.load %arg0[%get3A_569] : memref<16xi32, #tpu.memory_space<smem>>
    %sub3A_571 = arith.subi %get3A_568, %get3A_570 : i32
    %max3A_572 = arith.constant 1 : i32
    %max3A_573 = arith.maxsi %sub3A_571, %max3A_572 : i32
    %convert_element_type3A_574 = arith.sitofp %max3A_573 : i32 to f32
    %div3A_575 = arith.constant 1.000000e+00 : f32
    %div3A_576 = arith.divf %div3A_575, %convert_element_type3A_574 : f32
    %slice3A_577 = vector.extract_strided_slice %dot_general3A_380 {offsets = [8, 0], sizes = [1, 256], strides = [1, 1]} : vector<16x256xf32> to vector<1x256xf32>
    %squeeze3A_578 = vector.shape_cast %slice3A_577 : vector<1x256xf32> to vector<256xf32>
    %get3A_579 = arith.constant 8 : index
    %get3A_580 = arith.constant 0 : index
    %get3A_581 = vector.load %arg4[%get3A_579, %get3A_580] : memref<16x256xf32, #tpu.memory_space<vmem>>, vector<1x256xf32>
    %get3A_582 = vector.shape_cast %get3A_581 : vector<1x256xf32> to vector<256xf32>
    %add3A_583 = arith.addf %squeeze3A_578, %get3A_582 : vector<256xf32>
    %mul3A_584 = vector.broadcast %div3A_576 : f32 to vector<256xf32>
    %mul3A_585 = arith.mulf %add3A_583, %mul3A_584 : vector<256xf32>
    %swap3A_586 = arith.constant 8 : index
    %swap3A_587 = arith.constant 0 : index
    %swap3A_588 = vector.load %arg5[%swap3A_586, %swap3A_587] : memref<16x256xf32, #tpu.memory_space<vmem>>, vector<1x256xf32>
    %swap3A_589 = vector.shape_cast %swap3A_588 : vector<1x256xf32> to vector<256xf32>
    %swap3A_590 = vector.shape_cast %mul3A_585 : vector<256xf32> to vector<1x256xf32>
    tpu.vector_store %arg5[%swap3A_586, %swap3A_587], %swap3A_590 {strides = array<i32>} : memref<16x256xf32, #tpu.memory_space<vmem>>, vector<1x256xf32>,
    %get3A_591 = arith.constant 9 : index
    %get3A_592 = memref.load %arg1[%get3A_591] : memref<16xi32, #tpu.memory_space<smem>>
    %get3A_593 = arith.constant 9 : index
    %get3A_594 = memref.load %arg0[%get3A_593] : memref<16xi32, #tpu.memory_space<smem>>
    %sub3A_595 = arith.subi %get3A_592, %get3A_594 : i32
    %max3A_596 = arith.constant 1 : i32
    %max3A_597 = arith.maxsi %sub3A_595, %max3A_596 : i32
    %convert_element_type3A_598 = arith.sitofp %max3A_597 : i32 to f32
    %div3A_599 = arith.constant 1.000000e+00 : f32
    %div3A_600 = arith.divf %div3A_599, %convert_element_type3A_598 : f32
    %slice3A_601 = vector.extract_strided_slice %dot_general3A_380 {offsets = [9, 0], sizes = [1, 256], strides = [1, 1]} : vector<16x256xf32> to vector<1x256xf32>
    %squeeze3A_602 = vector.shape_cast %slice3A_601 : vector<1x256xf32> to vector<256xf32>
    %get3A_603 = arith.constant 9 : index
    %get3A_604 = arith.constant 0 : index
    %get3A_605 = vector.load %arg4[%get3A_603, %get3A_604] : memref<16x256xf32, #tpu.memory_space<vmem>>, vector<1x256xf32>
    %get3A_606 = vector.shape_cast %get3A_605 : vector<1x256xf32> to vector<256xf32>
    %add3A_607 = arith.addf %squeeze3A_602, %get3A_606 : vector<256xf32>
    %mul3A_608 = vector.broadcast %div3A_600 : f32 to vector<256xf32>
    %mul3A_609 = arith.mulf %add3A_607, %mul3A_608 : vector<256xf32>
    %swap3A_610 = arith.constant 9 : index
    %swap3A_611 = arith.constant 0 : index
    %swap3A_612 = vector.load %arg5[%swap3A_610, %swap3A_611] : memref<16x256xf32, #tpu.memory_space<vmem>>, vector<1x256xf32>
    %swap3A_613 = vector.shape_cast %swap3A_612 : vector<1x256xf32> to vector<256xf32>
    %swap3A_614 = vector.shape_cast %mul3A_609 : vector<256xf32> to vector<1x256xf32>
    tpu.vector_store %arg5[%swap3A_610, %swap3A_611], %swap3A_614 {strides = array<i32>} : memref<16x256xf32, #tpu.memory_space<vmem>>, vector<1x256xf32>,
    %get3A_615 = arith.constant 10 : index
    %get3A_616 = memref.load %arg1[%get3A_615] : memref<16xi32, #tpu.memory_space<smem>>
    %get3A_617 = arith.constant 10 : index
    %get3A_618 = memref.load %arg0[%get3A_617] : memref<16xi32, #tpu.memory_space<smem>>
    %sub3A_619 = arith.subi %get3A_616, %get3A_618 : i32
    %max3A_620 = arith.constant 1 : i32
    %max3A_621 = arith.maxsi %sub3A_619, %max3A_620 : i32
    %convert_element_type3A_622 = arith.sitofp %max3A_621 : i32 to f32
    %div3A_623 = arith.constant 1.000000e+00 : f32
    %div3A_624 = arith.divf %div3A_623, %convert_element_type3A_622 : f32
    %slice3A_625 = vector.extract_strided_slice %dot_general3A_380 {offsets = [10, 0], sizes = [1, 256], strides = [1, 1]} : vector<16x256xf32> to vector<1x256xf32>
    %squeeze3A_626 = vector.shape_cast %slice3A_625 : vector<1x256xf32> to vector<256xf32>
    %get3A_627 = arith.constant 10 : index
    %get3A_628 = arith.constant 0 : index
    %get3A_629 = vector.load %arg4[%get3A_627, %get3A_628] : memref<16x256xf32, #tpu.memory_space<vmem>>, vector<1x256xf32>
    %get3A_630 = vector.shape_cast %get3A_629 : vector<1x256xf32> to vector<256xf32>
    %add3A_631 = arith.addf %squeeze3A_626, %get3A_630 : vector<256xf32>
    %mul3A_632 = vector.broadcast %div3A_624 : f32 to vector<256xf32>
    %mul3A_633 = arith.mulf %add3A_631, %mul3A_632 : vector<256xf32>
    %swap3A_634 = arith.constant 10 : index
    %swap3A_635 = arith.constant 0 : index
    %swap3A_636 = vector.load %arg5[%swap3A_634, %swap3A_635] : memref<16x256xf32, #tpu.memory_space<vmem>>, vector<1x256xf32>
    %swap3A_637 = vector.shape_cast %swap3A_636 : vector<1x256xf32> to vector<256xf32>
    %swap3A_638 = vector.shape_cast %mul3A_633 : vector<256xf32> to vector<1x256xf32>
    tpu.vector_store %arg5[%swap3A_634, %swap3A_635], %swap3A_638 {strides = array<i32>} : memref<16x256xf32, #tpu.memory_space<vmem>>, vector<1x256xf32>,
    %get3A_639 = arith.constant 11 : index
    %get3A_640 = memref.load %arg1[%get3A_639] : memref<16xi32, #tpu.memory_space<smem>>
    %get3A_641 = arith.constant 11 : index
    %get3A_642 = memref.load %arg0[%get3A_641] : memref<16xi32, #tpu.memory_space<smem>>
    %sub3A_643 = arith.subi %get3A_640, %get3A_642 : i32
    %max3A_644 = arith.constant 1 : i32
    %max3A_645 = arith.maxsi %sub3A_643, %max3A_644 : i32
    %convert_element_type3A_646 = arith.sitofp %max3A_645 : i32 to f32
    %div3A_647 = arith.constant 1.000000e+00 : f32
    %div3A_648 = arith.divf %div3A_647, %convert_element_type3A_646 : f32
    %slice3A_649 = vector.extract_strided_slice %dot_general3A_380 {offsets = [11, 0], sizes = [1, 256], strides = [1, 1]} : vector<16x256xf32> to vector<1x256xf32>
    %squeeze3A_650 = vector.shape_cast %slice3A_649 : vector<1x256xf32> to vector<256xf32>
    %get3A_651 = arith.constant 11 : index
    %get3A_652 = arith.constant 0 : index
    %get3A_653 = vector.load %arg4[%get3A_651, %get3A_652] : memref<16x256xf32, #tpu.memory_space<vmem>>, vector<1x256xf32>
    %get3A_654 = vector.shape_cast %get3A_653 : vector<1x256xf32> to vector<256xf32>
    %add3A_655 = arith.addf %squeeze3A_650, %get3A_654 : vector<256xf32>
    %mul3A_656 = vector.broadcast %div3A_648 : f32 to vector<256xf32>
    %mul3A_657 = arith.mulf %add3A_655, %mul3A_656 : vector<256xf32>
    %swap3A_658 = arith.constant 11 : index
    %swap3A_659 = arith.constant 0 : index
    %swap3A_660 = vector.load %arg5[%swap3A_658, %swap3A_659] : memref<16x256xf32, #tpu.memory_space<vmem>>, vector<1x256xf32>
    %swap3A_661 = vector.shape_cast %swap3A_660 : vector<1x256xf32> to vector<256xf32>
    %swap3A_662 = vector.shape_cast %mul3A_657 : vector<256xf32> to vector<1x256xf32>
    tpu.vector_store %arg5[%swap3A_658, %swap3A_659], %swap3A_662 {strides = array<i32>} : memref<16x256xf32, #tpu.memory_space<vmem>>, vector<1x256xf32>,
    %get3A_663 = arith.constant 12 : index
    %get3A_664 = memref.load %arg1[%get3A_663] : memref<16xi32, #tpu.memory_space<smem>>
    %get3A_665 = arith.constant 12 : index
    %get3A_666 = memref.load %arg0[%get3A_665] : memref<16xi32, #tpu.memory_space<smem>>
    %sub3A_667 = arith.subi %get3A_664, %get3A_666 : i32
    %max3A_668 = arith.constant 1 : i32
    %max3A_669 = arith.maxsi %sub3A_667, %max3A_668 : i32
    %convert_element_type3A_670 = arith.sitofp %max3A_669 : i32 to f32
    %div3A_671 = arith.constant 1.000000e+00 : f32
    %div3A_672 = arith.divf %div3A_671, %convert_element_type3A_670 : f32
    %slice3A_673 = vector.extract_strided_slice %dot_general3A_380 {offsets = [12, 0], sizes = [1, 256], strides = [1, 1]} : vector<16x256xf32> to vector<1x256xf32>
    %squeeze3A_674 = vector.shape_cast %slice3A_673 : vector<1x256xf32> to vector<256xf32>
    %get3A_675 = arith.constant 12 : index
    %get3A_676 = arith.constant 0 : index
    %get3A_677 = vector.load %arg4[%get3A_675, %get3A_676] : memref<16x256xf32, #tpu.memory_space<vmem>>, vector<1x256xf32>
    %get3A_678 = vector.shape_cast %get3A_677 : vector<1x256xf32> to vector<256xf32>
    %add3A_679 = arith.addf %squeeze3A_674, %get3A_678 : vector<256xf32>
    %mul3A_680 = vector.broadcast %div3A_672 : f32 to vector<256xf32>
    %mul3A_681 = arith.mulf %add3A_679, %mul3A_680 : vector<256xf32>
    %swap3A_682 = arith.constant 12 : index
    %swap3A_683 = arith.constant 0 : index
    %swap3A_684 = vector.load %arg5[%swap3A_682, %swap3A_683] : memref<16x256xf32, #tpu.memory_space<vmem>>, vector<1x256xf32>
    %swap3A_685 = vector.shape_cast %swap3A_684 : vector<1x256xf32> to vector<256xf32>
    %swap3A_686 = vector.shape_cast %mul3A_681 : vector<256xf32> to vector<1x256xf32>
    tpu.vector_store %arg5[%swap3A_682, %swap3A_683], %swap3A_686 {strides = array<i32>} : memref<16x256xf32, #tpu.memory_space<vmem>>, vector<1x256xf32>,
    %get3A_687 = arith.constant 13 : index
    %get3A_688 = memref.load %arg1[%get3A_687] : memref<16xi32, #tpu.memory_space<smem>>
    %get3A_689 = arith.constant 13 : index
    %get3A_690 = memref.load %arg0[%get3A_689] : memref<16xi32, #tpu.memory_space<smem>>
    %sub3A_691 = arith.subi %get3A_688, %get3A_690 : i32
    %max3A_692 = arith.constant 1 : i32
    %max3A_693 = arith.maxsi %sub3A_691, %max3A_692 : i32
    %convert_element_type3A_694 = arith.sitofp %max3A_693 : i32 to f32
    %div3A_695 = arith.constant 1.000000e+00 : f32
    %div3A_696 = arith.divf %div3A_695, %convert_element_type3A_694 : f32
    %slice3A_697 = vector.extract_strided_slice %dot_general3A_380 {offsets = [13, 0], sizes = [1, 256], strides = [1, 1]} : vector<16x256xf32> to vector<1x256xf32>
    %squeeze3A_698 = vector.shape_cast %slice3A_697 : vector<1x256xf32> to vector<256xf32>
    %get3A_699 = arith.constant 13 : index
    %get3A_700 = arith.constant 0 : index
    %get3A_701 = vector.load %arg4[%get3A_699, %get3A_700] : memref<16x256xf32, #tpu.memory_space<vmem>>, vector<1x256xf32>
    %get3A_702 = vector.shape_cast %get3A_701 : vector<1x256xf32> to vector<256xf32>
    %add3A_703 = arith.addf %squeeze3A_698, %get3A_702 : vector<256xf32>
    %mul3A_704 = vector.broadcast %div3A_696 : f32 to vector<256xf32>
    %mul3A_705 = arith.mulf %add3A_703, %mul3A_704 : vector<256xf32>
    %swap3A_706 = arith.constant 13 : index
    %swap3A_707 = arith.constant 0 : index
    %swap3A_708 = vector.load %arg5[%swap3A_706, %swap3A_707] : memref<16x256xf32, #tpu.memory_space<vmem>>, vector<1x256xf32>
    %swap3A_709 = vector.shape_cast %swap3A_708 : vector<1x256xf32> to vector<256xf32>
    %swap3A_710 = vector.shape_cast %mul3A_705 : vector<256xf32> to vector<1x256xf32>
    tpu.vector_store %arg5[%swap3A_706, %swap3A_707], %swap3A_710 {strides = array<i32>} : memref<16x256xf32, #tpu.memory_space<vmem>>, vector<1x256xf32>,
    %get3A_711 = arith.constant 14 : index
    %get3A_712 = memref.load %arg1[%get3A_711] : memref<16xi32, #tpu.memory_space<smem>>
    %get3A_713 = arith.constant 14 : index
    %get3A_714 = memref.load %arg0[%get3A_713] : memref<16xi32, #tpu.memory_space<smem>>
    %sub3A_715 = arith.subi %get3A_712, %get3A_714 : i32
    %max3A_716 = arith.constant 1 : i32
    %max3A_717 = arith.maxsi %sub3A_715, %max3A_716 : i32
    %convert_element_type3A_718 = arith.sitofp %max3A_717 : i32 to f32
    %div3A_719 = arith.constant 1.000000e+00 : f32
    %div3A_720 = arith.divf %div3A_719, %convert_element_type3A_718 : f32
    %slice3A_721 = vector.extract_strided_slice %dot_general3A_380 {offsets = [14, 0], sizes = [1, 256], strides = [1, 1]} : vector<16x256xf32> to vector<1x256xf32>
    %squeeze3A_722 = vector.shape_cast %slice3A_721 : vector<1x256xf32> to vector<256xf32>
    %get3A_723 = arith.constant 14 : index
    %get3A_724 = arith.constant 0 : index
    %get3A_725 = vector.load %arg4[%get3A_723, %get3A_724] : memref<16x256xf32, #tpu.memory_space<vmem>>, vector<1x256xf32>
    %get3A_726 = vector.shape_cast %get3A_725 : vector<1x256xf32> to vector<256xf32>
    %add3A_727 = arith.addf %squeeze3A_722, %get3A_726 : vector<256xf32>
    %mul3A_728 = vector.broadcast %div3A_720 : f32 to vector<256xf32>
    %mul3A_729 = arith.mulf %add3A_727, %mul3A_728 : vector<256xf32>
    %swap3A_730 = arith.constant 14 : index
    %swap3A_731 = arith.constant 0 : index
    %swap3A_732 = vector.load %arg5[%swap3A_730, %swap3A_731] : memref<16x256xf32, #tpu.memory_space<vmem>>, vector<1x256xf32>
    %swap3A_733 = vector.shape_cast %swap3A_732 : vector<1x256xf32> to vector<256xf32>
    %swap3A_734 = vector.shape_cast %mul3A_729 : vector<256xf32> to vector<1x256xf32>
    tpu.vector_store %arg5[%swap3A_730, %swap3A_731], %swap3A_734 {strides = array<i32>} : memref<16x256xf32, #tpu.memory_space<vmem>>, vector<1x256xf32>,
    %get3A_735 = arith.constant 15 : index
    %get3A_736 = memref.load %arg1[%get3A_735] : memref<16xi32, #tpu.memory_space<smem>>
    %get3A_737 = arith.constant 15 : index
    %get3A_738 = memref.load %arg0[%get3A_737] : memref<16xi32, #tpu.memory_space<smem>>
    %sub3A_739 = arith.subi %get3A_736, %get3A_738 : i32
    %max3A_740 = arith.constant 1 : i32
    %max3A_741 = arith.maxsi %sub3A_739, %max3A_740 : i32
    %convert_element_type3A_742 = arith.sitofp %max3A_741 : i32 to f32
    %div3A_743 = arith.constant 1.000000e+00 : f32
    %div3A_744 = arith.divf %div3A_743, %convert_element_type3A_742 : f32
    %slice3A_745 = vector.extract_strided_slice %dot_general3A_380 {offsets = [15, 0], sizes = [1, 256], strides = [1, 1]} : vector<16x256xf32> to vector<1x256xf32>
    %squeeze3A_746 = vector.shape_cast %slice3A_745 : vector<1x256xf32> to vector<256xf32>
    %get3A_747 = arith.constant 15 : index
    %get3A_748 = arith.constant 0 : index
    %get3A_749 = vector.load %arg4[%get3A_747, %get3A_748] : memref<16x256xf32, #tpu.memory_space<vmem>>, vector<1x256xf32>
    %get3A_750 = vector.shape_cast %get3A_749 : vector<1x256xf32> to vector<256xf32>
    %add3A_751 = arith.addf %squeeze3A_746, %get3A_750 : vector<256xf32>
    %mul3A_752 = vector.broadcast %div3A_744 : f32 to vector<256xf32>
    %mul3A_753 = arith.mulf %add3A_751, %mul3A_752 : vector<256xf32>
    %swap3A_754 = arith.constant 15 : index
    %swap3A_755 = arith.constant 0 : index
    %swap3A_756 = vector.load %arg5[%swap3A_754, %swap3A_755] : memref<16x256xf32, #tpu.memory_space<vmem>>, vector<1x256xf32>
    %swap3A_757 = vector.shape_cast %swap3A_756 : vector<1x256xf32> to vector<256xf32>
    %swap3A_758 = vector.shape_cast %mul3A_753 : vector<256xf32> to vector<1x256xf32>
    tpu.vector_store %arg5[%swap3A_754, %swap3A_755], %swap3A_758 {strides = array<i32>} : memref<16x256xf32, #tpu.memory_space<vmem>>, vector<1x256xf32>,
    return
  }
}

module attributes {stable_mosaic.version = 14 : i64} {
  func.func @_edges_tc_body(%arg0: memref<16xi32, #tpu.memory_space<smem>>, %arg1: memref<16xi32, #tpu.memory_space<smem>>, %arg2: memref<32768x256xf32, #tpu.memory_space<hbm>>, %arg3: memref<16x256xf32, #tpu.memory_space<vmem>>, %arg4: memref<16x136x256xf32, #tpu.memory_space<vmem>>, %arg5: memref<16x128x256xf32, #tpu.memory_space<vmem>>, %arg6: memref<16x!tpu.dma_semaphore, #tpu.memory_space<semaphore_mem>>, %arg7: memref<16x!tpu.dma_semaphore, #tpu.memory_space<semaphore_mem>>) attributes {dimension_semantics = [], scalar_prefetch = 0 : i64, scratch_operands = 4 : i64, tpu.core_type = #tpu.core_type<tc>} {
    %get3A = arith.constant 0 : index
    %get3A_0 = memref.load %arg0[%get3A] : memref<16xi32, #tpu.memory_space<smem>>
    %get3A_1 = arith.constant 0 : index
    %get3A_2 = memref.load %arg1[%get3A_1] : memref<16xi32, #tpu.memory_space<smem>>
    %and3A = arith.constant -8 : i32
    %and3A_3 = arith.andi %get3A_0, %and3A : i32
    %min3A = arith.constant 32632 : i32
    %min3A_4 = arith.minsi %and3A_3, %min3A : i32
    %multiple_of3A = tpu.assume_multiple %min3A_4, 8 : i32
    %shift_right_arithmetic3A = arith.constant 7 : i32
    %shift_right_arithmetic3A_5 = arith.shrsi %get3A_2, %shift_right_arithmetic3A : i32
    %shift_left3A = arith.constant 7 : i32
    %shift_left3A_6 = arith.shli %shift_right_arithmetic3A_5, %shift_left3A : i32
    %multiple_of3A_7 = tpu.assume_multiple %shift_left3A_6, 128 : i32
    %dma_start3A = arith.constant 0 : i32
    %dma_start3A_8 = arith.constant 0 : i32
    %dma_start3A_9 = tpu.memref_slice %arg6[%dma_start3A_8] : memref<16x!tpu.dma_semaphore, #tpu.memory_space<semaphore_mem>> -> memref<1x!tpu.dma_semaphore, #tpu.memory_space<semaphore_mem>>
    %dma_start3A_10 = tpu.memref_squeeze %dma_start3A_9 : memref<1x!tpu.dma_semaphore, #tpu.memory_space<semaphore_mem>> -> memref<!tpu.dma_semaphore, #tpu.memory_space<semaphore_mem>>
    %dma_start3A_11 = arith.constant 0 : i32
    %dma_start3A_12 = arith.constant 0 : i32
    %dma_start3A_13 = tpu.memref_slice %arg4[%dma_start3A, %dma_start3A_11, %dma_start3A_12] : memref<16x136x256xf32, #tpu.memory_space<vmem>> -> memref<1x136x256xf32, #tpu.memory_space<vmem>>
    %dma_start3A_14 = tpu.memref_squeeze %dma_start3A_13 : memref<1x136x256xf32, #tpu.memory_space<vmem>> -> memref<136x256xf32, #tpu.memory_space<vmem>>
    %dma_start3A_15 = arith.constant 0 : i32
    %dma_start3A_16 = tpu.memref_slice %arg2[%multiple_of3A, %dma_start3A_15] : memref<32768x256xf32, #tpu.memory_space<hbm>> -> memref<136x256xf32, #tpu.memory_space<hbm>>
    tpu.enqueue_dma source(%dma_start3A_16 : memref<136x256xf32, #tpu.memory_space<hbm>>) target(%dma_start3A_14 : memref<136x256xf32, #tpu.memory_space<vmem>>) target_semaphore(%dma_start3A_10 : memref<!tpu.dma_semaphore, #tpu.memory_space<semaphore_mem>>)
    %dma_start3A_17 = arith.constant 0 : i32
    %dma_start3A_18 = arith.constant 0 : i32
    %dma_start3A_19 = tpu.memref_slice %arg7[%dma_start3A_18] : memref<16x!tpu.dma_semaphore, #tpu.memory_space<semaphore_mem>> -> memref<1x!tpu.dma_semaphore, #tpu.memory_space<semaphore_mem>>
    %dma_start3A_20 = tpu.memref_squeeze %dma_start3A_19 : memref<1x!tpu.dma_semaphore, #tpu.memory_space<semaphore_mem>> -> memref<!tpu.dma_semaphore, #tpu.memory_space<semaphore_mem>>
    %dma_start3A_21 = arith.constant 0 : i32
    %dma_start3A_22 = arith.constant 0 : i32
    %dma_start3A_23 = tpu.memref_slice %arg5[%dma_start3A_17, %dma_start3A_21, %dma_start3A_22] : memref<16x128x256xf32, #tpu.memory_space<vmem>> -> memref<1x128x256xf32, #tpu.memory_space<vmem>>
    %dma_start3A_24 = tpu.memref_squeeze %dma_start3A_23 : memref<1x128x256xf32, #tpu.memory_space<vmem>> -> memref<128x256xf32, #tpu.memory_space<vmem>>
    %dma_start3A_25 = arith.constant 0 : i32
    %dma_start3A_26 = tpu.memref_slice %arg2[%multiple_of3A_7, %dma_start3A_25] : memref<32768x256xf32, #tpu.memory_space<hbm>> -> memref<128x256xf32, #tpu.memory_space<hbm>>
    tpu.enqueue_dma source(%dma_start3A_26 : memref<128x256xf32, #tpu.memory_space<hbm>>) target(%dma_start3A_24 : memref<128x256xf32, #tpu.memory_space<vmem>>) target_semaphore(%dma_start3A_20 : memref<!tpu.dma_semaphore, #tpu.memory_space<semaphore_mem>>)
    %get3A_27 = arith.constant 1 : index
    %get3A_28 = memref.load %arg0[%get3A_27] : memref<16xi32, #tpu.memory_space<smem>>
    %get3A_29 = arith.constant 1 : index
    %get3A_30 = memref.load %arg1[%get3A_29] : memref<16xi32, #tpu.memory_space<smem>>
    %and3A_31 = arith.constant -8 : i32
    %and3A_32 = arith.andi %get3A_28, %and3A_31 : i32
    %min3A_33 = arith.constant 32632 : i32
    %min3A_34 = arith.minsi %and3A_32, %min3A_33 : i32
    %multiple_of3A_35 = tpu.assume_multiple %min3A_34, 8 : i32
    %shift_right_arithmetic3A_36 = arith.constant 7 : i32
    %shift_right_arithmetic3A_37 = arith.shrsi %get3A_30, %shift_right_arithmetic3A_36 : i32
    %shift_left3A_38 = arith.constant 7 : i32
    %shift_left3A_39 = arith.shli %shift_right_arithmetic3A_37, %shift_left3A_38 : i32
    %multiple_of3A_40 = tpu.assume_multiple %shift_left3A_39, 128 : i32
    %dma_start3A_41 = arith.constant 1 : i32
    %dma_start3A_42 = arith.constant 1 : i32
    %dma_start3A_43 = tpu.memref_slice %arg6[%dma_start3A_42] : memref<16x!tpu.dma_semaphore, #tpu.memory_space<semaphore_mem>> -> memref<1x!tpu.dma_semaphore, #tpu.memory_space<semaphore_mem>>
    %dma_start3A_44 = tpu.memref_squeeze %dma_start3A_43 : memref<1x!tpu.dma_semaphore, #tpu.memory_space<semaphore_mem>> -> memref<!tpu.dma_semaphore, #tpu.memory_space<semaphore_mem>>
    %dma_start3A_45 = arith.constant 0 : i32
    %dma_start3A_46 = arith.constant 0 : i32
    %dma_start3A_47 = tpu.memref_slice %arg4[%dma_start3A_41, %dma_start3A_45, %dma_start3A_46] : memref<16x136x256xf32, #tpu.memory_space<vmem>> -> memref<1x136x256xf32, #tpu.memory_space<vmem>>
    %dma_start3A_48 = tpu.memref_squeeze %dma_start3A_47 : memref<1x136x256xf32, #tpu.memory_space<vmem>> -> memref<136x256xf32, #tpu.memory_space<vmem>>
    %dma_start3A_49 = arith.constant 0 : i32
    %dma_start3A_50 = tpu.memref_slice %arg2[%multiple_of3A_35, %dma_start3A_49] : memref<32768x256xf32, #tpu.memory_space<hbm>> -> memref<136x256xf32, #tpu.memory_space<hbm>>
    tpu.enqueue_dma source(%dma_start3A_50 : memref<136x256xf32, #tpu.memory_space<hbm>>) target(%dma_start3A_48 : memref<136x256xf32, #tpu.memory_space<vmem>>) target_semaphore(%dma_start3A_44 : memref<!tpu.dma_semaphore, #tpu.memory_space<semaphore_mem>>)
    %dma_start3A_51 = arith.constant 1 : i32
    %dma_start3A_52 = arith.constant 1 : i32
    %dma_start3A_53 = tpu.memref_slice %arg7[%dma_start3A_52] : memref<16x!tpu.dma_semaphore, #tpu.memory_space<semaphore_mem>> -> memref<1x!tpu.dma_semaphore, #tpu.memory_space<semaphore_mem>>
    %dma_start3A_54 = tpu.memref_squeeze %dma_start3A_53 : memref<1x!tpu.dma_semaphore, #tpu.memory_space<semaphore_mem>> -> memref<!tpu.dma_semaphore, #tpu.memory_space<semaphore_mem>>
    %dma_start3A_55 = arith.constant 0 : i32
    %dma_start3A_56 = arith.constant 0 : i32
    %dma_start3A_57 = tpu.memref_slice %arg5[%dma_start3A_51, %dma_start3A_55, %dma_start3A_56] : memref<16x128x256xf32, #tpu.memory_space<vmem>> -> memref<1x128x256xf32, #tpu.memory_space<vmem>>
    %dma_start3A_58 = tpu.memref_squeeze %dma_start3A_57 : memref<1x128x256xf32, #tpu.memory_space<vmem>> -> memref<128x256xf32, #tpu.memory_space<vmem>>
    %dma_start3A_59 = arith.constant 0 : i32
    %dma_start3A_60 = tpu.memref_slice %arg2[%multiple_of3A_40, %dma_start3A_59] : memref<32768x256xf32, #tpu.memory_space<hbm>> -> memref<128x256xf32, #tpu.memory_space<hbm>>
    tpu.enqueue_dma source(%dma_start3A_60 : memref<128x256xf32, #tpu.memory_space<hbm>>) target(%dma_start3A_58 : memref<128x256xf32, #tpu.memory_space<vmem>>) target_semaphore(%dma_start3A_54 : memref<!tpu.dma_semaphore, #tpu.memory_space<semaphore_mem>>)
    %get3A_61 = arith.constant 2 : index
    %get3A_62 = memref.load %arg0[%get3A_61] : memref<16xi32, #tpu.memory_space<smem>>
    %get3A_63 = arith.constant 2 : index
    %get3A_64 = memref.load %arg1[%get3A_63] : memref<16xi32, #tpu.memory_space<smem>>
    %and3A_65 = arith.constant -8 : i32
    %and3A_66 = arith.andi %get3A_62, %and3A_65 : i32
    %min3A_67 = arith.constant 32632 : i32
    %min3A_68 = arith.minsi %and3A_66, %min3A_67 : i32
    %multiple_of3A_69 = tpu.assume_multiple %min3A_68, 8 : i32
    %shift_right_arithmetic3A_70 = arith.constant 7 : i32
    %shift_right_arithmetic3A_71 = arith.shrsi %get3A_64, %shift_right_arithmetic3A_70 : i32
    %shift_left3A_72 = arith.constant 7 : i32
    %shift_left3A_73 = arith.shli %shift_right_arithmetic3A_71, %shift_left3A_72 : i32
    %multiple_of3A_74 = tpu.assume_multiple %shift_left3A_73, 128 : i32
    %dma_start3A_75 = arith.constant 2 : i32
    %dma_start3A_76 = arith.constant 2 : i32
    %dma_start3A_77 = tpu.memref_slice %arg6[%dma_start3A_76] : memref<16x!tpu.dma_semaphore, #tpu.memory_space<semaphore_mem>> -> memref<1x!tpu.dma_semaphore, #tpu.memory_space<semaphore_mem>>
    %dma_start3A_78 = tpu.memref_squeeze %dma_start3A_77 : memref<1x!tpu.dma_semaphore, #tpu.memory_space<semaphore_mem>> -> memref<!tpu.dma_semaphore, #tpu.memory_space<semaphore_mem>>
    %dma_start3A_79 = arith.constant 0 : i32
    %dma_start3A_80 = arith.constant 0 : i32
    %dma_start3A_81 = tpu.memref_slice %arg4[%dma_start3A_75, %dma_start3A_79, %dma_start3A_80] : memref<16x136x256xf32, #tpu.memory_space<vmem>> -> memref<1x136x256xf32, #tpu.memory_space<vmem>>
    %dma_start3A_82 = tpu.memref_squeeze %dma_start3A_81 : memref<1x136x256xf32, #tpu.memory_space<vmem>> -> memref<136x256xf32, #tpu.memory_space<vmem>>
    %dma_start3A_83 = arith.constant 0 : i32
    %dma_start3A_84 = tpu.memref_slice %arg2[%multiple_of3A_69, %dma_start3A_83] : memref<32768x256xf32, #tpu.memory_space<hbm>> -> memref<136x256xf32, #tpu.memory_space<hbm>>
    tpu.enqueue_dma source(%dma_start3A_84 : memref<136x256xf32, #tpu.memory_space<hbm>>) target(%dma_start3A_82 : memref<136x256xf32, #tpu.memory_space<vmem>>) target_semaphore(%dma_start3A_78 : memref<!tpu.dma_semaphore, #tpu.memory_space<semaphore_mem>>)
    %dma_start3A_85 = arith.constant 2 : i32
    %dma_start3A_86 = arith.constant 2 : i32
    %dma_start3A_87 = tpu.memref_slice %arg7[%dma_start3A_86] : memref<16x!tpu.dma_semaphore, #tpu.memory_space<semaphore_mem>> -> memref<1x!tpu.dma_semaphore, #tpu.memory_space<semaphore_mem>>
    %dma_start3A_88 = tpu.memref_squeeze %dma_start3A_87 : memref<1x!tpu.dma_semaphore, #tpu.memory_space<semaphore_mem>> -> memref<!tpu.dma_semaphore, #tpu.memory_space<semaphore_mem>>
    %dma_start3A_89 = arith.constant 0 : i32
    %dma_start3A_90 = arith.constant 0 : i32
    %dma_start3A_91 = tpu.memref_slice %arg5[%dma_start3A_85, %dma_start3A_89, %dma_start3A_90] : memref<16x128x256xf32, #tpu.memory_space<vmem>> -> memref<1x128x256xf32, #tpu.memory_space<vmem>>
    %dma_start3A_92 = tpu.memref_squeeze %dma_start3A_91 : memref<1x128x256xf32, #tpu.memory_space<vmem>> -> memref<128x256xf32, #tpu.memory_space<vmem>>
    %dma_start3A_93 = arith.constant 0 : i32
    %dma_start3A_94 = tpu.memref_slice %arg2[%multiple_of3A_74, %dma_start3A_93] : memref<32768x256xf32, #tpu.memory_space<hbm>> -> memref<128x256xf32, #tpu.memory_space<hbm>>
    tpu.enqueue_dma source(%dma_start3A_94 : memref<128x256xf32, #tpu.memory_space<hbm>>) target(%dma_start3A_92 : memref<128x256xf32, #tpu.memory_space<vmem>>) target_semaphore(%dma_start3A_88 : memref<!tpu.dma_semaphore, #tpu.memory_space<semaphore_mem>>)
    %get3A_95 = arith.constant 3 : index
    %get3A_96 = memref.load %arg0[%get3A_95] : memref<16xi32, #tpu.memory_space<smem>>
    %get3A_97 = arith.constant 3 : index
    %get3A_98 = memref.load %arg1[%get3A_97] : memref<16xi32, #tpu.memory_space<smem>>
    %and3A_99 = arith.constant -8 : i32
    %and3A_100 = arith.andi %get3A_96, %and3A_99 : i32
    %min3A_101 = arith.constant 32632 : i32
    %min3A_102 = arith.minsi %and3A_100, %min3A_101 : i32
    %multiple_of3A_103 = tpu.assume_multiple %min3A_102, 8 : i32
    %shift_right_arithmetic3A_104 = arith.constant 7 : i32
    %shift_right_arithmetic3A_105 = arith.shrsi %get3A_98, %shift_right_arithmetic3A_104 : i32
    %shift_left3A_106 = arith.constant 7 : i32
    %shift_left3A_107 = arith.shli %shift_right_arithmetic3A_105, %shift_left3A_106 : i32
    %multiple_of3A_108 = tpu.assume_multiple %shift_left3A_107, 128 : i32
    %dma_start3A_109 = arith.constant 3 : i32
    %dma_start3A_110 = arith.constant 3 : i32
    %dma_start3A_111 = tpu.memref_slice %arg6[%dma_start3A_110] : memref<16x!tpu.dma_semaphore, #tpu.memory_space<semaphore_mem>> -> memref<1x!tpu.dma_semaphore, #tpu.memory_space<semaphore_mem>>
    %dma_start3A_112 = tpu.memref_squeeze %dma_start3A_111 : memref<1x!tpu.dma_semaphore, #tpu.memory_space<semaphore_mem>> -> memref<!tpu.dma_semaphore, #tpu.memory_space<semaphore_mem>>
    %dma_start3A_113 = arith.constant 0 : i32
    %dma_start3A_114 = arith.constant 0 : i32
    %dma_start3A_115 = tpu.memref_slice %arg4[%dma_start3A_109, %dma_start3A_113, %dma_start3A_114] : memref<16x136x256xf32, #tpu.memory_space<vmem>> -> memref<1x136x256xf32, #tpu.memory_space<vmem>>
    %dma_start3A_116 = tpu.memref_squeeze %dma_start3A_115 : memref<1x136x256xf32, #tpu.memory_space<vmem>> -> memref<136x256xf32, #tpu.memory_space<vmem>>
    %dma_start3A_117 = arith.constant 0 : i32
    %dma_start3A_118 = tpu.memref_slice %arg2[%multiple_of3A_103, %dma_start3A_117] : memref<32768x256xf32, #tpu.memory_space<hbm>> -> memref<136x256xf32, #tpu.memory_space<hbm>>
    tpu.enqueue_dma source(%dma_start3A_118 : memref<136x256xf32, #tpu.memory_space<hbm>>) target(%dma_start3A_116 : memref<136x256xf32, #tpu.memory_space<vmem>>) target_semaphore(%dma_start3A_112 : memref<!tpu.dma_semaphore, #tpu.memory_space<semaphore_mem>>)
    %dma_start3A_119 = arith.constant 3 : i32
    %dma_start3A_120 = arith.constant 3 : i32
    %dma_start3A_121 = tpu.memref_slice %arg7[%dma_start3A_120] : memref<16x!tpu.dma_semaphore, #tpu.memory_space<semaphore_mem>> -> memref<1x!tpu.dma_semaphore, #tpu.memory_space<semaphore_mem>>
    %dma_start3A_122 = tpu.memref_squeeze %dma_start3A_121 : memref<1x!tpu.dma_semaphore, #tpu.memory_space<semaphore_mem>> -> memref<!tpu.dma_semaphore, #tpu.memory_space<semaphore_mem>>
    %dma_start3A_123 = arith.constant 0 : i32
    %dma_start3A_124 = arith.constant 0 : i32
    %dma_start3A_125 = tpu.memref_slice %arg5[%dma_start3A_119, %dma_start3A_123, %dma_start3A_124] : memref<16x128x256xf32, #tpu.memory_space<vmem>> -> memref<1x128x256xf32, #tpu.memory_space<vmem>>
    %dma_start3A_126 = tpu.memref_squeeze %dma_start3A_125 : memref<1x128x256xf32, #tpu.memory_space<vmem>> -> memref<128x256xf32, #tpu.memory_space<vmem>>
    %dma_start3A_127 = arith.constant 0 : i32
    %dma_start3A_128 = tpu.memref_slice %arg2[%multiple_of3A_108, %dma_start3A_127] : memref<32768x256xf32, #tpu.memory_space<hbm>> -> memref<128x256xf32, #tpu.memory_space<hbm>>
    tpu.enqueue_dma source(%dma_start3A_128 : memref<128x256xf32, #tpu.memory_space<hbm>>) target(%dma_start3A_126 : memref<128x256xf32, #tpu.memory_space<vmem>>) target_semaphore(%dma_start3A_122 : memref<!tpu.dma_semaphore, #tpu.memory_space<semaphore_mem>>)
    %get3A_129 = arith.constant 4 : index
    %get3A_130 = memref.load %arg0[%get3A_129] : memref<16xi32, #tpu.memory_space<smem>>
    %get3A_131 = arith.constant 4 : index
    %get3A_132 = memref.load %arg1[%get3A_131] : memref<16xi32, #tpu.memory_space<smem>>
    %and3A_133 = arith.constant -8 : i32
    %and3A_134 = arith.andi %get3A_130, %and3A_133 : i32
    %min3A_135 = arith.constant 32632 : i32
    %min3A_136 = arith.minsi %and3A_134, %min3A_135 : i32
    %multiple_of3A_137 = tpu.assume_multiple %min3A_136, 8 : i32
    %shift_right_arithmetic3A_138 = arith.constant 7 : i32
    %shift_right_arithmetic3A_139 = arith.shrsi %get3A_132, %shift_right_arithmetic3A_138 : i32
    %shift_left3A_140 = arith.constant 7 : i32
    %shift_left3A_141 = arith.shli %shift_right_arithmetic3A_139, %shift_left3A_140 : i32
    %multiple_of3A_142 = tpu.assume_multiple %shift_left3A_141, 128 : i32
    %dma_start3A_143 = arith.constant 4 : i32
    %dma_start3A_144 = arith.constant 4 : i32
    %dma_start3A_145 = tpu.memref_slice %arg6[%dma_start3A_144] : memref<16x!tpu.dma_semaphore, #tpu.memory_space<semaphore_mem>> -> memref<1x!tpu.dma_semaphore, #tpu.memory_space<semaphore_mem>>
    %dma_start3A_146 = tpu.memref_squeeze %dma_start3A_145 : memref<1x!tpu.dma_semaphore, #tpu.memory_space<semaphore_mem>> -> memref<!tpu.dma_semaphore, #tpu.memory_space<semaphore_mem>>
    %dma_start3A_147 = arith.constant 0 : i32
    %dma_start3A_148 = arith.constant 0 : i32
    %dma_start3A_149 = tpu.memref_slice %arg4[%dma_start3A_143, %dma_start3A_147, %dma_start3A_148] : memref<16x136x256xf32, #tpu.memory_space<vmem>> -> memref<1x136x256xf32, #tpu.memory_space<vmem>>
    %dma_start3A_150 = tpu.memref_squeeze %dma_start3A_149 : memref<1x136x256xf32, #tpu.memory_space<vmem>> -> memref<136x256xf32, #tpu.memory_space<vmem>>
    %dma_start3A_151 = arith.constant 0 : i32
    %dma_start3A_152 = tpu.memref_slice %arg2[%multiple_of3A_137, %dma_start3A_151] : memref<32768x256xf32, #tpu.memory_space<hbm>> -> memref<136x256xf32, #tpu.memory_space<hbm>>
    tpu.enqueue_dma source(%dma_start3A_152 : memref<136x256xf32, #tpu.memory_space<hbm>>) target(%dma_start3A_150 : memref<136x256xf32, #tpu.memory_space<vmem>>) target_semaphore(%dma_start3A_146 : memref<!tpu.dma_semaphore, #tpu.memory_space<semaphore_mem>>)
    %dma_start3A_153 = arith.constant 4 : i32
    %dma_start3A_154 = arith.constant 4 : i32
    %dma_start3A_155 = tpu.memref_slice %arg7[%dma_start3A_154] : memref<16x!tpu.dma_semaphore, #tpu.memory_space<semaphore_mem>> -> memref<1x!tpu.dma_semaphore, #tpu.memory_space<semaphore_mem>>
    %dma_start3A_156 = tpu.memref_squeeze %dma_start3A_155 : memref<1x!tpu.dma_semaphore, #tpu.memory_space<semaphore_mem>> -> memref<!tpu.dma_semaphore, #tpu.memory_space<semaphore_mem>>
    %dma_start3A_157 = arith.constant 0 : i32
    %dma_start3A_158 = arith.constant 0 : i32
    %dma_start3A_159 = tpu.memref_slice %arg5[%dma_start3A_153, %dma_start3A_157, %dma_start3A_158] : memref<16x128x256xf32, #tpu.memory_space<vmem>> -> memref<1x128x256xf32, #tpu.memory_space<vmem>>
    %dma_start3A_160 = tpu.memref_squeeze %dma_start3A_159 : memref<1x128x256xf32, #tpu.memory_space<vmem>> -> memref<128x256xf32, #tpu.memory_space<vmem>>
    %dma_start3A_161 = arith.constant 0 : i32
    %dma_start3A_162 = tpu.memref_slice %arg2[%multiple_of3A_142, %dma_start3A_161] : memref<32768x256xf32, #tpu.memory_space<hbm>> -> memref<128x256xf32, #tpu.memory_space<hbm>>
    tpu.enqueue_dma source(%dma_start3A_162 : memref<128x256xf32, #tpu.memory_space<hbm>>) target(%dma_start3A_160 : memref<128x256xf32, #tpu.memory_space<vmem>>) target_semaphore(%dma_start3A_156 : memref<!tpu.dma_semaphore, #tpu.memory_space<semaphore_mem>>)
    %get3A_163 = arith.constant 5 : index
    %get3A_164 = memref.load %arg0[%get3A_163] : memref<16xi32, #tpu.memory_space<smem>>
    %get3A_165 = arith.constant 5 : index
    %get3A_166 = memref.load %arg1[%get3A_165] : memref<16xi32, #tpu.memory_space<smem>>
    %and3A_167 = arith.constant -8 : i32
    %and3A_168 = arith.andi %get3A_164, %and3A_167 : i32
    %min3A_169 = arith.constant 32632 : i32
    %min3A_170 = arith.minsi %and3A_168, %min3A_169 : i32
    %multiple_of3A_171 = tpu.assume_multiple %min3A_170, 8 : i32
    %shift_right_arithmetic3A_172 = arith.constant 7 : i32
    %shift_right_arithmetic3A_173 = arith.shrsi %get3A_166, %shift_right_arithmetic3A_172 : i32
    %shift_left3A_174 = arith.constant 7 : i32
    %shift_left3A_175 = arith.shli %shift_right_arithmetic3A_173, %shift_left3A_174 : i32
    %multiple_of3A_176 = tpu.assume_multiple %shift_left3A_175, 128 : i32
    %dma_start3A_177 = arith.constant 5 : i32
    %dma_start3A_178 = arith.constant 5 : i32
    %dma_start3A_179 = tpu.memref_slice %arg6[%dma_start3A_178] : memref<16x!tpu.dma_semaphore, #tpu.memory_space<semaphore_mem>> -> memref<1x!tpu.dma_semaphore, #tpu.memory_space<semaphore_mem>>
    %dma_start3A_180 = tpu.memref_squeeze %dma_start3A_179 : memref<1x!tpu.dma_semaphore, #tpu.memory_space<semaphore_mem>> -> memref<!tpu.dma_semaphore, #tpu.memory_space<semaphore_mem>>
    %dma_start3A_181 = arith.constant 0 : i32
    %dma_start3A_182 = arith.constant 0 : i32
    %dma_start3A_183 = tpu.memref_slice %arg4[%dma_start3A_177, %dma_start3A_181, %dma_start3A_182] : memref<16x136x256xf32, #tpu.memory_space<vmem>> -> memref<1x136x256xf32, #tpu.memory_space<vmem>>
    %dma_start3A_184 = tpu.memref_squeeze %dma_start3A_183 : memref<1x136x256xf32, #tpu.memory_space<vmem>> -> memref<136x256xf32, #tpu.memory_space<vmem>>
    %dma_start3A_185 = arith.constant 0 : i32
    %dma_start3A_186 = tpu.memref_slice %arg2[%multiple_of3A_171, %dma_start3A_185] : memref<32768x256xf32, #tpu.memory_space<hbm>> -> memref<136x256xf32, #tpu.memory_space<hbm>>
    tpu.enqueue_dma source(%dma_start3A_186 : memref<136x256xf32, #tpu.memory_space<hbm>>) target(%dma_start3A_184 : memref<136x256xf32, #tpu.memory_space<vmem>>) target_semaphore(%dma_start3A_180 : memref<!tpu.dma_semaphore, #tpu.memory_space<semaphore_mem>>)
    %dma_start3A_187 = arith.constant 5 : i32
    %dma_start3A_188 = arith.constant 5 : i32
    %dma_start3A_189 = tpu.memref_slice %arg7[%dma_start3A_188] : memref<16x!tpu.dma_semaphore, #tpu.memory_space<semaphore_mem>> -> memref<1x!tpu.dma_semaphore, #tpu.memory_space<semaphore_mem>>
    %dma_start3A_190 = tpu.memref_squeeze %dma_start3A_189 : memref<1x!tpu.dma_semaphore, #tpu.memory_space<semaphore_mem>> -> memref<!tpu.dma_semaphore, #tpu.memory_space<semaphore_mem>>
    %dma_start3A_191 = arith.constant 0 : i32
    %dma_start3A_192 = arith.constant 0 : i32
    %dma_start3A_193 = tpu.memref_slice %arg5[%dma_start3A_187, %dma_start3A_191, %dma_start3A_192] : memref<16x128x256xf32, #tpu.memory_space<vmem>> -> memref<1x128x256xf32, #tpu.memory_space<vmem>>
    %dma_start3A_194 = tpu.memref_squeeze %dma_start3A_193 : memref<1x128x256xf32, #tpu.memory_space<vmem>> -> memref<128x256xf32, #tpu.memory_space<vmem>>
    %dma_start3A_195 = arith.constant 0 : i32
    %dma_start3A_196 = tpu.memref_slice %arg2[%multiple_of3A_176, %dma_start3A_195] : memref<32768x256xf32, #tpu.memory_space<hbm>> -> memref<128x256xf32, #tpu.memory_space<hbm>>
    tpu.enqueue_dma source(%dma_start3A_196 : memref<128x256xf32, #tpu.memory_space<hbm>>) target(%dma_start3A_194 : memref<128x256xf32, #tpu.memory_space<vmem>>) target_semaphore(%dma_start3A_190 : memref<!tpu.dma_semaphore, #tpu.memory_space<semaphore_mem>>)
    %get3A_197 = arith.constant 6 : index
    %get3A_198 = memref.load %arg0[%get3A_197] : memref<16xi32, #tpu.memory_space<smem>>
    %get3A_199 = arith.constant 6 : index
    %get3A_200 = memref.load %arg1[%get3A_199] : memref<16xi32, #tpu.memory_space<smem>>
    %and3A_201 = arith.constant -8 : i32
    %and3A_202 = arith.andi %get3A_198, %and3A_201 : i32
    %min3A_203 = arith.constant 32632 : i32
    %min3A_204 = arith.minsi %and3A_202, %min3A_203 : i32
    %multiple_of3A_205 = tpu.assume_multiple %min3A_204, 8 : i32
    %shift_right_arithmetic3A_206 = arith.constant 7 : i32
    %shift_right_arithmetic3A_207 = arith.shrsi %get3A_200, %shift_right_arithmetic3A_206 : i32
    %shift_left3A_208 = arith.constant 7 : i32
    %shift_left3A_209 = arith.shli %shift_right_arithmetic3A_207, %shift_left3A_208 : i32
    %multiple_of3A_210 = tpu.assume_multiple %shift_left3A_209, 128 : i32
    %dma_start3A_211 = arith.constant 6 : i32
    %dma_start3A_212 = arith.constant 6 : i32
    %dma_start3A_213 = tpu.memref_slice %arg6[%dma_start3A_212] : memref<16x!tpu.dma_semaphore, #tpu.memory_space<semaphore_mem>> -> memref<1x!tpu.dma_semaphore, #tpu.memory_space<semaphore_mem>>
    %dma_start3A_214 = tpu.memref_squeeze %dma_start3A_213 : memref<1x!tpu.dma_semaphore, #tpu.memory_space<semaphore_mem>> -> memref<!tpu.dma_semaphore, #tpu.memory_space<semaphore_mem>>
    %dma_start3A_215 = arith.constant 0 : i32
    %dma_start3A_216 = arith.constant 0 : i32
    %dma_start3A_217 = tpu.memref_slice %arg4[%dma_start3A_211, %dma_start3A_215, %dma_start3A_216] : memref<16x136x256xf32, #tpu.memory_space<vmem>> -> memref<1x136x256xf32, #tpu.memory_space<vmem>>
    %dma_start3A_218 = tpu.memref_squeeze %dma_start3A_217 : memref<1x136x256xf32, #tpu.memory_space<vmem>> -> memref<136x256xf32, #tpu.memory_space<vmem>>
    %dma_start3A_219 = arith.constant 0 : i32
    %dma_start3A_220 = tpu.memref_slice %arg2[%multiple_of3A_205, %dma_start3A_219] : memref<32768x256xf32, #tpu.memory_space<hbm>> -> memref<136x256xf32, #tpu.memory_space<hbm>>
    tpu.enqueue_dma source(%dma_start3A_220 : memref<136x256xf32, #tpu.memory_space<hbm>>) target(%dma_start3A_218 : memref<136x256xf32, #tpu.memory_space<vmem>>) target_semaphore(%dma_start3A_214 : memref<!tpu.dma_semaphore, #tpu.memory_space<semaphore_mem>>)
    %dma_start3A_221 = arith.constant 6 : i32
    %dma_start3A_222 = arith.constant 6 : i32
    %dma_start3A_223 = tpu.memref_slice %arg7[%dma_start3A_222] : memref<16x!tpu.dma_semaphore, #tpu.memory_space<semaphore_mem>> -> memref<1x!tpu.dma_semaphore, #tpu.memory_space<semaphore_mem>>
    %dma_start3A_224 = tpu.memref_squeeze %dma_start3A_223 : memref<1x!tpu.dma_semaphore, #tpu.memory_space<semaphore_mem>> -> memref<!tpu.dma_semaphore, #tpu.memory_space<semaphore_mem>>
    %dma_start3A_225 = arith.constant 0 : i32
    %dma_start3A_226 = arith.constant 0 : i32
    %dma_start3A_227 = tpu.memref_slice %arg5[%dma_start3A_221, %dma_start3A_225, %dma_start3A_226] : memref<16x128x256xf32, #tpu.memory_space<vmem>> -> memref<1x128x256xf32, #tpu.memory_space<vmem>>
    %dma_start3A_228 = tpu.memref_squeeze %dma_start3A_227 : memref<1x128x256xf32, #tpu.memory_space<vmem>> -> memref<128x256xf32, #tpu.memory_space<vmem>>
    %dma_start3A_229 = arith.constant 0 : i32
    %dma_start3A_230 = tpu.memref_slice %arg2[%multiple_of3A_210, %dma_start3A_229] : memref<32768x256xf32, #tpu.memory_space<hbm>> -> memref<128x256xf32, #tpu.memory_space<hbm>>
    tpu.enqueue_dma source(%dma_start3A_230 : memref<128x256xf32, #tpu.memory_space<hbm>>) target(%dma_start3A_228 : memref<128x256xf32, #tpu.memory_space<vmem>>) target_semaphore(%dma_start3A_224 : memref<!tpu.dma_semaphore, #tpu.memory_space<semaphore_mem>>)
    %get3A_231 = arith.constant 7 : index
    %get3A_232 = memref.load %arg0[%get3A_231] : memref<16xi32, #tpu.memory_space<smem>>
    %get3A_233 = arith.constant 7 : index
    %get3A_234 = memref.load %arg1[%get3A_233] : memref<16xi32, #tpu.memory_space<smem>>
    %and3A_235 = arith.constant -8 : i32
    %and3A_236 = arith.andi %get3A_232, %and3A_235 : i32
    %min3A_237 = arith.constant 32632 : i32
    %min3A_238 = arith.minsi %and3A_236, %min3A_237 : i32
    %multiple_of3A_239 = tpu.assume_multiple %min3A_238, 8 : i32
    %shift_right_arithmetic3A_240 = arith.constant 7 : i32
    %shift_right_arithmetic3A_241 = arith.shrsi %get3A_234, %shift_right_arithmetic3A_240 : i32
    %shift_left3A_242 = arith.constant 7 : i32
    %shift_left3A_243 = arith.shli %shift_right_arithmetic3A_241, %shift_left3A_242 : i32
    %multiple_of3A_244 = tpu.assume_multiple %shift_left3A_243, 128 : i32
    %dma_start3A_245 = arith.constant 7 : i32
    %dma_start3A_246 = arith.constant 7 : i32
    %dma_start3A_247 = tpu.memref_slice %arg6[%dma_start3A_246] : memref<16x!tpu.dma_semaphore, #tpu.memory_space<semaphore_mem>> -> memref<1x!tpu.dma_semaphore, #tpu.memory_space<semaphore_mem>>
    %dma_start3A_248 = tpu.memref_squeeze %dma_start3A_247 : memref<1x!tpu.dma_semaphore, #tpu.memory_space<semaphore_mem>> -> memref<!tpu.dma_semaphore, #tpu.memory_space<semaphore_mem>>
    %dma_start3A_249 = arith.constant 0 : i32
    %dma_start3A_250 = arith.constant 0 : i32
    %dma_start3A_251 = tpu.memref_slice %arg4[%dma_start3A_245, %dma_start3A_249, %dma_start3A_250] : memref<16x136x256xf32, #tpu.memory_space<vmem>> -> memref<1x136x256xf32, #tpu.memory_space<vmem>>
    %dma_start3A_252 = tpu.memref_squeeze %dma_start3A_251 : memref<1x136x256xf32, #tpu.memory_space<vmem>> -> memref<136x256xf32, #tpu.memory_space<vmem>>
    %dma_start3A_253 = arith.constant 0 : i32
    %dma_start3A_254 = tpu.memref_slice %arg2[%multiple_of3A_239, %dma_start3A_253] : memref<32768x256xf32, #tpu.memory_space<hbm>> -> memref<136x256xf32, #tpu.memory_space<hbm>>
    tpu.enqueue_dma source(%dma_start3A_254 : memref<136x256xf32, #tpu.memory_space<hbm>>) target(%dma_start3A_252 : memref<136x256xf32, #tpu.memory_space<vmem>>) target_semaphore(%dma_start3A_248 : memref<!tpu.dma_semaphore, #tpu.memory_space<semaphore_mem>>)
    %dma_start3A_255 = arith.constant 7 : i32
    %dma_start3A_256 = arith.constant 7 : i32
    %dma_start3A_257 = tpu.memref_slice %arg7[%dma_start3A_256] : memref<16x!tpu.dma_semaphore, #tpu.memory_space<semaphore_mem>> -> memref<1x!tpu.dma_semaphore, #tpu.memory_space<semaphore_mem>>
    %dma_start3A_258 = tpu.memref_squeeze %dma_start3A_257 : memref<1x!tpu.dma_semaphore, #tpu.memory_space<semaphore_mem>> -> memref<!tpu.dma_semaphore, #tpu.memory_space<semaphore_mem>>
    %dma_start3A_259 = arith.constant 0 : i32
    %dma_start3A_260 = arith.constant 0 : i32
    %dma_start3A_261 = tpu.memref_slice %arg5[%dma_start3A_255, %dma_start3A_259, %dma_start3A_260] : memref<16x128x256xf32, #tpu.memory_space<vmem>> -> memref<1x128x256xf32, #tpu.memory_space<vmem>>
    %dma_start3A_262 = tpu.memref_squeeze %dma_start3A_261 : memref<1x128x256xf32, #tpu.memory_space<vmem>> -> memref<128x256xf32, #tpu.memory_space<vmem>>
    %dma_start3A_263 = arith.constant 0 : i32
    %dma_start3A_264 = tpu.memref_slice %arg2[%multiple_of3A_244, %dma_start3A_263] : memref<32768x256xf32, #tpu.memory_space<hbm>> -> memref<128x256xf32, #tpu.memory_space<hbm>>
    tpu.enqueue_dma source(%dma_start3A_264 : memref<128x256xf32, #tpu.memory_space<hbm>>) target(%dma_start3A_262 : memref<128x256xf32, #tpu.memory_space<vmem>>) target_semaphore(%dma_start3A_258 : memref<!tpu.dma_semaphore, #tpu.memory_space<semaphore_mem>>)
    %get3A_265 = arith.constant 8 : index
    %get3A_266 = memref.load %arg0[%get3A_265] : memref<16xi32, #tpu.memory_space<smem>>
    %get3A_267 = arith.constant 8 : index
    %get3A_268 = memref.load %arg1[%get3A_267] : memref<16xi32, #tpu.memory_space<smem>>
    %and3A_269 = arith.constant -8 : i32
    %and3A_270 = arith.andi %get3A_266, %and3A_269 : i32
    %min3A_271 = arith.constant 32632 : i32
    %min3A_272 = arith.minsi %and3A_270, %min3A_271 : i32
    %multiple_of3A_273 = tpu.assume_multiple %min3A_272, 8 : i32
    %shift_right_arithmetic3A_274 = arith.constant 7 : i32
    %shift_right_arithmetic3A_275 = arith.shrsi %get3A_268, %shift_right_arithmetic3A_274 : i32
    %shift_left3A_276 = arith.constant 7 : i32
    %shift_left3A_277 = arith.shli %shift_right_arithmetic3A_275, %shift_left3A_276 : i32
    %multiple_of3A_278 = tpu.assume_multiple %shift_left3A_277, 128 : i32
    %dma_start3A_279 = arith.constant 8 : i32
    %dma_start3A_280 = arith.constant 8 : i32
    %dma_start3A_281 = tpu.memref_slice %arg6[%dma_start3A_280] : memref<16x!tpu.dma_semaphore, #tpu.memory_space<semaphore_mem>> -> memref<1x!tpu.dma_semaphore, #tpu.memory_space<semaphore_mem>>
    %dma_start3A_282 = tpu.memref_squeeze %dma_start3A_281 : memref<1x!tpu.dma_semaphore, #tpu.memory_space<semaphore_mem>> -> memref<!tpu.dma_semaphore, #tpu.memory_space<semaphore_mem>>
    %dma_start3A_283 = arith.constant 0 : i32
    %dma_start3A_284 = arith.constant 0 : i32
    %dma_start3A_285 = tpu.memref_slice %arg4[%dma_start3A_279, %dma_start3A_283, %dma_start3A_284] : memref<16x136x256xf32, #tpu.memory_space<vmem>> -> memref<1x136x256xf32, #tpu.memory_space<vmem>>
    %dma_start3A_286 = tpu.memref_squeeze %dma_start3A_285 : memref<1x136x256xf32, #tpu.memory_space<vmem>> -> memref<136x256xf32, #tpu.memory_space<vmem>>
    %dma_start3A_287 = arith.constant 0 : i32
    %dma_start3A_288 = tpu.memref_slice %arg2[%multiple_of3A_273, %dma_start3A_287] : memref<32768x256xf32, #tpu.memory_space<hbm>> -> memref<136x256xf32, #tpu.memory_space<hbm>>
    tpu.enqueue_dma source(%dma_start3A_288 : memref<136x256xf32, #tpu.memory_space<hbm>>) target(%dma_start3A_286 : memref<136x256xf32, #tpu.memory_space<vmem>>) target_semaphore(%dma_start3A_282 : memref<!tpu.dma_semaphore, #tpu.memory_space<semaphore_mem>>)
    %dma_start3A_289 = arith.constant 8 : i32
    %dma_start3A_290 = arith.constant 8 : i32
    %dma_start3A_291 = tpu.memref_slice %arg7[%dma_start3A_290] : memref<16x!tpu.dma_semaphore, #tpu.memory_space<semaphore_mem>> -> memref<1x!tpu.dma_semaphore, #tpu.memory_space<semaphore_mem>>
    %dma_start3A_292 = tpu.memref_squeeze %dma_start3A_291 : memref<1x!tpu.dma_semaphore, #tpu.memory_space<semaphore_mem>> -> memref<!tpu.dma_semaphore, #tpu.memory_space<semaphore_mem>>
    %dma_start3A_293 = arith.constant 0 : i32
    %dma_start3A_294 = arith.constant 0 : i32
    %dma_start3A_295 = tpu.memref_slice %arg5[%dma_start3A_289, %dma_start3A_293, %dma_start3A_294] : memref<16x128x256xf32, #tpu.memory_space<vmem>> -> memref<1x128x256xf32, #tpu.memory_space<vmem>>
    %dma_start3A_296 = tpu.memref_squeeze %dma_start3A_295 : memref<1x128x256xf32, #tpu.memory_space<vmem>> -> memref<128x256xf32, #tpu.memory_space<vmem>>
    %dma_start3A_297 = arith.constant 0 : i32
    %dma_start3A_298 = tpu.memref_slice %arg2[%multiple_of3A_278, %dma_start3A_297] : memref<32768x256xf32, #tpu.memory_space<hbm>> -> memref<128x256xf32, #tpu.memory_space<hbm>>
    tpu.enqueue_dma source(%dma_start3A_298 : memref<128x256xf32, #tpu.memory_space<hbm>>) target(%dma_start3A_296 : memref<128x256xf32, #tpu.memory_space<vmem>>) target_semaphore(%dma_start3A_292 : memref<!tpu.dma_semaphore, #tpu.memory_space<semaphore_mem>>)
    %get3A_299 = arith.constant 9 : index
    %get3A_300 = memref.load %arg0[%get3A_299] : memref<16xi32, #tpu.memory_space<smem>>
    %get3A_301 = arith.constant 9 : index
    %get3A_302 = memref.load %arg1[%get3A_301] : memref<16xi32, #tpu.memory_space<smem>>
    %and3A_303 = arith.constant -8 : i32
    %and3A_304 = arith.andi %get3A_300, %and3A_303 : i32
    %min3A_305 = arith.constant 32632 : i32
    %min3A_306 = arith.minsi %and3A_304, %min3A_305 : i32
    %multiple_of3A_307 = tpu.assume_multiple %min3A_306, 8 : i32
    %shift_right_arithmetic3A_308 = arith.constant 7 : i32
    %shift_right_arithmetic3A_309 = arith.shrsi %get3A_302, %shift_right_arithmetic3A_308 : i32
    %shift_left3A_310 = arith.constant 7 : i32
    %shift_left3A_311 = arith.shli %shift_right_arithmetic3A_309, %shift_left3A_310 : i32
    %multiple_of3A_312 = tpu.assume_multiple %shift_left3A_311, 128 : i32
    %dma_start3A_313 = arith.constant 9 : i32
    %dma_start3A_314 = arith.constant 9 : i32
    %dma_start3A_315 = tpu.memref_slice %arg6[%dma_start3A_314] : memref<16x!tpu.dma_semaphore, #tpu.memory_space<semaphore_mem>> -> memref<1x!tpu.dma_semaphore, #tpu.memory_space<semaphore_mem>>
    %dma_start3A_316 = tpu.memref_squeeze %dma_start3A_315 : memref<1x!tpu.dma_semaphore, #tpu.memory_space<semaphore_mem>> -> memref<!tpu.dma_semaphore, #tpu.memory_space<semaphore_mem>>
    %dma_start3A_317 = arith.constant 0 : i32
    %dma_start3A_318 = arith.constant 0 : i32
    %dma_start3A_319 = tpu.memref_slice %arg4[%dma_start3A_313, %dma_start3A_317, %dma_start3A_318] : memref<16x136x256xf32, #tpu.memory_space<vmem>> -> memref<1x136x256xf32, #tpu.memory_space<vmem>>
    %dma_start3A_320 = tpu.memref_squeeze %dma_start3A_319 : memref<1x136x256xf32, #tpu.memory_space<vmem>> -> memref<136x256xf32, #tpu.memory_space<vmem>>
    %dma_start3A_321 = arith.constant 0 : i32
    %dma_start3A_322 = tpu.memref_slice %arg2[%multiple_of3A_307, %dma_start3A_321] : memref<32768x256xf32, #tpu.memory_space<hbm>> -> memref<136x256xf32, #tpu.memory_space<hbm>>
    tpu.enqueue_dma source(%dma_start3A_322 : memref<136x256xf32, #tpu.memory_space<hbm>>) target(%dma_start3A_320 : memref<136x256xf32, #tpu.memory_space<vmem>>) target_semaphore(%dma_start3A_316 : memref<!tpu.dma_semaphore, #tpu.memory_space<semaphore_mem>>)
    %dma_start3A_323 = arith.constant 9 : i32
    %dma_start3A_324 = arith.constant 9 : i32
    %dma_start3A_325 = tpu.memref_slice %arg7[%dma_start3A_324] : memref<16x!tpu.dma_semaphore, #tpu.memory_space<semaphore_mem>> -> memref<1x!tpu.dma_semaphore, #tpu.memory_space<semaphore_mem>>
    %dma_start3A_326 = tpu.memref_squeeze %dma_start3A_325 : memref<1x!tpu.dma_semaphore, #tpu.memory_space<semaphore_mem>> -> memref<!tpu.dma_semaphore, #tpu.memory_space<semaphore_mem>>
    %dma_start3A_327 = arith.constant 0 : i32
    %dma_start3A_328 = arith.constant 0 : i32
    %dma_start3A_329 = tpu.memref_slice %arg5[%dma_start3A_323, %dma_start3A_327, %dma_start3A_328] : memref<16x128x256xf32, #tpu.memory_space<vmem>> -> memref<1x128x256xf32, #tpu.memory_space<vmem>>
    %dma_start3A_330 = tpu.memref_squeeze %dma_start3A_329 : memref<1x128x256xf32, #tpu.memory_space<vmem>> -> memref<128x256xf32, #tpu.memory_space<vmem>>
    %dma_start3A_331 = arith.constant 0 : i32
    %dma_start3A_332 = tpu.memref_slice %arg2[%multiple_of3A_312, %dma_start3A_331] : memref<32768x256xf32, #tpu.memory_space<hbm>> -> memref<128x256xf32, #tpu.memory_space<hbm>>
    tpu.enqueue_dma source(%dma_start3A_332 : memref<128x256xf32, #tpu.memory_space<hbm>>) target(%dma_start3A_330 : memref<128x256xf32, #tpu.memory_space<vmem>>) target_semaphore(%dma_start3A_326 : memref<!tpu.dma_semaphore, #tpu.memory_space<semaphore_mem>>)
    %get3A_333 = arith.constant 10 : index
    %get3A_334 = memref.load %arg0[%get3A_333] : memref<16xi32, #tpu.memory_space<smem>>
    %get3A_335 = arith.constant 10 : index
    %get3A_336 = memref.load %arg1[%get3A_335] : memref<16xi32, #tpu.memory_space<smem>>
    %and3A_337 = arith.constant -8 : i32
    %and3A_338 = arith.andi %get3A_334, %and3A_337 : i32
    %min3A_339 = arith.constant 32632 : i32
    %min3A_340 = arith.minsi %and3A_338, %min3A_339 : i32
    %multiple_of3A_341 = tpu.assume_multiple %min3A_340, 8 : i32
    %shift_right_arithmetic3A_342 = arith.constant 7 : i32
    %shift_right_arithmetic3A_343 = arith.shrsi %get3A_336, %shift_right_arithmetic3A_342 : i32
    %shift_left3A_344 = arith.constant 7 : i32
    %shift_left3A_345 = arith.shli %shift_right_arithmetic3A_343, %shift_left3A_344 : i32
    %multiple_of3A_346 = tpu.assume_multiple %shift_left3A_345, 128 : i32
    %dma_start3A_347 = arith.constant 10 : i32
    %dma_start3A_348 = arith.constant 10 : i32
    %dma_start3A_349 = tpu.memref_slice %arg6[%dma_start3A_348] : memref<16x!tpu.dma_semaphore, #tpu.memory_space<semaphore_mem>> -> memref<1x!tpu.dma_semaphore, #tpu.memory_space<semaphore_mem>>
    %dma_start3A_350 = tpu.memref_squeeze %dma_start3A_349 : memref<1x!tpu.dma_semaphore, #tpu.memory_space<semaphore_mem>> -> memref<!tpu.dma_semaphore, #tpu.memory_space<semaphore_mem>>
    %dma_start3A_351 = arith.constant 0 : i32
    %dma_start3A_352 = arith.constant 0 : i32
    %dma_start3A_353 = tpu.memref_slice %arg4[%dma_start3A_347, %dma_start3A_351, %dma_start3A_352] : memref<16x136x256xf32, #tpu.memory_space<vmem>> -> memref<1x136x256xf32, #tpu.memory_space<vmem>>
    %dma_start3A_354 = tpu.memref_squeeze %dma_start3A_353 : memref<1x136x256xf32, #tpu.memory_space<vmem>> -> memref<136x256xf32, #tpu.memory_space<vmem>>
    %dma_start3A_355 = arith.constant 0 : i32
    %dma_start3A_356 = tpu.memref_slice %arg2[%multiple_of3A_341, %dma_start3A_355] : memref<32768x256xf32, #tpu.memory_space<hbm>> -> memref<136x256xf32, #tpu.memory_space<hbm>>
    tpu.enqueue_dma source(%dma_start3A_356 : memref<136x256xf32, #tpu.memory_space<hbm>>) target(%dma_start3A_354 : memref<136x256xf32, #tpu.memory_space<vmem>>) target_semaphore(%dma_start3A_350 : memref<!tpu.dma_semaphore, #tpu.memory_space<semaphore_mem>>)
    %dma_start3A_357 = arith.constant 10 : i32
    %dma_start3A_358 = arith.constant 10 : i32
    %dma_start3A_359 = tpu.memref_slice %arg7[%dma_start3A_358] : memref<16x!tpu.dma_semaphore, #tpu.memory_space<semaphore_mem>> -> memref<1x!tpu.dma_semaphore, #tpu.memory_space<semaphore_mem>>
    %dma_start3A_360 = tpu.memref_squeeze %dma_start3A_359 : memref<1x!tpu.dma_semaphore, #tpu.memory_space<semaphore_mem>> -> memref<!tpu.dma_semaphore, #tpu.memory_space<semaphore_mem>>
    %dma_start3A_361 = arith.constant 0 : i32
    %dma_start3A_362 = arith.constant 0 : i32
    %dma_start3A_363 = tpu.memref_slice %arg5[%dma_start3A_357, %dma_start3A_361, %dma_start3A_362] : memref<16x128x256xf32, #tpu.memory_space<vmem>> -> memref<1x128x256xf32, #tpu.memory_space<vmem>>
    %dma_start3A_364 = tpu.memref_squeeze %dma_start3A_363 : memref<1x128x256xf32, #tpu.memory_space<vmem>> -> memref<128x256xf32, #tpu.memory_space<vmem>>
    %dma_start3A_365 = arith.constant 0 : i32
    %dma_start3A_366 = tpu.memref_slice %arg2[%multiple_of3A_346, %dma_start3A_365] : memref<32768x256xf32, #tpu.memory_space<hbm>> -> memref<128x256xf32, #tpu.memory_space<hbm>>
    tpu.enqueue_dma source(%dma_start3A_366 : memref<128x256xf32, #tpu.memory_space<hbm>>) target(%dma_start3A_364 : memref<128x256xf32, #tpu.memory_space<vmem>>) target_semaphore(%dma_start3A_360 : memref<!tpu.dma_semaphore, #tpu.memory_space<semaphore_mem>>)
    %get3A_367 = arith.constant 11 : index
    %get3A_368 = memref.load %arg0[%get3A_367] : memref<16xi32, #tpu.memory_space<smem>>
    %get3A_369 = arith.constant 11 : index
    %get3A_370 = memref.load %arg1[%get3A_369] : memref<16xi32, #tpu.memory_space<smem>>
    %and3A_371 = arith.constant -8 : i32
    %and3A_372 = arith.andi %get3A_368, %and3A_371 : i32
    %min3A_373 = arith.constant 32632 : i32
    %min3A_374 = arith.minsi %and3A_372, %min3A_373 : i32
    %multiple_of3A_375 = tpu.assume_multiple %min3A_374, 8 : i32
    %shift_right_arithmetic3A_376 = arith.constant 7 : i32
    %shift_right_arithmetic3A_377 = arith.shrsi %get3A_370, %shift_right_arithmetic3A_376 : i32
    %shift_left3A_378 = arith.constant 7 : i32
    %shift_left3A_379 = arith.shli %shift_right_arithmetic3A_377, %shift_left3A_378 : i32
    %multiple_of3A_380 = tpu.assume_multiple %shift_left3A_379, 128 : i32
    %dma_start3A_381 = arith.constant 11 : i32
    %dma_start3A_382 = arith.constant 11 : i32
    %dma_start3A_383 = tpu.memref_slice %arg6[%dma_start3A_382] : memref<16x!tpu.dma_semaphore, #tpu.memory_space<semaphore_mem>> -> memref<1x!tpu.dma_semaphore, #tpu.memory_space<semaphore_mem>>
    %dma_start3A_384 = tpu.memref_squeeze %dma_start3A_383 : memref<1x!tpu.dma_semaphore, #tpu.memory_space<semaphore_mem>> -> memref<!tpu.dma_semaphore, #tpu.memory_space<semaphore_mem>>
    %dma_start3A_385 = arith.constant 0 : i32
    %dma_start3A_386 = arith.constant 0 : i32
    %dma_start3A_387 = tpu.memref_slice %arg4[%dma_start3A_381, %dma_start3A_385, %dma_start3A_386] : memref<16x136x256xf32, #tpu.memory_space<vmem>> -> memref<1x136x256xf32, #tpu.memory_space<vmem>>
    %dma_start3A_388 = tpu.memref_squeeze %dma_start3A_387 : memref<1x136x256xf32, #tpu.memory_space<vmem>> -> memref<136x256xf32, #tpu.memory_space<vmem>>
    %dma_start3A_389 = arith.constant 0 : i32
    %dma_start3A_390 = tpu.memref_slice %arg2[%multiple_of3A_375, %dma_start3A_389] : memref<32768x256xf32, #tpu.memory_space<hbm>> -> memref<136x256xf32, #tpu.memory_space<hbm>>
    tpu.enqueue_dma source(%dma_start3A_390 : memref<136x256xf32, #tpu.memory_space<hbm>>) target(%dma_start3A_388 : memref<136x256xf32, #tpu.memory_space<vmem>>) target_semaphore(%dma_start3A_384 : memref<!tpu.dma_semaphore, #tpu.memory_space<semaphore_mem>>)
    %dma_start3A_391 = arith.constant 11 : i32
    %dma_start3A_392 = arith.constant 11 : i32
    %dma_start3A_393 = tpu.memref_slice %arg7[%dma_start3A_392] : memref<16x!tpu.dma_semaphore, #tpu.memory_space<semaphore_mem>> -> memref<1x!tpu.dma_semaphore, #tpu.memory_space<semaphore_mem>>
    %dma_start3A_394 = tpu.memref_squeeze %dma_start3A_393 : memref<1x!tpu.dma_semaphore, #tpu.memory_space<semaphore_mem>> -> memref<!tpu.dma_semaphore, #tpu.memory_space<semaphore_mem>>
    %dma_start3A_395 = arith.constant 0 : i32
    %dma_start3A_396 = arith.constant 0 : i32
    %dma_start3A_397 = tpu.memref_slice %arg5[%dma_start3A_391, %dma_start3A_395, %dma_start3A_396] : memref<16x128x256xf32, #tpu.memory_space<vmem>> -> memref<1x128x256xf32, #tpu.memory_space<vmem>>
    %dma_start3A_398 = tpu.memref_squeeze %dma_start3A_397 : memref<1x128x256xf32, #tpu.memory_space<vmem>> -> memref<128x256xf32, #tpu.memory_space<vmem>>
    %dma_start3A_399 = arith.constant 0 : i32
    %dma_start3A_400 = tpu.memref_slice %arg2[%multiple_of3A_380, %dma_start3A_399] : memref<32768x256xf32, #tpu.memory_space<hbm>> -> memref<128x256xf32, #tpu.memory_space<hbm>>
    tpu.enqueue_dma source(%dma_start3A_400 : memref<128x256xf32, #tpu.memory_space<hbm>>) target(%dma_start3A_398 : memref<128x256xf32, #tpu.memory_space<vmem>>) target_semaphore(%dma_start3A_394 : memref<!tpu.dma_semaphore, #tpu.memory_space<semaphore_mem>>)
    %get3A_401 = arith.constant 12 : index
    %get3A_402 = memref.load %arg0[%get3A_401] : memref<16xi32, #tpu.memory_space<smem>>
    %get3A_403 = arith.constant 12 : index
    %get3A_404 = memref.load %arg1[%get3A_403] : memref<16xi32, #tpu.memory_space<smem>>
    %and3A_405 = arith.constant -8 : i32
    %and3A_406 = arith.andi %get3A_402, %and3A_405 : i32
    %min3A_407 = arith.constant 32632 : i32
    %min3A_408 = arith.minsi %and3A_406, %min3A_407 : i32
    %multiple_of3A_409 = tpu.assume_multiple %min3A_408, 8 : i32
    %shift_right_arithmetic3A_410 = arith.constant 7 : i32
    %shift_right_arithmetic3A_411 = arith.shrsi %get3A_404, %shift_right_arithmetic3A_410 : i32
    %shift_left3A_412 = arith.constant 7 : i32
    %shift_left3A_413 = arith.shli %shift_right_arithmetic3A_411, %shift_left3A_412 : i32
    %multiple_of3A_414 = tpu.assume_multiple %shift_left3A_413, 128 : i32
    %dma_start3A_415 = arith.constant 12 : i32
    %dma_start3A_416 = arith.constant 12 : i32
    %dma_start3A_417 = tpu.memref_slice %arg6[%dma_start3A_416] : memref<16x!tpu.dma_semaphore, #tpu.memory_space<semaphore_mem>> -> memref<1x!tpu.dma_semaphore, #tpu.memory_space<semaphore_mem>>
    %dma_start3A_418 = tpu.memref_squeeze %dma_start3A_417 : memref<1x!tpu.dma_semaphore, #tpu.memory_space<semaphore_mem>> -> memref<!tpu.dma_semaphore, #tpu.memory_space<semaphore_mem>>
    %dma_start3A_419 = arith.constant 0 : i32
    %dma_start3A_420 = arith.constant 0 : i32
    %dma_start3A_421 = tpu.memref_slice %arg4[%dma_start3A_415, %dma_start3A_419, %dma_start3A_420] : memref<16x136x256xf32, #tpu.memory_space<vmem>> -> memref<1x136x256xf32, #tpu.memory_space<vmem>>
    %dma_start3A_422 = tpu.memref_squeeze %dma_start3A_421 : memref<1x136x256xf32, #tpu.memory_space<vmem>> -> memref<136x256xf32, #tpu.memory_space<vmem>>
    %dma_start3A_423 = arith.constant 0 : i32
    %dma_start3A_424 = tpu.memref_slice %arg2[%multiple_of3A_409, %dma_start3A_423] : memref<32768x256xf32, #tpu.memory_space<hbm>> -> memref<136x256xf32, #tpu.memory_space<hbm>>
    tpu.enqueue_dma source(%dma_start3A_424 : memref<136x256xf32, #tpu.memory_space<hbm>>) target(%dma_start3A_422 : memref<136x256xf32, #tpu.memory_space<vmem>>) target_semaphore(%dma_start3A_418 : memref<!tpu.dma_semaphore, #tpu.memory_space<semaphore_mem>>)
    %dma_start3A_425 = arith.constant 12 : i32
    %dma_start3A_426 = arith.constant 12 : i32
    %dma_start3A_427 = tpu.memref_slice %arg7[%dma_start3A_426] : memref<16x!tpu.dma_semaphore, #tpu.memory_space<semaphore_mem>> -> memref<1x!tpu.dma_semaphore, #tpu.memory_space<semaphore_mem>>
    %dma_start3A_428 = tpu.memref_squeeze %dma_start3A_427 : memref<1x!tpu.dma_semaphore, #tpu.memory_space<semaphore_mem>> -> memref<!tpu.dma_semaphore, #tpu.memory_space<semaphore_mem>>
    %dma_start3A_429 = arith.constant 0 : i32
    %dma_start3A_430 = arith.constant 0 : i32
    %dma_start3A_431 = tpu.memref_slice %arg5[%dma_start3A_425, %dma_start3A_429, %dma_start3A_430] : memref<16x128x256xf32, #tpu.memory_space<vmem>> -> memref<1x128x256xf32, #tpu.memory_space<vmem>>
    %dma_start3A_432 = tpu.memref_squeeze %dma_start3A_431 : memref<1x128x256xf32, #tpu.memory_space<vmem>> -> memref<128x256xf32, #tpu.memory_space<vmem>>
    %dma_start3A_433 = arith.constant 0 : i32
    %dma_start3A_434 = tpu.memref_slice %arg2[%multiple_of3A_414, %dma_start3A_433] : memref<32768x256xf32, #tpu.memory_space<hbm>> -> memref<128x256xf32, #tpu.memory_space<hbm>>
    tpu.enqueue_dma source(%dma_start3A_434 : memref<128x256xf32, #tpu.memory_space<hbm>>) target(%dma_start3A_432 : memref<128x256xf32, #tpu.memory_space<vmem>>) target_semaphore(%dma_start3A_428 : memref<!tpu.dma_semaphore, #tpu.memory_space<semaphore_mem>>)
    %get3A_435 = arith.constant 13 : index
    %get3A_436 = memref.load %arg0[%get3A_435] : memref<16xi32, #tpu.memory_space<smem>>
    %get3A_437 = arith.constant 13 : index
    %get3A_438 = memref.load %arg1[%get3A_437] : memref<16xi32, #tpu.memory_space<smem>>
    %and3A_439 = arith.constant -8 : i32
    %and3A_440 = arith.andi %get3A_436, %and3A_439 : i32
    %min3A_441 = arith.constant 32632 : i32
    %min3A_442 = arith.minsi %and3A_440, %min3A_441 : i32
    %multiple_of3A_443 = tpu.assume_multiple %min3A_442, 8 : i32
    %shift_right_arithmetic3A_444 = arith.constant 7 : i32
    %shift_right_arithmetic3A_445 = arith.shrsi %get3A_438, %shift_right_arithmetic3A_444 : i32
    %shift_left3A_446 = arith.constant 7 : i32
    %shift_left3A_447 = arith.shli %shift_right_arithmetic3A_445, %shift_left3A_446 : i32
    %multiple_of3A_448 = tpu.assume_multiple %shift_left3A_447, 128 : i32
    %dma_start3A_449 = arith.constant 13 : i32
    %dma_start3A_450 = arith.constant 13 : i32
    %dma_start3A_451 = tpu.memref_slice %arg6[%dma_start3A_450] : memref<16x!tpu.dma_semaphore, #tpu.memory_space<semaphore_mem>> -> memref<1x!tpu.dma_semaphore, #tpu.memory_space<semaphore_mem>>
    %dma_start3A_452 = tpu.memref_squeeze %dma_start3A_451 : memref<1x!tpu.dma_semaphore, #tpu.memory_space<semaphore_mem>> -> memref<!tpu.dma_semaphore, #tpu.memory_space<semaphore_mem>>
    %dma_start3A_453 = arith.constant 0 : i32
    %dma_start3A_454 = arith.constant 0 : i32
    %dma_start3A_455 = tpu.memref_slice %arg4[%dma_start3A_449, %dma_start3A_453, %dma_start3A_454] : memref<16x136x256xf32, #tpu.memory_space<vmem>> -> memref<1x136x256xf32, #tpu.memory_space<vmem>>
    %dma_start3A_456 = tpu.memref_squeeze %dma_start3A_455 : memref<1x136x256xf32, #tpu.memory_space<vmem>> -> memref<136x256xf32, #tpu.memory_space<vmem>>
    %dma_start3A_457 = arith.constant 0 : i32
    %dma_start3A_458 = tpu.memref_slice %arg2[%multiple_of3A_443, %dma_start3A_457] : memref<32768x256xf32, #tpu.memory_space<hbm>> -> memref<136x256xf32, #tpu.memory_space<hbm>>
    tpu.enqueue_dma source(%dma_start3A_458 : memref<136x256xf32, #tpu.memory_space<hbm>>) target(%dma_start3A_456 : memref<136x256xf32, #tpu.memory_space<vmem>>) target_semaphore(%dma_start3A_452 : memref<!tpu.dma_semaphore, #tpu.memory_space<semaphore_mem>>)
    %dma_start3A_459 = arith.constant 13 : i32
    %dma_start3A_460 = arith.constant 13 : i32
    %dma_start3A_461 = tpu.memref_slice %arg7[%dma_start3A_460] : memref<16x!tpu.dma_semaphore, #tpu.memory_space<semaphore_mem>> -> memref<1x!tpu.dma_semaphore, #tpu.memory_space<semaphore_mem>>
    %dma_start3A_462 = tpu.memref_squeeze %dma_start3A_461 : memref<1x!tpu.dma_semaphore, #tpu.memory_space<semaphore_mem>> -> memref<!tpu.dma_semaphore, #tpu.memory_space<semaphore_mem>>
    %dma_start3A_463 = arith.constant 0 : i32
    %dma_start3A_464 = arith.constant 0 : i32
    %dma_start3A_465 = tpu.memref_slice %arg5[%dma_start3A_459, %dma_start3A_463, %dma_start3A_464] : memref<16x128x256xf32, #tpu.memory_space<vmem>> -> memref<1x128x256xf32, #tpu.memory_space<vmem>>
    %dma_start3A_466 = tpu.memref_squeeze %dma_start3A_465 : memref<1x128x256xf32, #tpu.memory_space<vmem>> -> memref<128x256xf32, #tpu.memory_space<vmem>>
    %dma_start3A_467 = arith.constant 0 : i32
    %dma_start3A_468 = tpu.memref_slice %arg2[%multiple_of3A_448, %dma_start3A_467] : memref<32768x256xf32, #tpu.memory_space<hbm>> -> memref<128x256xf32, #tpu.memory_space<hbm>>
    tpu.enqueue_dma source(%dma_start3A_468 : memref<128x256xf32, #tpu.memory_space<hbm>>) target(%dma_start3A_466 : memref<128x256xf32, #tpu.memory_space<vmem>>) target_semaphore(%dma_start3A_462 : memref<!tpu.dma_semaphore, #tpu.memory_space<semaphore_mem>>)
    %get3A_469 = arith.constant 14 : index
    %get3A_470 = memref.load %arg0[%get3A_469] : memref<16xi32, #tpu.memory_space<smem>>
    %get3A_471 = arith.constant 14 : index
    %get3A_472 = memref.load %arg1[%get3A_471] : memref<16xi32, #tpu.memory_space<smem>>
    %and3A_473 = arith.constant -8 : i32
    %and3A_474 = arith.andi %get3A_470, %and3A_473 : i32
    %min3A_475 = arith.constant 32632 : i32
    %min3A_476 = arith.minsi %and3A_474, %min3A_475 : i32
    %multiple_of3A_477 = tpu.assume_multiple %min3A_476, 8 : i32
    %shift_right_arithmetic3A_478 = arith.constant 7 : i32
    %shift_right_arithmetic3A_479 = arith.shrsi %get3A_472, %shift_right_arithmetic3A_478 : i32
    %shift_left3A_480 = arith.constant 7 : i32
    %shift_left3A_481 = arith.shli %shift_right_arithmetic3A_479, %shift_left3A_480 : i32
    %multiple_of3A_482 = tpu.assume_multiple %shift_left3A_481, 128 : i32
    %dma_start3A_483 = arith.constant 14 : i32
    %dma_start3A_484 = arith.constant 14 : i32
    %dma_start3A_485 = tpu.memref_slice %arg6[%dma_start3A_484] : memref<16x!tpu.dma_semaphore, #tpu.memory_space<semaphore_mem>> -> memref<1x!tpu.dma_semaphore, #tpu.memory_space<semaphore_mem>>
    %dma_start3A_486 = tpu.memref_squeeze %dma_start3A_485 : memref<1x!tpu.dma_semaphore, #tpu.memory_space<semaphore_mem>> -> memref<!tpu.dma_semaphore, #tpu.memory_space<semaphore_mem>>
    %dma_start3A_487 = arith.constant 0 : i32
    %dma_start3A_488 = arith.constant 0 : i32
    %dma_start3A_489 = tpu.memref_slice %arg4[%dma_start3A_483, %dma_start3A_487, %dma_start3A_488] : memref<16x136x256xf32, #tpu.memory_space<vmem>> -> memref<1x136x256xf32, #tpu.memory_space<vmem>>
    %dma_start3A_490 = tpu.memref_squeeze %dma_start3A_489 : memref<1x136x256xf32, #tpu.memory_space<vmem>> -> memref<136x256xf32, #tpu.memory_space<vmem>>
    %dma_start3A_491 = arith.constant 0 : i32
    %dma_start3A_492 = tpu.memref_slice %arg2[%multiple_of3A_477, %dma_start3A_491] : memref<32768x256xf32, #tpu.memory_space<hbm>> -> memref<136x256xf32, #tpu.memory_space<hbm>>
    tpu.enqueue_dma source(%dma_start3A_492 : memref<136x256xf32, #tpu.memory_space<hbm>>) target(%dma_start3A_490 : memref<136x256xf32, #tpu.memory_space<vmem>>) target_semaphore(%dma_start3A_486 : memref<!tpu.dma_semaphore, #tpu.memory_space<semaphore_mem>>)
    %dma_start3A_493 = arith.constant 14 : i32
    %dma_start3A_494 = arith.constant 14 : i32
    %dma_start3A_495 = tpu.memref_slice %arg7[%dma_start3A_494] : memref<16x!tpu.dma_semaphore, #tpu.memory_space<semaphore_mem>> -> memref<1x!tpu.dma_semaphore, #tpu.memory_space<semaphore_mem>>
    %dma_start3A_496 = tpu.memref_squeeze %dma_start3A_495 : memref<1x!tpu.dma_semaphore, #tpu.memory_space<semaphore_mem>> -> memref<!tpu.dma_semaphore, #tpu.memory_space<semaphore_mem>>
    %dma_start3A_497 = arith.constant 0 : i32
    %dma_start3A_498 = arith.constant 0 : i32
    %dma_start3A_499 = tpu.memref_slice %arg5[%dma_start3A_493, %dma_start3A_497, %dma_start3A_498] : memref<16x128x256xf32, #tpu.memory_space<vmem>> -> memref<1x128x256xf32, #tpu.memory_space<vmem>>
    %dma_start3A_500 = tpu.memref_squeeze %dma_start3A_499 : memref<1x128x256xf32, #tpu.memory_space<vmem>> -> memref<128x256xf32, #tpu.memory_space<vmem>>
    %dma_start3A_501 = arith.constant 0 : i32
    %dma_start3A_502 = tpu.memref_slice %arg2[%multiple_of3A_482, %dma_start3A_501] : memref<32768x256xf32, #tpu.memory_space<hbm>> -> memref<128x256xf32, #tpu.memory_space<hbm>>
    tpu.enqueue_dma source(%dma_start3A_502 : memref<128x256xf32, #tpu.memory_space<hbm>>) target(%dma_start3A_500 : memref<128x256xf32, #tpu.memory_space<vmem>>) target_semaphore(%dma_start3A_496 : memref<!tpu.dma_semaphore, #tpu.memory_space<semaphore_mem>>)
    %get3A_503 = arith.constant 15 : index
    %get3A_504 = memref.load %arg0[%get3A_503] : memref<16xi32, #tpu.memory_space<smem>>
    %get3A_505 = arith.constant 15 : index
    %get3A_506 = memref.load %arg1[%get3A_505] : memref<16xi32, #tpu.memory_space<smem>>
    %and3A_507 = arith.constant -8 : i32
    %and3A_508 = arith.andi %get3A_504, %and3A_507 : i32
    %min3A_509 = arith.constant 32632 : i32
    %min3A_510 = arith.minsi %and3A_508, %min3A_509 : i32
    %multiple_of3A_511 = tpu.assume_multiple %min3A_510, 8 : i32
    %shift_right_arithmetic3A_512 = arith.constant 7 : i32
    %shift_right_arithmetic3A_513 = arith.shrsi %get3A_506, %shift_right_arithmetic3A_512 : i32
    %shift_left3A_514 = arith.constant 7 : i32
    %shift_left3A_515 = arith.shli %shift_right_arithmetic3A_513, %shift_left3A_514 : i32
    %multiple_of3A_516 = tpu.assume_multiple %shift_left3A_515, 128 : i32
    %dma_start3A_517 = arith.constant 15 : i32
    %dma_start3A_518 = arith.constant 15 : i32
    %dma_start3A_519 = tpu.memref_slice %arg6[%dma_start3A_518] : memref<16x!tpu.dma_semaphore, #tpu.memory_space<semaphore_mem>> -> memref<1x!tpu.dma_semaphore, #tpu.memory_space<semaphore_mem>>
    %dma_start3A_520 = tpu.memref_squeeze %dma_start3A_519 : memref<1x!tpu.dma_semaphore, #tpu.memory_space<semaphore_mem>> -> memref<!tpu.dma_semaphore, #tpu.memory_space<semaphore_mem>>
    %dma_start3A_521 = arith.constant 0 : i32
    %dma_start3A_522 = arith.constant 0 : i32
    %dma_start3A_523 = tpu.memref_slice %arg4[%dma_start3A_517, %dma_start3A_521, %dma_start3A_522] : memref<16x136x256xf32, #tpu.memory_space<vmem>> -> memref<1x136x256xf32, #tpu.memory_space<vmem>>
    %dma_start3A_524 = tpu.memref_squeeze %dma_start3A_523 : memref<1x136x256xf32, #tpu.memory_space<vmem>> -> memref<136x256xf32, #tpu.memory_space<vmem>>
    %dma_start3A_525 = arith.constant 0 : i32
    %dma_start3A_526 = tpu.memref_slice %arg2[%multiple_of3A_511, %dma_start3A_525] : memref<32768x256xf32, #tpu.memory_space<hbm>> -> memref<136x256xf32, #tpu.memory_space<hbm>>
    tpu.enqueue_dma source(%dma_start3A_526 : memref<136x256xf32, #tpu.memory_space<hbm>>) target(%dma_start3A_524 : memref<136x256xf32, #tpu.memory_space<vmem>>) target_semaphore(%dma_start3A_520 : memref<!tpu.dma_semaphore, #tpu.memory_space<semaphore_mem>>)
    %dma_start3A_527 = arith.constant 15 : i32
    %dma_start3A_528 = arith.constant 15 : i32
    %dma_start3A_529 = tpu.memref_slice %arg7[%dma_start3A_528] : memref<16x!tpu.dma_semaphore, #tpu.memory_space<semaphore_mem>> -> memref<1x!tpu.dma_semaphore, #tpu.memory_space<semaphore_mem>>
    %dma_start3A_530 = tpu.memref_squeeze %dma_start3A_529 : memref<1x!tpu.dma_semaphore, #tpu.memory_space<semaphore_mem>> -> memref<!tpu.dma_semaphore, #tpu.memory_space<semaphore_mem>>
    %dma_start3A_531 = arith.constant 0 : i32
    %dma_start3A_532 = arith.constant 0 : i32
    %dma_start3A_533 = tpu.memref_slice %arg5[%dma_start3A_527, %dma_start3A_531, %dma_start3A_532] : memref<16x128x256xf32, #tpu.memory_space<vmem>> -> memref<1x128x256xf32, #tpu.memory_space<vmem>>
    %dma_start3A_534 = tpu.memref_squeeze %dma_start3A_533 : memref<1x128x256xf32, #tpu.memory_space<vmem>> -> memref<128x256xf32, #tpu.memory_space<vmem>>
    %dma_start3A_535 = arith.constant 0 : i32
    %dma_start3A_536 = tpu.memref_slice %arg2[%multiple_of3A_516, %dma_start3A_535] : memref<32768x256xf32, #tpu.memory_space<hbm>> -> memref<128x256xf32, #tpu.memory_space<hbm>>
    tpu.enqueue_dma source(%dma_start3A_536 : memref<128x256xf32, #tpu.memory_space<hbm>>) target(%dma_start3A_534 : memref<128x256xf32, #tpu.memory_space<vmem>>) target_semaphore(%dma_start3A_530 : memref<!tpu.dma_semaphore, #tpu.memory_space<semaphore_mem>>)
    %iota3A = tpu.iota {dimensions = array<i32: 0>} : vector<136x1xi32>
    %iota3A_537 = tpu.iota {dimensions = array<i32: 0>} : vector<128x1xi32>
    %get3A_538 = arith.constant 0 : index
    %get3A_539 = memref.load %arg0[%get3A_538] : memref<16xi32, #tpu.memory_space<smem>>
    %get3A_540 = arith.constant 0 : index
    %get3A_541 = memref.load %arg1[%get3A_540] : memref<16xi32, #tpu.memory_space<smem>>
    %and3A_542 = arith.constant -8 : i32
    %and3A_543 = arith.andi %get3A_539, %and3A_542 : i32
    %min3A_544 = arith.constant 32632 : i32
    %min3A_545 = arith.minsi %and3A_543, %min3A_544 : i32
    %add3A = arith.constant 128 : i32
    %add3A_546 = arith.addi %get3A_539, %add3A : i32
    %sub3A = arith.constant 1 : i32
    %sub3A_547 = arith.subi %add3A_546, %sub3A : i32
    %shift_right_arithmetic3A_548 = arith.constant 7 : i32
    %shift_right_arithmetic3A_549 = arith.shrsi %sub3A_547, %shift_right_arithmetic3A_548 : i32
    %shift_left3A_550 = arith.constant 7 : i32
    %shift_left3A_551 = arith.shli %shift_right_arithmetic3A_549, %shift_left3A_550 : i32
    %shift_right_arithmetic3A_552 = arith.constant 7 : i32
    %shift_right_arithmetic3A_553 = arith.shrsi %get3A_541, %shift_right_arithmetic3A_552 : i32
    %shift_left3A_554 = arith.constant 7 : i32
    %shift_left3A_555 = arith.shli %shift_right_arithmetic3A_553, %shift_left3A_554 : i32
    %min3A_556 = arith.minsi %shift_left3A_551, %get3A_541 : i32
    %max3A = arith.maxsi %shift_left3A_555, %min3A_556 : i32
    %dma_wait3A = arith.constant 0 : i32
    %dma_wait3A_557 = arith.constant 0 : i32
    %dma_wait3A_558 = tpu.memref_slice %arg6[%dma_wait3A_557] : memref<16x!tpu.dma_semaphore, #tpu.memory_space<semaphore_mem>> -> memref<1x!tpu.dma_semaphore, #tpu.memory_space<semaphore_mem>>
    %dma_wait3A_559 = tpu.memref_squeeze %dma_wait3A_558 : memref<1x!tpu.dma_semaphore, #tpu.memory_space<semaphore_mem>> -> memref<!tpu.dma_semaphore, #tpu.memory_space<semaphore_mem>>
    %dma_wait3A_560 = arith.constant 0 : i32
    %dma_wait3A_561 = arith.constant 0 : i32
    %dma_wait3A_562 = tpu.memref_slice %arg4[%dma_wait3A, %dma_wait3A_560, %dma_wait3A_561] : memref<16x136x256xf32, #tpu.memory_space<vmem>> -> memref<1x136x256xf32, #tpu.memory_space<vmem>>
    %dma_wait3A_563 = tpu.memref_squeeze %dma_wait3A_562 : memref<1x136x256xf32, #tpu.memory_space<vmem>> -> memref<136x256xf32, #tpu.memory_space<vmem>>
    %dma_wait3A_564 = arith.constant 0 : i32
    %dma_wait3A_565 = tpu.memref_slice %arg2[%multiple_of3A, %dma_wait3A_564] : memref<32768x256xf32, #tpu.memory_space<hbm>> -> memref<136x256xf32, #tpu.memory_space<hbm>>
    tpu.wait_dma2 semaphore(%dma_wait3A_559 : memref<!tpu.dma_semaphore, #tpu.memory_space<semaphore_mem>>) src(%dma_wait3A_565 : memref<136x256xf32, #tpu.memory_space<hbm>>) dst(%dma_wait3A_563 : memref<136x256xf32, #tpu.memory_space<vmem>>)
    %dma_wait3A_566 = arith.constant 0 : i32
    %dma_wait3A_567 = arith.constant 0 : i32
    %dma_wait3A_568 = tpu.memref_slice %arg7[%dma_wait3A_567] : memref<16x!tpu.dma_semaphore, #tpu.memory_space<semaphore_mem>> -> memref<1x!tpu.dma_semaphore, #tpu.memory_space<semaphore_mem>>
    %dma_wait3A_569 = tpu.memref_squeeze %dma_wait3A_568 : memref<1x!tpu.dma_semaphore, #tpu.memory_space<semaphore_mem>> -> memref<!tpu.dma_semaphore, #tpu.memory_space<semaphore_mem>>
    %dma_wait3A_570 = arith.constant 0 : i32
    %dma_wait3A_571 = arith.constant 0 : i32
    %dma_wait3A_572 = tpu.memref_slice %arg5[%dma_wait3A_566, %dma_wait3A_570, %dma_wait3A_571] : memref<16x128x256xf32, #tpu.memory_space<vmem>> -> memref<1x128x256xf32, #tpu.memory_space<vmem>>
    %dma_wait3A_573 = tpu.memref_squeeze %dma_wait3A_572 : memref<1x128x256xf32, #tpu.memory_space<vmem>> -> memref<128x256xf32, #tpu.memory_space<vmem>>
    %dma_wait3A_574 = arith.constant 0 : i32
    %dma_wait3A_575 = tpu.memref_slice %arg2[%multiple_of3A_7, %dma_wait3A_574] : memref<32768x256xf32, #tpu.memory_space<hbm>> -> memref<128x256xf32, #tpu.memory_space<hbm>>
    tpu.wait_dma2 semaphore(%dma_wait3A_569 : memref<!tpu.dma_semaphore, #tpu.memory_space<semaphore_mem>>) src(%dma_wait3A_575 : memref<128x256xf32, #tpu.memory_space<hbm>>) dst(%dma_wait3A_573 : memref<128x256xf32, #tpu.memory_space<vmem>>)
    %sub3A_576 = arith.subi %get3A_539, %min3A_545 : i32
    %ge3A = vector.broadcast %sub3A_576 : i32 to vector<136x1xi32>
    %ge3A_577 = arith.cmpi sge, %iota3A, %ge3A : vector<136x1xi32>
    %sub3A_578 = arith.subi %min3A_556, %min3A_545 : i32
    %lt3A = vector.broadcast %sub3A_578 : i32 to vector<136x1xi32>
    %lt3A_579 = arith.cmpi slt, %iota3A, %lt3A : vector<136x1xi32>
    %and3A_580 = arith.andi %ge3A_577, %lt3A_579 : vector<136x1xi1>
    %sub3A_581 = arith.subi %max3A, %shift_left3A_555 : i32
    %ge3A_582 = vector.broadcast %sub3A_581 : i32 to vector<128x1xi32>
    %ge3A_583 = arith.cmpi sge, %iota3A_537, %ge3A_582 : vector<128x1xi32>
    %sub3A_584 = arith.subi %get3A_541, %shift_left3A_555 : i32
    %lt3A_585 = vector.broadcast %sub3A_584 : i32 to vector<128x1xi32>
    %lt3A_586 = arith.cmpi slt, %iota3A_537, %lt3A_585 : vector<128x1xi32>
    %and3A_587 = arith.andi %ge3A_583, %lt3A_586 : vector<128x1xi1>
    %get3A_588 = arith.constant 0 : index
    %get3A_589 = arith.constant 0 : index
    %get3A_590 = arith.constant 0 : index
    %get3A_591 = vector.load %arg4[%get3A_588, %get3A_589, %get3A_590] : memref<16x136x256xf32, #tpu.memory_space<vmem>>, vector<1x136x256xf32>
    %get3A_592 = vector.shape_cast %get3A_591 : vector<1x136x256xf32> to vector<136x256xf32>
    %jit3A = arith.constant 0.000000e+00 : f32
    %broadcast_in_dim3A = vector.shape_cast %and3A_580 : vector<136x1xi1> to vector<136x1xi1>
    %broadcast_in_dim3A_593 = vector.broadcast %broadcast_in_dim3A : vector<136x1xi1> to vector<136x256xi1>
    %broadcast_in_dim3A_594 = vector.broadcast %jit3A : f32 to vector<136x256xf32>
    %select_n3A = arith.select %broadcast_in_dim3A_593, %get3A_592, %broadcast_in_dim3A_594 : vector<136x256xi1>, vector<136x256xf32>
    %reduce_sum3A = arith.constant dense<0.000000e+00> : vector<256xf32>
    %reduce_sum3A_595 = vector.multi_reduction <add>, %select_n3A, %reduce_sum3A [0] : vector<136x256xf32> to vector<256xf32>
    %get3A_596 = arith.constant 0 : index
    %get3A_597 = arith.constant 0 : index
    %get3A_598 = arith.constant 0 : index
    %get3A_599 = vector.load %arg5[%get3A_596, %get3A_597, %get3A_598] : memref<16x128x256xf32, #tpu.memory_space<vmem>>, vector<1x128x256xf32>
    %get3A_600 = vector.shape_cast %get3A_599 : vector<1x128x256xf32> to vector<128x256xf32>
    %jit3A_601 = arith.constant 0.000000e+00 : f32
    %broadcast_in_dim3A_602 = vector.shape_cast %and3A_587 : vector<128x1xi1> to vector<128x1xi1>
    %broadcast_in_dim3A_603 = vector.broadcast %broadcast_in_dim3A_602 : vector<128x1xi1> to vector<128x256xi1>
    %broadcast_in_dim3A_604 = vector.broadcast %jit3A_601 : f32 to vector<128x256xf32>
    %select_n3A_605 = arith.select %broadcast_in_dim3A_603, %get3A_600, %broadcast_in_dim3A_604 : vector<128x256xi1>, vector<128x256xf32>
    %reduce_sum3A_606 = arith.constant dense<0.000000e+00> : vector<256xf32>
    %reduce_sum3A_607 = vector.multi_reduction <add>, %select_n3A_605, %reduce_sum3A_606 [0] : vector<128x256xf32> to vector<256xf32>
    %add3A_608 = arith.addf %reduce_sum3A_595, %reduce_sum3A_607 : vector<256xf32>
    %swap3A = arith.constant 0 : index
    %swap3A_609 = arith.constant 0 : index
    %swap3A_610 = vector.load %arg3[%swap3A, %swap3A_609] : memref<16x256xf32, #tpu.memory_space<vmem>>, vector<1x256xf32>
    %swap3A_611 = vector.shape_cast %swap3A_610 : vector<1x256xf32> to vector<256xf32>
    %swap3A_612 = vector.shape_cast %add3A_608 : vector<256xf32> to vector<1x256xf32>
    tpu.vector_store %arg3[%swap3A, %swap3A_609], %swap3A_612 {strides = array<i32>} : memref<16x256xf32, #tpu.memory_space<vmem>>, vector<1x256xf32>,
    %get3A_613 = arith.constant 1 : index
    %get3A_614 = memref.load %arg0[%get3A_613] : memref<16xi32, #tpu.memory_space<smem>>
    %get3A_615 = arith.constant 1 : index
    %get3A_616 = memref.load %arg1[%get3A_615] : memref<16xi32, #tpu.memory_space<smem>>
    %and3A_617 = arith.constant -8 : i32
    %and3A_618 = arith.andi %get3A_614, %and3A_617 : i32
    %min3A_619 = arith.constant 32632 : i32
    %min3A_620 = arith.minsi %and3A_618, %min3A_619 : i32
    %add3A_621 = arith.constant 128 : i32
    %add3A_622 = arith.addi %get3A_614, %add3A_621 : i32
    %sub3A_623 = arith.constant 1 : i32
    %sub3A_624 = arith.subi %add3A_622, %sub3A_623 : i32
    %shift_right_arithmetic3A_625 = arith.constant 7 : i32
    %shift_right_arithmetic3A_626 = arith.shrsi %sub3A_624, %shift_right_arithmetic3A_625 : i32
    %shift_left3A_627 = arith.constant 7 : i32
    %shift_left3A_628 = arith.shli %shift_right_arithmetic3A_626, %shift_left3A_627 : i32
    %shift_right_arithmetic3A_629 = arith.constant 7 : i32
    %shift_right_arithmetic3A_630 = arith.shrsi %get3A_616, %shift_right_arithmetic3A_629 : i32
    %shift_left3A_631 = arith.constant 7 : i32
    %shift_left3A_632 = arith.shli %shift_right_arithmetic3A_630, %shift_left3A_631 : i32
    %min3A_633 = arith.minsi %shift_left3A_628, %get3A_616 : i32
    %max3A_634 = arith.maxsi %shift_left3A_632, %min3A_633 : i32
    %dma_wait3A_635 = arith.constant 1 : i32
    %dma_wait3A_636 = arith.constant 1 : i32
    %dma_wait3A_637 = tpu.memref_slice %arg6[%dma_wait3A_636] : memref<16x!tpu.dma_semaphore, #tpu.memory_space<semaphore_mem>> -> memref<1x!tpu.dma_semaphore, #tpu.memory_space<semaphore_mem>>
    %dma_wait3A_638 = tpu.memref_squeeze %dma_wait3A_637 : memref<1x!tpu.dma_semaphore, #tpu.memory_space<semaphore_mem>> -> memref<!tpu.dma_semaphore, #tpu.memory_space<semaphore_mem>>
    %dma_wait3A_639 = arith.constant 0 : i32
    %dma_wait3A_640 = arith.constant 0 : i32
    %dma_wait3A_641 = tpu.memref_slice %arg4[%dma_wait3A_635, %dma_wait3A_639, %dma_wait3A_640] : memref<16x136x256xf32, #tpu.memory_space<vmem>> -> memref<1x136x256xf32, #tpu.memory_space<vmem>>
    %dma_wait3A_642 = tpu.memref_squeeze %dma_wait3A_641 : memref<1x136x256xf32, #tpu.memory_space<vmem>> -> memref<136x256xf32, #tpu.memory_space<vmem>>
    %dma_wait3A_643 = arith.constant 0 : i32
    %dma_wait3A_644 = tpu.memref_slice %arg2[%multiple_of3A_35, %dma_wait3A_643] : memref<32768x256xf32, #tpu.memory_space<hbm>> -> memref<136x256xf32, #tpu.memory_space<hbm>>
    tpu.wait_dma2 semaphore(%dma_wait3A_638 : memref<!tpu.dma_semaphore, #tpu.memory_space<semaphore_mem>>) src(%dma_wait3A_644 : memref<136x256xf32, #tpu.memory_space<hbm>>) dst(%dma_wait3A_642 : memref<136x256xf32, #tpu.memory_space<vmem>>)
    %dma_wait3A_645 = arith.constant 1 : i32
    %dma_wait3A_646 = arith.constant 1 : i32
    %dma_wait3A_647 = tpu.memref_slice %arg7[%dma_wait3A_646] : memref<16x!tpu.dma_semaphore, #tpu.memory_space<semaphore_mem>> -> memref<1x!tpu.dma_semaphore, #tpu.memory_space<semaphore_mem>>
    %dma_wait3A_648 = tpu.memref_squeeze %dma_wait3A_647 : memref<1x!tpu.dma_semaphore, #tpu.memory_space<semaphore_mem>> -> memref<!tpu.dma_semaphore, #tpu.memory_space<semaphore_mem>>
    %dma_wait3A_649 = arith.constant 0 : i32
    %dma_wait3A_650 = arith.constant 0 : i32
    %dma_wait3A_651 = tpu.memref_slice %arg5[%dma_wait3A_645, %dma_wait3A_649, %dma_wait3A_650] : memref<16x128x256xf32, #tpu.memory_space<vmem>> -> memref<1x128x256xf32, #tpu.memory_space<vmem>>
    %dma_wait3A_652 = tpu.memref_squeeze %dma_wait3A_651 : memref<1x128x256xf32, #tpu.memory_space<vmem>> -> memref<128x256xf32, #tpu.memory_space<vmem>>
    %dma_wait3A_653 = arith.constant 0 : i32
    %dma_wait3A_654 = tpu.memref_slice %arg2[%multiple_of3A_40, %dma_wait3A_653] : memref<32768x256xf32, #tpu.memory_space<hbm>> -> memref<128x256xf32, #tpu.memory_space<hbm>>
    tpu.wait_dma2 semaphore(%dma_wait3A_648 : memref<!tpu.dma_semaphore, #tpu.memory_space<semaphore_mem>>) src(%dma_wait3A_654 : memref<128x256xf32, #tpu.memory_space<hbm>>) dst(%dma_wait3A_652 : memref<128x256xf32, #tpu.memory_space<vmem>>)
    %sub3A_655 = arith.subi %get3A_614, %min3A_620 : i32
    %ge3A_656 = vector.broadcast %sub3A_655 : i32 to vector<136x1xi32>
    %ge3A_657 = arith.cmpi sge, %iota3A, %ge3A_656 : vector<136x1xi32>
    %sub3A_658 = arith.subi %min3A_633, %min3A_620 : i32
    %lt3A_659 = vector.broadcast %sub3A_658 : i32 to vector<136x1xi32>
    %lt3A_660 = arith.cmpi slt, %iota3A, %lt3A_659 : vector<136x1xi32>
    %and3A_661 = arith.andi %ge3A_657, %lt3A_660 : vector<136x1xi1>
    %sub3A_662 = arith.subi %max3A_634, %shift_left3A_632 : i32
    %ge3A_663 = vector.broadcast %sub3A_662 : i32 to vector<128x1xi32>
    %ge3A_664 = arith.cmpi sge, %iota3A_537, %ge3A_663 : vector<128x1xi32>
    %sub3A_665 = arith.subi %get3A_616, %shift_left3A_632 : i32
    %lt3A_666 = vector.broadcast %sub3A_665 : i32 to vector<128x1xi32>
    %lt3A_667 = arith.cmpi slt, %iota3A_537, %lt3A_666 : vector<128x1xi32>
    %and3A_668 = arith.andi %ge3A_664, %lt3A_667 : vector<128x1xi1>
    %get3A_669 = arith.constant 1 : index
    %get3A_670 = arith.constant 0 : index
    %get3A_671 = arith.constant 0 : index
    %get3A_672 = vector.load %arg4[%get3A_669, %get3A_670, %get3A_671] : memref<16x136x256xf32, #tpu.memory_space<vmem>>, vector<1x136x256xf32>
    %get3A_673 = vector.shape_cast %get3A_672 : vector<1x136x256xf32> to vector<136x256xf32>
    %jit3A_674 = arith.constant 0.000000e+00 : f32
    %broadcast_in_dim3A_675 = vector.shape_cast %and3A_661 : vector<136x1xi1> to vector<136x1xi1>
    %broadcast_in_dim3A_676 = vector.broadcast %broadcast_in_dim3A_675 : vector<136x1xi1> to vector<136x256xi1>
    %broadcast_in_dim3A_677 = vector.broadcast %jit3A_674 : f32 to vector<136x256xf32>
    %select_n3A_678 = arith.select %broadcast_in_dim3A_676, %get3A_673, %broadcast_in_dim3A_677 : vector<136x256xi1>, vector<136x256xf32>
    %reduce_sum3A_679 = arith.constant dense<0.000000e+00> : vector<256xf32>
    %reduce_sum3A_680 = vector.multi_reduction <add>, %select_n3A_678, %reduce_sum3A_679 [0] : vector<136x256xf32> to vector<256xf32>
    %get3A_681 = arith.constant 1 : index
    %get3A_682 = arith.constant 0 : index
    %get3A_683 = arith.constant 0 : index
    %get3A_684 = vector.load %arg5[%get3A_681, %get3A_682, %get3A_683] : memref<16x128x256xf32, #tpu.memory_space<vmem>>, vector<1x128x256xf32>
    %get3A_685 = vector.shape_cast %get3A_684 : vector<1x128x256xf32> to vector<128x256xf32>
    %jit3A_686 = arith.constant 0.000000e+00 : f32
    %broadcast_in_dim3A_687 = vector.shape_cast %and3A_668 : vector<128x1xi1> to vector<128x1xi1>
    %broadcast_in_dim3A_688 = vector.broadcast %broadcast_in_dim3A_687 : vector<128x1xi1> to vector<128x256xi1>
    %broadcast_in_dim3A_689 = vector.broadcast %jit3A_686 : f32 to vector<128x256xf32>
    %select_n3A_690 = arith.select %broadcast_in_dim3A_688, %get3A_685, %broadcast_in_dim3A_689 : vector<128x256xi1>, vector<128x256xf32>
    %reduce_sum3A_691 = arith.constant dense<0.000000e+00> : vector<256xf32>
    %reduce_sum3A_692 = vector.multi_reduction <add>, %select_n3A_690, %reduce_sum3A_691 [0] : vector<128x256xf32> to vector<256xf32>
    %add3A_693 = arith.addf %reduce_sum3A_680, %reduce_sum3A_692 : vector<256xf32>
    %swap3A_694 = arith.constant 1 : index
    %swap3A_695 = arith.constant 0 : index
    %swap3A_696 = vector.load %arg3[%swap3A_694, %swap3A_695] : memref<16x256xf32, #tpu.memory_space<vmem>>, vector<1x256xf32>
    %swap3A_697 = vector.shape_cast %swap3A_696 : vector<1x256xf32> to vector<256xf32>
    %swap3A_698 = vector.shape_cast %add3A_693 : vector<256xf32> to vector<1x256xf32>
    tpu.vector_store %arg3[%swap3A_694, %swap3A_695], %swap3A_698 {strides = array<i32>} : memref<16x256xf32, #tpu.memory_space<vmem>>, vector<1x256xf32>,
    %get3A_699 = arith.constant 2 : index
    %get3A_700 = memref.load %arg0[%get3A_699] : memref<16xi32, #tpu.memory_space<smem>>
    %get3A_701 = arith.constant 2 : index
    %get3A_702 = memref.load %arg1[%get3A_701] : memref<16xi32, #tpu.memory_space<smem>>
    %and3A_703 = arith.constant -8 : i32
    %and3A_704 = arith.andi %get3A_700, %and3A_703 : i32
    %min3A_705 = arith.constant 32632 : i32
    %min3A_706 = arith.minsi %and3A_704, %min3A_705 : i32
    %add3A_707 = arith.constant 128 : i32
    %add3A_708 = arith.addi %get3A_700, %add3A_707 : i32
    %sub3A_709 = arith.constant 1 : i32
    %sub3A_710 = arith.subi %add3A_708, %sub3A_709 : i32
    %shift_right_arithmetic3A_711 = arith.constant 7 : i32
    %shift_right_arithmetic3A_712 = arith.shrsi %sub3A_710, %shift_right_arithmetic3A_711 : i32
    %shift_left3A_713 = arith.constant 7 : i32
    %shift_left3A_714 = arith.shli %shift_right_arithmetic3A_712, %shift_left3A_713 : i32
    %shift_right_arithmetic3A_715 = arith.constant 7 : i32
    %shift_right_arithmetic3A_716 = arith.shrsi %get3A_702, %shift_right_arithmetic3A_715 : i32
    %shift_left3A_717 = arith.constant 7 : i32
    %shift_left3A_718 = arith.shli %shift_right_arithmetic3A_716, %shift_left3A_717 : i32
    %min3A_719 = arith.minsi %shift_left3A_714, %get3A_702 : i32
    %max3A_720 = arith.maxsi %shift_left3A_718, %min3A_719 : i32
    %dma_wait3A_721 = arith.constant 2 : i32
    %dma_wait3A_722 = arith.constant 2 : i32
    %dma_wait3A_723 = tpu.memref_slice %arg6[%dma_wait3A_722] : memref<16x!tpu.dma_semaphore, #tpu.memory_space<semaphore_mem>> -> memref<1x!tpu.dma_semaphore, #tpu.memory_space<semaphore_mem>>
    %dma_wait3A_724 = tpu.memref_squeeze %dma_wait3A_723 : memref<1x!tpu.dma_semaphore, #tpu.memory_space<semaphore_mem>> -> memref<!tpu.dma_semaphore, #tpu.memory_space<semaphore_mem>>
    %dma_wait3A_725 = arith.constant 0 : i32
    %dma_wait3A_726 = arith.constant 0 : i32
    %dma_wait3A_727 = tpu.memref_slice %arg4[%dma_wait3A_721, %dma_wait3A_725, %dma_wait3A_726] : memref<16x136x256xf32, #tpu.memory_space<vmem>> -> memref<1x136x256xf32, #tpu.memory_space<vmem>>
    %dma_wait3A_728 = tpu.memref_squeeze %dma_wait3A_727 : memref<1x136x256xf32, #tpu.memory_space<vmem>> -> memref<136x256xf32, #tpu.memory_space<vmem>>
    %dma_wait3A_729 = arith.constant 0 : i32
    %dma_wait3A_730 = tpu.memref_slice %arg2[%multiple_of3A_69, %dma_wait3A_729] : memref<32768x256xf32, #tpu.memory_space<hbm>> -> memref<136x256xf32, #tpu.memory_space<hbm>>
    tpu.wait_dma2 semaphore(%dma_wait3A_724 : memref<!tpu.dma_semaphore, #tpu.memory_space<semaphore_mem>>) src(%dma_wait3A_730 : memref<136x256xf32, #tpu.memory_space<hbm>>) dst(%dma_wait3A_728 : memref<136x256xf32, #tpu.memory_space<vmem>>)
    %dma_wait3A_731 = arith.constant 2 : i32
    %dma_wait3A_732 = arith.constant 2 : i32
    %dma_wait3A_733 = tpu.memref_slice %arg7[%dma_wait3A_732] : memref<16x!tpu.dma_semaphore, #tpu.memory_space<semaphore_mem>> -> memref<1x!tpu.dma_semaphore, #tpu.memory_space<semaphore_mem>>
    %dma_wait3A_734 = tpu.memref_squeeze %dma_wait3A_733 : memref<1x!tpu.dma_semaphore, #tpu.memory_space<semaphore_mem>> -> memref<!tpu.dma_semaphore, #tpu.memory_space<semaphore_mem>>
    %dma_wait3A_735 = arith.constant 0 : i32
    %dma_wait3A_736 = arith.constant 0 : i32
    %dma_wait3A_737 = tpu.memref_slice %arg5[%dma_wait3A_731, %dma_wait3A_735, %dma_wait3A_736] : memref<16x128x256xf32, #tpu.memory_space<vmem>> -> memref<1x128x256xf32, #tpu.memory_space<vmem>>
    %dma_wait3A_738 = tpu.memref_squeeze %dma_wait3A_737 : memref<1x128x256xf32, #tpu.memory_space<vmem>> -> memref<128x256xf32, #tpu.memory_space<vmem>>
    %dma_wait3A_739 = arith.constant 0 : i32
    %dma_wait3A_740 = tpu.memref_slice %arg2[%multiple_of3A_74, %dma_wait3A_739] : memref<32768x256xf32, #tpu.memory_space<hbm>> -> memref<128x256xf32, #tpu.memory_space<hbm>>
    tpu.wait_dma2 semaphore(%dma_wait3A_734 : memref<!tpu.dma_semaphore, #tpu.memory_space<semaphore_mem>>) src(%dma_wait3A_740 : memref<128x256xf32, #tpu.memory_space<hbm>>) dst(%dma_wait3A_738 : memref<128x256xf32, #tpu.memory_space<vmem>>)
    %sub3A_741 = arith.subi %get3A_700, %min3A_706 : i32
    %ge3A_742 = vector.broadcast %sub3A_741 : i32 to vector<136x1xi32>
    %ge3A_743 = arith.cmpi sge, %iota3A, %ge3A_742 : vector<136x1xi32>
    %sub3A_744 = arith.subi %min3A_719, %min3A_706 : i32
    %lt3A_745 = vector.broadcast %sub3A_744 : i32 to vector<136x1xi32>
    %lt3A_746 = arith.cmpi slt, %iota3A, %lt3A_745 : vector<136x1xi32>
    %and3A_747 = arith.andi %ge3A_743, %lt3A_746 : vector<136x1xi1>
    %sub3A_748 = arith.subi %max3A_720, %shift_left3A_718 : i32
    %ge3A_749 = vector.broadcast %sub3A_748 : i32 to vector<128x1xi32>
    %ge3A_750 = arith.cmpi sge, %iota3A_537, %ge3A_749 : vector<128x1xi32>
    %sub3A_751 = arith.subi %get3A_702, %shift_left3A_718 : i32
    %lt3A_752 = vector.broadcast %sub3A_751 : i32 to vector<128x1xi32>
    %lt3A_753 = arith.cmpi slt, %iota3A_537, %lt3A_752 : vector<128x1xi32>
    %and3A_754 = arith.andi %ge3A_750, %lt3A_753 : vector<128x1xi1>
    %get3A_755 = arith.constant 2 : index
    %get3A_756 = arith.constant 0 : index
    %get3A_757 = arith.constant 0 : index
    %get3A_758 = vector.load %arg4[%get3A_755, %get3A_756, %get3A_757] : memref<16x136x256xf32, #tpu.memory_space<vmem>>, vector<1x136x256xf32>
    %get3A_759 = vector.shape_cast %get3A_758 : vector<1x136x256xf32> to vector<136x256xf32>
    %jit3A_760 = arith.constant 0.000000e+00 : f32
    %broadcast_in_dim3A_761 = vector.shape_cast %and3A_747 : vector<136x1xi1> to vector<136x1xi1>
    %broadcast_in_dim3A_762 = vector.broadcast %broadcast_in_dim3A_761 : vector<136x1xi1> to vector<136x256xi1>
    %broadcast_in_dim3A_763 = vector.broadcast %jit3A_760 : f32 to vector<136x256xf32>
    %select_n3A_764 = arith.select %broadcast_in_dim3A_762, %get3A_759, %broadcast_in_dim3A_763 : vector<136x256xi1>, vector<136x256xf32>
    %reduce_sum3A_765 = arith.constant dense<0.000000e+00> : vector<256xf32>
    %reduce_sum3A_766 = vector.multi_reduction <add>, %select_n3A_764, %reduce_sum3A_765 [0] : vector<136x256xf32> to vector<256xf32>
    %get3A_767 = arith.constant 2 : index
    %get3A_768 = arith.constant 0 : index
    %get3A_769 = arith.constant 0 : index
    %get3A_770 = vector.load %arg5[%get3A_767, %get3A_768, %get3A_769] : memref<16x128x256xf32, #tpu.memory_space<vmem>>, vector<1x128x256xf32>
    %get3A_771 = vector.shape_cast %get3A_770 : vector<1x128x256xf32> to vector<128x256xf32>
    %jit3A_772 = arith.constant 0.000000e+00 : f32
    %broadcast_in_dim3A_773 = vector.shape_cast %and3A_754 : vector<128x1xi1> to vector<128x1xi1>
    %broadcast_in_dim3A_774 = vector.broadcast %broadcast_in_dim3A_773 : vector<128x1xi1> to vector<128x256xi1>
    %broadcast_in_dim3A_775 = vector.broadcast %jit3A_772 : f32 to vector<128x256xf32>
    %select_n3A_776 = arith.select %broadcast_in_dim3A_774, %get3A_771, %broadcast_in_dim3A_775 : vector<128x256xi1>, vector<128x256xf32>
    %reduce_sum3A_777 = arith.constant dense<0.000000e+00> : vector<256xf32>
    %reduce_sum3A_778 = vector.multi_reduction <add>, %select_n3A_776, %reduce_sum3A_777 [0] : vector<128x256xf32> to vector<256xf32>
    %add3A_779 = arith.addf %reduce_sum3A_766, %reduce_sum3A_778 : vector<256xf32>
    %swap3A_780 = arith.constant 2 : index
    %swap3A_781 = arith.constant 0 : index
    %swap3A_782 = vector.load %arg3[%swap3A_780, %swap3A_781] : memref<16x256xf32, #tpu.memory_space<vmem>>, vector<1x256xf32>
    %swap3A_783 = vector.shape_cast %swap3A_782 : vector<1x256xf32> to vector<256xf32>
    %swap3A_784 = vector.shape_cast %add3A_779 : vector<256xf32> to vector<1x256xf32>
    tpu.vector_store %arg3[%swap3A_780, %swap3A_781], %swap3A_784 {strides = array<i32>} : memref<16x256xf32, #tpu.memory_space<vmem>>, vector<1x256xf32>,
    %get3A_785 = arith.constant 3 : index
    %get3A_786 = memref.load %arg0[%get3A_785] : memref<16xi32, #tpu.memory_space<smem>>
    %get3A_787 = arith.constant 3 : index
    %get3A_788 = memref.load %arg1[%get3A_787] : memref<16xi32, #tpu.memory_space<smem>>
    %and3A_789 = arith.constant -8 : i32
    %and3A_790 = arith.andi %get3A_786, %and3A_789 : i32
    %min3A_791 = arith.constant 32632 : i32
    %min3A_792 = arith.minsi %and3A_790, %min3A_791 : i32
    %add3A_793 = arith.constant 128 : i32
    %add3A_794 = arith.addi %get3A_786, %add3A_793 : i32
    %sub3A_795 = arith.constant 1 : i32
    %sub3A_796 = arith.subi %add3A_794, %sub3A_795 : i32
    %shift_right_arithmetic3A_797 = arith.constant 7 : i32
    %shift_right_arithmetic3A_798 = arith.shrsi %sub3A_796, %shift_right_arithmetic3A_797 : i32
    %shift_left3A_799 = arith.constant 7 : i32
    %shift_left3A_800 = arith.shli %shift_right_arithmetic3A_798, %shift_left3A_799 : i32
    %shift_right_arithmetic3A_801 = arith.constant 7 : i32
    %shift_right_arithmetic3A_802 = arith.shrsi %get3A_788, %shift_right_arithmetic3A_801 : i32
    %shift_left3A_803 = arith.constant 7 : i32
    %shift_left3A_804 = arith.shli %shift_right_arithmetic3A_802, %shift_left3A_803 : i32
    %min3A_805 = arith.minsi %shift_left3A_800, %get3A_788 : i32
    %max3A_806 = arith.maxsi %shift_left3A_804, %min3A_805 : i32
    %dma_wait3A_807 = arith.constant 3 : i32
    %dma_wait3A_808 = arith.constant 3 : i32
    %dma_wait3A_809 = tpu.memref_slice %arg6[%dma_wait3A_808] : memref<16x!tpu.dma_semaphore, #tpu.memory_space<semaphore_mem>> -> memref<1x!tpu.dma_semaphore, #tpu.memory_space<semaphore_mem>>
    %dma_wait3A_810 = tpu.memref_squeeze %dma_wait3A_809 : memref<1x!tpu.dma_semaphore, #tpu.memory_space<semaphore_mem>> -> memref<!tpu.dma_semaphore, #tpu.memory_space<semaphore_mem>>
    %dma_wait3A_811 = arith.constant 0 : i32
    %dma_wait3A_812 = arith.constant 0 : i32
    %dma_wait3A_813 = tpu.memref_slice %arg4[%dma_wait3A_807, %dma_wait3A_811, %dma_wait3A_812] : memref<16x136x256xf32, #tpu.memory_space<vmem>> -> memref<1x136x256xf32, #tpu.memory_space<vmem>>
    %dma_wait3A_814 = tpu.memref_squeeze %dma_wait3A_813 : memref<1x136x256xf32, #tpu.memory_space<vmem>> -> memref<136x256xf32, #tpu.memory_space<vmem>>
    %dma_wait3A_815 = arith.constant 0 : i32
    %dma_wait3A_816 = tpu.memref_slice %arg2[%multiple_of3A_103, %dma_wait3A_815] : memref<32768x256xf32, #tpu.memory_space<hbm>> -> memref<136x256xf32, #tpu.memory_space<hbm>>
    tpu.wait_dma2 semaphore(%dma_wait3A_810 : memref<!tpu.dma_semaphore, #tpu.memory_space<semaphore_mem>>) src(%dma_wait3A_816 : memref<136x256xf32, #tpu.memory_space<hbm>>) dst(%dma_wait3A_814 : memref<136x256xf32, #tpu.memory_space<vmem>>)
    %dma_wait3A_817 = arith.constant 3 : i32
    %dma_wait3A_818 = arith.constant 3 : i32
    %dma_wait3A_819 = tpu.memref_slice %arg7[%dma_wait3A_818] : memref<16x!tpu.dma_semaphore, #tpu.memory_space<semaphore_mem>> -> memref<1x!tpu.dma_semaphore, #tpu.memory_space<semaphore_mem>>
    %dma_wait3A_820 = tpu.memref_squeeze %dma_wait3A_819 : memref<1x!tpu.dma_semaphore, #tpu.memory_space<semaphore_mem>> -> memref<!tpu.dma_semaphore, #tpu.memory_space<semaphore_mem>>
    %dma_wait3A_821 = arith.constant 0 : i32
    %dma_wait3A_822 = arith.constant 0 : i32
    %dma_wait3A_823 = tpu.memref_slice %arg5[%dma_wait3A_817, %dma_wait3A_821, %dma_wait3A_822] : memref<16x128x256xf32, #tpu.memory_space<vmem>> -> memref<1x128x256xf32, #tpu.memory_space<vmem>>
    %dma_wait3A_824 = tpu.memref_squeeze %dma_wait3A_823 : memref<1x128x256xf32, #tpu.memory_space<vmem>> -> memref<128x256xf32, #tpu.memory_space<vmem>>
    %dma_wait3A_825 = arith.constant 0 : i32
    %dma_wait3A_826 = tpu.memref_slice %arg2[%multiple_of3A_108, %dma_wait3A_825] : memref<32768x256xf32, #tpu.memory_space<hbm>> -> memref<128x256xf32, #tpu.memory_space<hbm>>
    tpu.wait_dma2 semaphore(%dma_wait3A_820 : memref<!tpu.dma_semaphore, #tpu.memory_space<semaphore_mem>>) src(%dma_wait3A_826 : memref<128x256xf32, #tpu.memory_space<hbm>>) dst(%dma_wait3A_824 : memref<128x256xf32, #tpu.memory_space<vmem>>)
    %sub3A_827 = arith.subi %get3A_786, %min3A_792 : i32
    %ge3A_828 = vector.broadcast %sub3A_827 : i32 to vector<136x1xi32>
    %ge3A_829 = arith.cmpi sge, %iota3A, %ge3A_828 : vector<136x1xi32>
    %sub3A_830 = arith.subi %min3A_805, %min3A_792 : i32
    %lt3A_831 = vector.broadcast %sub3A_830 : i32 to vector<136x1xi32>
    %lt3A_832 = arith.cmpi slt, %iota3A, %lt3A_831 : vector<136x1xi32>
    %and3A_833 = arith.andi %ge3A_829, %lt3A_832 : vector<136x1xi1>
    %sub3A_834 = arith.subi %max3A_806, %shift_left3A_804 : i32
    %ge3A_835 = vector.broadcast %sub3A_834 : i32 to vector<128x1xi32>
    %ge3A_836 = arith.cmpi sge, %iota3A_537, %ge3A_835 : vector<128x1xi32>
    %sub3A_837 = arith.subi %get3A_788, %shift_left3A_804 : i32
    %lt3A_838 = vector.broadcast %sub3A_837 : i32 to vector<128x1xi32>
    %lt3A_839 = arith.cmpi slt, %iota3A_537, %lt3A_838 : vector<128x1xi32>
    %and3A_840 = arith.andi %ge3A_836, %lt3A_839 : vector<128x1xi1>
    %get3A_841 = arith.constant 3 : index
    %get3A_842 = arith.constant 0 : index
    %get3A_843 = arith.constant 0 : index
    %get3A_844 = vector.load %arg4[%get3A_841, %get3A_842, %get3A_843] : memref<16x136x256xf32, #tpu.memory_space<vmem>>, vector<1x136x256xf32>
    %get3A_845 = vector.shape_cast %get3A_844 : vector<1x136x256xf32> to vector<136x256xf32>
    %jit3A_846 = arith.constant 0.000000e+00 : f32
    %broadcast_in_dim3A_847 = vector.shape_cast %and3A_833 : vector<136x1xi1> to vector<136x1xi1>
    %broadcast_in_dim3A_848 = vector.broadcast %broadcast_in_dim3A_847 : vector<136x1xi1> to vector<136x256xi1>
    %broadcast_in_dim3A_849 = vector.broadcast %jit3A_846 : f32 to vector<136x256xf32>
    %select_n3A_850 = arith.select %broadcast_in_dim3A_848, %get3A_845, %broadcast_in_dim3A_849 : vector<136x256xi1>, vector<136x256xf32>
    %reduce_sum3A_851 = arith.constant dense<0.000000e+00> : vector<256xf32>
    %reduce_sum3A_852 = vector.multi_reduction <add>, %select_n3A_850, %reduce_sum3A_851 [0] : vector<136x256xf32> to vector<256xf32>
    %get3A_853 = arith.constant 3 : index
    %get3A_854 = arith.constant 0 : index
    %get3A_855 = arith.constant 0 : index
    %get3A_856 = vector.load %arg5[%get3A_853, %get3A_854, %get3A_855] : memref<16x128x256xf32, #tpu.memory_space<vmem>>, vector<1x128x256xf32>
    %get3A_857 = vector.shape_cast %get3A_856 : vector<1x128x256xf32> to vector<128x256xf32>
    %jit3A_858 = arith.constant 0.000000e+00 : f32
    %broadcast_in_dim3A_859 = vector.shape_cast %and3A_840 : vector<128x1xi1> to vector<128x1xi1>
    %broadcast_in_dim3A_860 = vector.broadcast %broadcast_in_dim3A_859 : vector<128x1xi1> to vector<128x256xi1>
    %broadcast_in_dim3A_861 = vector.broadcast %jit3A_858 : f32 to vector<128x256xf32>
    %select_n3A_862 = arith.select %broadcast_in_dim3A_860, %get3A_857, %broadcast_in_dim3A_861 : vector<128x256xi1>, vector<128x256xf32>
    %reduce_sum3A_863 = arith.constant dense<0.000000e+00> : vector<256xf32>
    %reduce_sum3A_864 = vector.multi_reduction <add>, %select_n3A_862, %reduce_sum3A_863 [0] : vector<128x256xf32> to vector<256xf32>
    %add3A_865 = arith.addf %reduce_sum3A_852, %reduce_sum3A_864 : vector<256xf32>
    %swap3A_866 = arith.constant 3 : index
    %swap3A_867 = arith.constant 0 : index
    %swap3A_868 = vector.load %arg3[%swap3A_866, %swap3A_867] : memref<16x256xf32, #tpu.memory_space<vmem>>, vector<1x256xf32>
    %swap3A_869 = vector.shape_cast %swap3A_868 : vector<1x256xf32> to vector<256xf32>
    %swap3A_870 = vector.shape_cast %add3A_865 : vector<256xf32> to vector<1x256xf32>
    tpu.vector_store %arg3[%swap3A_866, %swap3A_867], %swap3A_870 {strides = array<i32>} : memref<16x256xf32, #tpu.memory_space<vmem>>, vector<1x256xf32>,
    %get3A_871 = arith.constant 4 : index
    %get3A_872 = memref.load %arg0[%get3A_871] : memref<16xi32, #tpu.memory_space<smem>>
    %get3A_873 = arith.constant 4 : index
    %get3A_874 = memref.load %arg1[%get3A_873] : memref<16xi32, #tpu.memory_space<smem>>
    %and3A_875 = arith.constant -8 : i32
    %and3A_876 = arith.andi %get3A_872, %and3A_875 : i32
    %min3A_877 = arith.constant 32632 : i32
    %min3A_878 = arith.minsi %and3A_876, %min3A_877 : i32
    %add3A_879 = arith.constant 128 : i32
    %add3A_880 = arith.addi %get3A_872, %add3A_879 : i32
    %sub3A_881 = arith.constant 1 : i32
    %sub3A_882 = arith.subi %add3A_880, %sub3A_881 : i32
    %shift_right_arithmetic3A_883 = arith.constant 7 : i32
    %shift_right_arithmetic3A_884 = arith.shrsi %sub3A_882, %shift_right_arithmetic3A_883 : i32
    %shift_left3A_885 = arith.constant 7 : i32
    %shift_left3A_886 = arith.shli %shift_right_arithmetic3A_884, %shift_left3A_885 : i32
    %shift_right_arithmetic3A_887 = arith.constant 7 : i32
    %shift_right_arithmetic3A_888 = arith.shrsi %get3A_874, %shift_right_arithmetic3A_887 : i32
    %shift_left3A_889 = arith.constant 7 : i32
    %shift_left3A_890 = arith.shli %shift_right_arithmetic3A_888, %shift_left3A_889 : i32
    %min3A_891 = arith.minsi %shift_left3A_886, %get3A_874 : i32
    %max3A_892 = arith.maxsi %shift_left3A_890, %min3A_891 : i32
    %dma_wait3A_893 = arith.constant 4 : i32
    %dma_wait3A_894 = arith.constant 4 : i32
    %dma_wait3A_895 = tpu.memref_slice %arg6[%dma_wait3A_894] : memref<16x!tpu.dma_semaphore, #tpu.memory_space<semaphore_mem>> -> memref<1x!tpu.dma_semaphore, #tpu.memory_space<semaphore_mem>>
    %dma_wait3A_896 = tpu.memref_squeeze %dma_wait3A_895 : memref<1x!tpu.dma_semaphore, #tpu.memory_space<semaphore_mem>> -> memref<!tpu.dma_semaphore, #tpu.memory_space<semaphore_mem>>
    %dma_wait3A_897 = arith.constant 0 : i32
    %dma_wait3A_898 = arith.constant 0 : i32
    %dma_wait3A_899 = tpu.memref_slice %arg4[%dma_wait3A_893, %dma_wait3A_897, %dma_wait3A_898] : memref<16x136x256xf32, #tpu.memory_space<vmem>> -> memref<1x136x256xf32, #tpu.memory_space<vmem>>
    %dma_wait3A_900 = tpu.memref_squeeze %dma_wait3A_899 : memref<1x136x256xf32, #tpu.memory_space<vmem>> -> memref<136x256xf32, #tpu.memory_space<vmem>>
    %dma_wait3A_901 = arith.constant 0 : i32
    %dma_wait3A_902 = tpu.memref_slice %arg2[%multiple_of3A_137, %dma_wait3A_901] : memref<32768x256xf32, #tpu.memory_space<hbm>> -> memref<136x256xf32, #tpu.memory_space<hbm>>
    tpu.wait_dma2 semaphore(%dma_wait3A_896 : memref<!tpu.dma_semaphore, #tpu.memory_space<semaphore_mem>>) src(%dma_wait3A_902 : memref<136x256xf32, #tpu.memory_space<hbm>>) dst(%dma_wait3A_900 : memref<136x256xf32, #tpu.memory_space<vmem>>)
    %dma_wait3A_903 = arith.constant 4 : i32
    %dma_wait3A_904 = arith.constant 4 : i32
    %dma_wait3A_905 = tpu.memref_slice %arg7[%dma_wait3A_904] : memref<16x!tpu.dma_semaphore, #tpu.memory_space<semaphore_mem>> -> memref<1x!tpu.dma_semaphore, #tpu.memory_space<semaphore_mem>>
    %dma_wait3A_906 = tpu.memref_squeeze %dma_wait3A_905 : memref<1x!tpu.dma_semaphore, #tpu.memory_space<semaphore_mem>> -> memref<!tpu.dma_semaphore, #tpu.memory_space<semaphore_mem>>
    %dma_wait3A_907 = arith.constant 0 : i32
    %dma_wait3A_908 = arith.constant 0 : i32
    %dma_wait3A_909 = tpu.memref_slice %arg5[%dma_wait3A_903, %dma_wait3A_907, %dma_wait3A_908] : memref<16x128x256xf32, #tpu.memory_space<vmem>> -> memref<1x128x256xf32, #tpu.memory_space<vmem>>
    %dma_wait3A_910 = tpu.memref_squeeze %dma_wait3A_909 : memref<1x128x256xf32, #tpu.memory_space<vmem>> -> memref<128x256xf32, #tpu.memory_space<vmem>>
    %dma_wait3A_911 = arith.constant 0 : i32
    %dma_wait3A_912 = tpu.memref_slice %arg2[%multiple_of3A_142, %dma_wait3A_911] : memref<32768x256xf32, #tpu.memory_space<hbm>> -> memref<128x256xf32, #tpu.memory_space<hbm>>
    tpu.wait_dma2 semaphore(%dma_wait3A_906 : memref<!tpu.dma_semaphore, #tpu.memory_space<semaphore_mem>>) src(%dma_wait3A_912 : memref<128x256xf32, #tpu.memory_space<hbm>>) dst(%dma_wait3A_910 : memref<128x256xf32, #tpu.memory_space<vmem>>)
    %sub3A_913 = arith.subi %get3A_872, %min3A_878 : i32
    %ge3A_914 = vector.broadcast %sub3A_913 : i32 to vector<136x1xi32>
    %ge3A_915 = arith.cmpi sge, %iota3A, %ge3A_914 : vector<136x1xi32>
    %sub3A_916 = arith.subi %min3A_891, %min3A_878 : i32
    %lt3A_917 = vector.broadcast %sub3A_916 : i32 to vector<136x1xi32>
    %lt3A_918 = arith.cmpi slt, %iota3A, %lt3A_917 : vector<136x1xi32>
    %and3A_919 = arith.andi %ge3A_915, %lt3A_918 : vector<136x1xi1>
    %sub3A_920 = arith.subi %max3A_892, %shift_left3A_890 : i32
    %ge3A_921 = vector.broadcast %sub3A_920 : i32 to vector<128x1xi32>
    %ge3A_922 = arith.cmpi sge, %iota3A_537, %ge3A_921 : vector<128x1xi32>
    %sub3A_923 = arith.subi %get3A_874, %shift_left3A_890 : i32
    %lt3A_924 = vector.broadcast %sub3A_923 : i32 to vector<128x1xi32>
    %lt3A_925 = arith.cmpi slt, %iota3A_537, %lt3A_924 : vector<128x1xi32>
    %and3A_926 = arith.andi %ge3A_922, %lt3A_925 : vector<128x1xi1>
    %get3A_927 = arith.constant 4 : index
    %get3A_928 = arith.constant 0 : index
    %get3A_929 = arith.constant 0 : index
    %get3A_930 = vector.load %arg4[%get3A_927, %get3A_928, %get3A_929] : memref<16x136x256xf32, #tpu.memory_space<vmem>>, vector<1x136x256xf32>
    %get3A_931 = vector.shape_cast %get3A_930 : vector<1x136x256xf32> to vector<136x256xf32>
    %jit3A_932 = arith.constant 0.000000e+00 : f32
    %broadcast_in_dim3A_933 = vector.shape_cast %and3A_919 : vector<136x1xi1> to vector<136x1xi1>
    %broadcast_in_dim3A_934 = vector.broadcast %broadcast_in_dim3A_933 : vector<136x1xi1> to vector<136x256xi1>
    %broadcast_in_dim3A_935 = vector.broadcast %jit3A_932 : f32 to vector<136x256xf32>
    %select_n3A_936 = arith.select %broadcast_in_dim3A_934, %get3A_931, %broadcast_in_dim3A_935 : vector<136x256xi1>, vector<136x256xf32>
    %reduce_sum3A_937 = arith.constant dense<0.000000e+00> : vector<256xf32>
    %reduce_sum3A_938 = vector.multi_reduction <add>, %select_n3A_936, %reduce_sum3A_937 [0] : vector<136x256xf32> to vector<256xf32>
    %get3A_939 = arith.constant 4 : index
    %get3A_940 = arith.constant 0 : index
    %get3A_941 = arith.constant 0 : index
    %get3A_942 = vector.load %arg5[%get3A_939, %get3A_940, %get3A_941] : memref<16x128x256xf32, #tpu.memory_space<vmem>>, vector<1x128x256xf32>
    %get3A_943 = vector.shape_cast %get3A_942 : vector<1x128x256xf32> to vector<128x256xf32>
    %jit3A_944 = arith.constant 0.000000e+00 : f32
    %broadcast_in_dim3A_945 = vector.shape_cast %and3A_926 : vector<128x1xi1> to vector<128x1xi1>
    %broadcast_in_dim3A_946 = vector.broadcast %broadcast_in_dim3A_945 : vector<128x1xi1> to vector<128x256xi1>
    %broadcast_in_dim3A_947 = vector.broadcast %jit3A_944 : f32 to vector<128x256xf32>
    %select_n3A_948 = arith.select %broadcast_in_dim3A_946, %get3A_943, %broadcast_in_dim3A_947 : vector<128x256xi1>, vector<128x256xf32>
    %reduce_sum3A_949 = arith.constant dense<0.000000e+00> : vector<256xf32>
    %reduce_sum3A_950 = vector.multi_reduction <add>, %select_n3A_948, %reduce_sum3A_949 [0] : vector<128x256xf32> to vector<256xf32>
    %add3A_951 = arith.addf %reduce_sum3A_938, %reduce_sum3A_950 : vector<256xf32>
    %swap3A_952 = arith.constant 4 : index
    %swap3A_953 = arith.constant 0 : index
    %swap3A_954 = vector.load %arg3[%swap3A_952, %swap3A_953] : memref<16x256xf32, #tpu.memory_space<vmem>>, vector<1x256xf32>
    %swap3A_955 = vector.shape_cast %swap3A_954 : vector<1x256xf32> to vector<256xf32>
    %swap3A_956 = vector.shape_cast %add3A_951 : vector<256xf32> to vector<1x256xf32>
    tpu.vector_store %arg3[%swap3A_952, %swap3A_953], %swap3A_956 {strides = array<i32>} : memref<16x256xf32, #tpu.memory_space<vmem>>, vector<1x256xf32>,
    %get3A_957 = arith.constant 5 : index
    %get3A_958 = memref.load %arg0[%get3A_957] : memref<16xi32, #tpu.memory_space<smem>>
    %get3A_959 = arith.constant 5 : index
    %get3A_960 = memref.load %arg1[%get3A_959] : memref<16xi32, #tpu.memory_space<smem>>
    %and3A_961 = arith.constant -8 : i32
    %and3A_962 = arith.andi %get3A_958, %and3A_961 : i32
    %min3A_963 = arith.constant 32632 : i32
    %min3A_964 = arith.minsi %and3A_962, %min3A_963 : i32
    %add3A_965 = arith.constant 128 : i32
    %add3A_966 = arith.addi %get3A_958, %add3A_965 : i32
    %sub3A_967 = arith.constant 1 : i32
    %sub3A_968 = arith.subi %add3A_966, %sub3A_967 : i32
    %shift_right_arithmetic3A_969 = arith.constant 7 : i32
    %shift_right_arithmetic3A_970 = arith.shrsi %sub3A_968, %shift_right_arithmetic3A_969 : i32
    %shift_left3A_971 = arith.constant 7 : i32
    %shift_left3A_972 = arith.shli %shift_right_arithmetic3A_970, %shift_left3A_971 : i32
    %shift_right_arithmetic3A_973 = arith.constant 7 : i32
    %shift_right_arithmetic3A_974 = arith.shrsi %get3A_960, %shift_right_arithmetic3A_973 : i32
    %shift_left3A_975 = arith.constant 7 : i32
    %shift_left3A_976 = arith.shli %shift_right_arithmetic3A_974, %shift_left3A_975 : i32
    %min3A_977 = arith.minsi %shift_left3A_972, %get3A_960 : i32
    %max3A_978 = arith.maxsi %shift_left3A_976, %min3A_977 : i32
    %dma_wait3A_979 = arith.constant 5 : i32
    %dma_wait3A_980 = arith.constant 5 : i32
    %dma_wait3A_981 = tpu.memref_slice %arg6[%dma_wait3A_980] : memref<16x!tpu.dma_semaphore, #tpu.memory_space<semaphore_mem>> -> memref<1x!tpu.dma_semaphore, #tpu.memory_space<semaphore_mem>>
    %dma_wait3A_982 = tpu.memref_squeeze %dma_wait3A_981 : memref<1x!tpu.dma_semaphore, #tpu.memory_space<semaphore_mem>> -> memref<!tpu.dma_semaphore, #tpu.memory_space<semaphore_mem>>
    %dma_wait3A_983 = arith.constant 0 : i32
    %dma_wait3A_984 = arith.constant 0 : i32
    %dma_wait3A_985 = tpu.memref_slice %arg4[%dma_wait3A_979, %dma_wait3A_983, %dma_wait3A_984] : memref<16x136x256xf32, #tpu.memory_space<vmem>> -> memref<1x136x256xf32, #tpu.memory_space<vmem>>
    %dma_wait3A_986 = tpu.memref_squeeze %dma_wait3A_985 : memref<1x136x256xf32, #tpu.memory_space<vmem>> -> memref<136x256xf32, #tpu.memory_space<vmem>>
    %dma_wait3A_987 = arith.constant 0 : i32
    %dma_wait3A_988 = tpu.memref_slice %arg2[%multiple_of3A_171, %dma_wait3A_987] : memref<32768x256xf32, #tpu.memory_space<hbm>> -> memref<136x256xf32, #tpu.memory_space<hbm>>
    tpu.wait_dma2 semaphore(%dma_wait3A_982 : memref<!tpu.dma_semaphore, #tpu.memory_space<semaphore_mem>>) src(%dma_wait3A_988 : memref<136x256xf32, #tpu.memory_space<hbm>>) dst(%dma_wait3A_986 : memref<136x256xf32, #tpu.memory_space<vmem>>)
    %dma_wait3A_989 = arith.constant 5 : i32
    %dma_wait3A_990 = arith.constant 5 : i32
    %dma_wait3A_991 = tpu.memref_slice %arg7[%dma_wait3A_990] : memref<16x!tpu.dma_semaphore, #tpu.memory_space<semaphore_mem>> -> memref<1x!tpu.dma_semaphore, #tpu.memory_space<semaphore_mem>>
    %dma_wait3A_992 = tpu.memref_squeeze %dma_wait3A_991 : memref<1x!tpu.dma_semaphore, #tpu.memory_space<semaphore_mem>> -> memref<!tpu.dma_semaphore, #tpu.memory_space<semaphore_mem>>
    %dma_wait3A_993 = arith.constant 0 : i32
    %dma_wait3A_994 = arith.constant 0 : i32
    %dma_wait3A_995 = tpu.memref_slice %arg5[%dma_wait3A_989, %dma_wait3A_993, %dma_wait3A_994] : memref<16x128x256xf32, #tpu.memory_space<vmem>> -> memref<1x128x256xf32, #tpu.memory_space<vmem>>
    %dma_wait3A_996 = tpu.memref_squeeze %dma_wait3A_995 : memref<1x128x256xf32, #tpu.memory_space<vmem>> -> memref<128x256xf32, #tpu.memory_space<vmem>>
    %dma_wait3A_997 = arith.constant 0 : i32
    %dma_wait3A_998 = tpu.memref_slice %arg2[%multiple_of3A_176, %dma_wait3A_997] : memref<32768x256xf32, #tpu.memory_space<hbm>> -> memref<128x256xf32, #tpu.memory_space<hbm>>
    tpu.wait_dma2 semaphore(%dma_wait3A_992 : memref<!tpu.dma_semaphore, #tpu.memory_space<semaphore_mem>>) src(%dma_wait3A_998 : memref<128x256xf32, #tpu.memory_space<hbm>>) dst(%dma_wait3A_996 : memref<128x256xf32, #tpu.memory_space<vmem>>)
    %sub3A_999 = arith.subi %get3A_958, %min3A_964 : i32
    %ge3A_1000 = vector.broadcast %sub3A_999 : i32 to vector<136x1xi32>
    %ge3A_1001 = arith.cmpi sge, %iota3A, %ge3A_1000 : vector<136x1xi32>
    %sub3A_1002 = arith.subi %min3A_977, %min3A_964 : i32
    %lt3A_1003 = vector.broadcast %sub3A_1002 : i32 to vector<136x1xi32>
    %lt3A_1004 = arith.cmpi slt, %iota3A, %lt3A_1003 : vector<136x1xi32>
    %and3A_1005 = arith.andi %ge3A_1001, %lt3A_1004 : vector<136x1xi1>
    %sub3A_1006 = arith.subi %max3A_978, %shift_left3A_976 : i32
    %ge3A_1007 = vector.broadcast %sub3A_1006 : i32 to vector<128x1xi32>
    %ge3A_1008 = arith.cmpi sge, %iota3A_537, %ge3A_1007 : vector<128x1xi32>
    %sub3A_1009 = arith.subi %get3A_960, %shift_left3A_976 : i32
    %lt3A_1010 = vector.broadcast %sub3A_1009 : i32 to vector<128x1xi32>
    %lt3A_1011 = arith.cmpi slt, %iota3A_537, %lt3A_1010 : vector<128x1xi32>
    %and3A_1012 = arith.andi %ge3A_1008, %lt3A_1011 : vector<128x1xi1>
    %get3A_1013 = arith.constant 5 : index
    %get3A_1014 = arith.constant 0 : index
    %get3A_1015 = arith.constant 0 : index
    %get3A_1016 = vector.load %arg4[%get3A_1013, %get3A_1014, %get3A_1015] : memref<16x136x256xf32, #tpu.memory_space<vmem>>, vector<1x136x256xf32>
    %get3A_1017 = vector.shape_cast %get3A_1016 : vector<1x136x256xf32> to vector<136x256xf32>
    %jit3A_1018 = arith.constant 0.000000e+00 : f32
    %broadcast_in_dim3A_1019 = vector.shape_cast %and3A_1005 : vector<136x1xi1> to vector<136x1xi1>
    %broadcast_in_dim3A_1020 = vector.broadcast %broadcast_in_dim3A_1019 : vector<136x1xi1> to vector<136x256xi1>
    %broadcast_in_dim3A_1021 = vector.broadcast %jit3A_1018 : f32 to vector<136x256xf32>
    %select_n3A_1022 = arith.select %broadcast_in_dim3A_1020, %get3A_1017, %broadcast_in_dim3A_1021 : vector<136x256xi1>, vector<136x256xf32>
    %reduce_sum3A_1023 = arith.constant dense<0.000000e+00> : vector<256xf32>
    %reduce_sum3A_1024 = vector.multi_reduction <add>, %select_n3A_1022, %reduce_sum3A_1023 [0] : vector<136x256xf32> to vector<256xf32>
    %get3A_1025 = arith.constant 5 : index
    %get3A_1026 = arith.constant 0 : index
    %get3A_1027 = arith.constant 0 : index
    %get3A_1028 = vector.load %arg5[%get3A_1025, %get3A_1026, %get3A_1027] : memref<16x128x256xf32, #tpu.memory_space<vmem>>, vector<1x128x256xf32>
    %get3A_1029 = vector.shape_cast %get3A_1028 : vector<1x128x256xf32> to vector<128x256xf32>
    %jit3A_1030 = arith.constant 0.000000e+00 : f32
    %broadcast_in_dim3A_1031 = vector.shape_cast %and3A_1012 : vector<128x1xi1> to vector<128x1xi1>
    %broadcast_in_dim3A_1032 = vector.broadcast %broadcast_in_dim3A_1031 : vector<128x1xi1> to vector<128x256xi1>
    %broadcast_in_dim3A_1033 = vector.broadcast %jit3A_1030 : f32 to vector<128x256xf32>
    %select_n3A_1034 = arith.select %broadcast_in_dim3A_1032, %get3A_1029, %broadcast_in_dim3A_1033 : vector<128x256xi1>, vector<128x256xf32>
    %reduce_sum3A_1035 = arith.constant dense<0.000000e+00> : vector<256xf32>
    %reduce_sum3A_1036 = vector.multi_reduction <add>, %select_n3A_1034, %reduce_sum3A_1035 [0] : vector<128x256xf32> to vector<256xf32>
    %add3A_1037 = arith.addf %reduce_sum3A_1024, %reduce_sum3A_1036 : vector<256xf32>
    %swap3A_1038 = arith.constant 5 : index
    %swap3A_1039 = arith.constant 0 : index
    %swap3A_1040 = vector.load %arg3[%swap3A_1038, %swap3A_1039] : memref<16x256xf32, #tpu.memory_space<vmem>>, vector<1x256xf32>
    %swap3A_1041 = vector.shape_cast %swap3A_1040 : vector<1x256xf32> to vector<256xf32>
    %swap3A_1042 = vector.shape_cast %add3A_1037 : vector<256xf32> to vector<1x256xf32>
    tpu.vector_store %arg3[%swap3A_1038, %swap3A_1039], %swap3A_1042 {strides = array<i32>} : memref<16x256xf32, #tpu.memory_space<vmem>>, vector<1x256xf32>,
    %get3A_1043 = arith.constant 6 : index
    %get3A_1044 = memref.load %arg0[%get3A_1043] : memref<16xi32, #tpu.memory_space<smem>>
    %get3A_1045 = arith.constant 6 : index
    %get3A_1046 = memref.load %arg1[%get3A_1045] : memref<16xi32, #tpu.memory_space<smem>>
    %and3A_1047 = arith.constant -8 : i32
    %and3A_1048 = arith.andi %get3A_1044, %and3A_1047 : i32
    %min3A_1049 = arith.constant 32632 : i32
    %min3A_1050 = arith.minsi %and3A_1048, %min3A_1049 : i32
    %add3A_1051 = arith.constant 128 : i32
    %add3A_1052 = arith.addi %get3A_1044, %add3A_1051 : i32
    %sub3A_1053 = arith.constant 1 : i32
    %sub3A_1054 = arith.subi %add3A_1052, %sub3A_1053 : i32
    %shift_right_arithmetic3A_1055 = arith.constant 7 : i32
    %shift_right_arithmetic3A_1056 = arith.shrsi %sub3A_1054, %shift_right_arithmetic3A_1055 : i32
    %shift_left3A_1057 = arith.constant 7 : i32
    %shift_left3A_1058 = arith.shli %shift_right_arithmetic3A_1056, %shift_left3A_1057 : i32
    %shift_right_arithmetic3A_1059 = arith.constant 7 : i32
    %shift_right_arithmetic3A_1060 = arith.shrsi %get3A_1046, %shift_right_arithmetic3A_1059 : i32
    %shift_left3A_1061 = arith.constant 7 : i32
    %shift_left3A_1062 = arith.shli %shift_right_arithmetic3A_1060, %shift_left3A_1061 : i32
    %min3A_1063 = arith.minsi %shift_left3A_1058, %get3A_1046 : i32
    %max3A_1064 = arith.maxsi %shift_left3A_1062, %min3A_1063 : i32
    %dma_wait3A_1065 = arith.constant 6 : i32
    %dma_wait3A_1066 = arith.constant 6 : i32
    %dma_wait3A_1067 = tpu.memref_slice %arg6[%dma_wait3A_1066] : memref<16x!tpu.dma_semaphore, #tpu.memory_space<semaphore_mem>> -> memref<1x!tpu.dma_semaphore, #tpu.memory_space<semaphore_mem>>
    %dma_wait3A_1068 = tpu.memref_squeeze %dma_wait3A_1067 : memref<1x!tpu.dma_semaphore, #tpu.memory_space<semaphore_mem>> -> memref<!tpu.dma_semaphore, #tpu.memory_space<semaphore_mem>>
    %dma_wait3A_1069 = arith.constant 0 : i32
    %dma_wait3A_1070 = arith.constant 0 : i32
    %dma_wait3A_1071 = tpu.memref_slice %arg4[%dma_wait3A_1065, %dma_wait3A_1069, %dma_wait3A_1070] : memref<16x136x256xf32, #tpu.memory_space<vmem>> -> memref<1x136x256xf32, #tpu.memory_space<vmem>>
    %dma_wait3A_1072 = tpu.memref_squeeze %dma_wait3A_1071 : memref<1x136x256xf32, #tpu.memory_space<vmem>> -> memref<136x256xf32, #tpu.memory_space<vmem>>
    %dma_wait3A_1073 = arith.constant 0 : i32
    %dma_wait3A_1074 = tpu.memref_slice %arg2[%multiple_of3A_205, %dma_wait3A_1073] : memref<32768x256xf32, #tpu.memory_space<hbm>> -> memref<136x256xf32, #tpu.memory_space<hbm>>
    tpu.wait_dma2 semaphore(%dma_wait3A_1068 : memref<!tpu.dma_semaphore, #tpu.memory_space<semaphore_mem>>) src(%dma_wait3A_1074 : memref<136x256xf32, #tpu.memory_space<hbm>>) dst(%dma_wait3A_1072 : memref<136x256xf32, #tpu.memory_space<vmem>>)
    %dma_wait3A_1075 = arith.constant 6 : i32
    %dma_wait3A_1076 = arith.constant 6 : i32
    %dma_wait3A_1077 = tpu.memref_slice %arg7[%dma_wait3A_1076] : memref<16x!tpu.dma_semaphore, #tpu.memory_space<semaphore_mem>> -> memref<1x!tpu.dma_semaphore, #tpu.memory_space<semaphore_mem>>
    %dma_wait3A_1078 = tpu.memref_squeeze %dma_wait3A_1077 : memref<1x!tpu.dma_semaphore, #tpu.memory_space<semaphore_mem>> -> memref<!tpu.dma_semaphore, #tpu.memory_space<semaphore_mem>>
    %dma_wait3A_1079 = arith.constant 0 : i32
    %dma_wait3A_1080 = arith.constant 0 : i32
    %dma_wait3A_1081 = tpu.memref_slice %arg5[%dma_wait3A_1075, %dma_wait3A_1079, %dma_wait3A_1080] : memref<16x128x256xf32, #tpu.memory_space<vmem>> -> memref<1x128x256xf32, #tpu.memory_space<vmem>>
    %dma_wait3A_1082 = tpu.memref_squeeze %dma_wait3A_1081 : memref<1x128x256xf32, #tpu.memory_space<vmem>> -> memref<128x256xf32, #tpu.memory_space<vmem>>
    %dma_wait3A_1083 = arith.constant 0 : i32
    %dma_wait3A_1084 = tpu.memref_slice %arg2[%multiple_of3A_210, %dma_wait3A_1083] : memref<32768x256xf32, #tpu.memory_space<hbm>> -> memref<128x256xf32, #tpu.memory_space<hbm>>
    tpu.wait_dma2 semaphore(%dma_wait3A_1078 : memref<!tpu.dma_semaphore, #tpu.memory_space<semaphore_mem>>) src(%dma_wait3A_1084 : memref<128x256xf32, #tpu.memory_space<hbm>>) dst(%dma_wait3A_1082 : memref<128x256xf32, #tpu.memory_space<vmem>>)
    %sub3A_1085 = arith.subi %get3A_1044, %min3A_1050 : i32
    %ge3A_1086 = vector.broadcast %sub3A_1085 : i32 to vector<136x1xi32>
    %ge3A_1087 = arith.cmpi sge, %iota3A, %ge3A_1086 : vector<136x1xi32>
    %sub3A_1088 = arith.subi %min3A_1063, %min3A_1050 : i32
    %lt3A_1089 = vector.broadcast %sub3A_1088 : i32 to vector<136x1xi32>
    %lt3A_1090 = arith.cmpi slt, %iota3A, %lt3A_1089 : vector<136x1xi32>
    %and3A_1091 = arith.andi %ge3A_1087, %lt3A_1090 : vector<136x1xi1>
    %sub3A_1092 = arith.subi %max3A_1064, %shift_left3A_1062 : i32
    %ge3A_1093 = vector.broadcast %sub3A_1092 : i32 to vector<128x1xi32>
    %ge3A_1094 = arith.cmpi sge, %iota3A_537, %ge3A_1093 : vector<128x1xi32>
    %sub3A_1095 = arith.subi %get3A_1046, %shift_left3A_1062 : i32
    %lt3A_1096 = vector.broadcast %sub3A_1095 : i32 to vector<128x1xi32>
    %lt3A_1097 = arith.cmpi slt, %iota3A_537, %lt3A_1096 : vector<128x1xi32>
    %and3A_1098 = arith.andi %ge3A_1094, %lt3A_1097 : vector<128x1xi1>
    %get3A_1099 = arith.constant 6 : index
    %get3A_1100 = arith.constant 0 : index
    %get3A_1101 = arith.constant 0 : index
    %get3A_1102 = vector.load %arg4[%get3A_1099, %get3A_1100, %get3A_1101] : memref<16x136x256xf32, #tpu.memory_space<vmem>>, vector<1x136x256xf32>
    %get3A_1103 = vector.shape_cast %get3A_1102 : vector<1x136x256xf32> to vector<136x256xf32>
    %jit3A_1104 = arith.constant 0.000000e+00 : f32
    %broadcast_in_dim3A_1105 = vector.shape_cast %and3A_1091 : vector<136x1xi1> to vector<136x1xi1>
    %broadcast_in_dim3A_1106 = vector.broadcast %broadcast_in_dim3A_1105 : vector<136x1xi1> to vector<136x256xi1>
    %broadcast_in_dim3A_1107 = vector.broadcast %jit3A_1104 : f32 to vector<136x256xf32>
    %select_n3A_1108 = arith.select %broadcast_in_dim3A_1106, %get3A_1103, %broadcast_in_dim3A_1107 : vector<136x256xi1>, vector<136x256xf32>
    %reduce_sum3A_1109 = arith.constant dense<0.000000e+00> : vector<256xf32>
    %reduce_sum3A_1110 = vector.multi_reduction <add>, %select_n3A_1108, %reduce_sum3A_1109 [0] : vector<136x256xf32> to vector<256xf32>
    %get3A_1111 = arith.constant 6 : index
    %get3A_1112 = arith.constant 0 : index
    %get3A_1113 = arith.constant 0 : index
    %get3A_1114 = vector.load %arg5[%get3A_1111, %get3A_1112, %get3A_1113] : memref<16x128x256xf32, #tpu.memory_space<vmem>>, vector<1x128x256xf32>
    %get3A_1115 = vector.shape_cast %get3A_1114 : vector<1x128x256xf32> to vector<128x256xf32>
    %jit3A_1116 = arith.constant 0.000000e+00 : f32
    %broadcast_in_dim3A_1117 = vector.shape_cast %and3A_1098 : vector<128x1xi1> to vector<128x1xi1>
    %broadcast_in_dim3A_1118 = vector.broadcast %broadcast_in_dim3A_1117 : vector<128x1xi1> to vector<128x256xi1>
    %broadcast_in_dim3A_1119 = vector.broadcast %jit3A_1116 : f32 to vector<128x256xf32>
    %select_n3A_1120 = arith.select %broadcast_in_dim3A_1118, %get3A_1115, %broadcast_in_dim3A_1119 : vector<128x256xi1>, vector<128x256xf32>
    %reduce_sum3A_1121 = arith.constant dense<0.000000e+00> : vector<256xf32>
    %reduce_sum3A_1122 = vector.multi_reduction <add>, %select_n3A_1120, %reduce_sum3A_1121 [0] : vector<128x256xf32> to vector<256xf32>
    %add3A_1123 = arith.addf %reduce_sum3A_1110, %reduce_sum3A_1122 : vector<256xf32>
    %swap3A_1124 = arith.constant 6 : index
    %swap3A_1125 = arith.constant 0 : index
    %swap3A_1126 = vector.load %arg3[%swap3A_1124, %swap3A_1125] : memref<16x256xf32, #tpu.memory_space<vmem>>, vector<1x256xf32>
    %swap3A_1127 = vector.shape_cast %swap3A_1126 : vector<1x256xf32> to vector<256xf32>
    %swap3A_1128 = vector.shape_cast %add3A_1123 : vector<256xf32> to vector<1x256xf32>
    tpu.vector_store %arg3[%swap3A_1124, %swap3A_1125], %swap3A_1128 {strides = array<i32>} : memref<16x256xf32, #tpu.memory_space<vmem>>, vector<1x256xf32>,
    %get3A_1129 = arith.constant 7 : index
    %get3A_1130 = memref.load %arg0[%get3A_1129] : memref<16xi32, #tpu.memory_space<smem>>
    %get3A_1131 = arith.constant 7 : index
    %get3A_1132 = memref.load %arg1[%get3A_1131] : memref<16xi32, #tpu.memory_space<smem>>
    %and3A_1133 = arith.constant -8 : i32
    %and3A_1134 = arith.andi %get3A_1130, %and3A_1133 : i32
    %min3A_1135 = arith.constant 32632 : i32
    %min3A_1136 = arith.minsi %and3A_1134, %min3A_1135 : i32
    %add3A_1137 = arith.constant 128 : i32
    %add3A_1138 = arith.addi %get3A_1130, %add3A_1137 : i32
    %sub3A_1139 = arith.constant 1 : i32
    %sub3A_1140 = arith.subi %add3A_1138, %sub3A_1139 : i32
    %shift_right_arithmetic3A_1141 = arith.constant 7 : i32
    %shift_right_arithmetic3A_1142 = arith.shrsi %sub3A_1140, %shift_right_arithmetic3A_1141 : i32
    %shift_left3A_1143 = arith.constant 7 : i32
    %shift_left3A_1144 = arith.shli %shift_right_arithmetic3A_1142, %shift_left3A_1143 : i32
    %shift_right_arithmetic3A_1145 = arith.constant 7 : i32
    %shift_right_arithmetic3A_1146 = arith.shrsi %get3A_1132, %shift_right_arithmetic3A_1145 : i32
    %shift_left3A_1147 = arith.constant 7 : i32
    %shift_left3A_1148 = arith.shli %shift_right_arithmetic3A_1146, %shift_left3A_1147 : i32
    %min3A_1149 = arith.minsi %shift_left3A_1144, %get3A_1132 : i32
    %max3A_1150 = arith.maxsi %shift_left3A_1148, %min3A_1149 : i32
    %dma_wait3A_1151 = arith.constant 7 : i32
    %dma_wait3A_1152 = arith.constant 7 : i32
    %dma_wait3A_1153 = tpu.memref_slice %arg6[%dma_wait3A_1152] : memref<16x!tpu.dma_semaphore, #tpu.memory_space<semaphore_mem>> -> memref<1x!tpu.dma_semaphore, #tpu.memory_space<semaphore_mem>>
    %dma_wait3A_1154 = tpu.memref_squeeze %dma_wait3A_1153 : memref<1x!tpu.dma_semaphore, #tpu.memory_space<semaphore_mem>> -> memref<!tpu.dma_semaphore, #tpu.memory_space<semaphore_mem>>
    %dma_wait3A_1155 = arith.constant 0 : i32
    %dma_wait3A_1156 = arith.constant 0 : i32
    %dma_wait3A_1157 = tpu.memref_slice %arg4[%dma_wait3A_1151, %dma_wait3A_1155, %dma_wait3A_1156] : memref<16x136x256xf32, #tpu.memory_space<vmem>> -> memref<1x136x256xf32, #tpu.memory_space<vmem>>
    %dma_wait3A_1158 = tpu.memref_squeeze %dma_wait3A_1157 : memref<1x136x256xf32, #tpu.memory_space<vmem>> -> memref<136x256xf32, #tpu.memory_space<vmem>>
    %dma_wait3A_1159 = arith.constant 0 : i32
    %dma_wait3A_1160 = tpu.memref_slice %arg2[%multiple_of3A_239, %dma_wait3A_1159] : memref<32768x256xf32, #tpu.memory_space<hbm>> -> memref<136x256xf32, #tpu.memory_space<hbm>>
    tpu.wait_dma2 semaphore(%dma_wait3A_1154 : memref<!tpu.dma_semaphore, #tpu.memory_space<semaphore_mem>>) src(%dma_wait3A_1160 : memref<136x256xf32, #tpu.memory_space<hbm>>) dst(%dma_wait3A_1158 : memref<136x256xf32, #tpu.memory_space<vmem>>)
    %dma_wait3A_1161 = arith.constant 7 : i32
    %dma_wait3A_1162 = arith.constant 7 : i32
    %dma_wait3A_1163 = tpu.memref_slice %arg7[%dma_wait3A_1162] : memref<16x!tpu.dma_semaphore, #tpu.memory_space<semaphore_mem>> -> memref<1x!tpu.dma_semaphore, #tpu.memory_space<semaphore_mem>>
    %dma_wait3A_1164 = tpu.memref_squeeze %dma_wait3A_1163 : memref<1x!tpu.dma_semaphore, #tpu.memory_space<semaphore_mem>> -> memref<!tpu.dma_semaphore, #tpu.memory_space<semaphore_mem>>
    %dma_wait3A_1165 = arith.constant 0 : i32
    %dma_wait3A_1166 = arith.constant 0 : i32
    %dma_wait3A_1167 = tpu.memref_slice %arg5[%dma_wait3A_1161, %dma_wait3A_1165, %dma_wait3A_1166] : memref<16x128x256xf32, #tpu.memory_space<vmem>> -> memref<1x128x256xf32, #tpu.memory_space<vmem>>
    %dma_wait3A_1168 = tpu.memref_squeeze %dma_wait3A_1167 : memref<1x128x256xf32, #tpu.memory_space<vmem>> -> memref<128x256xf32, #tpu.memory_space<vmem>>
    %dma_wait3A_1169 = arith.constant 0 : i32
    %dma_wait3A_1170 = tpu.memref_slice %arg2[%multiple_of3A_244, %dma_wait3A_1169] : memref<32768x256xf32, #tpu.memory_space<hbm>> -> memref<128x256xf32, #tpu.memory_space<hbm>>
    tpu.wait_dma2 semaphore(%dma_wait3A_1164 : memref<!tpu.dma_semaphore, #tpu.memory_space<semaphore_mem>>) src(%dma_wait3A_1170 : memref<128x256xf32, #tpu.memory_space<hbm>>) dst(%dma_wait3A_1168 : memref<128x256xf32, #tpu.memory_space<vmem>>)
    %sub3A_1171 = arith.subi %get3A_1130, %min3A_1136 : i32
    %ge3A_1172 = vector.broadcast %sub3A_1171 : i32 to vector<136x1xi32>
    %ge3A_1173 = arith.cmpi sge, %iota3A, %ge3A_1172 : vector<136x1xi32>
    %sub3A_1174 = arith.subi %min3A_1149, %min3A_1136 : i32
    %lt3A_1175 = vector.broadcast %sub3A_1174 : i32 to vector<136x1xi32>
    %lt3A_1176 = arith.cmpi slt, %iota3A, %lt3A_1175 : vector<136x1xi32>
    %and3A_1177 = arith.andi %ge3A_1173, %lt3A_1176 : vector<136x1xi1>
    %sub3A_1178 = arith.subi %max3A_1150, %shift_left3A_1148 : i32
    %ge3A_1179 = vector.broadcast %sub3A_1178 : i32 to vector<128x1xi32>
    %ge3A_1180 = arith.cmpi sge, %iota3A_537, %ge3A_1179 : vector<128x1xi32>
    %sub3A_1181 = arith.subi %get3A_1132, %shift_left3A_1148 : i32
    %lt3A_1182 = vector.broadcast %sub3A_1181 : i32 to vector<128x1xi32>
    %lt3A_1183 = arith.cmpi slt, %iota3A_537, %lt3A_1182 : vector<128x1xi32>
    %and3A_1184 = arith.andi %ge3A_1180, %lt3A_1183 : vector<128x1xi1>
    %get3A_1185 = arith.constant 7 : index
    %get3A_1186 = arith.constant 0 : index
    %get3A_1187 = arith.constant 0 : index
    %get3A_1188 = vector.load %arg4[%get3A_1185, %get3A_1186, %get3A_1187] : memref<16x136x256xf32, #tpu.memory_space<vmem>>, vector<1x136x256xf32>
    %get3A_1189 = vector.shape_cast %get3A_1188 : vector<1x136x256xf32> to vector<136x256xf32>
    %jit3A_1190 = arith.constant 0.000000e+00 : f32
    %broadcast_in_dim3A_1191 = vector.shape_cast %and3A_1177 : vector<136x1xi1> to vector<136x1xi1>
    %broadcast_in_dim3A_1192 = vector.broadcast %broadcast_in_dim3A_1191 : vector<136x1xi1> to vector<136x256xi1>
    %broadcast_in_dim3A_1193 = vector.broadcast %jit3A_1190 : f32 to vector<136x256xf32>
    %select_n3A_1194 = arith.select %broadcast_in_dim3A_1192, %get3A_1189, %broadcast_in_dim3A_1193 : vector<136x256xi1>, vector<136x256xf32>
    %reduce_sum3A_1195 = arith.constant dense<0.000000e+00> : vector<256xf32>
    %reduce_sum3A_1196 = vector.multi_reduction <add>, %select_n3A_1194, %reduce_sum3A_1195 [0] : vector<136x256xf32> to vector<256xf32>
    %get3A_1197 = arith.constant 7 : index
    %get3A_1198 = arith.constant 0 : index
    %get3A_1199 = arith.constant 0 : index
    %get3A_1200 = vector.load %arg5[%get3A_1197, %get3A_1198, %get3A_1199] : memref<16x128x256xf32, #tpu.memory_space<vmem>>, vector<1x128x256xf32>
    %get3A_1201 = vector.shape_cast %get3A_1200 : vector<1x128x256xf32> to vector<128x256xf32>
    %jit3A_1202 = arith.constant 0.000000e+00 : f32
    %broadcast_in_dim3A_1203 = vector.shape_cast %and3A_1184 : vector<128x1xi1> to vector<128x1xi1>
    %broadcast_in_dim3A_1204 = vector.broadcast %broadcast_in_dim3A_1203 : vector<128x1xi1> to vector<128x256xi1>
    %broadcast_in_dim3A_1205 = vector.broadcast %jit3A_1202 : f32 to vector<128x256xf32>
    %select_n3A_1206 = arith.select %broadcast_in_dim3A_1204, %get3A_1201, %broadcast_in_dim3A_1205 : vector<128x256xi1>, vector<128x256xf32>
    %reduce_sum3A_1207 = arith.constant dense<0.000000e+00> : vector<256xf32>
    %reduce_sum3A_1208 = vector.multi_reduction <add>, %select_n3A_1206, %reduce_sum3A_1207 [0] : vector<128x256xf32> to vector<256xf32>
    %add3A_1209 = arith.addf %reduce_sum3A_1196, %reduce_sum3A_1208 : vector<256xf32>
    %swap3A_1210 = arith.constant 7 : index
    %swap3A_1211 = arith.constant 0 : index
    %swap3A_1212 = vector.load %arg3[%swap3A_1210, %swap3A_1211] : memref<16x256xf32, #tpu.memory_space<vmem>>, vector<1x256xf32>
    %swap3A_1213 = vector.shape_cast %swap3A_1212 : vector<1x256xf32> to vector<256xf32>
    %swap3A_1214 = vector.shape_cast %add3A_1209 : vector<256xf32> to vector<1x256xf32>
    tpu.vector_store %arg3[%swap3A_1210, %swap3A_1211], %swap3A_1214 {strides = array<i32>} : memref<16x256xf32, #tpu.memory_space<vmem>>, vector<1x256xf32>,
    %get3A_1215 = arith.constant 8 : index
    %get3A_1216 = memref.load %arg0[%get3A_1215] : memref<16xi32, #tpu.memory_space<smem>>
    %get3A_1217 = arith.constant 8 : index
    %get3A_1218 = memref.load %arg1[%get3A_1217] : memref<16xi32, #tpu.memory_space<smem>>
    %and3A_1219 = arith.constant -8 : i32
    %and3A_1220 = arith.andi %get3A_1216, %and3A_1219 : i32
    %min3A_1221 = arith.constant 32632 : i32
    %min3A_1222 = arith.minsi %and3A_1220, %min3A_1221 : i32
    %add3A_1223 = arith.constant 128 : i32
    %add3A_1224 = arith.addi %get3A_1216, %add3A_1223 : i32
    %sub3A_1225 = arith.constant 1 : i32
    %sub3A_1226 = arith.subi %add3A_1224, %sub3A_1225 : i32
    %shift_right_arithmetic3A_1227 = arith.constant 7 : i32
    %shift_right_arithmetic3A_1228 = arith.shrsi %sub3A_1226, %shift_right_arithmetic3A_1227 : i32
    %shift_left3A_1229 = arith.constant 7 : i32
    %shift_left3A_1230 = arith.shli %shift_right_arithmetic3A_1228, %shift_left3A_1229 : i32
    %shift_right_arithmetic3A_1231 = arith.constant 7 : i32
    %shift_right_arithmetic3A_1232 = arith.shrsi %get3A_1218, %shift_right_arithmetic3A_1231 : i32
    %shift_left3A_1233 = arith.constant 7 : i32
    %shift_left3A_1234 = arith.shli %shift_right_arithmetic3A_1232, %shift_left3A_1233 : i32
    %min3A_1235 = arith.minsi %shift_left3A_1230, %get3A_1218 : i32
    %max3A_1236 = arith.maxsi %shift_left3A_1234, %min3A_1235 : i32
    %dma_wait3A_1237 = arith.constant 8 : i32
    %dma_wait3A_1238 = arith.constant 8 : i32
    %dma_wait3A_1239 = tpu.memref_slice %arg6[%dma_wait3A_1238] : memref<16x!tpu.dma_semaphore, #tpu.memory_space<semaphore_mem>> -> memref<1x!tpu.dma_semaphore, #tpu.memory_space<semaphore_mem>>
    %dma_wait3A_1240 = tpu.memref_squeeze %dma_wait3A_1239 : memref<1x!tpu.dma_semaphore, #tpu.memory_space<semaphore_mem>> -> memref<!tpu.dma_semaphore, #tpu.memory_space<semaphore_mem>>
    %dma_wait3A_1241 = arith.constant 0 : i32
    %dma_wait3A_1242 = arith.constant 0 : i32
    %dma_wait3A_1243 = tpu.memref_slice %arg4[%dma_wait3A_1237, %dma_wait3A_1241, %dma_wait3A_1242] : memref<16x136x256xf32, #tpu.memory_space<vmem>> -> memref<1x136x256xf32, #tpu.memory_space<vmem>>
    %dma_wait3A_1244 = tpu.memref_squeeze %dma_wait3A_1243 : memref<1x136x256xf32, #tpu.memory_space<vmem>> -> memref<136x256xf32, #tpu.memory_space<vmem>>
    %dma_wait3A_1245 = arith.constant 0 : i32
    %dma_wait3A_1246 = tpu.memref_slice %arg2[%multiple_of3A_273, %dma_wait3A_1245] : memref<32768x256xf32, #tpu.memory_space<hbm>> -> memref<136x256xf32, #tpu.memory_space<hbm>>
    tpu.wait_dma2 semaphore(%dma_wait3A_1240 : memref<!tpu.dma_semaphore, #tpu.memory_space<semaphore_mem>>) src(%dma_wait3A_1246 : memref<136x256xf32, #tpu.memory_space<hbm>>) dst(%dma_wait3A_1244 : memref<136x256xf32, #tpu.memory_space<vmem>>)
    %dma_wait3A_1247 = arith.constant 8 : i32
    %dma_wait3A_1248 = arith.constant 8 : i32
    %dma_wait3A_1249 = tpu.memref_slice %arg7[%dma_wait3A_1248] : memref<16x!tpu.dma_semaphore, #tpu.memory_space<semaphore_mem>> -> memref<1x!tpu.dma_semaphore, #tpu.memory_space<semaphore_mem>>
    %dma_wait3A_1250 = tpu.memref_squeeze %dma_wait3A_1249 : memref<1x!tpu.dma_semaphore, #tpu.memory_space<semaphore_mem>> -> memref<!tpu.dma_semaphore, #tpu.memory_space<semaphore_mem>>
    %dma_wait3A_1251 = arith.constant 0 : i32
    %dma_wait3A_1252 = arith.constant 0 : i32
    %dma_wait3A_1253 = tpu.memref_slice %arg5[%dma_wait3A_1247, %dma_wait3A_1251, %dma_wait3A_1252] : memref<16x128x256xf32, #tpu.memory_space<vmem>> -> memref<1x128x256xf32, #tpu.memory_space<vmem>>
    %dma_wait3A_1254 = tpu.memref_squeeze %dma_wait3A_1253 : memref<1x128x256xf32, #tpu.memory_space<vmem>> -> memref<128x256xf32, #tpu.memory_space<vmem>>
    %dma_wait3A_1255 = arith.constant 0 : i32
    %dma_wait3A_1256 = tpu.memref_slice %arg2[%multiple_of3A_278, %dma_wait3A_1255] : memref<32768x256xf32, #tpu.memory_space<hbm>> -> memref<128x256xf32, #tpu.memory_space<hbm>>
    tpu.wait_dma2 semaphore(%dma_wait3A_1250 : memref<!tpu.dma_semaphore, #tpu.memory_space<semaphore_mem>>) src(%dma_wait3A_1256 : memref<128x256xf32, #tpu.memory_space<hbm>>) dst(%dma_wait3A_1254 : memref<128x256xf32, #tpu.memory_space<vmem>>)
    %sub3A_1257 = arith.subi %get3A_1216, %min3A_1222 : i32
    %ge3A_1258 = vector.broadcast %sub3A_1257 : i32 to vector<136x1xi32>
    %ge3A_1259 = arith.cmpi sge, %iota3A, %ge3A_1258 : vector<136x1xi32>
    %sub3A_1260 = arith.subi %min3A_1235, %min3A_1222 : i32
    %lt3A_1261 = vector.broadcast %sub3A_1260 : i32 to vector<136x1xi32>
    %lt3A_1262 = arith.cmpi slt, %iota3A, %lt3A_1261 : vector<136x1xi32>
    %and3A_1263 = arith.andi %ge3A_1259, %lt3A_1262 : vector<136x1xi1>
    %sub3A_1264 = arith.subi %max3A_1236, %shift_left3A_1234 : i32
    %ge3A_1265 = vector.broadcast %sub3A_1264 : i32 to vector<128x1xi32>
    %ge3A_1266 = arith.cmpi sge, %iota3A_537, %ge3A_1265 : vector<128x1xi32>
    %sub3A_1267 = arith.subi %get3A_1218, %shift_left3A_1234 : i32
    %lt3A_1268 = vector.broadcast %sub3A_1267 : i32 to vector<128x1xi32>
    %lt3A_1269 = arith.cmpi slt, %iota3A_537, %lt3A_1268 : vector<128x1xi32>
    %and3A_1270 = arith.andi %ge3A_1266, %lt3A_1269 : vector<128x1xi1>
    %get3A_1271 = arith.constant 8 : index
    %get3A_1272 = arith.constant 0 : index
    %get3A_1273 = arith.constant 0 : index
    %get3A_1274 = vector.load %arg4[%get3A_1271, %get3A_1272, %get3A_1273] : memref<16x136x256xf32, #tpu.memory_space<vmem>>, vector<1x136x256xf32>
    %get3A_1275 = vector.shape_cast %get3A_1274 : vector<1x136x256xf32> to vector<136x256xf32>
    %jit3A_1276 = arith.constant 0.000000e+00 : f32
    %broadcast_in_dim3A_1277 = vector.shape_cast %and3A_1263 : vector<136x1xi1> to vector<136x1xi1>
    %broadcast_in_dim3A_1278 = vector.broadcast %broadcast_in_dim3A_1277 : vector<136x1xi1> to vector<136x256xi1>
    %broadcast_in_dim3A_1279 = vector.broadcast %jit3A_1276 : f32 to vector<136x256xf32>
    %select_n3A_1280 = arith.select %broadcast_in_dim3A_1278, %get3A_1275, %broadcast_in_dim3A_1279 : vector<136x256xi1>, vector<136x256xf32>
    %reduce_sum3A_1281 = arith.constant dense<0.000000e+00> : vector<256xf32>
    %reduce_sum3A_1282 = vector.multi_reduction <add>, %select_n3A_1280, %reduce_sum3A_1281 [0] : vector<136x256xf32> to vector<256xf32>
    %get3A_1283 = arith.constant 8 : index
    %get3A_1284 = arith.constant 0 : index
    %get3A_1285 = arith.constant 0 : index
    %get3A_1286 = vector.load %arg5[%get3A_1283, %get3A_1284, %get3A_1285] : memref<16x128x256xf32, #tpu.memory_space<vmem>>, vector<1x128x256xf32>
    %get3A_1287 = vector.shape_cast %get3A_1286 : vector<1x128x256xf32> to vector<128x256xf32>
    %jit3A_1288 = arith.constant 0.000000e+00 : f32
    %broadcast_in_dim3A_1289 = vector.shape_cast %and3A_1270 : vector<128x1xi1> to vector<128x1xi1>
    %broadcast_in_dim3A_1290 = vector.broadcast %broadcast_in_dim3A_1289 : vector<128x1xi1> to vector<128x256xi1>
    %broadcast_in_dim3A_1291 = vector.broadcast %jit3A_1288 : f32 to vector<128x256xf32>
    %select_n3A_1292 = arith.select %broadcast_in_dim3A_1290, %get3A_1287, %broadcast_in_dim3A_1291 : vector<128x256xi1>, vector<128x256xf32>
    %reduce_sum3A_1293 = arith.constant dense<0.000000e+00> : vector<256xf32>
    %reduce_sum3A_1294 = vector.multi_reduction <add>, %select_n3A_1292, %reduce_sum3A_1293 [0] : vector<128x256xf32> to vector<256xf32>
    %add3A_1295 = arith.addf %reduce_sum3A_1282, %reduce_sum3A_1294 : vector<256xf32>
    %swap3A_1296 = arith.constant 8 : index
    %swap3A_1297 = arith.constant 0 : index
    %swap3A_1298 = vector.load %arg3[%swap3A_1296, %swap3A_1297] : memref<16x256xf32, #tpu.memory_space<vmem>>, vector<1x256xf32>
    %swap3A_1299 = vector.shape_cast %swap3A_1298 : vector<1x256xf32> to vector<256xf32>
    %swap3A_1300 = vector.shape_cast %add3A_1295 : vector<256xf32> to vector<1x256xf32>
    tpu.vector_store %arg3[%swap3A_1296, %swap3A_1297], %swap3A_1300 {strides = array<i32>} : memref<16x256xf32, #tpu.memory_space<vmem>>, vector<1x256xf32>,
    %get3A_1301 = arith.constant 9 : index
    %get3A_1302 = memref.load %arg0[%get3A_1301] : memref<16xi32, #tpu.memory_space<smem>>
    %get3A_1303 = arith.constant 9 : index
    %get3A_1304 = memref.load %arg1[%get3A_1303] : memref<16xi32, #tpu.memory_space<smem>>
    %and3A_1305 = arith.constant -8 : i32
    %and3A_1306 = arith.andi %get3A_1302, %and3A_1305 : i32
    %min3A_1307 = arith.constant 32632 : i32
    %min3A_1308 = arith.minsi %and3A_1306, %min3A_1307 : i32
    %add3A_1309 = arith.constant 128 : i32
    %add3A_1310 = arith.addi %get3A_1302, %add3A_1309 : i32
    %sub3A_1311 = arith.constant 1 : i32
    %sub3A_1312 = arith.subi %add3A_1310, %sub3A_1311 : i32
    %shift_right_arithmetic3A_1313 = arith.constant 7 : i32
    %shift_right_arithmetic3A_1314 = arith.shrsi %sub3A_1312, %shift_right_arithmetic3A_1313 : i32
    %shift_left3A_1315 = arith.constant 7 : i32
    %shift_left3A_1316 = arith.shli %shift_right_arithmetic3A_1314, %shift_left3A_1315 : i32
    %shift_right_arithmetic3A_1317 = arith.constant 7 : i32
    %shift_right_arithmetic3A_1318 = arith.shrsi %get3A_1304, %shift_right_arithmetic3A_1317 : i32
    %shift_left3A_1319 = arith.constant 7 : i32
    %shift_left3A_1320 = arith.shli %shift_right_arithmetic3A_1318, %shift_left3A_1319 : i32
    %min3A_1321 = arith.minsi %shift_left3A_1316, %get3A_1304 : i32
    %max3A_1322 = arith.maxsi %shift_left3A_1320, %min3A_1321 : i32
    %dma_wait3A_1323 = arith.constant 9 : i32
    %dma_wait3A_1324 = arith.constant 9 : i32
    %dma_wait3A_1325 = tpu.memref_slice %arg6[%dma_wait3A_1324] : memref<16x!tpu.dma_semaphore, #tpu.memory_space<semaphore_mem>> -> memref<1x!tpu.dma_semaphore, #tpu.memory_space<semaphore_mem>>
    %dma_wait3A_1326 = tpu.memref_squeeze %dma_wait3A_1325 : memref<1x!tpu.dma_semaphore, #tpu.memory_space<semaphore_mem>> -> memref<!tpu.dma_semaphore, #tpu.memory_space<semaphore_mem>>
    %dma_wait3A_1327 = arith.constant 0 : i32
    %dma_wait3A_1328 = arith.constant 0 : i32
    %dma_wait3A_1329 = tpu.memref_slice %arg4[%dma_wait3A_1323, %dma_wait3A_1327, %dma_wait3A_1328] : memref<16x136x256xf32, #tpu.memory_space<vmem>> -> memref<1x136x256xf32, #tpu.memory_space<vmem>>
    %dma_wait3A_1330 = tpu.memref_squeeze %dma_wait3A_1329 : memref<1x136x256xf32, #tpu.memory_space<vmem>> -> memref<136x256xf32, #tpu.memory_space<vmem>>
    %dma_wait3A_1331 = arith.constant 0 : i32
    %dma_wait3A_1332 = tpu.memref_slice %arg2[%multiple_of3A_307, %dma_wait3A_1331] : memref<32768x256xf32, #tpu.memory_space<hbm>> -> memref<136x256xf32, #tpu.memory_space<hbm>>
    tpu.wait_dma2 semaphore(%dma_wait3A_1326 : memref<!tpu.dma_semaphore, #tpu.memory_space<semaphore_mem>>) src(%dma_wait3A_1332 : memref<136x256xf32, #tpu.memory_space<hbm>>) dst(%dma_wait3A_1330 : memref<136x256xf32, #tpu.memory_space<vmem>>)
    %dma_wait3A_1333 = arith.constant 9 : i32
    %dma_wait3A_1334 = arith.constant 9 : i32
    %dma_wait3A_1335 = tpu.memref_slice %arg7[%dma_wait3A_1334] : memref<16x!tpu.dma_semaphore, #tpu.memory_space<semaphore_mem>> -> memref<1x!tpu.dma_semaphore, #tpu.memory_space<semaphore_mem>>
    %dma_wait3A_1336 = tpu.memref_squeeze %dma_wait3A_1335 : memref<1x!tpu.dma_semaphore, #tpu.memory_space<semaphore_mem>> -> memref<!tpu.dma_semaphore, #tpu.memory_space<semaphore_mem>>
    %dma_wait3A_1337 = arith.constant 0 : i32
    %dma_wait3A_1338 = arith.constant 0 : i32
    %dma_wait3A_1339 = tpu.memref_slice %arg5[%dma_wait3A_1333, %dma_wait3A_1337, %dma_wait3A_1338] : memref<16x128x256xf32, #tpu.memory_space<vmem>> -> memref<1x128x256xf32, #tpu.memory_space<vmem>>
    %dma_wait3A_1340 = tpu.memref_squeeze %dma_wait3A_1339 : memref<1x128x256xf32, #tpu.memory_space<vmem>> -> memref<128x256xf32, #tpu.memory_space<vmem>>
    %dma_wait3A_1341 = arith.constant 0 : i32
    %dma_wait3A_1342 = tpu.memref_slice %arg2[%multiple_of3A_312, %dma_wait3A_1341] : memref<32768x256xf32, #tpu.memory_space<hbm>> -> memref<128x256xf32, #tpu.memory_space<hbm>>
    tpu.wait_dma2 semaphore(%dma_wait3A_1336 : memref<!tpu.dma_semaphore, #tpu.memory_space<semaphore_mem>>) src(%dma_wait3A_1342 : memref<128x256xf32, #tpu.memory_space<hbm>>) dst(%dma_wait3A_1340 : memref<128x256xf32, #tpu.memory_space<vmem>>)
    %sub3A_1343 = arith.subi %get3A_1302, %min3A_1308 : i32
    %ge3A_1344 = vector.broadcast %sub3A_1343 : i32 to vector<136x1xi32>
    %ge3A_1345 = arith.cmpi sge, %iota3A, %ge3A_1344 : vector<136x1xi32>
    %sub3A_1346 = arith.subi %min3A_1321, %min3A_1308 : i32
    %lt3A_1347 = vector.broadcast %sub3A_1346 : i32 to vector<136x1xi32>
    %lt3A_1348 = arith.cmpi slt, %iota3A, %lt3A_1347 : vector<136x1xi32>
    %and3A_1349 = arith.andi %ge3A_1345, %lt3A_1348 : vector<136x1xi1>
    %sub3A_1350 = arith.subi %max3A_1322, %shift_left3A_1320 : i32
    %ge3A_1351 = vector.broadcast %sub3A_1350 : i32 to vector<128x1xi32>
    %ge3A_1352 = arith.cmpi sge, %iota3A_537, %ge3A_1351 : vector<128x1xi32>
    %sub3A_1353 = arith.subi %get3A_1304, %shift_left3A_1320 : i32
    %lt3A_1354 = vector.broadcast %sub3A_1353 : i32 to vector<128x1xi32>
    %lt3A_1355 = arith.cmpi slt, %iota3A_537, %lt3A_1354 : vector<128x1xi32>
    %and3A_1356 = arith.andi %ge3A_1352, %lt3A_1355 : vector<128x1xi1>
    %get3A_1357 = arith.constant 9 : index
    %get3A_1358 = arith.constant 0 : index
    %get3A_1359 = arith.constant 0 : index
    %get3A_1360 = vector.load %arg4[%get3A_1357, %get3A_1358, %get3A_1359] : memref<16x136x256xf32, #tpu.memory_space<vmem>>, vector<1x136x256xf32>
    %get3A_1361 = vector.shape_cast %get3A_1360 : vector<1x136x256xf32> to vector<136x256xf32>
    %jit3A_1362 = arith.constant 0.000000e+00 : f32
    %broadcast_in_dim3A_1363 = vector.shape_cast %and3A_1349 : vector<136x1xi1> to vector<136x1xi1>
    %broadcast_in_dim3A_1364 = vector.broadcast %broadcast_in_dim3A_1363 : vector<136x1xi1> to vector<136x256xi1>
    %broadcast_in_dim3A_1365 = vector.broadcast %jit3A_1362 : f32 to vector<136x256xf32>
    %select_n3A_1366 = arith.select %broadcast_in_dim3A_1364, %get3A_1361, %broadcast_in_dim3A_1365 : vector<136x256xi1>, vector<136x256xf32>
    %reduce_sum3A_1367 = arith.constant dense<0.000000e+00> : vector<256xf32>
    %reduce_sum3A_1368 = vector.multi_reduction <add>, %select_n3A_1366, %reduce_sum3A_1367 [0] : vector<136x256xf32> to vector<256xf32>
    %get3A_1369 = arith.constant 9 : index
    %get3A_1370 = arith.constant 0 : index
    %get3A_1371 = arith.constant 0 : index
    %get3A_1372 = vector.load %arg5[%get3A_1369, %get3A_1370, %get3A_1371] : memref<16x128x256xf32, #tpu.memory_space<vmem>>, vector<1x128x256xf32>
    %get3A_1373 = vector.shape_cast %get3A_1372 : vector<1x128x256xf32> to vector<128x256xf32>
    %jit3A_1374 = arith.constant 0.000000e+00 : f32
    %broadcast_in_dim3A_1375 = vector.shape_cast %and3A_1356 : vector<128x1xi1> to vector<128x1xi1>
    %broadcast_in_dim3A_1376 = vector.broadcast %broadcast_in_dim3A_1375 : vector<128x1xi1> to vector<128x256xi1>
    %broadcast_in_dim3A_1377 = vector.broadcast %jit3A_1374 : f32 to vector<128x256xf32>
    %select_n3A_1378 = arith.select %broadcast_in_dim3A_1376, %get3A_1373, %broadcast_in_dim3A_1377 : vector<128x256xi1>, vector<128x256xf32>
    %reduce_sum3A_1379 = arith.constant dense<0.000000e+00> : vector<256xf32>
    %reduce_sum3A_1380 = vector.multi_reduction <add>, %select_n3A_1378, %reduce_sum3A_1379 [0] : vector<128x256xf32> to vector<256xf32>
    %add3A_1381 = arith.addf %reduce_sum3A_1368, %reduce_sum3A_1380 : vector<256xf32>
    %swap3A_1382 = arith.constant 9 : index
    %swap3A_1383 = arith.constant 0 : index
    %swap3A_1384 = vector.load %arg3[%swap3A_1382, %swap3A_1383] : memref<16x256xf32, #tpu.memory_space<vmem>>, vector<1x256xf32>
    %swap3A_1385 = vector.shape_cast %swap3A_1384 : vector<1x256xf32> to vector<256xf32>
    %swap3A_1386 = vector.shape_cast %add3A_1381 : vector<256xf32> to vector<1x256xf32>
    tpu.vector_store %arg3[%swap3A_1382, %swap3A_1383], %swap3A_1386 {strides = array<i32>} : memref<16x256xf32, #tpu.memory_space<vmem>>, vector<1x256xf32>,
    %get3A_1387 = arith.constant 10 : index
    %get3A_1388 = memref.load %arg0[%get3A_1387] : memref<16xi32, #tpu.memory_space<smem>>
    %get3A_1389 = arith.constant 10 : index
    %get3A_1390 = memref.load %arg1[%get3A_1389] : memref<16xi32, #tpu.memory_space<smem>>
    %and3A_1391 = arith.constant -8 : i32
    %and3A_1392 = arith.andi %get3A_1388, %and3A_1391 : i32
    %min3A_1393 = arith.constant 32632 : i32
    %min3A_1394 = arith.minsi %and3A_1392, %min3A_1393 : i32
    %add3A_1395 = arith.constant 128 : i32
    %add3A_1396 = arith.addi %get3A_1388, %add3A_1395 : i32
    %sub3A_1397 = arith.constant 1 : i32
    %sub3A_1398 = arith.subi %add3A_1396, %sub3A_1397 : i32
    %shift_right_arithmetic3A_1399 = arith.constant 7 : i32
    %shift_right_arithmetic3A_1400 = arith.shrsi %sub3A_1398, %shift_right_arithmetic3A_1399 : i32
    %shift_left3A_1401 = arith.constant 7 : i32
    %shift_left3A_1402 = arith.shli %shift_right_arithmetic3A_1400, %shift_left3A_1401 : i32
    %shift_right_arithmetic3A_1403 = arith.constant 7 : i32
    %shift_right_arithmetic3A_1404 = arith.shrsi %get3A_1390, %shift_right_arithmetic3A_1403 : i32
    %shift_left3A_1405 = arith.constant 7 : i32
    %shift_left3A_1406 = arith.shli %shift_right_arithmetic3A_1404, %shift_left3A_1405 : i32
    %min3A_1407 = arith.minsi %shift_left3A_1402, %get3A_1390 : i32
    %max3A_1408 = arith.maxsi %shift_left3A_1406, %min3A_1407 : i32
    %dma_wait3A_1409 = arith.constant 10 : i32
    %dma_wait3A_1410 = arith.constant 10 : i32
    %dma_wait3A_1411 = tpu.memref_slice %arg6[%dma_wait3A_1410] : memref<16x!tpu.dma_semaphore, #tpu.memory_space<semaphore_mem>> -> memref<1x!tpu.dma_semaphore, #tpu.memory_space<semaphore_mem>>
    %dma_wait3A_1412 = tpu.memref_squeeze %dma_wait3A_1411 : memref<1x!tpu.dma_semaphore, #tpu.memory_space<semaphore_mem>> -> memref<!tpu.dma_semaphore, #tpu.memory_space<semaphore_mem>>
    %dma_wait3A_1413 = arith.constant 0 : i32
    %dma_wait3A_1414 = arith.constant 0 : i32
    %dma_wait3A_1415 = tpu.memref_slice %arg4[%dma_wait3A_1409, %dma_wait3A_1413, %dma_wait3A_1414] : memref<16x136x256xf32, #tpu.memory_space<vmem>> -> memref<1x136x256xf32, #tpu.memory_space<vmem>>
    %dma_wait3A_1416 = tpu.memref_squeeze %dma_wait3A_1415 : memref<1x136x256xf32, #tpu.memory_space<vmem>> -> memref<136x256xf32, #tpu.memory_space<vmem>>
    %dma_wait3A_1417 = arith.constant 0 : i32
    %dma_wait3A_1418 = tpu.memref_slice %arg2[%multiple_of3A_341, %dma_wait3A_1417] : memref<32768x256xf32, #tpu.memory_space<hbm>> -> memref<136x256xf32, #tpu.memory_space<hbm>>
    tpu.wait_dma2 semaphore(%dma_wait3A_1412 : memref<!tpu.dma_semaphore, #tpu.memory_space<semaphore_mem>>) src(%dma_wait3A_1418 : memref<136x256xf32, #tpu.memory_space<hbm>>) dst(%dma_wait3A_1416 : memref<136x256xf32, #tpu.memory_space<vmem>>)
    %dma_wait3A_1419 = arith.constant 10 : i32
    %dma_wait3A_1420 = arith.constant 10 : i32
    %dma_wait3A_1421 = tpu.memref_slice %arg7[%dma_wait3A_1420] : memref<16x!tpu.dma_semaphore, #tpu.memory_space<semaphore_mem>> -> memref<1x!tpu.dma_semaphore, #tpu.memory_space<semaphore_mem>>
    %dma_wait3A_1422 = tpu.memref_squeeze %dma_wait3A_1421 : memref<1x!tpu.dma_semaphore, #tpu.memory_space<semaphore_mem>> -> memref<!tpu.dma_semaphore, #tpu.memory_space<semaphore_mem>>
    %dma_wait3A_1423 = arith.constant 0 : i32
    %dma_wait3A_1424 = arith.constant 0 : i32
    %dma_wait3A_1425 = tpu.memref_slice %arg5[%dma_wait3A_1419, %dma_wait3A_1423, %dma_wait3A_1424] : memref<16x128x256xf32, #tpu.memory_space<vmem>> -> memref<1x128x256xf32, #tpu.memory_space<vmem>>
    %dma_wait3A_1426 = tpu.memref_squeeze %dma_wait3A_1425 : memref<1x128x256xf32, #tpu.memory_space<vmem>> -> memref<128x256xf32, #tpu.memory_space<vmem>>
    %dma_wait3A_1427 = arith.constant 0 : i32
    %dma_wait3A_1428 = tpu.memref_slice %arg2[%multiple_of3A_346, %dma_wait3A_1427] : memref<32768x256xf32, #tpu.memory_space<hbm>> -> memref<128x256xf32, #tpu.memory_space<hbm>>
    tpu.wait_dma2 semaphore(%dma_wait3A_1422 : memref<!tpu.dma_semaphore, #tpu.memory_space<semaphore_mem>>) src(%dma_wait3A_1428 : memref<128x256xf32, #tpu.memory_space<hbm>>) dst(%dma_wait3A_1426 : memref<128x256xf32, #tpu.memory_space<vmem>>)
    %sub3A_1429 = arith.subi %get3A_1388, %min3A_1394 : i32
    %ge3A_1430 = vector.broadcast %sub3A_1429 : i32 to vector<136x1xi32>
    %ge3A_1431 = arith.cmpi sge, %iota3A, %ge3A_1430 : vector<136x1xi32>
    %sub3A_1432 = arith.subi %min3A_1407, %min3A_1394 : i32
    %lt3A_1433 = vector.broadcast %sub3A_1432 : i32 to vector<136x1xi32>
    %lt3A_1434 = arith.cmpi slt, %iota3A, %lt3A_1433 : vector<136x1xi32>
    %and3A_1435 = arith.andi %ge3A_1431, %lt3A_1434 : vector<136x1xi1>
    %sub3A_1436 = arith.subi %max3A_1408, %shift_left3A_1406 : i32
    %ge3A_1437 = vector.broadcast %sub3A_1436 : i32 to vector<128x1xi32>
    %ge3A_1438 = arith.cmpi sge, %iota3A_537, %ge3A_1437 : vector<128x1xi32>
    %sub3A_1439 = arith.subi %get3A_1390, %shift_left3A_1406 : i32
    %lt3A_1440 = vector.broadcast %sub3A_1439 : i32 to vector<128x1xi32>
    %lt3A_1441 = arith.cmpi slt, %iota3A_537, %lt3A_1440 : vector<128x1xi32>
    %and3A_1442 = arith.andi %ge3A_1438, %lt3A_1441 : vector<128x1xi1>
    %get3A_1443 = arith.constant 10 : index
    %get3A_1444 = arith.constant 0 : index
    %get3A_1445 = arith.constant 0 : index
    %get3A_1446 = vector.load %arg4[%get3A_1443, %get3A_1444, %get3A_1445] : memref<16x136x256xf32, #tpu.memory_space<vmem>>, vector<1x136x256xf32>
    %get3A_1447 = vector.shape_cast %get3A_1446 : vector<1x136x256xf32> to vector<136x256xf32>
    %jit3A_1448 = arith.constant 0.000000e+00 : f32
    %broadcast_in_dim3A_1449 = vector.shape_cast %and3A_1435 : vector<136x1xi1> to vector<136x1xi1>
    %broadcast_in_dim3A_1450 = vector.broadcast %broadcast_in_dim3A_1449 : vector<136x1xi1> to vector<136x256xi1>
    %broadcast_in_dim3A_1451 = vector.broadcast %jit3A_1448 : f32 to vector<136x256xf32>
    %select_n3A_1452 = arith.select %broadcast_in_dim3A_1450, %get3A_1447, %broadcast_in_dim3A_1451 : vector<136x256xi1>, vector<136x256xf32>
    %reduce_sum3A_1453 = arith.constant dense<0.000000e+00> : vector<256xf32>
    %reduce_sum3A_1454 = vector.multi_reduction <add>, %select_n3A_1452, %reduce_sum3A_1453 [0] : vector<136x256xf32> to vector<256xf32>
    %get3A_1455 = arith.constant 10 : index
    %get3A_1456 = arith.constant 0 : index
    %get3A_1457 = arith.constant 0 : index
    %get3A_1458 = vector.load %arg5[%get3A_1455, %get3A_1456, %get3A_1457] : memref<16x128x256xf32, #tpu.memory_space<vmem>>, vector<1x128x256xf32>
    %get3A_1459 = vector.shape_cast %get3A_1458 : vector<1x128x256xf32> to vector<128x256xf32>
    %jit3A_1460 = arith.constant 0.000000e+00 : f32
    %broadcast_in_dim3A_1461 = vector.shape_cast %and3A_1442 : vector<128x1xi1> to vector<128x1xi1>
    %broadcast_in_dim3A_1462 = vector.broadcast %broadcast_in_dim3A_1461 : vector<128x1xi1> to vector<128x256xi1>
    %broadcast_in_dim3A_1463 = vector.broadcast %jit3A_1460 : f32 to vector<128x256xf32>
    %select_n3A_1464 = arith.select %broadcast_in_dim3A_1462, %get3A_1459, %broadcast_in_dim3A_1463 : vector<128x256xi1>, vector<128x256xf32>
    %reduce_sum3A_1465 = arith.constant dense<0.000000e+00> : vector<256xf32>
    %reduce_sum3A_1466 = vector.multi_reduction <add>, %select_n3A_1464, %reduce_sum3A_1465 [0] : vector<128x256xf32> to vector<256xf32>
    %add3A_1467 = arith.addf %reduce_sum3A_1454, %reduce_sum3A_1466 : vector<256xf32>
    %swap3A_1468 = arith.constant 10 : index
    %swap3A_1469 = arith.constant 0 : index
    %swap3A_1470 = vector.load %arg3[%swap3A_1468, %swap3A_1469] : memref<16x256xf32, #tpu.memory_space<vmem>>, vector<1x256xf32>
    %swap3A_1471 = vector.shape_cast %swap3A_1470 : vector<1x256xf32> to vector<256xf32>
    %swap3A_1472 = vector.shape_cast %add3A_1467 : vector<256xf32> to vector<1x256xf32>
    tpu.vector_store %arg3[%swap3A_1468, %swap3A_1469], %swap3A_1472 {strides = array<i32>} : memref<16x256xf32, #tpu.memory_space<vmem>>, vector<1x256xf32>,
    %get3A_1473 = arith.constant 11 : index
    %get3A_1474 = memref.load %arg0[%get3A_1473] : memref<16xi32, #tpu.memory_space<smem>>
    %get3A_1475 = arith.constant 11 : index
    %get3A_1476 = memref.load %arg1[%get3A_1475] : memref<16xi32, #tpu.memory_space<smem>>
    %and3A_1477 = arith.constant -8 : i32
    %and3A_1478 = arith.andi %get3A_1474, %and3A_1477 : i32
    %min3A_1479 = arith.constant 32632 : i32
    %min3A_1480 = arith.minsi %and3A_1478, %min3A_1479 : i32
    %add3A_1481 = arith.constant 128 : i32
    %add3A_1482 = arith.addi %get3A_1474, %add3A_1481 : i32
    %sub3A_1483 = arith.constant 1 : i32
    %sub3A_1484 = arith.subi %add3A_1482, %sub3A_1483 : i32
    %shift_right_arithmetic3A_1485 = arith.constant 7 : i32
    %shift_right_arithmetic3A_1486 = arith.shrsi %sub3A_1484, %shift_right_arithmetic3A_1485 : i32
    %shift_left3A_1487 = arith.constant 7 : i32
    %shift_left3A_1488 = arith.shli %shift_right_arithmetic3A_1486, %shift_left3A_1487 : i32
    %shift_right_arithmetic3A_1489 = arith.constant 7 : i32
    %shift_right_arithmetic3A_1490 = arith.shrsi %get3A_1476, %shift_right_arithmetic3A_1489 : i32
    %shift_left3A_1491 = arith.constant 7 : i32
    %shift_left3A_1492 = arith.shli %shift_right_arithmetic3A_1490, %shift_left3A_1491 : i32
    %min3A_1493 = arith.minsi %shift_left3A_1488, %get3A_1476 : i32
    %max3A_1494 = arith.maxsi %shift_left3A_1492, %min3A_1493 : i32
    %dma_wait3A_1495 = arith.constant 11 : i32
    %dma_wait3A_1496 = arith.constant 11 : i32
    %dma_wait3A_1497 = tpu.memref_slice %arg6[%dma_wait3A_1496] : memref<16x!tpu.dma_semaphore, #tpu.memory_space<semaphore_mem>> -> memref<1x!tpu.dma_semaphore, #tpu.memory_space<semaphore_mem>>
    %dma_wait3A_1498 = tpu.memref_squeeze %dma_wait3A_1497 : memref<1x!tpu.dma_semaphore, #tpu.memory_space<semaphore_mem>> -> memref<!tpu.dma_semaphore, #tpu.memory_space<semaphore_mem>>
    %dma_wait3A_1499 = arith.constant 0 : i32
    %dma_wait3A_1500 = arith.constant 0 : i32
    %dma_wait3A_1501 = tpu.memref_slice %arg4[%dma_wait3A_1495, %dma_wait3A_1499, %dma_wait3A_1500] : memref<16x136x256xf32, #tpu.memory_space<vmem>> -> memref<1x136x256xf32, #tpu.memory_space<vmem>>
    %dma_wait3A_1502 = tpu.memref_squeeze %dma_wait3A_1501 : memref<1x136x256xf32, #tpu.memory_space<vmem>> -> memref<136x256xf32, #tpu.memory_space<vmem>>
    %dma_wait3A_1503 = arith.constant 0 : i32
    %dma_wait3A_1504 = tpu.memref_slice %arg2[%multiple_of3A_375, %dma_wait3A_1503] : memref<32768x256xf32, #tpu.memory_space<hbm>> -> memref<136x256xf32, #tpu.memory_space<hbm>>
    tpu.wait_dma2 semaphore(%dma_wait3A_1498 : memref<!tpu.dma_semaphore, #tpu.memory_space<semaphore_mem>>) src(%dma_wait3A_1504 : memref<136x256xf32, #tpu.memory_space<hbm>>) dst(%dma_wait3A_1502 : memref<136x256xf32, #tpu.memory_space<vmem>>)
    %dma_wait3A_1505 = arith.constant 11 : i32
    %dma_wait3A_1506 = arith.constant 11 : i32
    %dma_wait3A_1507 = tpu.memref_slice %arg7[%dma_wait3A_1506] : memref<16x!tpu.dma_semaphore, #tpu.memory_space<semaphore_mem>> -> memref<1x!tpu.dma_semaphore, #tpu.memory_space<semaphore_mem>>
    %dma_wait3A_1508 = tpu.memref_squeeze %dma_wait3A_1507 : memref<1x!tpu.dma_semaphore, #tpu.memory_space<semaphore_mem>> -> memref<!tpu.dma_semaphore, #tpu.memory_space<semaphore_mem>>
    %dma_wait3A_1509 = arith.constant 0 : i32
    %dma_wait3A_1510 = arith.constant 0 : i32
    %dma_wait3A_1511 = tpu.memref_slice %arg5[%dma_wait3A_1505, %dma_wait3A_1509, %dma_wait3A_1510] : memref<16x128x256xf32, #tpu.memory_space<vmem>> -> memref<1x128x256xf32, #tpu.memory_space<vmem>>
    %dma_wait3A_1512 = tpu.memref_squeeze %dma_wait3A_1511 : memref<1x128x256xf32, #tpu.memory_space<vmem>> -> memref<128x256xf32, #tpu.memory_space<vmem>>
    %dma_wait3A_1513 = arith.constant 0 : i32
    %dma_wait3A_1514 = tpu.memref_slice %arg2[%multiple_of3A_380, %dma_wait3A_1513] : memref<32768x256xf32, #tpu.memory_space<hbm>> -> memref<128x256xf32, #tpu.memory_space<hbm>>
    tpu.wait_dma2 semaphore(%dma_wait3A_1508 : memref<!tpu.dma_semaphore, #tpu.memory_space<semaphore_mem>>) src(%dma_wait3A_1514 : memref<128x256xf32, #tpu.memory_space<hbm>>) dst(%dma_wait3A_1512 : memref<128x256xf32, #tpu.memory_space<vmem>>)
    %sub3A_1515 = arith.subi %get3A_1474, %min3A_1480 : i32
    %ge3A_1516 = vector.broadcast %sub3A_1515 : i32 to vector<136x1xi32>
    %ge3A_1517 = arith.cmpi sge, %iota3A, %ge3A_1516 : vector<136x1xi32>
    %sub3A_1518 = arith.subi %min3A_1493, %min3A_1480 : i32
    %lt3A_1519 = vector.broadcast %sub3A_1518 : i32 to vector<136x1xi32>
    %lt3A_1520 = arith.cmpi slt, %iota3A, %lt3A_1519 : vector<136x1xi32>
    %and3A_1521 = arith.andi %ge3A_1517, %lt3A_1520 : vector<136x1xi1>
    %sub3A_1522 = arith.subi %max3A_1494, %shift_left3A_1492 : i32
    %ge3A_1523 = vector.broadcast %sub3A_1522 : i32 to vector<128x1xi32>
    %ge3A_1524 = arith.cmpi sge, %iota3A_537, %ge3A_1523 : vector<128x1xi32>
    %sub3A_1525 = arith.subi %get3A_1476, %shift_left3A_1492 : i32
    %lt3A_1526 = vector.broadcast %sub3A_1525 : i32 to vector<128x1xi32>
    %lt3A_1527 = arith.cmpi slt, %iota3A_537, %lt3A_1526 : vector<128x1xi32>
    %and3A_1528 = arith.andi %ge3A_1524, %lt3A_1527 : vector<128x1xi1>
    %get3A_1529 = arith.constant 11 : index
    %get3A_1530 = arith.constant 0 : index
    %get3A_1531 = arith.constant 0 : index
    %get3A_1532 = vector.load %arg4[%get3A_1529, %get3A_1530, %get3A_1531] : memref<16x136x256xf32, #tpu.memory_space<vmem>>, vector<1x136x256xf32>
    %get3A_1533 = vector.shape_cast %get3A_1532 : vector<1x136x256xf32> to vector<136x256xf32>
    %jit3A_1534 = arith.constant 0.000000e+00 : f32
    %broadcast_in_dim3A_1535 = vector.shape_cast %and3A_1521 : vector<136x1xi1> to vector<136x1xi1>
    %broadcast_in_dim3A_1536 = vector.broadcast %broadcast_in_dim3A_1535 : vector<136x1xi1> to vector<136x256xi1>
    %broadcast_in_dim3A_1537 = vector.broadcast %jit3A_1534 : f32 to vector<136x256xf32>
    %select_n3A_1538 = arith.select %broadcast_in_dim3A_1536, %get3A_1533, %broadcast_in_dim3A_1537 : vector<136x256xi1>, vector<136x256xf32>
    %reduce_sum3A_1539 = arith.constant dense<0.000000e+00> : vector<256xf32>
    %reduce_sum3A_1540 = vector.multi_reduction <add>, %select_n3A_1538, %reduce_sum3A_1539 [0] : vector<136x256xf32> to vector<256xf32>
    %get3A_1541 = arith.constant 11 : index
    %get3A_1542 = arith.constant 0 : index
    %get3A_1543 = arith.constant 0 : index
    %get3A_1544 = vector.load %arg5[%get3A_1541, %get3A_1542, %get3A_1543] : memref<16x128x256xf32, #tpu.memory_space<vmem>>, vector<1x128x256xf32>
    %get3A_1545 = vector.shape_cast %get3A_1544 : vector<1x128x256xf32> to vector<128x256xf32>
    %jit3A_1546 = arith.constant 0.000000e+00 : f32
    %broadcast_in_dim3A_1547 = vector.shape_cast %and3A_1528 : vector<128x1xi1> to vector<128x1xi1>
    %broadcast_in_dim3A_1548 = vector.broadcast %broadcast_in_dim3A_1547 : vector<128x1xi1> to vector<128x256xi1>
    %broadcast_in_dim3A_1549 = vector.broadcast %jit3A_1546 : f32 to vector<128x256xf32>
    %select_n3A_1550 = arith.select %broadcast_in_dim3A_1548, %get3A_1545, %broadcast_in_dim3A_1549 : vector<128x256xi1>, vector<128x256xf32>
    %reduce_sum3A_1551 = arith.constant dense<0.000000e+00> : vector<256xf32>
    %reduce_sum3A_1552 = vector.multi_reduction <add>, %select_n3A_1550, %reduce_sum3A_1551 [0] : vector<128x256xf32> to vector<256xf32>
    %add3A_1553 = arith.addf %reduce_sum3A_1540, %reduce_sum3A_1552 : vector<256xf32>
    %swap3A_1554 = arith.constant 11 : index
    %swap3A_1555 = arith.constant 0 : index
    %swap3A_1556 = vector.load %arg3[%swap3A_1554, %swap3A_1555] : memref<16x256xf32, #tpu.memory_space<vmem>>, vector<1x256xf32>
    %swap3A_1557 = vector.shape_cast %swap3A_1556 : vector<1x256xf32> to vector<256xf32>
    %swap3A_1558 = vector.shape_cast %add3A_1553 : vector<256xf32> to vector<1x256xf32>
    tpu.vector_store %arg3[%swap3A_1554, %swap3A_1555], %swap3A_1558 {strides = array<i32>} : memref<16x256xf32, #tpu.memory_space<vmem>>, vector<1x256xf32>,
    %get3A_1559 = arith.constant 12 : index
    %get3A_1560 = memref.load %arg0[%get3A_1559] : memref<16xi32, #tpu.memory_space<smem>>
    %get3A_1561 = arith.constant 12 : index
    %get3A_1562 = memref.load %arg1[%get3A_1561] : memref<16xi32, #tpu.memory_space<smem>>
    %and3A_1563 = arith.constant -8 : i32
    %and3A_1564 = arith.andi %get3A_1560, %and3A_1563 : i32
    %min3A_1565 = arith.constant 32632 : i32
    %min3A_1566 = arith.minsi %and3A_1564, %min3A_1565 : i32
    %add3A_1567 = arith.constant 128 : i32
    %add3A_1568 = arith.addi %get3A_1560, %add3A_1567 : i32
    %sub3A_1569 = arith.constant 1 : i32
    %sub3A_1570 = arith.subi %add3A_1568, %sub3A_1569 : i32
    %shift_right_arithmetic3A_1571 = arith.constant 7 : i32
    %shift_right_arithmetic3A_1572 = arith.shrsi %sub3A_1570, %shift_right_arithmetic3A_1571 : i32
    %shift_left3A_1573 = arith.constant 7 : i32
    %shift_left3A_1574 = arith.shli %shift_right_arithmetic3A_1572, %shift_left3A_1573 : i32
    %shift_right_arithmetic3A_1575 = arith.constant 7 : i32
    %shift_right_arithmetic3A_1576 = arith.shrsi %get3A_1562, %shift_right_arithmetic3A_1575 : i32
    %shift_left3A_1577 = arith.constant 7 : i32
    %shift_left3A_1578 = arith.shli %shift_right_arithmetic3A_1576, %shift_left3A_1577 : i32
    %min3A_1579 = arith.minsi %shift_left3A_1574, %get3A_1562 : i32
    %max3A_1580 = arith.maxsi %shift_left3A_1578, %min3A_1579 : i32
    %dma_wait3A_1581 = arith.constant 12 : i32
    %dma_wait3A_1582 = arith.constant 12 : i32
    %dma_wait3A_1583 = tpu.memref_slice %arg6[%dma_wait3A_1582] : memref<16x!tpu.dma_semaphore, #tpu.memory_space<semaphore_mem>> -> memref<1x!tpu.dma_semaphore, #tpu.memory_space<semaphore_mem>>
    %dma_wait3A_1584 = tpu.memref_squeeze %dma_wait3A_1583 : memref<1x!tpu.dma_semaphore, #tpu.memory_space<semaphore_mem>> -> memref<!tpu.dma_semaphore, #tpu.memory_space<semaphore_mem>>
    %dma_wait3A_1585 = arith.constant 0 : i32
    %dma_wait3A_1586 = arith.constant 0 : i32
    %dma_wait3A_1587 = tpu.memref_slice %arg4[%dma_wait3A_1581, %dma_wait3A_1585, %dma_wait3A_1586] : memref<16x136x256xf32, #tpu.memory_space<vmem>> -> memref<1x136x256xf32, #tpu.memory_space<vmem>>
    %dma_wait3A_1588 = tpu.memref_squeeze %dma_wait3A_1587 : memref<1x136x256xf32, #tpu.memory_space<vmem>> -> memref<136x256xf32, #tpu.memory_space<vmem>>
    %dma_wait3A_1589 = arith.constant 0 : i32
    %dma_wait3A_1590 = tpu.memref_slice %arg2[%multiple_of3A_409, %dma_wait3A_1589] : memref<32768x256xf32, #tpu.memory_space<hbm>> -> memref<136x256xf32, #tpu.memory_space<hbm>>
    tpu.wait_dma2 semaphore(%dma_wait3A_1584 : memref<!tpu.dma_semaphore, #tpu.memory_space<semaphore_mem>>) src(%dma_wait3A_1590 : memref<136x256xf32, #tpu.memory_space<hbm>>) dst(%dma_wait3A_1588 : memref<136x256xf32, #tpu.memory_space<vmem>>)
    %dma_wait3A_1591 = arith.constant 12 : i32
    %dma_wait3A_1592 = arith.constant 12 : i32
    %dma_wait3A_1593 = tpu.memref_slice %arg7[%dma_wait3A_1592] : memref<16x!tpu.dma_semaphore, #tpu.memory_space<semaphore_mem>> -> memref<1x!tpu.dma_semaphore, #tpu.memory_space<semaphore_mem>>
    %dma_wait3A_1594 = tpu.memref_squeeze %dma_wait3A_1593 : memref<1x!tpu.dma_semaphore, #tpu.memory_space<semaphore_mem>> -> memref<!tpu.dma_semaphore, #tpu.memory_space<semaphore_mem>>
    %dma_wait3A_1595 = arith.constant 0 : i32
    %dma_wait3A_1596 = arith.constant 0 : i32
    %dma_wait3A_1597 = tpu.memref_slice %arg5[%dma_wait3A_1591, %dma_wait3A_1595, %dma_wait3A_1596] : memref<16x128x256xf32, #tpu.memory_space<vmem>> -> memref<1x128x256xf32, #tpu.memory_space<vmem>>
    %dma_wait3A_1598 = tpu.memref_squeeze %dma_wait3A_1597 : memref<1x128x256xf32, #tpu.memory_space<vmem>> -> memref<128x256xf32, #tpu.memory_space<vmem>>
    %dma_wait3A_1599 = arith.constant 0 : i32
    %dma_wait3A_1600 = tpu.memref_slice %arg2[%multiple_of3A_414, %dma_wait3A_1599] : memref<32768x256xf32, #tpu.memory_space<hbm>> -> memref<128x256xf32, #tpu.memory_space<hbm>>
    tpu.wait_dma2 semaphore(%dma_wait3A_1594 : memref<!tpu.dma_semaphore, #tpu.memory_space<semaphore_mem>>) src(%dma_wait3A_1600 : memref<128x256xf32, #tpu.memory_space<hbm>>) dst(%dma_wait3A_1598 : memref<128x256xf32, #tpu.memory_space<vmem>>)
    %sub3A_1601 = arith.subi %get3A_1560, %min3A_1566 : i32
    %ge3A_1602 = vector.broadcast %sub3A_1601 : i32 to vector<136x1xi32>
    %ge3A_1603 = arith.cmpi sge, %iota3A, %ge3A_1602 : vector<136x1xi32>
    %sub3A_1604 = arith.subi %min3A_1579, %min3A_1566 : i32
    %lt3A_1605 = vector.broadcast %sub3A_1604 : i32 to vector<136x1xi32>
    %lt3A_1606 = arith.cmpi slt, %iota3A, %lt3A_1605 : vector<136x1xi32>
    %and3A_1607 = arith.andi %ge3A_1603, %lt3A_1606 : vector<136x1xi1>
    %sub3A_1608 = arith.subi %max3A_1580, %shift_left3A_1578 : i32
    %ge3A_1609 = vector.broadcast %sub3A_1608 : i32 to vector<128x1xi32>
    %ge3A_1610 = arith.cmpi sge, %iota3A_537, %ge3A_1609 : vector<128x1xi32>
    %sub3A_1611 = arith.subi %get3A_1562, %shift_left3A_1578 : i32
    %lt3A_1612 = vector.broadcast %sub3A_1611 : i32 to vector<128x1xi32>
    %lt3A_1613 = arith.cmpi slt, %iota3A_537, %lt3A_1612 : vector<128x1xi32>
    %and3A_1614 = arith.andi %ge3A_1610, %lt3A_1613 : vector<128x1xi1>
    %get3A_1615 = arith.constant 12 : index
    %get3A_1616 = arith.constant 0 : index
    %get3A_1617 = arith.constant 0 : index
    %get3A_1618 = vector.load %arg4[%get3A_1615, %get3A_1616, %get3A_1617] : memref<16x136x256xf32, #tpu.memory_space<vmem>>, vector<1x136x256xf32>
    %get3A_1619 = vector.shape_cast %get3A_1618 : vector<1x136x256xf32> to vector<136x256xf32>
    %jit3A_1620 = arith.constant 0.000000e+00 : f32
    %broadcast_in_dim3A_1621 = vector.shape_cast %and3A_1607 : vector<136x1xi1> to vector<136x1xi1>
    %broadcast_in_dim3A_1622 = vector.broadcast %broadcast_in_dim3A_1621 : vector<136x1xi1> to vector<136x256xi1>
    %broadcast_in_dim3A_1623 = vector.broadcast %jit3A_1620 : f32 to vector<136x256xf32>
    %select_n3A_1624 = arith.select %broadcast_in_dim3A_1622, %get3A_1619, %broadcast_in_dim3A_1623 : vector<136x256xi1>, vector<136x256xf32>
    %reduce_sum3A_1625 = arith.constant dense<0.000000e+00> : vector<256xf32>
    %reduce_sum3A_1626 = vector.multi_reduction <add>, %select_n3A_1624, %reduce_sum3A_1625 [0] : vector<136x256xf32> to vector<256xf32>
    %get3A_1627 = arith.constant 12 : index
    %get3A_1628 = arith.constant 0 : index
    %get3A_1629 = arith.constant 0 : index
    %get3A_1630 = vector.load %arg5[%get3A_1627, %get3A_1628, %get3A_1629] : memref<16x128x256xf32, #tpu.memory_space<vmem>>, vector<1x128x256xf32>
    %get3A_1631 = vector.shape_cast %get3A_1630 : vector<1x128x256xf32> to vector<128x256xf32>
    %jit3A_1632 = arith.constant 0.000000e+00 : f32
    %broadcast_in_dim3A_1633 = vector.shape_cast %and3A_1614 : vector<128x1xi1> to vector<128x1xi1>
    %broadcast_in_dim3A_1634 = vector.broadcast %broadcast_in_dim3A_1633 : vector<128x1xi1> to vector<128x256xi1>
    %broadcast_in_dim3A_1635 = vector.broadcast %jit3A_1632 : f32 to vector<128x256xf32>
    %select_n3A_1636 = arith.select %broadcast_in_dim3A_1634, %get3A_1631, %broadcast_in_dim3A_1635 : vector<128x256xi1>, vector<128x256xf32>
    %reduce_sum3A_1637 = arith.constant dense<0.000000e+00> : vector<256xf32>
    %reduce_sum3A_1638 = vector.multi_reduction <add>, %select_n3A_1636, %reduce_sum3A_1637 [0] : vector<128x256xf32> to vector<256xf32>
    %add3A_1639 = arith.addf %reduce_sum3A_1626, %reduce_sum3A_1638 : vector<256xf32>
    %swap3A_1640 = arith.constant 12 : index
    %swap3A_1641 = arith.constant 0 : index
    %swap3A_1642 = vector.load %arg3[%swap3A_1640, %swap3A_1641] : memref<16x256xf32, #tpu.memory_space<vmem>>, vector<1x256xf32>
    %swap3A_1643 = vector.shape_cast %swap3A_1642 : vector<1x256xf32> to vector<256xf32>
    %swap3A_1644 = vector.shape_cast %add3A_1639 : vector<256xf32> to vector<1x256xf32>
    tpu.vector_store %arg3[%swap3A_1640, %swap3A_1641], %swap3A_1644 {strides = array<i32>} : memref<16x256xf32, #tpu.memory_space<vmem>>, vector<1x256xf32>,
    %get3A_1645 = arith.constant 13 : index
    %get3A_1646 = memref.load %arg0[%get3A_1645] : memref<16xi32, #tpu.memory_space<smem>>
    %get3A_1647 = arith.constant 13 : index
    %get3A_1648 = memref.load %arg1[%get3A_1647] : memref<16xi32, #tpu.memory_space<smem>>
    %and3A_1649 = arith.constant -8 : i32
    %and3A_1650 = arith.andi %get3A_1646, %and3A_1649 : i32
    %min3A_1651 = arith.constant 32632 : i32
    %min3A_1652 = arith.minsi %and3A_1650, %min3A_1651 : i32
    %add3A_1653 = arith.constant 128 : i32
    %add3A_1654 = arith.addi %get3A_1646, %add3A_1653 : i32
    %sub3A_1655 = arith.constant 1 : i32
    %sub3A_1656 = arith.subi %add3A_1654, %sub3A_1655 : i32
    %shift_right_arithmetic3A_1657 = arith.constant 7 : i32
    %shift_right_arithmetic3A_1658 = arith.shrsi %sub3A_1656, %shift_right_arithmetic3A_1657 : i32
    %shift_left3A_1659 = arith.constant 7 : i32
    %shift_left3A_1660 = arith.shli %shift_right_arithmetic3A_1658, %shift_left3A_1659 : i32
    %shift_right_arithmetic3A_1661 = arith.constant 7 : i32
    %shift_right_arithmetic3A_1662 = arith.shrsi %get3A_1648, %shift_right_arithmetic3A_1661 : i32
    %shift_left3A_1663 = arith.constant 7 : i32
    %shift_left3A_1664 = arith.shli %shift_right_arithmetic3A_1662, %shift_left3A_1663 : i32
    %min3A_1665 = arith.minsi %shift_left3A_1660, %get3A_1648 : i32
    %max3A_1666 = arith.maxsi %shift_left3A_1664, %min3A_1665 : i32
    %dma_wait3A_1667 = arith.constant 13 : i32
    %dma_wait3A_1668 = arith.constant 13 : i32
    %dma_wait3A_1669 = tpu.memref_slice %arg6[%dma_wait3A_1668] : memref<16x!tpu.dma_semaphore, #tpu.memory_space<semaphore_mem>> -> memref<1x!tpu.dma_semaphore, #tpu.memory_space<semaphore_mem>>
    %dma_wait3A_1670 = tpu.memref_squeeze %dma_wait3A_1669 : memref<1x!tpu.dma_semaphore, #tpu.memory_space<semaphore_mem>> -> memref<!tpu.dma_semaphore, #tpu.memory_space<semaphore_mem>>
    %dma_wait3A_1671 = arith.constant 0 : i32
    %dma_wait3A_1672 = arith.constant 0 : i32
    %dma_wait3A_1673 = tpu.memref_slice %arg4[%dma_wait3A_1667, %dma_wait3A_1671, %dma_wait3A_1672] : memref<16x136x256xf32, #tpu.memory_space<vmem>> -> memref<1x136x256xf32, #tpu.memory_space<vmem>>
    %dma_wait3A_1674 = tpu.memref_squeeze %dma_wait3A_1673 : memref<1x136x256xf32, #tpu.memory_space<vmem>> -> memref<136x256xf32, #tpu.memory_space<vmem>>
    %dma_wait3A_1675 = arith.constant 0 : i32
    %dma_wait3A_1676 = tpu.memref_slice %arg2[%multiple_of3A_443, %dma_wait3A_1675] : memref<32768x256xf32, #tpu.memory_space<hbm>> -> memref<136x256xf32, #tpu.memory_space<hbm>>
    tpu.wait_dma2 semaphore(%dma_wait3A_1670 : memref<!tpu.dma_semaphore, #tpu.memory_space<semaphore_mem>>) src(%dma_wait3A_1676 : memref<136x256xf32, #tpu.memory_space<hbm>>) dst(%dma_wait3A_1674 : memref<136x256xf32, #tpu.memory_space<vmem>>)
    %dma_wait3A_1677 = arith.constant 13 : i32
    %dma_wait3A_1678 = arith.constant 13 : i32
    %dma_wait3A_1679 = tpu.memref_slice %arg7[%dma_wait3A_1678] : memref<16x!tpu.dma_semaphore, #tpu.memory_space<semaphore_mem>> -> memref<1x!tpu.dma_semaphore, #tpu.memory_space<semaphore_mem>>
    %dma_wait3A_1680 = tpu.memref_squeeze %dma_wait3A_1679 : memref<1x!tpu.dma_semaphore, #tpu.memory_space<semaphore_mem>> -> memref<!tpu.dma_semaphore, #tpu.memory_space<semaphore_mem>>
    %dma_wait3A_1681 = arith.constant 0 : i32
    %dma_wait3A_1682 = arith.constant 0 : i32
    %dma_wait3A_1683 = tpu.memref_slice %arg5[%dma_wait3A_1677, %dma_wait3A_1681, %dma_wait3A_1682] : memref<16x128x256xf32, #tpu.memory_space<vmem>> -> memref<1x128x256xf32, #tpu.memory_space<vmem>>
    %dma_wait3A_1684 = tpu.memref_squeeze %dma_wait3A_1683 : memref<1x128x256xf32, #tpu.memory_space<vmem>> -> memref<128x256xf32, #tpu.memory_space<vmem>>
    %dma_wait3A_1685 = arith.constant 0 : i32
    %dma_wait3A_1686 = tpu.memref_slice %arg2[%multiple_of3A_448, %dma_wait3A_1685] : memref<32768x256xf32, #tpu.memory_space<hbm>> -> memref<128x256xf32, #tpu.memory_space<hbm>>
    tpu.wait_dma2 semaphore(%dma_wait3A_1680 : memref<!tpu.dma_semaphore, #tpu.memory_space<semaphore_mem>>) src(%dma_wait3A_1686 : memref<128x256xf32, #tpu.memory_space<hbm>>) dst(%dma_wait3A_1684 : memref<128x256xf32, #tpu.memory_space<vmem>>)
    %sub3A_1687 = arith.subi %get3A_1646, %min3A_1652 : i32
    %ge3A_1688 = vector.broadcast %sub3A_1687 : i32 to vector<136x1xi32>
    %ge3A_1689 = arith.cmpi sge, %iota3A, %ge3A_1688 : vector<136x1xi32>
    %sub3A_1690 = arith.subi %min3A_1665, %min3A_1652 : i32
    %lt3A_1691 = vector.broadcast %sub3A_1690 : i32 to vector<136x1xi32>
    %lt3A_1692 = arith.cmpi slt, %iota3A, %lt3A_1691 : vector<136x1xi32>
    %and3A_1693 = arith.andi %ge3A_1689, %lt3A_1692 : vector<136x1xi1>
    %sub3A_1694 = arith.subi %max3A_1666, %shift_left3A_1664 : i32
    %ge3A_1695 = vector.broadcast %sub3A_1694 : i32 to vector<128x1xi32>
    %ge3A_1696 = arith.cmpi sge, %iota3A_537, %ge3A_1695 : vector<128x1xi32>
    %sub3A_1697 = arith.subi %get3A_1648, %shift_left3A_1664 : i32
    %lt3A_1698 = vector.broadcast %sub3A_1697 : i32 to vector<128x1xi32>
    %lt3A_1699 = arith.cmpi slt, %iota3A_537, %lt3A_1698 : vector<128x1xi32>
    %and3A_1700 = arith.andi %ge3A_1696, %lt3A_1699 : vector<128x1xi1>
    %get3A_1701 = arith.constant 13 : index
    %get3A_1702 = arith.constant 0 : index
    %get3A_1703 = arith.constant 0 : index
    %get3A_1704 = vector.load %arg4[%get3A_1701, %get3A_1702, %get3A_1703] : memref<16x136x256xf32, #tpu.memory_space<vmem>>, vector<1x136x256xf32>
    %get3A_1705 = vector.shape_cast %get3A_1704 : vector<1x136x256xf32> to vector<136x256xf32>
    %jit3A_1706 = arith.constant 0.000000e+00 : f32
    %broadcast_in_dim3A_1707 = vector.shape_cast %and3A_1693 : vector<136x1xi1> to vector<136x1xi1>
    %broadcast_in_dim3A_1708 = vector.broadcast %broadcast_in_dim3A_1707 : vector<136x1xi1> to vector<136x256xi1>
    %broadcast_in_dim3A_1709 = vector.broadcast %jit3A_1706 : f32 to vector<136x256xf32>
    %select_n3A_1710 = arith.select %broadcast_in_dim3A_1708, %get3A_1705, %broadcast_in_dim3A_1709 : vector<136x256xi1>, vector<136x256xf32>
    %reduce_sum3A_1711 = arith.constant dense<0.000000e+00> : vector<256xf32>
    %reduce_sum3A_1712 = vector.multi_reduction <add>, %select_n3A_1710, %reduce_sum3A_1711 [0] : vector<136x256xf32> to vector<256xf32>
    %get3A_1713 = arith.constant 13 : index
    %get3A_1714 = arith.constant 0 : index
    %get3A_1715 = arith.constant 0 : index
    %get3A_1716 = vector.load %arg5[%get3A_1713, %get3A_1714, %get3A_1715] : memref<16x128x256xf32, #tpu.memory_space<vmem>>, vector<1x128x256xf32>
    %get3A_1717 = vector.shape_cast %get3A_1716 : vector<1x128x256xf32> to vector<128x256xf32>
    %jit3A_1718 = arith.constant 0.000000e+00 : f32
    %broadcast_in_dim3A_1719 = vector.shape_cast %and3A_1700 : vector<128x1xi1> to vector<128x1xi1>
    %broadcast_in_dim3A_1720 = vector.broadcast %broadcast_in_dim3A_1719 : vector<128x1xi1> to vector<128x256xi1>
    %broadcast_in_dim3A_1721 = vector.broadcast %jit3A_1718 : f32 to vector<128x256xf32>
    %select_n3A_1722 = arith.select %broadcast_in_dim3A_1720, %get3A_1717, %broadcast_in_dim3A_1721 : vector<128x256xi1>, vector<128x256xf32>
    %reduce_sum3A_1723 = arith.constant dense<0.000000e+00> : vector<256xf32>
    %reduce_sum3A_1724 = vector.multi_reduction <add>, %select_n3A_1722, %reduce_sum3A_1723 [0] : vector<128x256xf32> to vector<256xf32>
    %add3A_1725 = arith.addf %reduce_sum3A_1712, %reduce_sum3A_1724 : vector<256xf32>
    %swap3A_1726 = arith.constant 13 : index
    %swap3A_1727 = arith.constant 0 : index
    %swap3A_1728 = vector.load %arg3[%swap3A_1726, %swap3A_1727] : memref<16x256xf32, #tpu.memory_space<vmem>>, vector<1x256xf32>
    %swap3A_1729 = vector.shape_cast %swap3A_1728 : vector<1x256xf32> to vector<256xf32>
    %swap3A_1730 = vector.shape_cast %add3A_1725 : vector<256xf32> to vector<1x256xf32>
    tpu.vector_store %arg3[%swap3A_1726, %swap3A_1727], %swap3A_1730 {strides = array<i32>} : memref<16x256xf32, #tpu.memory_space<vmem>>, vector<1x256xf32>,
    %get3A_1731 = arith.constant 14 : index
    %get3A_1732 = memref.load %arg0[%get3A_1731] : memref<16xi32, #tpu.memory_space<smem>>
    %get3A_1733 = arith.constant 14 : index
    %get3A_1734 = memref.load %arg1[%get3A_1733] : memref<16xi32, #tpu.memory_space<smem>>
    %and3A_1735 = arith.constant -8 : i32
    %and3A_1736 = arith.andi %get3A_1732, %and3A_1735 : i32
    %min3A_1737 = arith.constant 32632 : i32
    %min3A_1738 = arith.minsi %and3A_1736, %min3A_1737 : i32
    %add3A_1739 = arith.constant 128 : i32
    %add3A_1740 = arith.addi %get3A_1732, %add3A_1739 : i32
    %sub3A_1741 = arith.constant 1 : i32
    %sub3A_1742 = arith.subi %add3A_1740, %sub3A_1741 : i32
    %shift_right_arithmetic3A_1743 = arith.constant 7 : i32
    %shift_right_arithmetic3A_1744 = arith.shrsi %sub3A_1742, %shift_right_arithmetic3A_1743 : i32
    %shift_left3A_1745 = arith.constant 7 : i32
    %shift_left3A_1746 = arith.shli %shift_right_arithmetic3A_1744, %shift_left3A_1745 : i32
    %shift_right_arithmetic3A_1747 = arith.constant 7 : i32
    %shift_right_arithmetic3A_1748 = arith.shrsi %get3A_1734, %shift_right_arithmetic3A_1747 : i32
    %shift_left3A_1749 = arith.constant 7 : i32
    %shift_left3A_1750 = arith.shli %shift_right_arithmetic3A_1748, %shift_left3A_1749 : i32
    %min3A_1751 = arith.minsi %shift_left3A_1746, %get3A_1734 : i32
    %max3A_1752 = arith.maxsi %shift_left3A_1750, %min3A_1751 : i32
    %dma_wait3A_1753 = arith.constant 14 : i32
    %dma_wait3A_1754 = arith.constant 14 : i32
    %dma_wait3A_1755 = tpu.memref_slice %arg6[%dma_wait3A_1754] : memref<16x!tpu.dma_semaphore, #tpu.memory_space<semaphore_mem>> -> memref<1x!tpu.dma_semaphore, #tpu.memory_space<semaphore_mem>>
    %dma_wait3A_1756 = tpu.memref_squeeze %dma_wait3A_1755 : memref<1x!tpu.dma_semaphore, #tpu.memory_space<semaphore_mem>> -> memref<!tpu.dma_semaphore, #tpu.memory_space<semaphore_mem>>
    %dma_wait3A_1757 = arith.constant 0 : i32
    %dma_wait3A_1758 = arith.constant 0 : i32
    %dma_wait3A_1759 = tpu.memref_slice %arg4[%dma_wait3A_1753, %dma_wait3A_1757, %dma_wait3A_1758] : memref<16x136x256xf32, #tpu.memory_space<vmem>> -> memref<1x136x256xf32, #tpu.memory_space<vmem>>
    %dma_wait3A_1760 = tpu.memref_squeeze %dma_wait3A_1759 : memref<1x136x256xf32, #tpu.memory_space<vmem>> -> memref<136x256xf32, #tpu.memory_space<vmem>>
    %dma_wait3A_1761 = arith.constant 0 : i32
    %dma_wait3A_1762 = tpu.memref_slice %arg2[%multiple_of3A_477, %dma_wait3A_1761] : memref<32768x256xf32, #tpu.memory_space<hbm>> -> memref<136x256xf32, #tpu.memory_space<hbm>>
    tpu.wait_dma2 semaphore(%dma_wait3A_1756 : memref<!tpu.dma_semaphore, #tpu.memory_space<semaphore_mem>>) src(%dma_wait3A_1762 : memref<136x256xf32, #tpu.memory_space<hbm>>) dst(%dma_wait3A_1760 : memref<136x256xf32, #tpu.memory_space<vmem>>)
    %dma_wait3A_1763 = arith.constant 14 : i32
    %dma_wait3A_1764 = arith.constant 14 : i32
    %dma_wait3A_1765 = tpu.memref_slice %arg7[%dma_wait3A_1764] : memref<16x!tpu.dma_semaphore, #tpu.memory_space<semaphore_mem>> -> memref<1x!tpu.dma_semaphore, #tpu.memory_space<semaphore_mem>>
    %dma_wait3A_1766 = tpu.memref_squeeze %dma_wait3A_1765 : memref<1x!tpu.dma_semaphore, #tpu.memory_space<semaphore_mem>> -> memref<!tpu.dma_semaphore, #tpu.memory_space<semaphore_mem>>
    %dma_wait3A_1767 = arith.constant 0 : i32
    %dma_wait3A_1768 = arith.constant 0 : i32
    %dma_wait3A_1769 = tpu.memref_slice %arg5[%dma_wait3A_1763, %dma_wait3A_1767, %dma_wait3A_1768] : memref<16x128x256xf32, #tpu.memory_space<vmem>> -> memref<1x128x256xf32, #tpu.memory_space<vmem>>
    %dma_wait3A_1770 = tpu.memref_squeeze %dma_wait3A_1769 : memref<1x128x256xf32, #tpu.memory_space<vmem>> -> memref<128x256xf32, #tpu.memory_space<vmem>>
    %dma_wait3A_1771 = arith.constant 0 : i32
    %dma_wait3A_1772 = tpu.memref_slice %arg2[%multiple_of3A_482, %dma_wait3A_1771] : memref<32768x256xf32, #tpu.memory_space<hbm>> -> memref<128x256xf32, #tpu.memory_space<hbm>>
    tpu.wait_dma2 semaphore(%dma_wait3A_1766 : memref<!tpu.dma_semaphore, #tpu.memory_space<semaphore_mem>>) src(%dma_wait3A_1772 : memref<128x256xf32, #tpu.memory_space<hbm>>) dst(%dma_wait3A_1770 : memref<128x256xf32, #tpu.memory_space<vmem>>)
    %sub3A_1773 = arith.subi %get3A_1732, %min3A_1738 : i32
    %ge3A_1774 = vector.broadcast %sub3A_1773 : i32 to vector<136x1xi32>
    %ge3A_1775 = arith.cmpi sge, %iota3A, %ge3A_1774 : vector<136x1xi32>
    %sub3A_1776 = arith.subi %min3A_1751, %min3A_1738 : i32
    %lt3A_1777 = vector.broadcast %sub3A_1776 : i32 to vector<136x1xi32>
    %lt3A_1778 = arith.cmpi slt, %iota3A, %lt3A_1777 : vector<136x1xi32>
    %and3A_1779 = arith.andi %ge3A_1775, %lt3A_1778 : vector<136x1xi1>
    %sub3A_1780 = arith.subi %max3A_1752, %shift_left3A_1750 : i32
    %ge3A_1781 = vector.broadcast %sub3A_1780 : i32 to vector<128x1xi32>
    %ge3A_1782 = arith.cmpi sge, %iota3A_537, %ge3A_1781 : vector<128x1xi32>
    %sub3A_1783 = arith.subi %get3A_1734, %shift_left3A_1750 : i32
    %lt3A_1784 = vector.broadcast %sub3A_1783 : i32 to vector<128x1xi32>
    %lt3A_1785 = arith.cmpi slt, %iota3A_537, %lt3A_1784 : vector<128x1xi32>
    %and3A_1786 = arith.andi %ge3A_1782, %lt3A_1785 : vector<128x1xi1>
    %get3A_1787 = arith.constant 14 : index
    %get3A_1788 = arith.constant 0 : index
    %get3A_1789 = arith.constant 0 : index
    %get3A_1790 = vector.load %arg4[%get3A_1787, %get3A_1788, %get3A_1789] : memref<16x136x256xf32, #tpu.memory_space<vmem>>, vector<1x136x256xf32>
    %get3A_1791 = vector.shape_cast %get3A_1790 : vector<1x136x256xf32> to vector<136x256xf32>
    %jit3A_1792 = arith.constant 0.000000e+00 : f32
    %broadcast_in_dim3A_1793 = vector.shape_cast %and3A_1779 : vector<136x1xi1> to vector<136x1xi1>
    %broadcast_in_dim3A_1794 = vector.broadcast %broadcast_in_dim3A_1793 : vector<136x1xi1> to vector<136x256xi1>
    %broadcast_in_dim3A_1795 = vector.broadcast %jit3A_1792 : f32 to vector<136x256xf32>
    %select_n3A_1796 = arith.select %broadcast_in_dim3A_1794, %get3A_1791, %broadcast_in_dim3A_1795 : vector<136x256xi1>, vector<136x256xf32>
    %reduce_sum3A_1797 = arith.constant dense<0.000000e+00> : vector<256xf32>
    %reduce_sum3A_1798 = vector.multi_reduction <add>, %select_n3A_1796, %reduce_sum3A_1797 [0] : vector<136x256xf32> to vector<256xf32>
    %get3A_1799 = arith.constant 14 : index
    %get3A_1800 = arith.constant 0 : index
    %get3A_1801 = arith.constant 0 : index
    %get3A_1802 = vector.load %arg5[%get3A_1799, %get3A_1800, %get3A_1801] : memref<16x128x256xf32, #tpu.memory_space<vmem>>, vector<1x128x256xf32>
    %get3A_1803 = vector.shape_cast %get3A_1802 : vector<1x128x256xf32> to vector<128x256xf32>
    %jit3A_1804 = arith.constant 0.000000e+00 : f32
    %broadcast_in_dim3A_1805 = vector.shape_cast %and3A_1786 : vector<128x1xi1> to vector<128x1xi1>
    %broadcast_in_dim3A_1806 = vector.broadcast %broadcast_in_dim3A_1805 : vector<128x1xi1> to vector<128x256xi1>
    %broadcast_in_dim3A_1807 = vector.broadcast %jit3A_1804 : f32 to vector<128x256xf32>
    %select_n3A_1808 = arith.select %broadcast_in_dim3A_1806, %get3A_1803, %broadcast_in_dim3A_1807 : vector<128x256xi1>, vector<128x256xf32>
    %reduce_sum3A_1809 = arith.constant dense<0.000000e+00> : vector<256xf32>
    %reduce_sum3A_1810 = vector.multi_reduction <add>, %select_n3A_1808, %reduce_sum3A_1809 [0] : vector<128x256xf32> to vector<256xf32>
    %add3A_1811 = arith.addf %reduce_sum3A_1798, %reduce_sum3A_1810 : vector<256xf32>
    %swap3A_1812 = arith.constant 14 : index
    %swap3A_1813 = arith.constant 0 : index
    %swap3A_1814 = vector.load %arg3[%swap3A_1812, %swap3A_1813] : memref<16x256xf32, #tpu.memory_space<vmem>>, vector<1x256xf32>
    %swap3A_1815 = vector.shape_cast %swap3A_1814 : vector<1x256xf32> to vector<256xf32>
    %swap3A_1816 = vector.shape_cast %add3A_1811 : vector<256xf32> to vector<1x256xf32>
    tpu.vector_store %arg3[%swap3A_1812, %swap3A_1813], %swap3A_1816 {strides = array<i32>} : memref<16x256xf32, #tpu.memory_space<vmem>>, vector<1x256xf32>,
    %get3A_1817 = arith.constant 15 : index
    %get3A_1818 = memref.load %arg0[%get3A_1817] : memref<16xi32, #tpu.memory_space<smem>>
    %get3A_1819 = arith.constant 15 : index
    %get3A_1820 = memref.load %arg1[%get3A_1819] : memref<16xi32, #tpu.memory_space<smem>>
    %and3A_1821 = arith.constant -8 : i32
    %and3A_1822 = arith.andi %get3A_1818, %and3A_1821 : i32
    %min3A_1823 = arith.constant 32632 : i32
    %min3A_1824 = arith.minsi %and3A_1822, %min3A_1823 : i32
    %add3A_1825 = arith.constant 128 : i32
    %add3A_1826 = arith.addi %get3A_1818, %add3A_1825 : i32
    %sub3A_1827 = arith.constant 1 : i32
    %sub3A_1828 = arith.subi %add3A_1826, %sub3A_1827 : i32
    %shift_right_arithmetic3A_1829 = arith.constant 7 : i32
    %shift_right_arithmetic3A_1830 = arith.shrsi %sub3A_1828, %shift_right_arithmetic3A_1829 : i32
    %shift_left3A_1831 = arith.constant 7 : i32
    %shift_left3A_1832 = arith.shli %shift_right_arithmetic3A_1830, %shift_left3A_1831 : i32
    %shift_right_arithmetic3A_1833 = arith.constant 7 : i32
    %shift_right_arithmetic3A_1834 = arith.shrsi %get3A_1820, %shift_right_arithmetic3A_1833 : i32
    %shift_left3A_1835 = arith.constant 7 : i32
    %shift_left3A_1836 = arith.shli %shift_right_arithmetic3A_1834, %shift_left3A_1835 : i32
    %min3A_1837 = arith.minsi %shift_left3A_1832, %get3A_1820 : i32
    %max3A_1838 = arith.maxsi %shift_left3A_1836, %min3A_1837 : i32
    %dma_wait3A_1839 = arith.constant 15 : i32
    %dma_wait3A_1840 = arith.constant 15 : i32
    %dma_wait3A_1841 = tpu.memref_slice %arg6[%dma_wait3A_1840] : memref<16x!tpu.dma_semaphore, #tpu.memory_space<semaphore_mem>> -> memref<1x!tpu.dma_semaphore, #tpu.memory_space<semaphore_mem>>
    %dma_wait3A_1842 = tpu.memref_squeeze %dma_wait3A_1841 : memref<1x!tpu.dma_semaphore, #tpu.memory_space<semaphore_mem>> -> memref<!tpu.dma_semaphore, #tpu.memory_space<semaphore_mem>>
    %dma_wait3A_1843 = arith.constant 0 : i32
    %dma_wait3A_1844 = arith.constant 0 : i32
    %dma_wait3A_1845 = tpu.memref_slice %arg4[%dma_wait3A_1839, %dma_wait3A_1843, %dma_wait3A_1844] : memref<16x136x256xf32, #tpu.memory_space<vmem>> -> memref<1x136x256xf32, #tpu.memory_space<vmem>>
    %dma_wait3A_1846 = tpu.memref_squeeze %dma_wait3A_1845 : memref<1x136x256xf32, #tpu.memory_space<vmem>> -> memref<136x256xf32, #tpu.memory_space<vmem>>
    %dma_wait3A_1847 = arith.constant 0 : i32
    %dma_wait3A_1848 = tpu.memref_slice %arg2[%multiple_of3A_511, %dma_wait3A_1847] : memref<32768x256xf32, #tpu.memory_space<hbm>> -> memref<136x256xf32, #tpu.memory_space<hbm>>
    tpu.wait_dma2 semaphore(%dma_wait3A_1842 : memref<!tpu.dma_semaphore, #tpu.memory_space<semaphore_mem>>) src(%dma_wait3A_1848 : memref<136x256xf32, #tpu.memory_space<hbm>>) dst(%dma_wait3A_1846 : memref<136x256xf32, #tpu.memory_space<vmem>>)
    %dma_wait3A_1849 = arith.constant 15 : i32
    %dma_wait3A_1850 = arith.constant 15 : i32
    %dma_wait3A_1851 = tpu.memref_slice %arg7[%dma_wait3A_1850] : memref<16x!tpu.dma_semaphore, #tpu.memory_space<semaphore_mem>> -> memref<1x!tpu.dma_semaphore, #tpu.memory_space<semaphore_mem>>
    %dma_wait3A_1852 = tpu.memref_squeeze %dma_wait3A_1851 : memref<1x!tpu.dma_semaphore, #tpu.memory_space<semaphore_mem>> -> memref<!tpu.dma_semaphore, #tpu.memory_space<semaphore_mem>>
    %dma_wait3A_1853 = arith.constant 0 : i32
    %dma_wait3A_1854 = arith.constant 0 : i32
    %dma_wait3A_1855 = tpu.memref_slice %arg5[%dma_wait3A_1849, %dma_wait3A_1853, %dma_wait3A_1854] : memref<16x128x256xf32, #tpu.memory_space<vmem>> -> memref<1x128x256xf32, #tpu.memory_space<vmem>>
    %dma_wait3A_1856 = tpu.memref_squeeze %dma_wait3A_1855 : memref<1x128x256xf32, #tpu.memory_space<vmem>> -> memref<128x256xf32, #tpu.memory_space<vmem>>
    %dma_wait3A_1857 = arith.constant 0 : i32
    %dma_wait3A_1858 = tpu.memref_slice %arg2[%multiple_of3A_516, %dma_wait3A_1857] : memref<32768x256xf32, #tpu.memory_space<hbm>> -> memref<128x256xf32, #tpu.memory_space<hbm>>
    tpu.wait_dma2 semaphore(%dma_wait3A_1852 : memref<!tpu.dma_semaphore, #tpu.memory_space<semaphore_mem>>) src(%dma_wait3A_1858 : memref<128x256xf32, #tpu.memory_space<hbm>>) dst(%dma_wait3A_1856 : memref<128x256xf32, #tpu.memory_space<vmem>>)
    %sub3A_1859 = arith.subi %get3A_1818, %min3A_1824 : i32
    %ge3A_1860 = vector.broadcast %sub3A_1859 : i32 to vector<136x1xi32>
    %ge3A_1861 = arith.cmpi sge, %iota3A, %ge3A_1860 : vector<136x1xi32>
    %sub3A_1862 = arith.subi %min3A_1837, %min3A_1824 : i32
    %lt3A_1863 = vector.broadcast %sub3A_1862 : i32 to vector<136x1xi32>
    %lt3A_1864 = arith.cmpi slt, %iota3A, %lt3A_1863 : vector<136x1xi32>
    %and3A_1865 = arith.andi %ge3A_1861, %lt3A_1864 : vector<136x1xi1>
    %sub3A_1866 = arith.subi %max3A_1838, %shift_left3A_1836 : i32
    %ge3A_1867 = vector.broadcast %sub3A_1866 : i32 to vector<128x1xi32>
    %ge3A_1868 = arith.cmpi sge, %iota3A_537, %ge3A_1867 : vector<128x1xi32>
    %sub3A_1869 = arith.subi %get3A_1820, %shift_left3A_1836 : i32
    %lt3A_1870 = vector.broadcast %sub3A_1869 : i32 to vector<128x1xi32>
    %lt3A_1871 = arith.cmpi slt, %iota3A_537, %lt3A_1870 : vector<128x1xi32>
    %and3A_1872 = arith.andi %ge3A_1868, %lt3A_1871 : vector<128x1xi1>
    %get3A_1873 = arith.constant 15 : index
    %get3A_1874 = arith.constant 0 : index
    %get3A_1875 = arith.constant 0 : index
    %get3A_1876 = vector.load %arg4[%get3A_1873, %get3A_1874, %get3A_1875] : memref<16x136x256xf32, #tpu.memory_space<vmem>>, vector<1x136x256xf32>
    %get3A_1877 = vector.shape_cast %get3A_1876 : vector<1x136x256xf32> to vector<136x256xf32>
    %jit3A_1878 = arith.constant 0.000000e+00 : f32
    %broadcast_in_dim3A_1879 = vector.shape_cast %and3A_1865 : vector<136x1xi1> to vector<136x1xi1>
    %broadcast_in_dim3A_1880 = vector.broadcast %broadcast_in_dim3A_1879 : vector<136x1xi1> to vector<136x256xi1>
    %broadcast_in_dim3A_1881 = vector.broadcast %jit3A_1878 : f32 to vector<136x256xf32>
    %select_n3A_1882 = arith.select %broadcast_in_dim3A_1880, %get3A_1877, %broadcast_in_dim3A_1881 : vector<136x256xi1>, vector<136x256xf32>
    %reduce_sum3A_1883 = arith.constant dense<0.000000e+00> : vector<256xf32>
    %reduce_sum3A_1884 = vector.multi_reduction <add>, %select_n3A_1882, %reduce_sum3A_1883 [0] : vector<136x256xf32> to vector<256xf32>
    %get3A_1885 = arith.constant 15 : index
    %get3A_1886 = arith.constant 0 : index
    %get3A_1887 = arith.constant 0 : index
    %get3A_1888 = vector.load %arg5[%get3A_1885, %get3A_1886, %get3A_1887] : memref<16x128x256xf32, #tpu.memory_space<vmem>>, vector<1x128x256xf32>
    %get3A_1889 = vector.shape_cast %get3A_1888 : vector<1x128x256xf32> to vector<128x256xf32>
    %jit3A_1890 = arith.constant 0.000000e+00 : f32
    %broadcast_in_dim3A_1891 = vector.shape_cast %and3A_1872 : vector<128x1xi1> to vector<128x1xi1>
    %broadcast_in_dim3A_1892 = vector.broadcast %broadcast_in_dim3A_1891 : vector<128x1xi1> to vector<128x256xi1>
    %broadcast_in_dim3A_1893 = vector.broadcast %jit3A_1890 : f32 to vector<128x256xf32>
    %select_n3A_1894 = arith.select %broadcast_in_dim3A_1892, %get3A_1889, %broadcast_in_dim3A_1893 : vector<128x256xi1>, vector<128x256xf32>
    %reduce_sum3A_1895 = arith.constant dense<0.000000e+00> : vector<256xf32>
    %reduce_sum3A_1896 = vector.multi_reduction <add>, %select_n3A_1894, %reduce_sum3A_1895 [0] : vector<128x256xf32> to vector<256xf32>
    %add3A_1897 = arith.addf %reduce_sum3A_1884, %reduce_sum3A_1896 : vector<256xf32>
    %swap3A_1898 = arith.constant 15 : index
    %swap3A_1899 = arith.constant 0 : index
    %swap3A_1900 = vector.load %arg3[%swap3A_1898, %swap3A_1899] : memref<16x256xf32, #tpu.memory_space<vmem>>, vector<1x256xf32>
    %swap3A_1901 = vector.shape_cast %swap3A_1900 : vector<1x256xf32> to vector<256xf32>
    %swap3A_1902 = vector.shape_cast %add3A_1897 : vector<256xf32> to vector<1x256xf32>
    tpu.vector_store %arg3[%swap3A_1898, %swap3A_1899], %swap3A_1902 {strides = array<i32>} : memref<16x256xf32, #tpu.memory_space<vmem>>, vector<1x256xf32>,
    return
  }
}

module attributes {stable_mosaic.version = 14 : i64} {
  func.func @_tc_block_sums_body(%arg0: i32, %arg1: memref<1024x256xf32, #tpu.memory_space<vmem>>, %arg2: memref<8x256xf32, #tpu.memory_space<vmem>>) attributes {dimension_semantics = [#tpu.dimension_semantics<arbitrary>], iteration_bounds = array<i64: 14>, scalar_prefetch = 0 : i64, scratch_operands = 0 : i64, tpu.core_type = #tpu.core_type<tc>, window_params = [{transform_indices = @transform_0, window_bounds = array<i64: 1024, 256>}, {transform_indices = @transform_1, window_bounds = array<i64: 8, 256>}]} {
    %get3A = arith.constant 0 : index
    %get3A_0 = arith.constant 0 : index
    %get3A_1 = vector.load %arg1[%get3A, %get3A_0] : memref<1024x256xf32, #tpu.memory_space<vmem>>, vector<1024x256xf32>
    %reshape3A = vector.shape_cast %get3A_1 : vector<1024x256xf32> to vector<8x128x256xf32>
    %reduce_sum3A = arith.constant dense<0.000000e+00> : vector<8x256xf32>
    %reduce_sum3A_2 = vector.multi_reduction <add>, %reshape3A, %reduce_sum3A [1] : vector<8x128x256xf32> to vector<8x256xf32>
    %swap3A = arith.constant 0 : index
    %swap3A_3 = arith.constant 0 : index
    %swap3A_4 = vector.load %arg2[%swap3A, %swap3A_3] : memref<8x256xf32, #tpu.memory_space<vmem>>, vector<8x256xf32>
    tpu.vector_store %arg2[%swap3A, %swap3A_3], %reduce_sum3A_2 {strides = array<i32>} : memref<8x256xf32, #tpu.memory_space<vmem>>, vector<8x256xf32>,
    return
  }
  func.func @transform_0(%arg0: i32) -> (i32, i32) {
    %c0_i32 = arith.constant 0 : i32
    %c0_i32_0 = arith.constant 0 : i32
    return %arg0, %c0_i32 : i32, i32
  }
  func.func @transform_1(%arg0: i32) -> (i32, i32) {
    %c0_i32 = arith.constant 0 : i32
    %c0_i32_0 = arith.constant 0 : i32
    return %arg0, %c0_i32 : i32, i32
  }
}

</mosaic_0001>

<sc_bundles>
// kernel: kernel.6.cloned.1.call-start
scs
__scs_entry_jumppad:
0x0: {  	(pc) =	sbr.rel $0x88, $3  }
0x1: {  	(tag) =	ssettag $0x0;
	lr =	simm.s32 $0x1  }
0x2: {  	[smem:$0x3F9F] =	sst lr;
	_ =	strace $0xD0000000  }
0x3: {  	_ = 	snop  }
0x4: {  	_ = 	snop  }
0x5: {  	_ = 	snop  }
0x6: {  	_ = 	snop  }
0x7: {  	_ = 	snop  }
__scs_overlays_trampoline_lowered:
0x8: {  	[smem:$0x3FAE] =	sst s0  }
0x9: {  	[smem:$0x3FAF] =	sst s1  }
0xa: {  	[smem:$0x3FB0] =	sst s2  }
0xb: {  	[smem:$0x3FB1] =	sst s3  }
0xc: {  	[smem:$0x3FB2] =	sst s4  }
0xd: {  	[smem:$0x3FB3] =	sst s5  }
0xe: {  	[smem:$0x3FB4] =	sst s6  }
0xf: {  	[smem:$0x3FB5] =	sst s7  }
0x10: {  	[smem:$0x3FB6] =	sst s8  }
0x11: {  	[smem:$0x3FB7] =	sst s9;
	s0 =	simm.s32 @!p0 $0x0  }
0x12: {  	s1 =	sld [smem:$0x3F9D];
	s0 =	simm.s32 @p0 $0x1  }
0x13: {  	[smem:$0x3FB8] =	sst s0;
	s0 =	simm.s32 @!p1 $0x0  }
0x14: {  	s2 =	sld [smem:$0x3F9C];
	s0 =	simm.s32 @p1 $0x1  }
0x15: {  	[smem:$0x3FB9] =	sst s0;
	s0 =	simm.s32 @!p2 $0x0  }
0x16: {  	s3 =	sld [smem:$0x3FDB];
	s0 =	simm.s32 @p2 $0x1  }
0x17: {  	s4 =	simm.s32 $0x1BF5;
	[smem:$0x3FBB] =	sst s0  }
0x18: {  	s0 =	sld [smem:$0x3F9E];
	_ =	swait.ge [sflag:s4], $0x0  }
0x19: {  	s7 =	sld [smem:$0x3F9F]  }
0x1a: {  	s8 =	sadd.s32 $0xFFFFE003, lr  }
0x1b: {  	s9 =	sadd.s32 $0xFFFFFEF7, lr;
	s5 =	simm.s32 $0xFFFFFFFF;
	p2 =	slt.u32 s8, $0xFFFFF086  }
0x1c: {  	p1 =	slt.u32 s9, $0xF7A;
	s5 =	simm.s32 @!p2 $0x0  }
0x1d: {  	s5 =	simm.s32 @p1 $0x1;
	p0 =	seq.s32 s7, s2  }
0x1e: {  	s7 =	smul.u32 @!p0 $0xF7A, s2;
	p2 =	seq.s32 @!p0 s5, $0x0  }
0x1f: {  	s9 =	smul.u32 $0xF7A, s1;
	s8 =	simm.s32 @!p0 $0x1BF5;
	p2 =	por !p2, p0  }
0x20: {  	[sflag:s8] =	ssyncset.s32 @!p0 $0xFFFFF086;
	s6 =	sadd.s32 @!p0 s3, s7;
	s7 =	simm.s32 @!p0 $0x108  }
0x21: {  	s3 =	sadd.s32 s3, s9;
	s6 =	sadd.s32 @!p0 $0x88, s6;
	s7 =	simm.s32 @p2 $0x1082  }
0x22: {  	[simem:s7], [sflag:s8] =	dma.local @!p0 [hbm:s6], $0xF7A  }
0x23: {  	s9 =	sor.u32 $0xD0000000, s2;
	s6 =	simm.s32 $0x108;
	_ =	swait.ge @!p0 [sflag:s8], $0x0  }
0x24: {  	s3 =	sadd.s32 $0x88, s3;
	s6 =	simm.s32 @!p1 $0x1082;
	[sflag:s4] =	ssyncset.s32 $0xFFFFF086  }
0x25: {  	[simem:s6], [sflag:s4] =	dma.local [hbm:s3], $0xF7A  }
0x26: {  	[smem:$0x3F9F] =	sst s1;
	(tag) =	ssettag s2;
	_ =	strace s9  }
0x27: {  	s1 =	sld [smem:$0x3FAF]  }
0x28: {  	s2 =	sld [smem:$0x3FB0]  }
0x29: {  	s4 =	sld [smem:$0x3FB2]  }
0x2a: {  	p0 =	seq.s32 s5, $0x0;
	s5 =	sld [smem:$0x3FB3]  }
0x2b: {  	s6 =	sld [smem:$0x3FB4]  }
0x2c: {  	s7 =	sld [smem:$0x3FB5]  }
0x2d: {  	s3 =	simm.s32 $0x108;
	s8 =	sld [smem:$0x3FB6]  }
0x2e: {  	s3 =	simm.s32 @!p0 $0x1082;
	s9 =	sld [smem:$0x3FB7]  }
0x2f: {  	lr =	sadd.s32 s0, s3;
	s0 =	sld [smem:$0x3FAE]  }
0x30: {  	s3 =	sld [smem:$0x3FB1]  }
0x31: {  	[smem:$0x3FBA] =	sst s10  }
0x32: {  	s10 =	sld [smem:$0x3FB8];
	_ =	sdelay $0x3  }
0x33: {  	p0 =	seq.s32 s10, $0x1;
	s10 =	sld [smem:$0x3FBA];
	_ =	sdelay $0x3  }
0x34: {  	[smem:$0x3FBA] =	sst s10  }
0x35: {  	s10 =	sld [smem:$0x3FB9];
	_ =	sdelay $0x3  }
0x36: {  	p1 =	seq.s32 s10, $0x1;
	s10 =	sld [smem:$0x3FBA];
	_ =	sdelay $0x3  }
0x37: {  	[smem:$0x3FBA] =	sst s10  }
0x38: {  	s10 =	sld [smem:$0x3FBB]  }
0x39: {  	_ = 	snop;
	(pc) =	sbr.ind lr, $3  }
0x3a: {  	_ = 	snop  }
0x3b: {  	_ = 	snop  }
0x3c: {  	p2 =	seq.s32 s10, $0x1;
	s10 =	sld [smem:$0x3FBA]  }
0x3d: {  	_ =	shalt  }
0x3e: {  	_ =	shalt  }
0x3f: {  	_ =	shalt  }
0x40: {  	_ =	shalt  }
0x41: {  	_ =	shalt  }
0x42: {  	_ =	shalt  }
0x43: {  	_ =	shalt  }
0x44: {  	_ =	shalt  }
0x45: {  	_ =	shalt  }
0x46: {  	_ =	shalt  }
0x47: {  	_ =	shalt  }
0x48: {  	_ =	shalt  }
0x49: {  	_ =	shalt  }
0x4a: {  	_ =	shalt  }
0x4b: {  	_ =	shalt  }
0x4c: {  	_ =	shalt  }
0x4d: {  	_ =	shalt  }
0x4e: {  	_ =	shalt  }
0x4f: {  	_ =	shalt  }
0x50: {  	_ =	shalt  }
0x51: {  	_ =	shalt  }
0x52: {  	_ =	shalt  }
0x53: {  	_ =	shalt  }
0x54: {  	_ =	shalt  }
0x55: {  	_ =	shalt  }
0x56: {  	_ =	shalt  }
0x57: {  	_ =	shalt  }
0x58: {  	_ =	shalt  }
0x59: {  	_ =	shalt  }
0x5a: {  	_ =	shalt  }
0x5b: {  	_ =	shalt  }
0x5c: {  	_ =	shalt  }
0x5d: {  	_ =	shalt  }
0x5e: {  	_ =	shalt  }
0x5f: {  	_ =	shalt  }
0x60: {  	_ =	shalt  }
0x61: {  	_ =	shalt  }
0x62: {  	_ =	shalt  }
0x63: {  	_ =	shalt  }
0x64: {  	_ =	shalt  }
0x65: {  	_ =	shalt  }
0x66: {  	_ =	shalt  }
0x67: {  	_ =	shalt  }
0x68: {  	_ =	shalt  }
0x69: {  	_ =	shalt  }
0x6a: {  	_ =	shalt  }
0x6b: {  	_ =	shalt  }
0x6c: {  	_ =	shalt  }
0x6d: {  	_ =	shalt  }
0x6e: {  	_ =	shalt  }
0x6f: {  	_ =	shalt  }
0x70: {  	_ =	shalt  }
0x71: {  	_ =	shalt  }
0x72: {  	_ =	shalt  }
0x73: {  	_ =	shalt  }
0x74: {  	_ =	shalt  }
0x75: {  	_ =	shalt  }
0x76: {  	_ =	shalt  }
0x77: {  	_ =	shalt  }
0x78: {  	_ =	shalt  }
0x79: {  	_ =	shalt  }
0x7a: {  	_ =	shalt  }
0x7b: {  	_ =	shalt  }
0x7c: {  	_ =	shalt  }
0x7d: {  	_ =	shalt  }
0x7e: {  	_ =	shalt  }
0x7f: {  	_ =	shalt  }
0x80: {  	_ =	shalt  }
0x81: {  	_ =	shalt  }
0x82: {  	_ =	shalt  }
0x83: {  	_ =	shalt  }
0x84: {  	_ =	shalt  }
0x85: {  	_ =	shalt  }
0x86: {  	_ =	shalt  }
0x87: {  	_ =	shalt  }
.Lfunc_end0:
.L_simem_size_0:
called_computation_lowered:
.L_overlay_start_0:
0x88: {  	s2 =	sld [smem:$0x3FD9]  }
0x89: {  	s3 =	sld [smem:$0x3FFE];
	_ =	sdelay $0x1  }
0x8a: {  	s1 =	srdreg.scid  }
0x8b: {  	s0 =	sand.u32 $0x1, s1  }
0x8c: {  	s17 =	sshll.u32 s0, $0xA;
	s2 =	sadd.s32 s3, s2  }
0x8d: {  	s2 =	sadd.s32 s2, s17  }
0x8e: {  	[smem:$0x3FC6] =	sst s2  }
0x8f: {  	_ = 	snop  }
0x90: {  	s2 =	sld [smem:$0x3FC9]  }
0x91: {  	s18 =	sld [smem:$0x3FC8];
	(tm) =	ssettm $0x1  }
0x92: {  	s4 =	sld [smem:$0x3FFB];
	_ =	sdelay $0x3  }
0x93: {  	_ =	strace s4  }
0x94: {  	s4 =	sld [smem:$0x3FFC];
	_ =	sdelay $0x3  }
0x95: {  	_ =	strace s4  }
0x96: {  	s4 =	sld [smem:$0x3FFD];
	_ =	sdelay $0x3  }
0x97: {  	_ =	strace s4  }
0x98: {  	_ =	strace $0x8FFFFFFF  }
0x99: {  	s19 =	sld [smem:$0x3FDB];
	_ =	sdelay $0x1  }
0x9a: {  	s5 =	simm.s32 $_scs_section_size  }
0x9b: {  	s6 =	simm.s32 $_size__tile_overlayer_lowered;
	s7 =	simm.s32 $_tile_overlayer_lowered  }
0x9c: {  	s22 =	simm.s32 $0x1BFF;
	s21 =	sshll.u32 s7, $0x1;
	s4 =	sadd.s32 s5, s19  }
0x9d: {  	s8 =	simm.s32 $0x0;
	s20 =	sshll.u32 s6, $0x1;
	s6 =	sadd.s32 s21, s4  }
0x9e: {  	[timem:s8], [sflag:s22] =	dma.local [hbm:s6], s20  }
0x9f: {  	_ =	swait.ge [sflag:s22], s20  }
0xa0: {  	s5 =	ssub.s32 $0x0, s20;
	[sflag:s22] =	ssyncset.done $0x0  }
0xa1: {  	[sflag:s22] =	ssyncadd.s32 s5;
	_ =	sdelay $0x1  }
0xa2: {  	s23 =	simm.s32 $0x1B8B  }
0xa3: {  	_ =	swait.ge [sflag:s23], $0x1  }
0xa4: {  	[sflag:s23] =	ssyncset.done $0x0  }
0xa5: {  	s25 =	simm.s32 $0x1B8E;
	s24 =	sld [smem:$0x3FFE];
	[sflag:s23] =	ssyncadd.s32 $0xFFFFFFFF  }
0xa6: {  	s26 =	simm.s32 $execute0_lowered;
	[smem:$0x3FD2] =	sst s25  }
0xa7: {  	s6 =	sshll.u32 s26, $0x1;
	_ =	strace $0x80000046;
	[dreg:$0x1] =	wrdreg $0xFFFFFFFF  }
0xa8: {  	s28 =	simm.s32 $_size_execute0_lowered;
	s4 =	sadd.s32 s4, s6;
	[dreg:$0x0] =	wrdreg $0x0  }
0xa9: {  	s6 =	sshll.u32 s28, $0x1;
	[dreg:$0x2] =	wrdreg s4  }
0xaa: {  	[dreg:$0x3] =	wrdreg s6  }
0xab: {  	[dreg:$0x4] =	wrdreg $0xC0  }
0xac: {  	_ =	task [dreg:s8], $0x5FFFF  }
0xad: {  	[dreg:$0x1] =	wrdreg $0xFFFFFFFF  }
0xae: {  	[dreg:$0x0] =	wrdreg $0x60  }
0xaf: {  	[dreg:$0x2] =	wrdreg s2  }
0xb0: {  	[dreg:$0x3] =	wrdreg s18  }
0xb1: {  	[dreg:$0x4] =	wrdreg s24  }
0xb2: {  	[dreg:$0x5] =	wrdreg $0x9  }
0xb3: {  	_ =	task.clear_ibuf [dreg:s8], $0x6FFFF;
	_ =	strace $0x90000046  }
0xb4: {  	s29 =	simm.s32 $0x9;
	_ =	strace $0x80000048  }
0xb5: {  	_ =	swait.ge [sflag:s29], $0x1  }
0xb6: {  	[sflag:s29] =	ssyncadd.s32 $0xFFFFFFFF  }
0xb7: {  	_ =	strace $0x90000048  }
0xb8: {  	_ =	sfence  }
0xb9: {  	s30 =	sld [smem:$0x0];
	_ =	sdelay $0x2  }
0xba: {  	s31 =	sshll.u32 s1, $0xD;
	s1 =	sshrl.u32 s1, $0x2  }
0xbb: {  	s3 =	sand.u32 $0x4000, s31;
	s1 =	sadd.s32 s1, s30  }
0xbc: {  	s0 =	sor.u32 s3, s0;
	s1 =	sshll.u32 s1, $0x11  }
0xbd: {  	s0 =	sor.u32 s1, s0  }
0xbe: {  	s0 =	sadd.s32 $0x8F2B, s0  }
0xbf: {  	[sflag:s0] =	ssyncadd.remote.s32 $0x1  }
0xc0: {  	_ =	sfence.sel $0xFFFF  }
0xc1: {  	[dreg:$0x0] =	wrdreg $0xFFFFFFFF;
	(pc) =	sbr.abs _section_cstart, $3  }
0xc2: {  	[dreg:$0x1] =	wrdreg $0xFFFFFFFF  }
0xc3: {  	_ =	task.clear_ibuf [dreg:s8], $0x2FFFF;
	_ =	strace $0x9FFFFFFF  }
0xc4: {  	(tm) =	ssettm $0x7FFFFFFF  }
0xc5: {  	_ =	shalt  }
tec
execute0_lowered:
.L_overlay_start_1:
0x0: {  	(tag) =	ssettag $0x1  }
0x1: {  	s1 =	rddreg [dreg:$0x0]  }
0x2: {  	s2 =	rddreg [dreg:$0x1]  }
0x3: {  	s5 =	rddreg [dreg:$0x2]  }
0x4: {  	s4 =	srdreg.scid;
	s0 =	rddreg [dreg:$0x3];
	s3 =	simm.s32 $0x0  }
0x5: {  	s9 =	simm.s32 $0x4;
	s10 =	simm.s32 $0x1;
	s11 =	simm.s32 $0x2  }
.Ltmp0:
0x6: {  	s12 =	simm.s32 $0x3;
	s6 =	sand.u32 $0x1, s4;
	(pc) =	sbr.rel .LBB2_1-.Ltmp0, $4  }
0x7: {  	s13 =	simm.s32 $0x0;
	[smem:$0x7FF] =	sst s3;
	s7 =	ssub.s32 $0x2, s6  }
0x8: {  	s4 =	stileid.u32;
	s5 =	sadd.s32 $0xA00, s5;
	s8 =	sshrl.u32 s7, $0x1  }
0x9: {  	_ =	strace $0x80000047;
	s6 =	sshll.u32 s6, $0x4;
	s7 =	ssub.s32 s7, s8  }
0xa: {  	s6 =	sor.u32 s4, s6;
	s8 =	simm.s32 $0x10800;
	s7 =	smax.u32 s7, $0x1  }
.LBB2_14:
0xb: {  	[sflag:s12] =	ssyncadd.s32 $0xFFFFFF80  }
.LBB2_15:
0xc: {  	s13 =	sadd.s32 $0x1, s13  }
0xd: {  	p0 =	sne.s32 s13, s7  }
.Ltmp1:
0xe: {  	_ = 	snop;
	(pc) =	sbr.rel @!p0 .LBB2_16-.Ltmp1, $1  }
0xf: {  	_ =	sdelay $0x3  }
.LBB2_1:
0x10: {  	[tilespmem:s8], [sflag:$0x4] =	stream.linear.gather [hbm4b:s2+s3], $0x11, $0x38;
	[tilespmem:$0x10880] =	vst v63  }
0x11: {  	_ =	swait.ge [sflag:s9], $0x11  }
0x12: {  	[sflag:s9] =	ssyncset.done $0x0  }
0x13: {  	[sflag:s9] =	ssyncadd.s32 $0xFFFFFFEF  }
0x14: {  	v0 =	vld [tilespmem:$0x10800]  }
0x15: {  	v1 =	vld [tilespmem:$0x10810];
	_ =	sdelay $0x3  }
0x16: {  	(v2sf) =	vpush v0, $0x0  }
0x17: {  	(v2sf) =	vpush v1, $0x0;
	_ =	sdelay $0xd  }
0x18: {  	s14 =	spop (v2sf)  }
0x19: {  	s16 =	spop (v2sf);
	s15 =	sshra.s32 s14, $0x7  }
0x1a: {  	p0 =	sgt.s32 s15, $0x70;
	s30 =	sadd.s32 $0x7F, s16  }
0x1b: {  	s15 =	simm.s32 @!p0 $0x70;
	s14 =	sshra.s32 s30, $0x7  }
0x1c: {  	s14 =	ssub.s32 s14, s15  }
0x1d: {  	p0 =	sgt.s32 s14, $0x0  }
0x1e: {  	s14 =	simm.s32 @!p0 $0x0  }
0x1f: {  	s31 =	sadd.s32 $0x1F, s14  }
0x20: {  	s17 =	sshrl.u32 s31, $0x5  }
0x21: {  	s16 =	smul.u32 s6, s17;
	_ =	sdelay $0x1  }
0x22: {  	s14 =	ssub.s32 s14, s16  }
0x23: {  	p0 =	sgt.s32 s14, $0x0  }
0x24: {  	s14 =	simm.s32 @!p0 $0x0  }
0x25: {  	s14 =	smin.u32 s17, s14  }
0x26: {  	p0 =	seq.s32 s14, $0x0  }
.Ltmp2:
0x27: {  	_ = 	snop;
	(pc) =	sbr.rel @p0 .LBB2_15-.Ltmp2, $1  }
0x28: {  	_ =	sdelay $0x3  }
0x29: {  	s15 =	sadd.s32 s15, s16  }
0x2a: {  	s16 =	sshll.u32 s15, $0xC  }
0x2b: {  	s16 =	sand.u32 $0x1FFFF000, s16  }
0x2c: {  	p0 =	seq.s32 s14, $0x1;
	s16 =	sadd.s32 s1, s16  }
0x2d: {  	[tilespmem:s3], [sflag:$0x1] =	stream.linear.gather [hbm4b:s16+s3], $0x8000, $0x38;
	[tilespmem:$0x10880] =	vst v63  }
0x2e: {  	s16 =	sshll.u32 @!p0 s15, $0xF  }
0x2f: {  	s16 =	sadd.s32 @!p0 $0x8000, s16  }
0x30: {  	s17 =	simm.s32 @!p0 $0x0;
	s16 =	sshrl.u32 @!p0 s16, $0x3  }
.Ltmp3:
0x31: {  	s18 =	simm.s32 @!p0 $0x8000;
	s16 =	sadd.s32 @!p0 s1, s16;
	(pc) =	sbr.rel .LBB2_3-.Ltmp3, $4  }
0x32: {  	[tilespmem:s18], [sflag:$0x2] =	stream.linear.gather @!p0 [hbm4b:s16+s17], $0x8000, $0x38;
	[tilespmem:$0x10880] =	vst v63  }
0x33: {  	s16 =	sadd.s32 @!p0 $0x1, s14  }
0x34: {  	s16 =	sshrl.u32 @!p0 s16, $0x1  }
0x35: {  	s17 =	simm.s32 $0x0;
	s16 =	simm.s32 @p0 $0x1  }
.LBB2_11:
0x36: {  	s17 =	sadd.s32 $0x1, s17  }
0x37: {  	p0 =	sne.s32 s17, s16  }
.Ltmp4:
0x38: {  	_ = 	snop;
	(pc) =	sbr.rel @!p0 .LBB2_12-.Ltmp4, $1  }
0x39: {  	_ =	sdelay $0x3  }
.LBB2_3:
0x3a: {  	s18 =	sshll.u32 s17, $0x1  }
0x3b: {  	p0 =	sge.u32 s18, s14  }
.Ltmp5:
0x3c: {  	_ = 	snop;
	(pc) =	sbr.rel @p0 .LBB2_7-.Ltmp5, $1  }
0x3d: {  	_ =	sdelay $0x3  }
0x3e: {  	_ =	swait.ge [sflag:s10], $0x8000;
	s19 =	simm.s32 $0x0  }
0x3f: {  	[sflag:s10] =	ssyncset.done $0x0;
	s20 =	sand.u32 $0x7800, s19;
	s19 =	sand.u32 $0x380, s19  }
0x40: {  	[sflag:s10] =	ssyncadd.s32 $0xFFFF8000;
	s19 =	sor.u32 s19, s20  }
0x41: {  	v0 =	vld [tilespmem:s19+$0x470]  }
0x42: {  	v1 =	vld [tilespmem:s19+$0x0]  }
0x43: {  	v2 =	vld [tilespmem:s19+$0x10]  }
0x44: {  	v3 =	vld [tilespmem:s19+$0x20]  }
0x45: {  	v4 =	vld [tilespmem:s19+$0x30]  }
0x46: {  	v8 =	vld [tilespmem:s19+$0x40]  }
0x47: {  	v10 =	vld [tilespmem:s19+$0x50]  }
0x48: {  	v12 =	vld [tilespmem:s19+$0x60]  }
0x49: {  	v7 =	vimm.f32 $0.0e+00;
	v13 =	vld [tilespmem:s19+$0x70]  }
0x4a: {  	v14 =	vld [tilespmem:s19+$0x400];
	v0 =	vadd.f32 v0, v7  }
0x4b: {  	v11 =	vadd.f32 v1, v7;
	v9 =	vadd.f32 v2, v7  }
0x4c: {  	v20 =	vld [tilespmem:s19+$0x410];
	v6 =	vadd.f32 v3, v7;
	v5 =	vadd.f32 v4, v7  }
0x4d: {  	v18 =	vld [tilespmem:s19+$0x420];
	v4 =	vadd.f32 v8, v7;
	v3 =	vadd.f32 v10, v7  }
0x4e: {  	v17 =	vld [tilespmem:s19+$0x430];
	v2 =	vadd.f32 v12, v7;
	v1 =	vadd.f32 v13, v7  }
0x4f: {  	s21 =	simm.s32 $0x100;
	s20 =	simm.s32 $0x80;
	v16 =	vld [tilespmem:s19+$0x440];
	v15 =	vadd.f32 v14, v7;
	v14 =	vimm.f32 $0.0e+00;
	v12 =	vimm.f32 $0.0e+00  }
0x50: {  	s22 =	sand.u32 $0x7800, s21;
	s21 =	simm.s32 $0x200;
	s23 =	sand.u32 $0x380, s20;
	v19 =	vld [tilespmem:s19+$0x450];
	v13 =	vimm.f32 $0.0e+00;
	v10 =	vimm.f32 $0.0e+00;
	v8 =	vimm.f32 $0.0e+00  }
.LBB2_5:
0x51: {  	p0 =	sne.s32 s21, $0x7F00;
	v7 =	vadd.f32 v20, v7;
	v20 =	vld [tilespmem:s19+$0x460];
	s19 =	sor.u32 s23, s22  }
0x52: {  	v21 =	vld [tilespmem:s19+$0x470];
	v14 =	vadd.f32 v18, v14  }
0x53: {  	v18 =	vld [tilespmem:s19+$0x0];
	v12 =	vadd.f32 v17, v12  }
0x54: {  	v17 =	vld [tilespmem:s19+$0x10];
	v13 =	vadd.f32 v16, v13  }
0x55: {  	v16 =	vld [tilespmem:s19+$0x20];
	v10 =	vadd.f32 v19, v10  }
0x56: {  	v19 =	vld [tilespmem:s19+$0x30];
	v8 =	vadd.f32 v20, v8  }
0x57: {  	v20 =	vld [tilespmem:s19+$0x40];
	v0 =	vadd.f32 v21, v0  }
0x58: {  	v11 =	vadd.f32 v18, v11;
	v18 =	vld [tilespmem:s19+$0x50]  }
0x59: {  	v9 =	vadd.f32 v17, v9;
	v17 =	vld [tilespmem:s19+$0x60]  }
0x5a: {  	v6 =	vadd.f32 v16, v6;
	v16 =	vld [tilespmem:s19+$0x70]  }
0x5b: {  	v5 =	vadd.f32 v19, v5;
	v19 =	vld [tilespmem:s19+$0x400]  }
.Ltmp6:
0x5c: {  	v4 =	vadd.f32 v20, v4;
	v20 =	vld [tilespmem:s19+$0x410];
	(pc) =	sbr.rel @p0 .LBB2_5-.Ltmp6, $4  }
0x5d: {  	v3 =	vadd.f32 v18, v3;
	v18 =	vld [tilespmem:s19+$0x420]  }
0x5e: {  	v2 =	vadd.f32 v17, v2;
	v17 =	vld [tilespmem:s19+$0x430]  }
0x5f: {  	s20 =	sadd.s32 $0x80, s20;
	v1 =	vadd.f32 v16, v1;
	v16 =	vld [tilespmem:s19+$0x440]  }
0x60: {  	s22 =	sand.u32 $0x7800, s21;
	s21 =	sadd.s32 $0x100, s21;
	s23 =	sand.u32 $0x380, s20;
	v15 =	vadd.f32 v19, v15;
	v19 =	vld [tilespmem:s19+$0x450]  }
0x61: {  	s20 =	sor.u32 s23, s22;
	v21 =	vld [tilespmem:s19+$0x460]  }
0x62: {  	v22 =	vld [tilespmem:s20+$0x470]  }
0x63: {  	v23 =	vld [tilespmem:s20+$0x0]  }
0x64: {  	v24 =	vld [tilespmem:s20+$0x10]  }
0x65: {  	v25 =	vld [tilespmem:s20+$0x20]  }
0x66: {  	v26 =	vld [tilespmem:s20+$0x30]  }
0x67: {  	v27 =	vld [tilespmem:s20+$0x40]  }
0x68: {  	v28 =	vld [tilespmem:s20+$0x50]  }
0x69: {  	v29 =	vld [tilespmem:s20+$0x60]  }
0x6a: {  	v30 =	vld [tilespmem:s20+$0x70]  }
0x6b: {  	v31 =	vld [tilespmem:s20+$0x400]  }
0x6c: {  	v32 =	vld [tilespmem:s20+$0x410]  }
0x6d: {  	v33 =	vld [tilespmem:s20+$0x420]  }
0x6e: {  	v34 =	vld [tilespmem:s20+$0x430]  }
0x6f: {  	v35 =	vld [tilespmem:s20+$0x440];
	v11 =	vadd.f32 v23, v11  }
0x70: {  	v7 =	vadd.f32 v20, v7;
	s29 =	sshll.u32 s17, $0x8;
	v55 =	vld [tilespmem:s20+$0x450];
	v15 =	vadd.f32 v31, v15  }
0x71: {  	v56 =	vld [tilespmem:s20+$0x460];
	v9 =	vadd.f32 v24, v9;
	[tilespmem:s29+$0x10000] =	vst v11  }
0x72: {  	v7 =	vadd.f32 v32, v7;
	[tilespmem:s29+$0x10400] =	vst v15  }
0x73: {  	v58 =	vadd.f32 v17, v12;
	v6 =	vadd.f32 v25, v6;
	[tilespmem:s29+$0x10010] =	vst v9  }
0x74: {  	v5 =	vadd.f32 v26, v5;
	[tilespmem:s29+$0x10410] =	vst v7  }
0x75: {  	v60 =	vadd.f32 v34, v58;
	[tilespmem:s29+$0x10020] =	vst v6  }
0x76: {  	v4 =	vadd.f32 v27, v4;
	[tilespmem:s29+$0x10030] =	vst v5  }
0x77: {  	v3 =	vadd.f32 v28, v3;
	[tilespmem:s29+$0x10430] =	vst v60  }
0x78: {  	v2 =	vadd.f32 v29, v2;
	[tilespmem:s29+$0x10040] =	vst v4  }
0x79: {  	v62 =	vadd.f32 v21, v8;
	v1 =	vadd.f32 v30, v1;
	[tilespmem:s29+$0x10050] =	vst v3  }
0x7a: {  	v57 =	vadd.f32 v18, v14;
	v0 =	vadd.f32 v22, v0;
	[tilespmem:s29+$0x10060] =	vst v2  }
0x7b: {  	v59 =	vadd.f32 v16, v13;
	v63 =	vadd.f32 v56, v62;
	[tilespmem:s29+$0x10070] =	vst v1  }
0x7c: {  	v61 =	vadd.f32 v19, v10;
	v11 =	vadd.f32 v33, v57;
	[tilespmem:s29+$0x10470] =	vst v0  }
0x7d: {  	s30 =	sadd.s32 s15, s18;
	v6 =	vadd.f32 v35, v59;
	[tilespmem:s29+$0x10460] =	vst v63  }
0x7e: {  	s20 =	sshll.u32 s30, $0x7;
	v5 =	vadd.f32 v55, v61;
	[tilespmem:s29+$0x10420] =	vst v11  }
0x7f: {  	s21 =	sshll.u32 s30, $0x4;
	s20 =	sadd.s32 $0x8000, s20;
	[tilespmem:s29+$0x10440] =	vst v6  }
0x80: {  	s31 =	sadd.s32 $0x10000, s29;
	s21 =	sadd.s32 s5, s21;
	s20 =	sshrl.u32 s20, $0x3;
	[tilespmem:s29+$0x10450] =	vst v5  }
0x81: {  	[hbm4b:s21+s3] =	stream.linear.scatter [tilespmem:s31], [sflag:$0x3], $0x80, $0x38;
	[tilespmem:$0x10880] =	vst v63  }
0x82: {  	s19 =	sadd.s32 $0x10400, s29;
	s20 =	sadd.s32 s5, s20  }
0x83: {  	[hbm4b:s20+s3] =	stream.linear.scatter [tilespmem:s19], [sflag:$0x3], $0x80, $0x38;
	[tilespmem:$0x10880] =	vst v63  }
0x84: {  	s19 =	sadd.s32 $0x2, s18  }
0x85: {  	p0 =	sge.u32 s19, s14  }
0x86: {  	s19 =	sadd.s32 @!p0 s15, s19  }
0x87: {  	s19 =	sshll.u32 @!p0 s19, $0xC  }
0x88: {  	s19 =	sand.u32 @!p0 $0x1FFFF000, s19  }
0x89: {  	s20 =	simm.s32 @!p0 $0x0;
	s19 =	sadd.s32 @!p0 s1, s19  }
0x8a: {  	[tilespmem:s20], [sflag:$0x1] =	stream.linear.gather @!p0 [hbm4b:s19+s20], $0x8000, $0x38;
	[tilespmem:$0x10880] =	vst v63  }
.LBB2_7:
0x8b: {  	s19 =	sor.u32 $0x1, s18  }
0x8c: {  	p0 =	sge.u32 s19, s14  }
.Ltmp7:
0x8d: {  	_ = 	snop;
	(pc) =	sbr.rel @p0 .LBB2_11-.Ltmp7, $1  }
0x8e: {  	_ =	sdelay $0x3  }
0x8f: {  	_ =	swait.ge [sflag:s11], $0x8000;
	s20 =	simm.s32 $0x0  }
0x90: {  	[sflag:s11] =	ssyncset.done $0x0;
	s21 =	sand.u32 $0x7800, s20;
	s20 =	sand.u32 $0x380, s20  }
0x91: {  	[sflag:s11] =	ssyncadd.s32 $0xFFFF8000;
	s20 =	sor.u32 s20, s21  }
0x92: {  	v0 =	vld [tilespmem:s20+$0x8470]  }
0x93: {  	v1 =	vld [tilespmem:s20+$0x8000]  }
0x94: {  	v2 =	vld [tilespmem:s20+$0x8010]  }
0x95: {  	v3 =	vld [tilespmem:s20+$0x8020]  }
0x96: {  	v4 =	vld [tilespmem:s20+$0x8030]  }
0x97: {  	v8 =	vld [tilespmem:s20+$0x8040]  }
0x98: {  	v10 =	vld [tilespmem:s20+$0x8050]  }
0x99: {  	v12 =	vld [tilespmem:s20+$0x8060]  }
0x9a: {  	v7 =	vimm.f32 $0.0e+00;
	v13 =	vld [tilespmem:s20+$0x8070]  }
0x9b: {  	v14 =	vld [tilespmem:s20+$0x8400];
	v0 =	vadd.f32 v0, v7  }
0x9c: {  	v11 =	vadd.f32 v1, v7;
	v9 =	vadd.f32 v2, v7  }
0x9d: {  	v20 =	vld [tilespmem:s20+$0x8410];
	v6 =	vadd.f32 v3, v7;
	v5 =	vadd.f32 v4, v7  }
0x9e: {  	v18 =	vld [tilespmem:s20+$0x8420];
	v4 =	vadd.f32 v8, v7;
	v3 =	vadd.f32 v10, v7  }
0x9f: {  	v17 =	vld [tilespmem:s20+$0x8430];
	v2 =	vadd.f32 v12, v7;
	v1 =	vadd.f32 v13, v7  }
0xa0: {  	s22 =	simm.s32 $0x100;
	s21 =	simm.s32 $0x80;
	v16 =	vld [tilespmem:s20+$0x8440];
	v15 =	vadd.f32 v14, v7;
	v14 =	vimm.f32 $0.0e+00;
	v12 =	vimm.f32 $0.0e+00  }
0xa1: {  	s23 =	sand.u32 $0x7800, s22;
	s22 =	simm.s32 $0x200;
	s24 =	sand.u32 $0x380, s21;
	v19 =	vld [tilespmem:s20+$0x8450];
	v13 =	vimm.f32 $0.0e+00;
	v10 =	vimm.f32 $0.0e+00;
	v8 =	vimm.f32 $0.0e+00  }
.LBB2_9:
0xa2: {  	p0 =	sne.s32 s22, $0x7F00;
	v7 =	vadd.f32 v20, v7;
	v20 =	vld [tilespmem:s20+$0x8460];
	s20 =	sor.u32 s24, s23  }
0xa3: {  	v21 =	vld [tilespmem:s20+$0x8470];
	v14 =	vadd.f32 v18, v14  }
0xa4: {  	v18 =	vld [tilespmem:s20+$0x8000];
	v12 =	vadd.f32 v17, v12  }
0xa5: {  	v17 =	vld [tilespmem:s20+$0x8010];
	v13 =	vadd.f32 v16, v13  }
0xa6: {  	v16 =	vld [tilespmem:s20+$0x8020];
	v10 =	vadd.f32 v19, v10  }
0xa7: {  	v19 =	vld [tilespmem:s20+$0x8030];
	v8 =	vadd.f32 v20, v8  }
0xa8: {  	v20 =	vld [tilespmem:s20+$0x8040];
	v0 =	vadd.f32 v21, v0  }
0xa9: {  	v11 =	vadd.f32 v18, v11;
	v18 =	vld [tilespmem:s20+$0x8050]  }
0xaa: {  	v9 =	vadd.f32 v17, v9;
	v17 =	vld [tilespmem:s20+$0x8060]  }
0xab: {  	v6 =	vadd.f32 v16, v6;
	v16 =	vld [tilespmem:s20+$0x8070]  }
0xac: {  	v5 =	vadd.f32 v19, v5;
	v19 =	vld [tilespmem:s20+$0x8400]  }
.Ltmp8:
0xad: {  	v4 =	vadd.f32 v20, v4;
	v20 =	vld [tilespmem:s20+$0x8410];
	(pc) =	sbr.rel @p0 .LBB2_9-.Ltmp8, $4  }
0xae: {  	v3 =	vadd.f32 v18, v3;
	v18 =	vld [tilespmem:s20+$0x8420]  }
0xaf: {  	v2 =	vadd.f32 v17, v2;
	v17 =	vld [tilespmem:s20+$0x8430]  }
0xb0: {  	s21 =	sadd.s32 $0x80, s21;
	v1 =	vadd.f32 v16, v1;
	v16 =	vld [tilespmem:s20+$0x8440]  }
0xb1: {  	s23 =	sand.u32 $0x7800, s22;
	s22 =	sadd.s32 $0x100, s22;
	s24 =	sand.u32 $0x380, s21;
	v15 =	vadd.f32 v19, v15;
	v19 =	vld [tilespmem:s20+$0x8450]  }
0xb2: {  	s21 =	sor.u32 s24, s23;
	v21 =	vld [tilespmem:s20+$0x8460]  }
0xb3: {  	v22 =	vld [tilespmem:s21+$0x8470]  }
0xb4: {  	v23 =	vld [tilespmem:s21+$0x8000]  }
0xb5: {  	v24 =	vld [tilespmem:s21+$0x8010]  }
0xb6: {  	v25 =	vld [tilespmem:s21+$0x8020]  }
0xb7: {  	v26 =	vld [tilespmem:s21+$0x8030]  }
0xb8: {  	v27 =	vld [tilespmem:s21+$0x8040]  }
0xb9: {  	v28 =	vld [tilespmem:s21+$0x8050]  }
0xba: {  	v29 =	vld [tilespmem:s21+$0x8060]  }
0xbb: {  	v30 =	vld [tilespmem:s21+$0x8070]  }
0xbc: {  	v31 =	vld [tilespmem:s21+$0x8400]  }
0xbd: {  	v32 =	vld [tilespmem:s21+$0x8410]  }
0xbe: {  	v33 =	vld [tilespmem:s21+$0x8420]  }
0xbf: {  	v34 =	vld [tilespmem:s21+$0x8430]  }
0xc0: {  	v35 =	vld [tilespmem:s21+$0x8440];
	v11 =	vadd.f32 v23, v11  }
0xc1: {  	v7 =	vadd.f32 v20, v7;
	s29 =	sshll.u32 s19, $0x7;
	v55 =	vld [tilespmem:s21+$0x8450];
	v15 =	vadd.f32 v31, v15  }
0xc2: {  	v56 =	vld [tilespmem:s21+$0x8460];
	v9 =	vadd.f32 v24, v9;
	[tilespmem:s29+$0x10000] =	vst v11  }
0xc3: {  	v7 =	vadd.f32 v32, v7;
	[tilespmem:s29+$0x10400] =	vst v15  }
0xc4: {  	v58 =	vadd.f32 v17, v12;
	v6 =	vadd.f32 v25, v6;
	[tilespmem:s29+$0x10010] =	vst v9  }
0xc5: {  	v5 =	vadd.f32 v26, v5;
	[tilespmem:s29+$0x10410] =	vst v7  }
0xc6: {  	v60 =	vadd.f32 v34, v58;
	[tilespmem:s29+$0x10020] =	vst v6  }
0xc7: {  	v4 =	vadd.f32 v27, v4;
	[tilespmem:s29+$0x10030] =	vst v5  }
0xc8: {  	v3 =	vadd.f32 v28, v3;
	[tilespmem:s29+$0x10430] =	vst v60  }
0xc9: {  	v2 =	vadd.f32 v29, v2;
	[tilespmem:s29+$0x10040] =	vst v4  }
0xca: {  	v62 =	vadd.f32 v21, v8;
	v1 =	vadd.f32 v30, v1;
	[tilespmem:s29+$0x10050] =	vst v3  }
0xcb: {  	v57 =	vadd.f32 v18, v14;
	v0 =	vadd.f32 v22, v0;
	[tilespmem:s29+$0x10060] =	vst v2  }
0xcc: {  	v59 =	vadd.f32 v16, v13;
	v63 =	vadd.f32 v56, v62;
	[tilespmem:s29+$0x10070] =	vst v1  }
0xcd: {  	v61 =	vadd.f32 v19, v10;
	v11 =	vadd.f32 v33, v57;
	[tilespmem:s29+$0x10470] =	vst v0  }
0xce: {  	s30 =	sadd.s32 s15, s19;
	v6 =	vadd.f32 v35, v59;
	[tilespmem:s29+$0x10460] =	vst v63  }
0xcf: {  	s18 =	sadd.s32 $0x3, s18;
	s31 =	sshll.u32 s30, $0x4;
	s22 =	sadd.s32 $0x10000, s29;
	v5 =	vadd.f32 v55, v61;
	[tilespmem:s29+$0x10420] =	vst v11  }
0xd0: {  	s19 =	sshll.u32 s30, $0x7;
	p0 =	sge.u32 s18, s14;
	s21 =	sand.u32 $0x1FFFFFF0, s31;
	[tilespmem:s29+$0x10440] =	vst v6  }
0xd1: {  	s19 =	sadd.s32 $0x8000, s19;
	s18 =	sadd.s32 @!p0 s15, s18;
	s21 =	sadd.s32 s5, s21;
	[tilespmem:s29+$0x10450] =	vst v5  }
0xd2: {  	[hbm4b:s21+s3] =	stream.linear.scatter [tilespmem:s22], [sflag:$0x3], $0x80, $0x38;
	[tilespmem:$0x10880] =	vst v63  }
.Ltmp9:
0xd3: {  	s19 =	sshrl.u32 s19, $0x3;
	s18 =	sshll.u32 @!p0 s18, $0xC;
	(pc) =	sbr.rel .LBB2_11-.Ltmp9, $4  }
0xd4: {  	s20 =	sadd.s32 $0x10400, s29;
	s19 =	sadd.s32 s5, s19;
	s18 =	sand.u32 @!p0 $0x1FFFF000, s18  }
0xd5: {  	[hbm4b:s19+s3] =	stream.linear.scatter [tilespmem:s20], [sflag:$0x3], $0x80, $0x38;
	[tilespmem:$0x10880] =	vst v63  }
0xd6: {  	s18 =	sadd.s32 @!p0 s1, s18;
	s19 =	simm.s32 @!p0 $0x0;
	s20 =	simm.s32 @!p0 $0x8000  }
0xd7: {  	[tilespmem:s20], [sflag:$0x2] =	stream.linear.gather @!p0 [hbm4b:s18+s19], $0x8000, $0x38;
	[tilespmem:$0x10880] =	vst v63  }
.LBB2_12:
0xd8: {  	s14 =	sshll.u32 s14, $0x1  }
0xd9: {  	p0 =	sne.s32 s14, $0x1  }
.Ltmp10:
0xda: {  	_ = 	snop;
	(pc) =	sbr.rel @!p0 .LBB2_14-.Ltmp10, $3  }
0xdb: {  	_ =	sdelay $0x1  }
0xdc: {  	_ =	swait.ge [sflag:s12], $0x80  }
0xdd: {  	s14 =	sadd.s32 $0xFFFFFFFF, s14;
	[sflag:s12] =	ssyncset.done $0x0  }
.LBB2_13:
0xde: {  	p0 =	sne.s32 s14, $0x1;
	s14 =	sadd.s32 $0xFFFFFFFF, s14;
	[sflag:s12] =	ssyncadd.s32 $0xFFFFFF80  }
.Ltmp11:
0xdf: {  	(pc) =	sbr.rel @p0 .LBB2_13-.Ltmp11, $3  }
0xe0: {  	_ =	sdelay $0x1  }
0xe1: {  	_ =	swait.ge [sflag:s12], $0x80  }
0xe2: {  	[sflag:s12] =	ssyncset.done $0x0  }
.Ltmp12:
0xe3: {  	_ = 	snop;
	(pc) =	sbr.rel .LBB2_14-.Ltmp12, $1  }
0xe4: {  	_ =	sdelay $0x3  }
.LBB2_16:
0xe5: {  	_ =	sfence.sel $0x180000  }
0xe6: {  	[bflag:$0x0] =	sbarrier.arrive $0xFFFF  }
0xe7: {  	p0 =	sne.s32 s4, $0x0;
	_ =	strace $0x90000047  }
0xe8: {  	s0 =	sadd.s32 @!p0 $0x100000, s0;
	[bflag:$0x2] =	sbarrier.arrive $0xFFFF  }
0xe9: {  	[sflag:s0] =	ssyncadd.tile.s32 @!p0 $0x1;
	_ =	shalt  }
.Lfunc_end2:
_tile_overlayer_lowered:
.L_overlay_start_2:
0xea: {  	(tag) =	ssettag $0x2  }
0xeb: {  	s0 =	rddreg [dreg:$0x0];
	s2 =	stileid.u32  }
0xec: {  	s1 =	rddreg [dreg:$0x1];
	p0 =	sne.s32 s2, $0x0  }
0xed: {  	s3 =	rddreg [dreg:$0x2];
	[bflag:$0x3] =	sbarrier.arrive $0xFFFF;
	s2 =	simm.s32 @!p0 $0x1C04  }
0xee: {  	[timem:s3], [sflag:s2] =	dma.local @!p0 [hbm:s0], s1  }
0xef: {  	s0 =	simm.s32 @!p0 $0x4  }
0xf0: {  	_ =	swait.ge @!p0 [sflag:s0], s1  }
0xf1: {  	s1 =	ssub.s32 @!p0 $0x0, s1;
	[sflag:s0] =	ssyncset.done @!p0 $0x0  }
0xf2: {  	[sflag:s0] =	ssyncadd.s32 @!p0 s1  }
0xf3: {  	[bflag:$0x3] =	sbarrier.arrive $0xFFFF  }
0xf4: {  	_ =	shalt  }

</sc_bundles>
